<compile_context>
chip_gen: v7x
topology: tpu7x:2x2x1
jax: 0.10.2.dev20260603
libtpu: 0.0.44.dev20260713+nightly
codegen_flags: <defaults>
</compile_context>

<pallas_src>
import functools

import jax
import jax.numpy as jnp
from jax import lax
from jax.experimental import pallas as pl
from jax.experimental.pallas import tpu as pltpu
from jax.experimental.pallas import tpu_sc as plsc

N = 10000
E = 160000
D_EDGE = 16
HEADS = 4
G = 256
NUM_TASKS = 12
DH = 64
HD = HEADS * DH
HALF = HD // 2
ROW = 144

NC = 2
NS = 16
LANES = 16
CHUNK = 128
NCHUNKS = 79
EDGES_PER_TILE = CHUNK * NCHUNKS
PAD_E = NS * EDGES_PER_TILE
N_PAD = 10112
ROWS_PER_TILE = N_PAD // NS

RBLK = 1000
NBLK = N // RBLK
EBLK = 2048
NEBLK = PAD_E // EBLK


def _se_kernel(eap, ae_all):
    def body(e_ref, ae_ref, s0_ref, s1_ref, s2_ref):
        i = pl.program_id(0)
        se = jnp.dot(e_ref[...], ae_ref[...], preferred_element_type=jnp.float32)
        rows = i * EBLK + lax.broadcasted_iota(jnp.int32, (EBLK, HEADS), 0)
        valid = rows < E
        s0_ref[...] = jnp.where(valid, se[:, 0:4], -1e30)
        s1_ref[...] = jnp.where(valid, se[:, 4:8], -1e30)
        s2_ref[...] = jnp.where(valid, se[:, 8:12], -1e30)

    return pl.pallas_call(
        body,
        grid=(NEBLK,),
        in_specs=[pl.BlockSpec((EBLK, D_EDGE), lambda i: (i, 0)),
                  pl.BlockSpec((D_EDGE, 3 * HEADS), lambda i: (0, 0))],
        out_specs=[pl.BlockSpec((EBLK, HEADS), lambda i: (i, 0))] * 3,
        out_shape=[jax.ShapeDtypeStruct((PAD_E, HEADS), jnp.float32)] * 3,
    )(eap, ae_all)


def _write_tables(a_ref, d_ref, h, ss, sd):
    z14 = jnp.zeros((h.shape[0], 14), jnp.float32)
    a_ref[0] = jnp.concatenate([h[:, :HALF], ss[:, 0:2], z14], axis=-1)
    a_ref[1] = jnp.concatenate([h[:, HALF:], ss[:, 2:4], z14], axis=-1)
    d_ref[0] = jnp.concatenate([sd[:, 0:2], z14], axis=-1)
    d_ref[1] = jnp.concatenate([sd[:, 2:4], z14], axis=-1)


def _pre0_kernel(x, vrow, w, asrc, adst):
    din = x.shape[1]

    def body(x_ref, v_ref, w_ref, as_ref, ad_ref, a_ref, d_ref):
        xb = x_ref[...] + v_ref[...]
        h = jnp.dot(xb, w_ref[...], preferred_element_type=jnp.float32)
        ss = jnp.dot(h, as_ref[...], preferred_element_type=jnp.float32)
        sd = jnp.dot(h, ad_ref[...], preferred_element_type=jnp.float32)
        _write_tables(a_ref, d_ref, h, ss, sd)

    return pl.pallas_call(
        body,
        grid=(NBLK,),
        in_specs=[pl.BlockSpec((RBLK, din), lambda i: (i, 0)),
                  pl.BlockSpec((1, din), lambda i: (0, 0)),
                  pl.BlockSpec((din, HD), lambda i: (0, 0)),
                  pl.BlockSpec((HD, HEADS), lambda i: (0, 0)),
                  pl.BlockSpec((HD, HEADS), lambda i: (0, 0))],
        out_specs=[pl.BlockSpec((2, RBLK, ROW), lambda i: (0, i, 0)),
                   pl.BlockSpec((2, RBLK, 16), lambda i: (0, i, 0))],
        out_shape=[jax.ShapeDtypeStruct((2, N, ROW), jnp.float32),
                   jax.ShapeDtypeStruct((2, N, 16), jnp.float32)],
    )(x, vrow, w, asrc, adst)


def _normalize(o0, o1):
    eps = 1e-16
    parts = []
    for o in (o0, o1):
        parts.append(o[:, 0:DH] / (o[:, HALF:HALF + 1] + eps))
        parts.append(o[:, DH:HALF] / (o[:, HALF + 1:HALF + 2] + eps))
    return parts


def _ln_elu(v, g_ref, be_ref):
    mu = jnp.mean(v, axis=-1, keepdims=True)
    var = jnp.mean((v - mu) ** 2, axis=-1, keepdims=True)
    v = (v - mu) / jnp.sqrt(var + 1e-5) * g_ref[...] + be_ref[...]
    return jnp.where(v > 0, v, jnp.exp(v) - 1.0)


def _pool_accum(p_ref, bvec, xl, i):
    onehot = (lax.broadcasted_iota(jnp.int32, (G, RBLK), 0)
              == bvec[None, :]).astype(jnp.float32)
    contrib = jnp.dot(onehot, xl, preferred_element_type=jnp.float32)

    @pl.when(i == 0)
    def _():
        p_ref[...] = contrib

    @pl.when(i != 0)
    def _():
        p_ref[...] = p_ref[...] + contrib


def _fuse_kernel(o2, b, gmm, bet, vrow, w, asrc, adst, batch3):
    def body(o_ref, b_ref, g_ref, be_ref, v_ref, w_ref, as_ref, ad_ref,
             bt_ref, a_ref, d_ref, p_ref):
        i = pl.program_id(0)
        parts = _normalize(o_ref[0], o_ref[1])
        outv = jnp.concatenate(parts, axis=-1) + b_ref[...]
        xl = _ln_elu(outv, g_ref, be_ref)
        _pool_accum(p_ref, bt_ref[0, 0], xl, i)
        xb = xl + v_ref[...]
        h = jnp.dot(xb, w_ref[...], preferred_element_type=jnp.float32)
        ss = jnp.dot(h, as_ref[...], preferred_element_type=jnp.float32)
        sd = jnp.dot(h, ad_ref[...], preferred_element_type=jnp.float32)
        _write_tables(a_ref, d_ref, h, ss, sd)

    return pl.pallas_call(
        body,
        grid=(NBLK,),
        in_specs=[pl.BlockSpec((2, RBLK, ROW), lambda i: (0, i, 0)),
                  pl.BlockSpec((1, HD), lambda i: (0, 0)),
                  pl.BlockSpec((1, HD), lambda i: (0, 0)),
                  pl.BlockSpec((1, HD), lambda i: (0, 0)),
                  pl.BlockSpec((1, HD), lambda i: (0, 0)),
                  pl.BlockSpec((HD, HD), lambda i: (0, 0)),
                  pl.BlockSpec((HD, HEADS), lambda i: (0, 0)),
                  pl.BlockSpec((HD, HEADS), lambda i: (0, 0)),
                  pl.BlockSpec((1, 1, RBLK), lambda i: (i, 0, 0))],
        out_specs=[pl.BlockSpec((2, RBLK, ROW), lambda i: (0, i, 0)),
                   pl.BlockSpec((2, RBLK, 16), lambda i: (0, i, 0)),
                   pl.BlockSpec((G, HD), lambda i: (0, 0))],
        out_shape=[jax.ShapeDtypeStruct((2, N, ROW), jnp.float32),
                   jax.ShapeDtypeStruct((2, N, 16), jnp.float32),
                   jax.ShapeDtypeStruct((G, HD), jnp.float32)],
    )(o2, b, gmm, bet, vrow, w, asrc, adst, batch3)


def _post2_kernel(o2, b, gmm, bet, batch3):
    def body(o_ref, b_ref, g_ref, be_ref, bt_ref, p_ref):
        i = pl.program_id(0)
        parts = _normalize(o_ref[0], o_ref[1])
        outv = (parts[0] + parts[1] + parts[2] + parts[3]) * 0.25 + b_ref[...]
        xl = _ln_elu(outv, g_ref, be_ref)
        _pool_accum(p_ref, bt_ref[0, 0], xl, i)

    return pl.pallas_call(
        body,
        grid=(NBLK,),
        in_specs=[pl.BlockSpec((2, RBLK, ROW), lambda i: (0, i, 0)),
                  pl.BlockSpec((1, DH), lambda i: (0, 0)),
                  pl.BlockSpec((1, DH), lambda i: (0, 0)),
                  pl.BlockSpec((1, DH), lambda i: (0, 0)),
                  pl.BlockSpec((1, 1, RBLK), lambda i: (i, 0, 0))],
        out_specs=pl.BlockSpec((G, DH), lambda i: (0, 0)),
        out_shape=jax.ShapeDtypeStruct((G, DH), jnp.float32),
    )(o2, b, gmm, bet, batch3)


def _head_kernel(p0, p1, p2, lin, emb, outp):
    def body(p0_ref, p1_ref, p2_ref,
             w0_ref, b0_ref, g0_ref, e0_ref,
             w1_ref, b1_ref, g1_ref, e1_ref,
             we_ref, be_ref, wo_ref, bo_ref, out_ref):
        gv = jnp.concatenate([p0_ref[...], p1_ref[...], p2_ref[...]], axis=-1)
        for w_r, b_r, g_r, e_r in ((w0_ref, b0_ref, g0_ref, e0_ref),
                                   (w1_ref, b1_ref, g1_ref, e1_ref)):
            gv = jnp.dot(gv, w_r[...], preferred_element_type=jnp.float32) + b_r[...]
            mu = jnp.mean(gv, axis=-1, keepdims=True)
            var = jnp.mean((gv - mu) ** 2, axis=-1, keepdims=True)
            gv = (gv - mu) / jnp.sqrt(var + 1e-5) * g_r[...] + e_r[...]
            gv = jnp.maximum(gv, 0.0)
        ev = jnp.dot(gv, we_ref[...], preferred_element_type=jnp.float32) + be_ref[...]
        out_ref[...] = (jnp.dot(ev, wo_ref[...], preferred_element_type=jnp.float32)
                        + bo_ref[...])

    r2 = lambda a: a.reshape(1, -1)
    args = (p0, p1, p2,
            lin[0]["W"], r2(lin[0]["b"]), r2(lin[0]["g"]), r2(lin[0]["be"]),
            lin[1]["W"], r2(lin[1]["b"]), r2(lin[1]["g"]), r2(lin[1]["be"]),
            emb["W"], r2(emb["b"]), outp["W"], r2(outp["b"]))
    return pl.pallas_call(
        body,
        out_shape=jax.ShapeDtypeStruct((G, NUM_TASKS), jnp.float32),
    )(*args)


def _sc_pass(a_tab, d_tab, se, srcp, dstp):
    mesh = plsc.VectorSubcoreMesh(core_axis_name="c", subcore_axis_name="s")

    @functools.partial(
        pl.kernel,
        out_type=jax.ShapeDtypeStruct((2 * N_PAD, ROW), jnp.float32),
        mesh=mesh,
        compiler_params=pltpu.CompilerParams(use_tc_tiling_on_sc=False,
                                             needs_layout_passes=False),
        scratch_types=[
            pltpu.VMEM((CHUNK,), jnp.int32),
            pltpu.VMEM((CHUNK,), jnp.int32),
            pltpu.VMEM((CHUNK,), jnp.int32),
            pltpu.VMEM((CHUNK,), jnp.int32),
            pltpu.VMEM((CHUNK, ROW), jnp.float32),
            pltpu.VMEM((CHUNK, 16), jnp.float32),
            pltpu.VMEM((CHUNK * HEADS,), jnp.float32),
            pltpu.VMEM((CHUNK, 2), jnp.float32),
            pltpu.VMEM_SHARED((N_PAD, ROW), jnp.float32),
            pltpu.SemaphoreType.DMA,
            pltpu.SemaphoreType.DMA,
        ],
    )
    def k(a_hbm, d_hbm, se_hbm, src_hbm, dst_hbm, out_hbm,
          srcraw, dstraw, srcb, dstb, abuf, dbuf, sebuf, exbuf, acc,
          sem1, sem2):
        c = lax.axis_index("c")
        s = lax.axis_index("s")
        cn = c * N
        cn_out = c * N_PAD
        r0 = s * ROWS_PER_TILE
        lanei = lax.iota(jnp.int32, LANES)
        zeros16 = jnp.zeros((LANES,), jnp.int32)
        ones16 = jnp.ones((LANES,), jnp.int32)
        z16f = jnp.zeros((LANES,), jnp.float32)

        def zero_row(r, carry):
            for q in range(ROW // LANES):
                abuf[r, pl.ds(q * LANES, LANES)] = z16f
            return carry
        lax.fori_loop(0, CHUNK, zero_row, 0)
        off = 0
        for sz in (CHUNK, CHUNK, CHUNK, CHUNK, 120):
            pltpu.sync_copy(abuf.at[pl.ds(0, sz)],
                            acc.at[pl.ds(r0 + off, sz)])
            off += sz
        plsc.subcore_barrier()
        ebase = s * EDGES_PER_TILE

        def chunk_body(kk, carry):
            base = ebase + kk * CHUNK
            pltpu.sync_copy(src_hbm.at[pl.ds(base, CHUNK)], srcraw)
            pltpu.sync_copy(dst_hbm.at[pl.ds(base, CHUNK)], dstraw)
            pltpu.sync_copy(se_hbm.at[pl.ds(base * HEADS, CHUNK * HEADS)], sebuf)
            for j in range(CHUNK // LANES):
                sl = pl.ds(j * LANES, LANES)
                srcb[sl] = srcraw[sl] + cn
                dstb[sl] = dstraw[sl] + cn
            cp1 = pltpu.async_copy(a_hbm.at[srcb], abuf, sem1)
            cp2 = pltpu.async_copy(d_hbm.at[dstb], dbuf, sem2)
            cp1.wait()
            cp2.wait()
            for j in range(CHUNK // LANES):
                rows = lanei + j * LANES
                s_a = plsc.load_gather(abuf, [rows, zeros16 + HALF])
                s_b = plsc.load_gather(abuf, [rows, zeros16 + (HALF + 1)])
                d_a = plsc.load_gather(dbuf, [rows, zeros16])
                d_b = plsc.load_gather(dbuf, [rows, ones16])
                rows4 = rows * HEADS + 2 * c
                e_a = plsc.load_gather(sebuf, [rows4])
                e_b = plsc.load_gather(sebuf, [rows4 + 1])
                sc_a = s_a + d_a + e_a
                sc_b = s_b + d_b + e_b
                sc_a = jnp.where(sc_a > 0, sc_a, 0.2 * sc_a)
                sc_b = jnp.where(sc_b > 0, sc_b, 0.2 * sc_b)
                plsc.store_scatter(exbuf, [rows, zeros16], jnp.exp(sc_a))
                plsc.store_scatter(exbuf, [rows, ones16], jnp.exp(sc_b))

            def scale_body(e, c2):
                e16 = jnp.full((LANES,), e, jnp.int32)
                b_a = plsc.load_gather(exbuf, [e16, zeros16])
                b_b = plsc.load_gather(exbuf, [e16, ones16])
                for q in range(4):
                    sl = pl.ds(q * LANES, LANES)
                    abuf[e, sl] = abuf[e, sl] * b_a
                for q in range(4, 8):
                    sl = pl.ds(q * LANES, LANES)
                    abuf[e, sl] = abuf[e, sl] * b_b
                dv = (jnp.where(lanei == 0, b_a, 0.0)
                      + jnp.where(lanei == 1, b_b, 0.0))
                abuf[e, pl.ds(HALF, LANES)] = dv
                return c2

            lax.fori_loop(0, CHUNK, scale_body, 0)
            pltpu.sync_copy(abuf, acc.at[dstraw], add=True)
            return carry

        lax.fori_loop(0, NCHUNKS, chunk_body, 0)
        plsc.subcore_barrier()
        off = 0
        for sz in (CHUNK, CHUNK, CHUNK, CHUNK, 120):
            pltpu.sync_copy(acc.at[pl.ds(r0 + off, sz)],
                            abuf.at[pl.ds(0, sz)])
            pltpu.sync_copy(abuf.at[pl.ds(0, sz)],
                            out_hbm.at[pl.ds(cn_out + r0 + off, sz)])
            off += sz

    return k(a_tab, d_tab, se, srcp, dstp)


def _fold_att(att):
    eye = jnp.eye(HEADS, dtype=jnp.float32)
    return (att[:, :, None] * eye[:, None, :]).reshape(HD, HEADS)


def kernel(x, edge_index, edge_attr, batch, params):
    gat = params["gat"]
    asrc = [_fold_att(gat[i]["att_src"]) for i in range(3)]
    adst = [_fold_att(gat[i]["att_dst"]) for i in range(3)]
    ae_all = jnp.concatenate(
        [gat[i]["We"] @ _fold_att(gat[i]["att_edge"]) for i in range(3)], axis=1)

    pad = PAD_E - E
    srcp = jnp.concatenate([edge_index[0], jnp.zeros((pad,), jnp.int32)])
    dstp = jnp.concatenate([edge_index[1], jnp.zeros((pad,), jnp.int32)])
    eap = jnp.concatenate([edge_attr, jnp.zeros((pad, D_EDGE), jnp.float32)])
    batch3 = batch.reshape(NBLK, 1, RBLK)
    v = [params["vnode_emb"][i] for i in range(3)]

    se0, se1, se2 = _se_kernel(eap, ae_all)

    a0, d0 = _pre0_kernel(x, v[0], gat[0]["W"], asrc[0], adst[0])
    out0 = _sc_pass(a0.reshape(2 * N, ROW), d0.reshape(2 * N, 16),
                    se0.reshape(-1), srcp, dstp)

    a1, d1, p0 = _fuse_kernel(
        out0.reshape(2, N_PAD, ROW),
        gat[0]["b"].reshape(1, HD), gat[0]["gamma"].reshape(1, HD),
        gat[0]["beta"].reshape(1, HD), v[1], gat[1]["W"],
        asrc[1], adst[1], batch3)
    out1 = _sc_pass(a1.reshape(2 * N, ROW), d1.reshape(2 * N, 16),
                    se1.reshape(-1), srcp, dstp)

    a2, d2, p1 = _fuse_kernel(
        out1.reshape(2, N_PAD, ROW),
        gat[1]["b"].reshape(1, HD), gat[1]["gamma"].reshape(1, HD),
        gat[1]["beta"].reshape(1, HD), v[2], gat[2]["W"],
        asrc[2], adst[2], batch3)
    out2 = _sc_pass(a2.reshape(2 * N, ROW), d2.reshape(2 * N, 16),
                    se2.reshape(-1), srcp, dstp)

    p2 = _post2_kernel(
        out2.reshape(2, N_PAD, ROW),
        gat[2]["b"].reshape(1, DH), gat[2]["gamma"].reshape(1, DH),
        gat[2]["beta"].reshape(1, DH), batch3)

    return _head_kernel(p0, p1, p2, params["lin"], params["emb"], params["out"])

# --- scband reference (transcript-rebuilt; emitter-appended) ---
"""Pipeline reference for scband-gatnet-4432406250034 (READ-ONLY COPY).

The authoritative reference and input builder live on the scoring server;
editing this copy changes nothing except your own understanding.
"""

import jax, jax.numpy as jnp
import numpy as np

N = 10000
E = 160000
D_NODE = 128
D_EDGE = 16
HEADS = 4
G = 256
DIMS = [256, 256, 64]
IN_DIMS = [128, 256, 256]
LIN_DIMS = [256, 128]
NUM_TASKS = 12


def _layer_norm(x, g, b):
    mu = jnp.mean(x, axis=-1, keepdims=True)
    var = jnp.mean((x - mu) ** 2, axis=-1, keepdims=True)
    return (x - mu) / jnp.sqrt(var + 1e-5) * g + b


def _gat_layer(x, edge_index, edge_attr, p, concat):
    src = edge_index[0]
    dst = edge_index[1]
    n = x.shape[0]
    d_h = p["att_src"].shape[1]
    h = (x @ p["W"]).reshape(n, HEADS, d_h)
    e = (edge_attr @ p["We"]).reshape(-1, HEADS, d_h)
    h_src = h[src]
    h_dst = h[dst]
    score = (jnp.sum(h_src * p["att_src"], axis=-1)
             + jnp.sum(h_dst * p["att_dst"], axis=-1)
             + jnp.sum(e * p["att_edge"], axis=-1))
    score = jax.nn.leaky_relu(score, 0.2)
    m = jax.ops.segment_max(score, dst, num_segments=n)
    ex = jnp.exp(score - m[dst])
    denom = jax.ops.segment_sum(ex, dst, num_segments=n)
    alpha = ex / (denom[dst] + 1e-16)
    msg = h_src * alpha[:, :, None]
    out = jax.ops.segment_sum(msg, dst, num_segments=n)
    if concat:
        out = out.reshape(n, HEADS * d_h)
    else:
        out = jnp.mean(out, axis=1)
    out = out + p["b"]
    out = _layer_norm(out, p["gamma"], p["beta"])
    return jax.nn.elu(out)


def _vnode_mlp(pooled, p):
    h = pooled @ p["W1"] + p["b1"]
    h = _layer_norm(h, p["g"], p["be"])
    h = jax.nn.relu(h)
    return h @ p["W2"] + p["b2"]


def _forward(x, edge_index, edge_attr, batch, params):
    v = [params["vnode_emb"][i] for i in range(3)]
    xs = []
    h = x
    for i in range(3):
        v_exp = jnp.broadcast_to(v[i], (G, v[i].shape[1]))[batch]
        h = h + v_exp
        h = _gat_layer(h, edge_index, edge_attr, params["gat"][i], i != 2)
        xs.append(h)
        pooled = jax.ops.segment_sum(h, batch, num_segments=G)
        delta = _vnode_mlp(pooled, params["vnode_mlp"][i])
        v[i] = v[i] + delta
    xcat = jnp.concatenate(xs, axis=-1)
    g = jax.ops.segment_sum(xcat, batch, num_segments=G)
    for lp in params["lin"]:
        g = g @ lp["W"] + lp["b"]
        g = _layer_norm(g, lp["g"], lp["be"])
        g = jax.nn.relu(g)
    emb = g @ params["emb"]["W"] + params["emb"]["b"]
    out = emb @ params["out"]["W"] + params["out"]["b"]
    return out


def setup_inputs(seed: int = 0):
    key = jax.random.key(seed)
    c = [0]

    def nk():
        c[0] += 1
        return jax.random.fold_in(key, c[0])

    def w(shape, fan_in):
        return (jax.random.normal(nk(), shape, dtype=jnp.float32) / np.sqrt(fan_in)).astype(jnp.float32)

    x = jax.random.normal(nk(), (N, D_NODE), dtype=jnp.float32)
    edge_index = jax.random.randint(nk(), (2, E), 0, N, dtype=jnp.int32)
    edge_attr = jax.random.normal(nk(), (E, D_EDGE), dtype=jnp.float32)
    batch = jnp.sort(jax.random.randint(nk(), (N,), 0, G, dtype=jnp.int32))
    batch = batch.at[-1].set(G - 1)

    gat = []
    for i in range(3):
        concat = i != 2
        d_h = DIMS[i] // HEADS if concat else DIMS[i]
        gat.append({
            "W": w((IN_DIMS[i], HEADS * d_h), IN_DIMS[i]),
            "We": w((D_EDGE, HEADS * d_h), D_EDGE),
            "b": jnp.zeros((DIMS[i],), dtype=jnp.float32),
            "att_src": w((HEADS, d_h), d_h),
            "att_dst": w((HEADS, d_h), d_h),
            "att_edge": w((HEADS, d_h), d_h),
            "gamma": jnp.ones((DIMS[i],), dtype=jnp.float32),
            "beta": jnp.zeros((DIMS[i],), dtype=jnp.float32),
        })
    vnode_emb = [jnp.zeros((1, IN_DIMS[i]), dtype=jnp.float32) for i in range(3)]
    vnode_mlp = []
    for i in range(3):
        vnode_mlp.append({
            "W1": w((DIMS[i], IN_DIMS[i]), DIMS[i]),
            "b1": jnp.zeros((IN_DIMS[i],), dtype=jnp.float32),
            "g": jnp.ones((IN_DIMS[i],), dtype=jnp.float32),
            "be": jnp.zeros((IN_DIMS[i],), dtype=jnp.float32),
            "W2": w((IN_DIMS[i], IN_DIMS[i]), IN_DIMS[i]),
            "b2": jnp.zeros((IN_DIMS[i],), dtype=jnp.float32),
        })
    lin = []
    in_ds = [sum(DIMS)] + LIN_DIMS[:-1]
    for i in range(2):
        lin.append({
            "W": w((in_ds[i], LIN_DIMS[i]), in_ds[i]),
            "b": jnp.zeros((LIN_DIMS[i],), dtype=jnp.float32),
            "g": jnp.ones((LIN_DIMS[i],), dtype=jnp.float32),
            "be": jnp.zeros((LIN_DIMS[i],), dtype=jnp.float32),
        })
    params = {
        "gat": gat,
        "vnode_emb": vnode_emb,
        "vnode_mlp": vnode_mlp,
        "lin": lin,
        "emb": {"W": w((LIN_DIMS[-1], LIN_DIMS[-1]), LIN_DIMS[-1]), "b": jnp.zeros((LIN_DIMS[-1],), dtype=jnp.float32)},
        "out": {"W": w((LIN_DIMS[-1], NUM_TASKS), LIN_DIMS[-1]), "b": jnp.zeros((NUM_TASKS,), dtype=jnp.float32)},
    }
    return {"x": x, "edge_index": edge_index, "edge_attr": edge_attr, "batch": batch, "params": params}


def reference(x, edge_index, edge_attr, batch, params):
    return _forward(x, edge_index, edge_attr, batch, params)

if __name__ == "__main__":
    import jax
    _d = setup_inputs()
    print(jax.jit(kernel)(*tuple(_d.values())))

</pallas_src>

<mosaic_0001>
#map = affine_map<(d0, d1) -> (0, 0)>
#map1 = affine_map<(d0, d1) -> (0)>
module attributes {stable_mosaic.version = 14 : i64} {
  func.func @k(%arg0: i32, %arg1: i32, %arg2: memref<20000x144xf32, #tpu.memory_space<hbm>>, %arg3: memref<20000x16xf32, #tpu.memory_space<hbm>>, %arg4: memref<647168xf32, #tpu.memory_space<hbm>>, %arg5: memref<161792xi32, #tpu.memory_space<hbm>>, %arg6: memref<161792xi32, #tpu.memory_space<hbm>>, %arg7: memref<20224x144xf32, #tpu.memory_space<hbm>>, %arg8: memref<128xi32, #tpu.memory_space<vmem>>, %arg9: memref<128xi32, #tpu.memory_space<vmem>>, %arg10: memref<128xi32, #tpu.memory_space<vmem>>, %arg11: memref<128xi32, #tpu.memory_space<vmem>>, %arg12: memref<128x144xf32, #tpu.memory_space<vmem>>, %arg13: memref<128x16xf32, #tpu.memory_space<vmem>>, %arg14: memref<512xf32, #tpu.memory_space<vmem>>, %arg15: memref<128x2xf32, #tpu.memory_space<vmem>>, %arg16: memref<10112x144xf32, #tpu.memory_space<vmem_shared>>, %arg17: memref<!tpu.dma_semaphore, #tpu.memory_space<semaphore_mem>>, %arg18: memref<!tpu.dma_semaphore, #tpu.memory_space<semaphore_mem>>) attributes {dimension_semantics = [#tpu.dimension_semantics<core_parallel>, #tpu.dimension_semantics<subcore_parallel>], iteration_bounds = array<i64: 2, 16>, scalar_prefetch = 0 : i64, scratch_operands = 11 : i64, tpu.core_type = #tpu.core_type<sc_vector_subcore>, window_params = [{transform_indices = #map}, {transform_indices = #map}, {transform_indices = #map1}, {transform_indices = #map1}, {transform_indices = #map1}, {transform_indices = #map}]} {
    %mul3A = arith.constant 10000 : i32
    %mul3A_0 = arith.muli %arg0, %mul3A : i32
    %mul3A_1 = arith.constant 10112 : i32
    %mul3A_2 = arith.muli %arg0, %mul3A_1 : i32
    %mul3A_3 = arith.constant 632 : i32
    %mul3A_4 = arith.muli %arg1, %mul3A_3 : i32
    %iota3A = tpu.iota {dimensions = array<i32: 0>} : vector<16xi32>
    %broadcast_in_dim3A = arith.constant 0 : i32
    %broadcast_in_dim3A_5 = vector.broadcast %broadcast_in_dim3A : i32 to vector<16xi32>
    %broadcast_in_dim3A_6 = arith.constant 1 : i32
    %broadcast_in_dim3A_7 = vector.broadcast %broadcast_in_dim3A_6 : i32 to vector<16xi32>
    %broadcast_in_dim3A_8 = arith.constant 0.000000e+00 : f32
    %broadcast_in_dim3A_9 = vector.broadcast %broadcast_in_dim3A_8 : f32 to vector<16xf32>
    %scan3A = arith.constant 0 : i32
    %scan3A_10 = arith.constant 0 : i32
    %scan3A_11 = arith.constant 128 : i32
    %scan3A_12 = arith.addi %scan3A_10, %scan3A_11 : i32
    %scan3A_13 = arith.constant 1 : i32
    scf.for %scan3A_58 = %scan3A_10 to %scan3A_12 step %scan3A_13  : i32 {
      %swap3A = arith.index_cast %scan3A_58 : i32 to index
      %swap3A_59 = arith.constant 0 : index
      %swap3A_60 = tpu.vector_load %arg12[%swap3A, %swap3A_59] {strides = array<i32>} : memref<128x144xf32, #tpu.memory_space<vmem>>, vector<16xf32>,
      tpu.vector_store %arg12[%swap3A, %swap3A_59], %broadcast_in_dim3A_9 {strides = array<i32>} : memref<128x144xf32, #tpu.memory_space<vmem>>, vector<16xf32>,
      %swap3A_61 = arith.index_cast %scan3A_58 : i32 to index
      %swap3A_62 = arith.constant 16 : index
      %swap3A_63 = tpu.vector_load %arg12[%swap3A_61, %swap3A_62] {strides = array<i32>} : memref<128x144xf32, #tpu.memory_space<vmem>>, vector<16xf32>,
      tpu.vector_store %arg12[%swap3A_61, %swap3A_62], %broadcast_in_dim3A_9 {strides = array<i32>} : memref<128x144xf32, #tpu.memory_space<vmem>>, vector<16xf32>,
      %swap3A_64 = arith.index_cast %scan3A_58 : i32 to index
      %swap3A_65 = arith.constant 32 : index
      %swap3A_66 = tpu.vector_load %arg12[%swap3A_64, %swap3A_65] {strides = array<i32>} : memref<128x144xf32, #tpu.memory_space<vmem>>, vector<16xf32>,
      tpu.vector_store %arg12[%swap3A_64, %swap3A_65], %broadcast_in_dim3A_9 {strides = array<i32>} : memref<128x144xf32, #tpu.memory_space<vmem>>, vector<16xf32>,
      %swap3A_67 = arith.index_cast %scan3A_58 : i32 to index
      %swap3A_68 = arith.constant 48 : index
      %swap3A_69 = tpu.vector_load %arg12[%swap3A_67, %swap3A_68] {strides = array<i32>} : memref<128x144xf32, #tpu.memory_space<vmem>>, vector<16xf32>,
      tpu.vector_store %arg12[%swap3A_67, %swap3A_68], %broadcast_in_dim3A_9 {strides = array<i32>} : memref<128x144xf32, #tpu.memory_space<vmem>>, vector<16xf32>,
      %swap3A_70 = arith.index_cast %scan3A_58 : i32 to index
      %swap3A_71 = arith.constant 64 : index
      %swap3A_72 = tpu.vector_load %arg12[%swap3A_70, %swap3A_71] {strides = array<i32>} : memref<128x144xf32, #tpu.memory_space<vmem>>, vector<16xf32>,
      tpu.vector_store %arg12[%swap3A_70, %swap3A_71], %broadcast_in_dim3A_9 {strides = array<i32>} : memref<128x144xf32, #tpu.memory_space<vmem>>, vector<16xf32>,
      %swap3A_73 = arith.index_cast %scan3A_58 : i32 to index
      %swap3A_74 = arith.constant 80 : index
      %swap3A_75 = tpu.vector_load %arg12[%swap3A_73, %swap3A_74] {strides = array<i32>} : memref<128x144xf32, #tpu.memory_space<vmem>>, vector<16xf32>,
      tpu.vector_store %arg12[%swap3A_73, %swap3A_74], %broadcast_in_dim3A_9 {strides = array<i32>} : memref<128x144xf32, #tpu.memory_space<vmem>>, vector<16xf32>,
      %swap3A_76 = arith.index_cast %scan3A_58 : i32 to index
      %swap3A_77 = arith.constant 96 : index
      %swap3A_78 = tpu.vector_load %arg12[%swap3A_76, %swap3A_77] {strides = array<i32>} : memref<128x144xf32, #tpu.memory_space<vmem>>, vector<16xf32>,
      tpu.vector_store %arg12[%swap3A_76, %swap3A_77], %broadcast_in_dim3A_9 {strides = array<i32>} : memref<128x144xf32, #tpu.memory_space<vmem>>, vector<16xf32>,
      %swap3A_79 = arith.index_cast %scan3A_58 : i32 to index
      %swap3A_80 = arith.constant 112 : index
      %swap3A_81 = tpu.vector_load %arg12[%swap3A_79, %swap3A_80] {strides = array<i32>} : memref<128x144xf32, #tpu.memory_space<vmem>>, vector<16xf32>,
      tpu.vector_store %arg12[%swap3A_79, %swap3A_80], %broadcast_in_dim3A_9 {strides = array<i32>} : memref<128x144xf32, #tpu.memory_space<vmem>>, vector<16xf32>,
      %swap3A_82 = arith.index_cast %scan3A_58 : i32 to index
      %swap3A_83 = arith.constant 128 : index
      %swap3A_84 = tpu.vector_load %arg12[%swap3A_82, %swap3A_83] {strides = array<i32>} : memref<128x144xf32, #tpu.memory_space<vmem>>, vector<16xf32>,
      tpu.vector_store %arg12[%swap3A_82, %swap3A_83], %broadcast_in_dim3A_9 {strides = array<i32>} : memref<128x144xf32, #tpu.memory_space<vmem>>, vector<16xf32>,
    }
    %scan3A_14 = arith.constant 128 : i32
    %add3A = arith.constant 0 : i32
    %add3A_15 = arith.addi %mul3A_4, %add3A : i32
    "tpu.region"() ({
      %run_scoped3A = tpu.sem_alloc : memref<!tpu.dma_semaphore, #tpu.memory_space<semaphore_mem>>
      %dma_start3A = arith.constant 0 : i32
      %dma_start3A_58 = arith.constant 0 : i32
      %dma_start3A_59 = tpu.memref_slice %arg12[%dma_start3A, %dma_start3A_58] : memref<128x144xf32, #tpu.memory_space<vmem>> -> memref<128x144xf32, #tpu.memory_space<vmem>>
      %dma_start3A_60 = arith.constant 0 : i32
      %dma_start3A_61 = tpu.memref_slice %arg16[%add3A_15, %dma_start3A_60] : memref<10112x144xf32, #tpu.memory_space<vmem_shared>> -> memref<128x144xf32, #tpu.memory_space<vmem_shared>>
      %dma_start3A_62 = arith.constant 0 : i32
      %dma_start3A_63 = tpu.memref_slice %arg16[%add3A_15, %dma_start3A_62] : memref<10112x144xf32, #tpu.memory_space<vmem_shared>> -> memref<128x144xf32, #tpu.memory_space<vmem_shared>>
      %dma_start3A_64 = arith.constant 0 : i32
      %dma_start3A_65 = arith.constant 0 : i32
      %dma_start3A_66 = tpu.memref_slice %arg12[%dma_start3A_64, %dma_start3A_65] : memref<128x144xf32, #tpu.memory_space<vmem>> -> memref<128x144xf32, #tpu.memory_space<vmem>>
      tpu.enqueue_dma source(%dma_start3A_66 : memref<128x144xf32, #tpu.memory_space<vmem>>) target(%dma_start3A_63 : memref<128x144xf32, #tpu.memory_space<vmem_shared>>) target_semaphore(%run_scoped3A : memref<!tpu.dma_semaphore, #tpu.memory_space<semaphore_mem>>)
      %dma_wait3A = arith.constant 0 : i32
      %dma_wait3A_67 = arith.constant 0 : i32
      %dma_wait3A_68 = tpu.memref_slice %arg12[%dma_wait3A, %dma_wait3A_67] : memref<128x144xf32, #tpu.memory_space<vmem>> -> memref<128x144xf32, #tpu.memory_space<vmem>>
      %dma_wait3A_69 = arith.constant 0 : i32
      %dma_wait3A_70 = tpu.memref_slice %arg16[%add3A_15, %dma_wait3A_69] : memref<10112x144xf32, #tpu.memory_space<vmem_shared>> -> memref<128x144xf32, #tpu.memory_space<vmem_shared>>
      %dma_wait3A_71 = arith.constant 0 : i32
      %dma_wait3A_72 = tpu.memref_slice %arg16[%add3A_15, %dma_wait3A_71] : memref<10112x144xf32, #tpu.memory_space<vmem_shared>> -> memref<128x144xf32, #tpu.memory_space<vmem_shared>>
      %dma_wait3A_73 = arith.constant 0 : i32
      %dma_wait3A_74 = arith.constant 0 : i32
      %dma_wait3A_75 = tpu.memref_slice %arg12[%dma_wait3A_73, %dma_wait3A_74] : memref<128x144xf32, #tpu.memory_space<vmem>> -> memref<128x144xf32, #tpu.memory_space<vmem>>
      tpu.wait_dma2 semaphore(%run_scoped3A : memref<!tpu.dma_semaphore, #tpu.memory_space<semaphore_mem>>) src(%dma_wait3A_75 : memref<128x144xf32, #tpu.memory_space<vmem>>) dst(%dma_wait3A_72 : memref<128x144xf32, #tpu.memory_space<vmem_shared>>)
      tpu.yield
    }) : () -> ()
    %add3A_16 = arith.constant 128 : i32
    %add3A_17 = arith.addi %mul3A_4, %add3A_16 : i32
    "tpu.region"() ({
      %run_scoped3A = tpu.sem_alloc : memref<!tpu.dma_semaphore, #tpu.memory_space<semaphore_mem>>
      %dma_start3A = arith.constant 0 : i32
      %dma_start3A_58 = arith.constant 0 : i32
      %dma_start3A_59 = tpu.memref_slice %arg12[%dma_start3A, %dma_start3A_58] : memref<128x144xf32, #tpu.memory_space<vmem>> -> memref<128x144xf32, #tpu.memory_space<vmem>>
      %dma_start3A_60 = arith.constant 0 : i32
      %dma_start3A_61 = tpu.memref_slice %arg16[%add3A_17, %dma_start3A_60] : memref<10112x144xf32, #tpu.memory_space<vmem_shared>> -> memref<128x144xf32, #tpu.memory_space<vmem_shared>>
      %dma_start3A_62 = arith.constant 0 : i32
      %dma_start3A_63 = tpu.memref_slice %arg16[%add3A_17, %dma_start3A_62] : memref<10112x144xf32, #tpu.memory_space<vmem_shared>> -> memref<128x144xf32, #tpu.memory_space<vmem_shared>>
      %dma_start3A_64 = arith.constant 0 : i32
      %dma_start3A_65 = arith.constant 0 : i32
      %dma_start3A_66 = tpu.memref_slice %arg12[%dma_start3A_64, %dma_start3A_65] : memref<128x144xf32, #tpu.memory_space<vmem>> -> memref<128x144xf32, #tpu.memory_space<vmem>>
      tpu.enqueue_dma source(%dma_start3A_66 : memref<128x144xf32, #tpu.memory_space<vmem>>) target(%dma_start3A_63 : memref<128x144xf32, #tpu.memory_space<vmem_shared>>) target_semaphore(%run_scoped3A : memref<!tpu.dma_semaphore, #tpu.memory_space<semaphore_mem>>)
      %dma_wait3A = arith.constant 0 : i32
      %dma_wait3A_67 = arith.constant 0 : i32
      %dma_wait3A_68 = tpu.memref_slice %arg12[%dma_wait3A, %dma_wait3A_67] : memref<128x144xf32, #tpu.memory_space<vmem>> -> memref<128x144xf32, #tpu.memory_space<vmem>>
      %dma_wait3A_69 = arith.constant 0 : i32
      %dma_wait3A_70 = tpu.memref_slice %arg16[%add3A_17, %dma_wait3A_69] : memref<10112x144xf32, #tpu.memory_space<vmem_shared>> -> memref<128x144xf32, #tpu.memory_space<vmem_shared>>
      %dma_wait3A_71 = arith.constant 0 : i32
      %dma_wait3A_72 = tpu.memref_slice %arg16[%add3A_17, %dma_wait3A_71] : memref<10112x144xf32, #tpu.memory_space<vmem_shared>> -> memref<128x144xf32, #tpu.memory_space<vmem_shared>>
      %dma_wait3A_73 = arith.constant 0 : i32
      %dma_wait3A_74 = arith.constant 0 : i32
      %dma_wait3A_75 = tpu.memref_slice %arg12[%dma_wait3A_73, %dma_wait3A_74] : memref<128x144xf32, #tpu.memory_space<vmem>> -> memref<128x144xf32, #tpu.memory_space<vmem>>
      tpu.wait_dma2 semaphore(%run_scoped3A : memref<!tpu.dma_semaphore, #tpu.memory_space<semaphore_mem>>) src(%dma_wait3A_75 : memref<128x144xf32, #tpu.memory_space<vmem>>) dst(%dma_wait3A_72 : memref<128x144xf32, #tpu.memory_space<vmem_shared>>)
      tpu.yield
    }) : () -> ()
    %add3A_18 = arith.constant 256 : i32
    %add3A_19 = arith.addi %mul3A_4, %add3A_18 : i32
    "tpu.region"() ({
      %run_scoped3A = tpu.sem_alloc : memref<!tpu.dma_semaphore, #tpu.memory_space<semaphore_mem>>
      %dma_start3A = arith.constant 0 : i32
      %dma_start3A_58 = arith.constant 0 : i32
      %dma_start3A_59 = tpu.memref_slice %arg12[%dma_start3A, %dma_start3A_58] : memref<128x144xf32, #tpu.memory_space<vmem>> -> memref<128x144xf32, #tpu.memory_space<vmem>>
      %dma_start3A_60 = arith.constant 0 : i32
      %dma_start3A_61 = tpu.memref_slice %arg16[%add3A_19, %dma_start3A_60] : memref<10112x144xf32, #tpu.memory_space<vmem_shared>> -> memref<128x144xf32, #tpu.memory_space<vmem_shared>>
      %dma_start3A_62 = arith.constant 0 : i32
      %dma_start3A_63 = tpu.memref_slice %arg16[%add3A_19, %dma_start3A_62] : memref<10112x144xf32, #tpu.memory_space<vmem_shared>> -> memref<128x144xf32, #tpu.memory_space<vmem_shared>>
      %dma_start3A_64 = arith.constant 0 : i32
      %dma_start3A_65 = arith.constant 0 : i32
      %dma_start3A_66 = tpu.memref_slice %arg12[%dma_start3A_64, %dma_start3A_65] : memref<128x144xf32, #tpu.memory_space<vmem>> -> memref<128x144xf32, #tpu.memory_space<vmem>>
      tpu.enqueue_dma source(%dma_start3A_66 : memref<128x144xf32, #tpu.memory_space<vmem>>) target(%dma_start3A_63 : memref<128x144xf32, #tpu.memory_space<vmem_shared>>) target_semaphore(%run_scoped3A : memref<!tpu.dma_semaphore, #tpu.memory_space<semaphore_mem>>)
      %dma_wait3A = arith.constant 0 : i32
      %dma_wait3A_67 = arith.constant 0 : i32
      %dma_wait3A_68 = tpu.memref_slice %arg12[%dma_wait3A, %dma_wait3A_67] : memref<128x144xf32, #tpu.memory_space<vmem>> -> memref<128x144xf32, #tpu.memory_space<vmem>>
      %dma_wait3A_69 = arith.constant 0 : i32
      %dma_wait3A_70 = tpu.memref_slice %arg16[%add3A_19, %dma_wait3A_69] : memref<10112x144xf32, #tpu.memory_space<vmem_shared>> -> memref<128x144xf32, #tpu.memory_space<vmem_shared>>
      %dma_wait3A_71 = arith.constant 0 : i32
      %dma_wait3A_72 = tpu.memref_slice %arg16[%add3A_19, %dma_wait3A_71] : memref<10112x144xf32, #tpu.memory_space<vmem_shared>> -> memref<128x144xf32, #tpu.memory_space<vmem_shared>>
      %dma_wait3A_73 = arith.constant 0 : i32
      %dma_wait3A_74 = arith.constant 0 : i32
      %dma_wait3A_75 = tpu.memref_slice %arg12[%dma_wait3A_73, %dma_wait3A_74] : memref<128x144xf32, #tpu.memory_space<vmem>> -> memref<128x144xf32, #tpu.memory_space<vmem>>
      tpu.wait_dma2 semaphore(%run_scoped3A : memref<!tpu.dma_semaphore, #tpu.memory_space<semaphore_mem>>) src(%dma_wait3A_75 : memref<128x144xf32, #tpu.memory_space<vmem>>) dst(%dma_wait3A_72 : memref<128x144xf32, #tpu.memory_space<vmem_shared>>)
      tpu.yield
    }) : () -> ()
    %add3A_20 = arith.constant 384 : i32
    %add3A_21 = arith.addi %mul3A_4, %add3A_20 : i32
    "tpu.region"() ({
      %run_scoped3A = tpu.sem_alloc : memref<!tpu.dma_semaphore, #tpu.memory_space<semaphore_mem>>
      %dma_start3A = arith.constant 0 : i32
      %dma_start3A_58 = arith.constant 0 : i32
      %dma_start3A_59 = tpu.memref_slice %arg12[%dma_start3A, %dma_start3A_58] : memref<128x144xf32, #tpu.memory_space<vmem>> -> memref<128x144xf32, #tpu.memory_space<vmem>>
      %dma_start3A_60 = arith.constant 0 : i32
      %dma_start3A_61 = tpu.memref_slice %arg16[%add3A_21, %dma_start3A_60] : memref<10112x144xf32, #tpu.memory_space<vmem_shared>> -> memref<128x144xf32, #tpu.memory_space<vmem_shared>>
      %dma_start3A_62 = arith.constant 0 : i32
      %dma_start3A_63 = tpu.memref_slice %arg16[%add3A_21, %dma_start3A_62] : memref<10112x144xf32, #tpu.memory_space<vmem_shared>> -> memref<128x144xf32, #tpu.memory_space<vmem_shared>>
      %dma_start3A_64 = arith.constant 0 : i32
      %dma_start3A_65 = arith.constant 0 : i32
      %dma_start3A_66 = tpu.memref_slice %arg12[%dma_start3A_64, %dma_start3A_65] : memref<128x144xf32, #tpu.memory_space<vmem>> -> memref<128x144xf32, #tpu.memory_space<vmem>>
      tpu.enqueue_dma source(%dma_start3A_66 : memref<128x144xf32, #tpu.memory_space<vmem>>) target(%dma_start3A_63 : memref<128x144xf32, #tpu.memory_space<vmem_shared>>) target_semaphore(%run_scoped3A : memref<!tpu.dma_semaphore, #tpu.memory_space<semaphore_mem>>)
      %dma_wait3A = arith.constant 0 : i32
      %dma_wait3A_67 = arith.constant 0 : i32
      %dma_wait3A_68 = tpu.memref_slice %arg12[%dma_wait3A, %dma_wait3A_67] : memref<128x144xf32, #tpu.memory_space<vmem>> -> memref<128x144xf32, #tpu.memory_space<vmem>>
      %dma_wait3A_69 = arith.constant 0 : i32
      %dma_wait3A_70 = tpu.memref_slice %arg16[%add3A_21, %dma_wait3A_69] : memref<10112x144xf32, #tpu.memory_space<vmem_shared>> -> memref<128x144xf32, #tpu.memory_space<vmem_shared>>
      %dma_wait3A_71 = arith.constant 0 : i32
      %dma_wait3A_72 = tpu.memref_slice %arg16[%add3A_21, %dma_wait3A_71] : memref<10112x144xf32, #tpu.memory_space<vmem_shared>> -> memref<128x144xf32, #tpu.memory_space<vmem_shared>>
      %dma_wait3A_73 = arith.constant 0 : i32
      %dma_wait3A_74 = arith.constant 0 : i32
      %dma_wait3A_75 = tpu.memref_slice %arg12[%dma_wait3A_73, %dma_wait3A_74] : memref<128x144xf32, #tpu.memory_space<vmem>> -> memref<128x144xf32, #tpu.memory_space<vmem>>
      tpu.wait_dma2 semaphore(%run_scoped3A : memref<!tpu.dma_semaphore, #tpu.memory_space<semaphore_mem>>) src(%dma_wait3A_75 : memref<128x144xf32, #tpu.memory_space<vmem>>) dst(%dma_wait3A_72 : memref<128x144xf32, #tpu.memory_space<vmem_shared>>)
      tpu.yield
    }) : () -> ()
    %add3A_22 = arith.constant 512 : i32
    %add3A_23 = arith.addi %mul3A_4, %add3A_22 : i32
    "tpu.region"() ({
      %run_scoped3A = tpu.sem_alloc : memref<!tpu.dma_semaphore, #tpu.memory_space<semaphore_mem>>
      %dma_start3A = arith.constant 0 : i32
      %dma_start3A_58 = arith.constant 0 : i32
      %dma_start3A_59 = tpu.memref_slice %arg12[%dma_start3A, %dma_start3A_58] : memref<128x144xf32, #tpu.memory_space<vmem>> -> memref<120x144xf32, #tpu.memory_space<vmem>>
      %dma_start3A_60 = arith.constant 0 : i32
      %dma_start3A_61 = tpu.memref_slice %arg16[%add3A_23, %dma_start3A_60] : memref<10112x144xf32, #tpu.memory_space<vmem_shared>> -> memref<120x144xf32, #tpu.memory_space<vmem_shared>>
      %dma_start3A_62 = arith.constant 0 : i32
      %dma_start3A_63 = tpu.memref_slice %arg16[%add3A_23, %dma_start3A_62] : memref<10112x144xf32, #tpu.memory_space<vmem_shared>> -> memref<120x144xf32, #tpu.memory_space<vmem_shared>>
      %dma_start3A_64 = arith.constant 0 : i32
      %dma_start3A_65 = arith.constant 0 : i32
      %dma_start3A_66 = tpu.memref_slice %arg12[%dma_start3A_64, %dma_start3A_65] : memref<128x144xf32, #tpu.memory_space<vmem>> -> memref<120x144xf32, #tpu.memory_space<vmem>>
      tpu.enqueue_dma source(%dma_start3A_66 : memref<120x144xf32, #tpu.memory_space<vmem>>) target(%dma_start3A_63 : memref<120x144xf32, #tpu.memory_space<vmem_shared>>) target_semaphore(%run_scoped3A : memref<!tpu.dma_semaphore, #tpu.memory_space<semaphore_mem>>)
      %dma_wait3A = arith.constant 0 : i32
      %dma_wait3A_67 = arith.constant 0 : i32
      %dma_wait3A_68 = tpu.memref_slice %arg12[%dma_wait3A, %dma_wait3A_67] : memref<128x144xf32, #tpu.memory_space<vmem>> -> memref<120x144xf32, #tpu.memory_space<vmem>>
      %dma_wait3A_69 = arith.constant 0 : i32
      %dma_wait3A_70 = tpu.memref_slice %arg16[%add3A_23, %dma_wait3A_69] : memref<10112x144xf32, #tpu.memory_space<vmem_shared>> -> memref<120x144xf32, #tpu.memory_space<vmem_shared>>
      %dma_wait3A_71 = arith.constant 0 : i32
      %dma_wait3A_72 = tpu.memref_slice %arg16[%add3A_23, %dma_wait3A_71] : memref<10112x144xf32, #tpu.memory_space<vmem_shared>> -> memref<120x144xf32, #tpu.memory_space<vmem_shared>>
      %dma_wait3A_73 = arith.constant 0 : i32
      %dma_wait3A_74 = arith.constant 0 : i32
      %dma_wait3A_75 = tpu.memref_slice %arg12[%dma_wait3A_73, %dma_wait3A_74] : memref<128x144xf32, #tpu.memory_space<vmem>> -> memref<120x144xf32, #tpu.memory_space<vmem>>
      tpu.wait_dma2 semaphore(%run_scoped3A : memref<!tpu.dma_semaphore, #tpu.memory_space<semaphore_mem>>) src(%dma_wait3A_75 : memref<120x144xf32, #tpu.memory_space<vmem>>) dst(%dma_wait3A_72 : memref<120x144xf32, #tpu.memory_space<vmem_shared>>)
      tpu.yield
    }) : () -> ()
    %barrier3A = arith.constant 0 : index
    tpu.barrier barrier_id(%barrier3A)
    %mul3A_24 = arith.constant 10112 : i32
    %mul3A_25 = arith.muli %arg1, %mul3A_24 : i32
    %scan3A_26 = arith.constant 0 : i32
    %scan3A_27 = arith.constant 0 : i32
    %scan3A_28 = arith.constant 79 : i32
    %scan3A_29 = arith.addi %scan3A_27, %scan3A_28 : i32
    %scan3A_30 = arith.constant 1 : i32
    scf.for %scan3A_58 = %scan3A_27 to %scan3A_29 step %scan3A_30  : i32 {
      %mul3A_59 = arith.constant 128 : i32
      %mul3A_60 = arith.muli %scan3A_58, %mul3A_59 : i32
      %add3A_61 = arith.addi %mul3A_25, %mul3A_60 : i32
      "tpu.region"() ({
        %run_scoped3A = tpu.sem_alloc : memref<!tpu.dma_semaphore, #tpu.memory_space<semaphore_mem>>
        %dma_start3A_530 = tpu.memref_slice %arg5[%add3A_61] : memref<161792xi32, #tpu.memory_space<hbm>> -> memref<128xi32, #tpu.memory_space<hbm>>
        %dma_start3A_531 = tpu.memref_slice %arg5[%add3A_61] : memref<161792xi32, #tpu.memory_space<hbm>> -> memref<128xi32, #tpu.memory_space<hbm>>
        tpu.enqueue_dma source(%dma_start3A_531 : memref<128xi32, #tpu.memory_space<hbm>>) target(%arg8 : memref<128xi32, #tpu.memory_space<vmem>>) target_semaphore(%run_scoped3A : memref<!tpu.dma_semaphore, #tpu.memory_space<semaphore_mem>>)
        %dma_wait3A_532 = tpu.memref_slice %arg5[%add3A_61] : memref<161792xi32, #tpu.memory_space<hbm>> -> memref<128xi32, #tpu.memory_space<hbm>>
        %dma_wait3A_533 = tpu.memref_slice %arg5[%add3A_61] : memref<161792xi32, #tpu.memory_space<hbm>> -> memref<128xi32, #tpu.memory_space<hbm>>
        tpu.wait_dma2 semaphore(%run_scoped3A : memref<!tpu.dma_semaphore, #tpu.memory_space<semaphore_mem>>) src(%dma_wait3A_533 : memref<128xi32, #tpu.memory_space<hbm>>) dst(%arg8 : memref<128xi32, #tpu.memory_space<vmem>>)
        tpu.yield
      }) : () -> ()
      "tpu.region"() ({
        %run_scoped3A = tpu.sem_alloc : memref<!tpu.dma_semaphore, #tpu.memory_space<semaphore_mem>>
        %dma_start3A_530 = tpu.memref_slice %arg6[%add3A_61] : memref<161792xi32, #tpu.memory_space<hbm>> -> memref<128xi32, #tpu.memory_space<hbm>>
        %dma_start3A_531 = tpu.memref_slice %arg6[%add3A_61] : memref<161792xi32, #tpu.memory_space<hbm>> -> memref<128xi32, #tpu.memory_space<hbm>>
        tpu.enqueue_dma source(%dma_start3A_531 : memref<128xi32, #tpu.memory_space<hbm>>) target(%arg9 : memref<128xi32, #tpu.memory_space<vmem>>) target_semaphore(%run_scoped3A : memref<!tpu.dma_semaphore, #tpu.memory_space<semaphore_mem>>)
        %dma_wait3A_532 = tpu.memref_slice %arg6[%add3A_61] : memref<161792xi32, #tpu.memory_space<hbm>> -> memref<128xi32, #tpu.memory_space<hbm>>
        %dma_wait3A_533 = tpu.memref_slice %arg6[%add3A_61] : memref<161792xi32, #tpu.memory_space<hbm>> -> memref<128xi32, #tpu.memory_space<hbm>>
        tpu.wait_dma2 semaphore(%run_scoped3A : memref<!tpu.dma_semaphore, #tpu.memory_space<semaphore_mem>>) src(%dma_wait3A_533 : memref<128xi32, #tpu.memory_space<hbm>>) dst(%arg9 : memref<128xi32, #tpu.memory_space<vmem>>)
        tpu.yield
      }) : () -> ()
      %mul3A_62 = arith.constant 4 : i32
      %mul3A_63 = arith.muli %add3A_61, %mul3A_62 : i32
      "tpu.region"() ({
        %run_scoped3A = tpu.sem_alloc : memref<!tpu.dma_semaphore, #tpu.memory_space<semaphore_mem>>
        %dma_start3A_530 = tpu.memref_slice %arg4[%mul3A_63] : memref<647168xf32, #tpu.memory_space<hbm>> -> memref<512xf32, #tpu.memory_space<hbm>>
        %dma_start3A_531 = tpu.memref_slice %arg4[%mul3A_63] : memref<647168xf32, #tpu.memory_space<hbm>> -> memref<512xf32, #tpu.memory_space<hbm>>
        tpu.enqueue_dma source(%dma_start3A_531 : memref<512xf32, #tpu.memory_space<hbm>>) target(%arg14 : memref<512xf32, #tpu.memory_space<vmem>>) target_semaphore(%run_scoped3A : memref<!tpu.dma_semaphore, #tpu.memory_space<semaphore_mem>>)
        %dma_wait3A_532 = tpu.memref_slice %arg4[%mul3A_63] : memref<647168xf32, #tpu.memory_space<hbm>> -> memref<512xf32, #tpu.memory_space<hbm>>
        %dma_wait3A_533 = tpu.memref_slice %arg4[%mul3A_63] : memref<647168xf32, #tpu.memory_space<hbm>> -> memref<512xf32, #tpu.memory_space<hbm>>
        tpu.wait_dma2 semaphore(%run_scoped3A : memref<!tpu.dma_semaphore, #tpu.memory_space<semaphore_mem>>) src(%dma_wait3A_533 : memref<512xf32, #tpu.memory_space<hbm>>) dst(%arg14 : memref<512xf32, #tpu.memory_space<vmem>>)
        tpu.yield
      }) : () -> ()
      %get3A = arith.constant 0 : index
      %get3A_64 = tpu.vector_load %arg8[%get3A] {strides = array<i32>} : memref<128xi32, #tpu.memory_space<vmem>>, vector<16xi32>,
      %add3A_65 = vector.broadcast %mul3A_0 : i32 to vector<16xi32>
      %add3A_66 = arith.addi %get3A_64, %add3A_65 : vector<16xi32>
      %swap3A = arith.constant 0 : index
      %swap3A_67 = tpu.vector_load %arg10[%swap3A] {strides = array<i32>} : memref<128xi32, #tpu.memory_space<vmem>>, vector<16xi32>,
      tpu.vector_store %arg10[%swap3A], %add3A_66 {strides = array<i32>} : memref<128xi32, #tpu.memory_space<vmem>>, vector<16xi32>,
      %get3A_68 = arith.constant 0 : index
      %get3A_69 = tpu.vector_load %arg9[%get3A_68] {strides = array<i32>} : memref<128xi32, #tpu.memory_space<vmem>>, vector<16xi32>,
      %add3A_70 = vector.broadcast %mul3A_0 : i32 to vector<16xi32>
      %add3A_71 = arith.addi %get3A_69, %add3A_70 : vector<16xi32>
      %swap3A_72 = arith.constant 0 : index
      %swap3A_73 = tpu.vector_load %arg11[%swap3A_72] {strides = array<i32>} : memref<128xi32, #tpu.memory_space<vmem>>, vector<16xi32>,
      tpu.vector_store %arg11[%swap3A_72], %add3A_71 {strides = array<i32>} : memref<128xi32, #tpu.memory_space<vmem>>, vector<16xi32>,
      %get3A_74 = arith.constant 16 : index
      %get3A_75 = tpu.vector_load %arg8[%get3A_74] {strides = array<i32>} : memref<128xi32, #tpu.memory_space<vmem>>, vector<16xi32>,
      %add3A_76 = vector.broadcast %mul3A_0 : i32 to vector<16xi32>
      %add3A_77 = arith.addi %get3A_75, %add3A_76 : vector<16xi32>
      %swap3A_78 = arith.constant 16 : index
      %swap3A_79 = tpu.vector_load %arg10[%swap3A_78] {strides = array<i32>} : memref<128xi32, #tpu.memory_space<vmem>>, vector<16xi32>,
      tpu.vector_store %arg10[%swap3A_78], %add3A_77 {strides = array<i32>} : memref<128xi32, #tpu.memory_space<vmem>>, vector<16xi32>,
      %get3A_80 = arith.constant 16 : index
      %get3A_81 = tpu.vector_load %arg9[%get3A_80] {strides = array<i32>} : memref<128xi32, #tpu.memory_space<vmem>>, vector<16xi32>,
      %add3A_82 = vector.broadcast %mul3A_0 : i32 to vector<16xi32>
      %add3A_83 = arith.addi %get3A_81, %add3A_82 : vector<16xi32>
      %swap3A_84 = arith.constant 16 : index
      %swap3A_85 = tpu.vector_load %arg11[%swap3A_84] {strides = array<i32>} : memref<128xi32, #tpu.memory_space<vmem>>, vector<16xi32>,
      tpu.vector_store %arg11[%swap3A_84], %add3A_83 {strides = array<i32>} : memref<128xi32, #tpu.memory_space<vmem>>, vector<16xi32>,
      %get3A_86 = arith.constant 32 : index
      %get3A_87 = tpu.vector_load %arg8[%get3A_86] {strides = array<i32>} : memref<128xi32, #tpu.memory_space<vmem>>, vector<16xi32>,
      %add3A_88 = vector.broadcast %mul3A_0 : i32 to vector<16xi32>
      %add3A_89 = arith.addi %get3A_87, %add3A_88 : vector<16xi32>
      %swap3A_90 = arith.constant 32 : index
      %swap3A_91 = tpu.vector_load %arg10[%swap3A_90] {strides = array<i32>} : memref<128xi32, #tpu.memory_space<vmem>>, vector<16xi32>,
      tpu.vector_store %arg10[%swap3A_90], %add3A_89 {strides = array<i32>} : memref<128xi32, #tpu.memory_space<vmem>>, vector<16xi32>,
      %get3A_92 = arith.constant 32 : index
      %get3A_93 = tpu.vector_load %arg9[%get3A_92] {strides = array<i32>} : memref<128xi32, #tpu.memory_space<vmem>>, vector<16xi32>,
      %add3A_94 = vector.broadcast %mul3A_0 : i32 to vector<16xi32>
      %add3A_95 = arith.addi %get3A_93, %add3A_94 : vector<16xi32>
      %swap3A_96 = arith.constant 32 : index
      %swap3A_97 = tpu.vector_load %arg11[%swap3A_96] {strides = array<i32>} : memref<128xi32, #tpu.memory_space<vmem>>, vector<16xi32>,
      tpu.vector_store %arg11[%swap3A_96], %add3A_95 {strides = array<i32>} : memref<128xi32, #tpu.memory_space<vmem>>, vector<16xi32>,
      %get3A_98 = arith.constant 48 : index
      %get3A_99 = tpu.vector_load %arg8[%get3A_98] {strides = array<i32>} : memref<128xi32, #tpu.memory_space<vmem>>, vector<16xi32>,
      %add3A_100 = vector.broadcast %mul3A_0 : i32 to vector<16xi32>
      %add3A_101 = arith.addi %get3A_99, %add3A_100 : vector<16xi32>
      %swap3A_102 = arith.constant 48 : index
      %swap3A_103 = tpu.vector_load %arg10[%swap3A_102] {strides = array<i32>} : memref<128xi32, #tpu.memory_space<vmem>>, vector<16xi32>,
      tpu.vector_store %arg10[%swap3A_102], %add3A_101 {strides = array<i32>} : memref<128xi32, #tpu.memory_space<vmem>>, vector<16xi32>,
      %get3A_104 = arith.constant 48 : index
      %get3A_105 = tpu.vector_load %arg9[%get3A_104] {strides = array<i32>} : memref<128xi32, #tpu.memory_space<vmem>>, vector<16xi32>,
      %add3A_106 = vector.broadcast %mul3A_0 : i32 to vector<16xi32>
      %add3A_107 = arith.addi %get3A_105, %add3A_106 : vector<16xi32>
      %swap3A_108 = arith.constant 48 : index
      %swap3A_109 = tpu.vector_load %arg11[%swap3A_108] {strides = array<i32>} : memref<128xi32, #tpu.memory_space<vmem>>, vector<16xi32>,
      tpu.vector_store %arg11[%swap3A_108], %add3A_107 {strides = array<i32>} : memref<128xi32, #tpu.memory_space<vmem>>, vector<16xi32>,
      %get3A_110 = arith.constant 64 : index
      %get3A_111 = tpu.vector_load %arg8[%get3A_110] {strides = array<i32>} : memref<128xi32, #tpu.memory_space<vmem>>, vector<16xi32>,
      %add3A_112 = vector.broadcast %mul3A_0 : i32 to vector<16xi32>
      %add3A_113 = arith.addi %get3A_111, %add3A_112 : vector<16xi32>
      %swap3A_114 = arith.constant 64 : index
      %swap3A_115 = tpu.vector_load %arg10[%swap3A_114] {strides = array<i32>} : memref<128xi32, #tpu.memory_space<vmem>>, vector<16xi32>,
      tpu.vector_store %arg10[%swap3A_114], %add3A_113 {strides = array<i32>} : memref<128xi32, #tpu.memory_space<vmem>>, vector<16xi32>,
      %get3A_116 = arith.constant 64 : index
      %get3A_117 = tpu.vector_load %arg9[%get3A_116] {strides = array<i32>} : memref<128xi32, #tpu.memory_space<vmem>>, vector<16xi32>,
      %add3A_118 = vector.broadcast %mul3A_0 : i32 to vector<16xi32>
      %add3A_119 = arith.addi %get3A_117, %add3A_118 : vector<16xi32>
      %swap3A_120 = arith.constant 64 : index
      %swap3A_121 = tpu.vector_load %arg11[%swap3A_120] {strides = array<i32>} : memref<128xi32, #tpu.memory_space<vmem>>, vector<16xi32>,
      tpu.vector_store %arg11[%swap3A_120], %add3A_119 {strides = array<i32>} : memref<128xi32, #tpu.memory_space<vmem>>, vector<16xi32>,
      %get3A_122 = arith.constant 80 : index
      %get3A_123 = tpu.vector_load %arg8[%get3A_122] {strides = array<i32>} : memref<128xi32, #tpu.memory_space<vmem>>, vector<16xi32>,
      %add3A_124 = vector.broadcast %mul3A_0 : i32 to vector<16xi32>
      %add3A_125 = arith.addi %get3A_123, %add3A_124 : vector<16xi32>
      %swap3A_126 = arith.constant 80 : index
      %swap3A_127 = tpu.vector_load %arg10[%swap3A_126] {strides = array<i32>} : memref<128xi32, #tpu.memory_space<vmem>>, vector<16xi32>,
      tpu.vector_store %arg10[%swap3A_126], %add3A_125 {strides = array<i32>} : memref<128xi32, #tpu.memory_space<vmem>>, vector<16xi32>,
      %get3A_128 = arith.constant 80 : index
      %get3A_129 = tpu.vector_load %arg9[%get3A_128] {strides = array<i32>} : memref<128xi32, #tpu.memory_space<vmem>>, vector<16xi32>,
      %add3A_130 = vector.broadcast %mul3A_0 : i32 to vector<16xi32>
      %add3A_131 = arith.addi %get3A_129, %add3A_130 : vector<16xi32>
      %swap3A_132 = arith.constant 80 : index
      %swap3A_133 = tpu.vector_load %arg11[%swap3A_132] {strides = array<i32>} : memref<128xi32, #tpu.memory_space<vmem>>, vector<16xi32>,
      tpu.vector_store %arg11[%swap3A_132], %add3A_131 {strides = array<i32>} : memref<128xi32, #tpu.memory_space<vmem>>, vector<16xi32>,
      %get3A_134 = arith.constant 96 : index
      %get3A_135 = tpu.vector_load %arg8[%get3A_134] {strides = array<i32>} : memref<128xi32, #tpu.memory_space<vmem>>, vector<16xi32>,
      %add3A_136 = vector.broadcast %mul3A_0 : i32 to vector<16xi32>
      %add3A_137 = arith.addi %get3A_135, %add3A_136 : vector<16xi32>
      %swap3A_138 = arith.constant 96 : index
      %swap3A_139 = tpu.vector_load %arg10[%swap3A_138] {strides = array<i32>} : memref<128xi32, #tpu.memory_space<vmem>>, vector<16xi32>,
      tpu.vector_store %arg10[%swap3A_138], %add3A_137 {strides = array<i32>} : memref<128xi32, #tpu.memory_space<vmem>>, vector<16xi32>,
      %get3A_140 = arith.constant 96 : index
      %get3A_141 = tpu.vector_load %arg9[%get3A_140] {strides = array<i32>} : memref<128xi32, #tpu.memory_space<vmem>>, vector<16xi32>,
      %add3A_142 = vector.broadcast %mul3A_0 : i32 to vector<16xi32>
      %add3A_143 = arith.addi %get3A_141, %add3A_142 : vector<16xi32>
      %swap3A_144 = arith.constant 96 : index
      %swap3A_145 = tpu.vector_load %arg11[%swap3A_144] {strides = array<i32>} : memref<128xi32, #tpu.memory_space<vmem>>, vector<16xi32>,
      tpu.vector_store %arg11[%swap3A_144], %add3A_143 {strides = array<i32>} : memref<128xi32, #tpu.memory_space<vmem>>, vector<16xi32>,
      %get3A_146 = arith.constant 112 : index
      %get3A_147 = tpu.vector_load %arg8[%get3A_146] {strides = array<i32>} : memref<128xi32, #tpu.memory_space<vmem>>, vector<16xi32>,
      %add3A_148 = vector.broadcast %mul3A_0 : i32 to vector<16xi32>
      %add3A_149 = arith.addi %get3A_147, %add3A_148 : vector<16xi32>
      %swap3A_150 = arith.constant 112 : index
      %swap3A_151 = tpu.vector_load %arg10[%swap3A_150] {strides = array<i32>} : memref<128xi32, #tpu.memory_space<vmem>>, vector<16xi32>,
      tpu.vector_store %arg10[%swap3A_150], %add3A_149 {strides = array<i32>} : memref<128xi32, #tpu.memory_space<vmem>>, vector<16xi32>,
      %get3A_152 = arith.constant 112 : index
      %get3A_153 = tpu.vector_load %arg9[%get3A_152] {strides = array<i32>} : memref<128xi32, #tpu.memory_space<vmem>>, vector<16xi32>,
      %add3A_154 = vector.broadcast %mul3A_0 : i32 to vector<16xi32>
      %add3A_155 = arith.addi %get3A_153, %add3A_154 : vector<16xi32>
      %swap3A_156 = arith.constant 112 : index
      %swap3A_157 = tpu.vector_load %arg11[%swap3A_156] {strides = array<i32>} : memref<128xi32, #tpu.memory_space<vmem>>, vector<16xi32>,
      tpu.vector_store %arg11[%swap3A_156], %add3A_155 {strides = array<i32>} : memref<128xi32, #tpu.memory_space<vmem>>, vector<16xi32>,
      %dma_start3A = arith.constant 0 : i32
      %dma_start3A_158 = arith.constant 0 : i32
      %dma_start3A_159 = tpu.memref_slice %arg2[%dma_start3A, %dma_start3A_158] : memref<20000x144xf32, #tpu.memory_space<hbm>> -> memref<20000x144xf32, #tpu.memory_space<hbm>>
      tpu.enqueue_indirect_dma source(%dma_start3A_159 : memref<20000x144xf32, #tpu.memory_space<hbm>>) target(%arg12 : memref<128x144xf32, #tpu.memory_space<vmem>>) offsets(%arg10 : memref<128xi32, #tpu.memory_space<vmem>>) semaphore(%arg17 : memref<!tpu.dma_semaphore, #tpu.memory_space<semaphore_mem>>)
      %dma_start3A_160 = arith.constant 0 : i32
      %dma_start3A_161 = arith.constant 0 : i32
      %dma_start3A_162 = tpu.memref_slice %arg3[%dma_start3A_160, %dma_start3A_161] : memref<20000x16xf32, #tpu.memory_space<hbm>> -> memref<20000x16xf32, #tpu.memory_space<hbm>>
      tpu.enqueue_indirect_dma source(%dma_start3A_162 : memref<20000x16xf32, #tpu.memory_space<hbm>>) target(%arg13 : memref<128x16xf32, #tpu.memory_space<vmem>>) offsets(%arg11 : memref<128xi32, #tpu.memory_space<vmem>>) semaphore(%arg18 : memref<!tpu.dma_semaphore, #tpu.memory_space<semaphore_mem>>)
      %dma_wait3A = arith.constant 0 : i32
      %dma_wait3A_163 = arith.constant 0 : i32
      %dma_wait3A_164 = tpu.memref_slice %arg2[%dma_wait3A, %dma_wait3A_163] : memref<20000x144xf32, #tpu.memory_space<hbm>> -> memref<20000x144xf32, #tpu.memory_space<hbm>>
      tpu.wait_indirect_dma semaphore(%arg17 : memref<!tpu.dma_semaphore, #tpu.memory_space<semaphore_mem>>) src(%dma_wait3A_164 : memref<20000x144xf32, #tpu.memory_space<hbm>>) dst(%arg12 : memref<128x144xf32, #tpu.memory_space<vmem>>)
      %dma_wait3A_165 = arith.constant 0 : i32
      %dma_wait3A_166 = arith.constant 0 : i32
      %dma_wait3A_167 = tpu.memref_slice %arg3[%dma_wait3A_165, %dma_wait3A_166] : memref<20000x16xf32, #tpu.memory_space<hbm>> -> memref<20000x16xf32, #tpu.memory_space<hbm>>
      tpu.wait_indirect_dma semaphore(%arg18 : memref<!tpu.dma_semaphore, #tpu.memory_space<semaphore_mem>>) src(%dma_wait3A_167 : memref<20000x16xf32, #tpu.memory_space<hbm>>) dst(%arg13 : memref<128x16xf32, #tpu.memory_space<vmem>>)
      %add3A_168 = arith.constant 0 : i32
      %add3A_169 = vector.broadcast %add3A_168 : i32 to vector<16xi32>
      %add3A_170 = arith.addi %iota3A, %add3A_169 : vector<16xi32>
      %add3A_171 = arith.constant 128 : i32
      %add3A_172 = vector.broadcast %add3A_171 : i32 to vector<16xi32>
      %add3A_173 = arith.addi %broadcast_in_dim3A_5, %add3A_172 : vector<16xi32>
      %gather3A = tpu.vector_load_idx %arg12[%add3A_170, %add3A_173] : memref<128x144xf32, #tpu.memory_space<vmem>>[vector<16xi32>, vector<16xi32>], vector<16xf32>,
      %add3A_174 = arith.constant 129 : i32
      %add3A_175 = vector.broadcast %add3A_174 : i32 to vector<16xi32>
      %add3A_176 = arith.addi %broadcast_in_dim3A_5, %add3A_175 : vector<16xi32>
      %gather3A_177 = tpu.vector_load_idx %arg12[%add3A_170, %add3A_176] : memref<128x144xf32, #tpu.memory_space<vmem>>[vector<16xi32>, vector<16xi32>], vector<16xf32>,
      %gather3A_178 = tpu.vector_load_idx %arg13[%add3A_170, %broadcast_in_dim3A_5] : memref<128x16xf32, #tpu.memory_space<vmem>>[vector<16xi32>, vector<16xi32>], vector<16xf32>,
      %gather3A_179 = tpu.vector_load_idx %arg13[%add3A_170, %broadcast_in_dim3A_7] : memref<128x16xf32, #tpu.memory_space<vmem>>[vector<16xi32>, vector<16xi32>], vector<16xf32>,
      %mul3A_180 = arith.constant 4 : i32
      %mul3A_181 = vector.broadcast %mul3A_180 : i32 to vector<16xi32>
      %mul3A_182 = arith.muli %add3A_170, %mul3A_181 : vector<16xi32>
      %mul3A_183 = arith.constant 2 : i32
      %mul3A_184 = arith.muli %mul3A_183, %arg0 : i32
      %add3A_185 = vector.broadcast %mul3A_184 : i32 to vector<16xi32>
      %add3A_186 = arith.addi %mul3A_182, %add3A_185 : vector<16xi32>
      %gather3A_187 = tpu.vector_load_idx %arg14[%add3A_186] : memref<512xf32, #tpu.memory_space<vmem>>[vector<16xi32>], vector<16xf32>,
      %add3A_188 = arith.constant 1 : i32
      %add3A_189 = vector.broadcast %add3A_188 : i32 to vector<16xi32>
      %add3A_190 = arith.addi %add3A_186, %add3A_189 : vector<16xi32>
      %gather3A_191 = tpu.vector_load_idx %arg14[%add3A_190] : memref<512xf32, #tpu.memory_space<vmem>>[vector<16xi32>], vector<16xf32>,
      %add3A_192 = arith.addf %gather3A, %gather3A_178 : vector<16xf32>
      %add3A_193 = arith.addf %add3A_192, %gather3A_187 : vector<16xf32>
      %add3A_194 = arith.addf %gather3A_177, %gather3A_179 : vector<16xf32>
      %add3A_195 = arith.addf %add3A_194, %gather3A_191 : vector<16xf32>
      %gt3A = arith.constant 0.000000e+00 : f32
      %gt3A_196 = vector.broadcast %gt3A : f32 to vector<16xf32>
      %gt3A_197 = arith.cmpf ogt, %add3A_193, %gt3A_196 : vector<16xf32>
      %mul3A_198 = arith.constant 2.000000e-01 : f32
      %mul3A_199 = vector.broadcast %mul3A_198 : f32 to vector<16xf32>
      %mul3A_200 = arith.mulf %mul3A_199, %add3A_193 : vector<16xf32>
      %select_n3A = arith.select %gt3A_197, %add3A_193, %mul3A_200 : vector<16xi1>, vector<16xf32>
      %gt3A_201 = arith.constant 0.000000e+00 : f32
      %gt3A_202 = vector.broadcast %gt3A_201 : f32 to vector<16xf32>
      %gt3A_203 = arith.cmpf ogt, %add3A_195, %gt3A_202 : vector<16xf32>
      %mul3A_204 = arith.constant 2.000000e-01 : f32
      %mul3A_205 = vector.broadcast %mul3A_204 : f32 to vector<16xf32>
      %mul3A_206 = arith.mulf %mul3A_205, %add3A_195 : vector<16xf32>
      %select_n3A_207 = arith.select %gt3A_203, %add3A_195, %mul3A_206 : vector<16xi1>, vector<16xf32>
      %exp3A = math.exp %select_n3A : vector<16xf32>
      tpu.vector_store_idx %arg15[%add3A_170, %broadcast_in_dim3A_5], %exp3A : memref<128x2xf32, #tpu.memory_space<vmem>>[vector<16xi32>, vector<16xi32>], vector<16xf32>,
      %exp3A_208 = math.exp %select_n3A_207 : vector<16xf32>
      tpu.vector_store_idx %arg15[%add3A_170, %broadcast_in_dim3A_7], %exp3A_208 : memref<128x2xf32, #tpu.memory_space<vmem>>[vector<16xi32>, vector<16xi32>], vector<16xf32>,
      %add3A_209 = arith.constant 16 : i32
      %add3A_210 = vector.broadcast %add3A_209 : i32 to vector<16xi32>
      %add3A_211 = arith.addi %iota3A, %add3A_210 : vector<16xi32>
      %add3A_212 = arith.constant 128 : i32
      %add3A_213 = vector.broadcast %add3A_212 : i32 to vector<16xi32>
      %add3A_214 = arith.addi %broadcast_in_dim3A_5, %add3A_213 : vector<16xi32>
      %gather3A_215 = tpu.vector_load_idx %arg12[%add3A_211, %add3A_214] : memref<128x144xf32, #tpu.memory_space<vmem>>[vector<16xi32>, vector<16xi32>], vector<16xf32>,
      %add3A_216 = arith.constant 129 : i32
      %add3A_217 = vector.broadcast %add3A_216 : i32 to vector<16xi32>
      %add3A_218 = arith.addi %broadcast_in_dim3A_5, %add3A_217 : vector<16xi32>
      %gather3A_219 = tpu.vector_load_idx %arg12[%add3A_211, %add3A_218] : memref<128x144xf32, #tpu.memory_space<vmem>>[vector<16xi32>, vector<16xi32>], vector<16xf32>,
      %gather3A_220 = tpu.vector_load_idx %arg13[%add3A_211, %broadcast_in_dim3A_5] : memref<128x16xf32, #tpu.memory_space<vmem>>[vector<16xi32>, vector<16xi32>], vector<16xf32>,
      %gather3A_221 = tpu.vector_load_idx %arg13[%add3A_211, %broadcast_in_dim3A_7] : memref<128x16xf32, #tpu.memory_space<vmem>>[vector<16xi32>, vector<16xi32>], vector<16xf32>,
      %mul3A_222 = arith.constant 4 : i32
      %mul3A_223 = vector.broadcast %mul3A_222 : i32 to vector<16xi32>
      %mul3A_224 = arith.muli %add3A_211, %mul3A_223 : vector<16xi32>
      %mul3A_225 = arith.constant 2 : i32
      %mul3A_226 = arith.muli %mul3A_225, %arg0 : i32
      %add3A_227 = vector.broadcast %mul3A_226 : i32 to vector<16xi32>
      %add3A_228 = arith.addi %mul3A_224, %add3A_227 : vector<16xi32>
      %gather3A_229 = tpu.vector_load_idx %arg14[%add3A_228] : memref<512xf32, #tpu.memory_space<vmem>>[vector<16xi32>], vector<16xf32>,
      %add3A_230 = arith.constant 1 : i32
      %add3A_231 = vector.broadcast %add3A_230 : i32 to vector<16xi32>
      %add3A_232 = arith.addi %add3A_228, %add3A_231 : vector<16xi32>
      %gather3A_233 = tpu.vector_load_idx %arg14[%add3A_232] : memref<512xf32, #tpu.memory_space<vmem>>[vector<16xi32>], vector<16xf32>,
      %add3A_234 = arith.addf %gather3A_215, %gather3A_220 : vector<16xf32>
      %add3A_235 = arith.addf %add3A_234, %gather3A_229 : vector<16xf32>
      %add3A_236 = arith.addf %gather3A_219, %gather3A_221 : vector<16xf32>
      %add3A_237 = arith.addf %add3A_236, %gather3A_233 : vector<16xf32>
      %gt3A_238 = arith.constant 0.000000e+00 : f32
      %gt3A_239 = vector.broadcast %gt3A_238 : f32 to vector<16xf32>
      %gt3A_240 = arith.cmpf ogt, %add3A_235, %gt3A_239 : vector<16xf32>
      %mul3A_241 = arith.constant 2.000000e-01 : f32
      %mul3A_242 = vector.broadcast %mul3A_241 : f32 to vector<16xf32>
      %mul3A_243 = arith.mulf %mul3A_242, %add3A_235 : vector<16xf32>
      %select_n3A_244 = arith.select %gt3A_240, %add3A_235, %mul3A_243 : vector<16xi1>, vector<16xf32>
      %gt3A_245 = arith.constant 0.000000e+00 : f32
      %gt3A_246 = vector.broadcast %gt3A_245 : f32 to vector<16xf32>
      %gt3A_247 = arith.cmpf ogt, %add3A_237, %gt3A_246 : vector<16xf32>
      %mul3A_248 = arith.constant 2.000000e-01 : f32
      %mul3A_249 = vector.broadcast %mul3A_248 : f32 to vector<16xf32>
      %mul3A_250 = arith.mulf %mul3A_249, %add3A_237 : vector<16xf32>
      %select_n3A_251 = arith.select %gt3A_247, %add3A_237, %mul3A_250 : vector<16xi1>, vector<16xf32>
      %exp3A_252 = math.exp %select_n3A_244 : vector<16xf32>
      tpu.vector_store_idx %arg15[%add3A_211, %broadcast_in_dim3A_5], %exp3A_252 : memref<128x2xf32, #tpu.memory_space<vmem>>[vector<16xi32>, vector<16xi32>], vector<16xf32>,
      %exp3A_253 = math.exp %select_n3A_251 : vector<16xf32>
      tpu.vector_store_idx %arg15[%add3A_211, %broadcast_in_dim3A_7], %exp3A_253 : memref<128x2xf32, #tpu.memory_space<vmem>>[vector<16xi32>, vector<16xi32>], vector<16xf32>,
      %add3A_254 = arith.constant 32 : i32
      %add3A_255 = vector.broadcast %add3A_254 : i32 to vector<16xi32>
      %add3A_256 = arith.addi %iota3A, %add3A_255 : vector<16xi32>
      %add3A_257 = arith.constant 128 : i32
      %add3A_258 = vector.broadcast %add3A_257 : i32 to vector<16xi32>
      %add3A_259 = arith.addi %broadcast_in_dim3A_5, %add3A_258 : vector<16xi32>
      %gather3A_260 = tpu.vector_load_idx %arg12[%add3A_256, %add3A_259] : memref<128x144xf32, #tpu.memory_space<vmem>>[vector<16xi32>, vector<16xi32>], vector<16xf32>,
      %add3A_261 = arith.constant 129 : i32
      %add3A_262 = vector.broadcast %add3A_261 : i32 to vector<16xi32>
      %add3A_263 = arith.addi %broadcast_in_dim3A_5, %add3A_262 : vector<16xi32>
      %gather3A_264 = tpu.vector_load_idx %arg12[%add3A_256, %add3A_263] : memref<128x144xf32, #tpu.memory_space<vmem>>[vector<16xi32>, vector<16xi32>], vector<16xf32>,
      %gather3A_265 = tpu.vector_load_idx %arg13[%add3A_256, %broadcast_in_dim3A_5] : memref<128x16xf32, #tpu.memory_space<vmem>>[vector<16xi32>, vector<16xi32>], vector<16xf32>,
      %gather3A_266 = tpu.vector_load_idx %arg13[%add3A_256, %broadcast_in_dim3A_7] : memref<128x16xf32, #tpu.memory_space<vmem>>[vector<16xi32>, vector<16xi32>], vector<16xf32>,
      %mul3A_267 = arith.constant 4 : i32
      %mul3A_268 = vector.broadcast %mul3A_267 : i32 to vector<16xi32>
      %mul3A_269 = arith.muli %add3A_256, %mul3A_268 : vector<16xi32>
      %mul3A_270 = arith.constant 2 : i32
      %mul3A_271 = arith.muli %mul3A_270, %arg0 : i32
      %add3A_272 = vector.broadcast %mul3A_271 : i32 to vector<16xi32>
      %add3A_273 = arith.addi %mul3A_269, %add3A_272 : vector<16xi32>
      %gather3A_274 = tpu.vector_load_idx %arg14[%add3A_273] : memref<512xf32, #tpu.memory_space<vmem>>[vector<16xi32>], vector<16xf32>,
      %add3A_275 = arith.constant 1 : i32
      %add3A_276 = vector.broadcast %add3A_275 : i32 to vector<16xi32>
      %add3A_277 = arith.addi %add3A_273, %add3A_276 : vector<16xi32>
      %gather3A_278 = tpu.vector_load_idx %arg14[%add3A_277] : memref<512xf32, #tpu.memory_space<vmem>>[vector<16xi32>], vector<16xf32>,
      %add3A_279 = arith.addf %gather3A_260, %gather3A_265 : vector<16xf32>
      %add3A_280 = arith.addf %add3A_279, %gather3A_274 : vector<16xf32>
      %add3A_281 = arith.addf %gather3A_264, %gather3A_266 : vector<16xf32>
      %add3A_282 = arith.addf %add3A_281, %gather3A_278 : vector<16xf32>
      %gt3A_283 = arith.constant 0.000000e+00 : f32
      %gt3A_284 = vector.broadcast %gt3A_283 : f32 to vector<16xf32>
      %gt3A_285 = arith.cmpf ogt, %add3A_280, %gt3A_284 : vector<16xf32>
      %mul3A_286 = arith.constant 2.000000e-01 : f32
      %mul3A_287 = vector.broadcast %mul3A_286 : f32 to vector<16xf32>
      %mul3A_288 = arith.mulf %mul3A_287, %add3A_280 : vector<16xf32>
      %select_n3A_289 = arith.select %gt3A_285, %add3A_280, %mul3A_288 : vector<16xi1>, vector<16xf32>
      %gt3A_290 = arith.constant 0.000000e+00 : f32
      %gt3A_291 = vector.broadcast %gt3A_290 : f32 to vector<16xf32>
      %gt3A_292 = arith.cmpf ogt, %add3A_282, %gt3A_291 : vector<16xf32>
      %mul3A_293 = arith.constant 2.000000e-01 : f32
      %mul3A_294 = vector.broadcast %mul3A_293 : f32 to vector<16xf32>
      %mul3A_295 = arith.mulf %mul3A_294, %add3A_282 : vector<16xf32>
      %select_n3A_296 = arith.select %gt3A_292, %add3A_282, %mul3A_295 : vector<16xi1>, vector<16xf32>
      %exp3A_297 = math.exp %select_n3A_289 : vector<16xf32>
      tpu.vector_store_idx %arg15[%add3A_256, %broadcast_in_dim3A_5], %exp3A_297 : memref<128x2xf32, #tpu.memory_space<vmem>>[vector<16xi32>, vector<16xi32>], vector<16xf32>,
      %exp3A_298 = math.exp %select_n3A_296 : vector<16xf32>
      tpu.vector_store_idx %arg15[%add3A_256, %broadcast_in_dim3A_7], %exp3A_298 : memref<128x2xf32, #tpu.memory_space<vmem>>[vector<16xi32>, vector<16xi32>], vector<16xf32>,
      %add3A_299 = arith.constant 48 : i32
      %add3A_300 = vector.broadcast %add3A_299 : i32 to vector<16xi32>
      %add3A_301 = arith.addi %iota3A, %add3A_300 : vector<16xi32>
      %add3A_302 = arith.constant 128 : i32
      %add3A_303 = vector.broadcast %add3A_302 : i32 to vector<16xi32>
      %add3A_304 = arith.addi %broadcast_in_dim3A_5, %add3A_303 : vector<16xi32>
      %gather3A_305 = tpu.vector_load_idx %arg12[%add3A_301, %add3A_304] : memref<128x144xf32, #tpu.memory_space<vmem>>[vector<16xi32>, vector<16xi32>], vector<16xf32>,
      %add3A_306 = arith.constant 129 : i32
      %add3A_307 = vector.broadcast %add3A_306 : i32 to vector<16xi32>
      %add3A_308 = arith.addi %broadcast_in_dim3A_5, %add3A_307 : vector<16xi32>
      %gather3A_309 = tpu.vector_load_idx %arg12[%add3A_301, %add3A_308] : memref<128x144xf32, #tpu.memory_space<vmem>>[vector<16xi32>, vector<16xi32>], vector<16xf32>,
      %gather3A_310 = tpu.vector_load_idx %arg13[%add3A_301, %broadcast_in_dim3A_5] : memref<128x16xf32, #tpu.memory_space<vmem>>[vector<16xi32>, vector<16xi32>], vector<16xf32>,
      %gather3A_311 = tpu.vector_load_idx %arg13[%add3A_301, %broadcast_in_dim3A_7] : memref<128x16xf32, #tpu.memory_space<vmem>>[vector<16xi32>, vector<16xi32>], vector<16xf32>,
      %mul3A_312 = arith.constant 4 : i32
      %mul3A_313 = vector.broadcast %mul3A_312 : i32 to vector<16xi32>
      %mul3A_314 = arith.muli %add3A_301, %mul3A_313 : vector<16xi32>
      %mul3A_315 = arith.constant 2 : i32
      %mul3A_316 = arith.muli %mul3A_315, %arg0 : i32
      %add3A_317 = vector.broadcast %mul3A_316 : i32 to vector<16xi32>
      %add3A_318 = arith.addi %mul3A_314, %add3A_317 : vector<16xi32>
      %gather3A_319 = tpu.vector_load_idx %arg14[%add3A_318] : memref<512xf32, #tpu.memory_space<vmem>>[vector<16xi32>], vector<16xf32>,
      %add3A_320 = arith.constant 1 : i32
      %add3A_321 = vector.broadcast %add3A_320 : i32 to vector<16xi32>
      %add3A_322 = arith.addi %add3A_318, %add3A_321 : vector<16xi32>
      %gather3A_323 = tpu.vector_load_idx %arg14[%add3A_322] : memref<512xf32, #tpu.memory_space<vmem>>[vector<16xi32>], vector<16xf32>,
      %add3A_324 = arith.addf %gather3A_305, %gather3A_310 : vector<16xf32>
      %add3A_325 = arith.addf %add3A_324, %gather3A_319 : vector<16xf32>
      %add3A_326 = arith.addf %gather3A_309, %gather3A_311 : vector<16xf32>
      %add3A_327 = arith.addf %add3A_326, %gather3A_323 : vector<16xf32>
      %gt3A_328 = arith.constant 0.000000e+00 : f32
      %gt3A_329 = vector.broadcast %gt3A_328 : f32 to vector<16xf32>
      %gt3A_330 = arith.cmpf ogt, %add3A_325, %gt3A_329 : vector<16xf32>
      %mul3A_331 = arith.constant 2.000000e-01 : f32
      %mul3A_332 = vector.broadcast %mul3A_331 : f32 to vector<16xf32>
      %mul3A_333 = arith.mulf %mul3A_332, %add3A_325 : vector<16xf32>
      %select_n3A_334 = arith.select %gt3A_330, %add3A_325, %mul3A_333 : vector<16xi1>, vector<16xf32>
      %gt3A_335 = arith.constant 0.000000e+00 : f32
      %gt3A_336 = vector.broadcast %gt3A_335 : f32 to vector<16xf32>
      %gt3A_337 = arith.cmpf ogt, %add3A_327, %gt3A_336 : vector<16xf32>
      %mul3A_338 = arith.constant 2.000000e-01 : f32
      %mul3A_339 = vector.broadcast %mul3A_338 : f32 to vector<16xf32>
      %mul3A_340 = arith.mulf %mul3A_339, %add3A_327 : vector<16xf32>
      %select_n3A_341 = arith.select %gt3A_337, %add3A_327, %mul3A_340 : vector<16xi1>, vector<16xf32>
      %exp3A_342 = math.exp %select_n3A_334 : vector<16xf32>
      tpu.vector_store_idx %arg15[%add3A_301, %broadcast_in_dim3A_5], %exp3A_342 : memref<128x2xf32, #tpu.memory_space<vmem>>[vector<16xi32>, vector<16xi32>], vector<16xf32>,
      %exp3A_343 = math.exp %select_n3A_341 : vector<16xf32>
      tpu.vector_store_idx %arg15[%add3A_301, %broadcast_in_dim3A_7], %exp3A_343 : memref<128x2xf32, #tpu.memory_space<vmem>>[vector<16xi32>, vector<16xi32>], vector<16xf32>,
      %add3A_344 = arith.constant 64 : i32
      %add3A_345 = vector.broadcast %add3A_344 : i32 to vector<16xi32>
      %add3A_346 = arith.addi %iota3A, %add3A_345 : vector<16xi32>
      %add3A_347 = arith.constant 128 : i32
      %add3A_348 = vector.broadcast %add3A_347 : i32 to vector<16xi32>
      %add3A_349 = arith.addi %broadcast_in_dim3A_5, %add3A_348 : vector<16xi32>
      %gather3A_350 = tpu.vector_load_idx %arg12[%add3A_346, %add3A_349] : memref<128x144xf32, #tpu.memory_space<vmem>>[vector<16xi32>, vector<16xi32>], vector<16xf32>,
      %add3A_351 = arith.constant 129 : i32
      %add3A_352 = vector.broadcast %add3A_351 : i32 to vector<16xi32>
      %add3A_353 = arith.addi %broadcast_in_dim3A_5, %add3A_352 : vector<16xi32>
      %gather3A_354 = tpu.vector_load_idx %arg12[%add3A_346, %add3A_353] : memref<128x144xf32, #tpu.memory_space<vmem>>[vector<16xi32>, vector<16xi32>], vector<16xf32>,
      %gather3A_355 = tpu.vector_load_idx %arg13[%add3A_346, %broadcast_in_dim3A_5] : memref<128x16xf32, #tpu.memory_space<vmem>>[vector<16xi32>, vector<16xi32>], vector<16xf32>,
      %gather3A_356 = tpu.vector_load_idx %arg13[%add3A_346, %broadcast_in_dim3A_7] : memref<128x16xf32, #tpu.memory_space<vmem>>[vector<16xi32>, vector<16xi32>], vector<16xf32>,
      %mul3A_357 = arith.constant 4 : i32
      %mul3A_358 = vector.broadcast %mul3A_357 : i32 to vector<16xi32>
      %mul3A_359 = arith.muli %add3A_346, %mul3A_358 : vector<16xi32>
      %mul3A_360 = arith.constant 2 : i32
      %mul3A_361 = arith.muli %mul3A_360, %arg0 : i32
      %add3A_362 = vector.broadcast %mul3A_361 : i32 to vector<16xi32>
      %add3A_363 = arith.addi %mul3A_359, %add3A_362 : vector<16xi32>
      %gather3A_364 = tpu.vector_load_idx %arg14[%add3A_363] : memref<512xf32, #tpu.memory_space<vmem>>[vector<16xi32>], vector<16xf32>,
      %add3A_365 = arith.constant 1 : i32
      %add3A_366 = vector.broadcast %add3A_365 : i32 to vector<16xi32>
      %add3A_367 = arith.addi %add3A_363, %add3A_366 : vector<16xi32>
      %gather3A_368 = tpu.vector_load_idx %arg14[%add3A_367] : memref<512xf32, #tpu.memory_space<vmem>>[vector<16xi32>], vector<16xf32>,
      %add3A_369 = arith.addf %gather3A_350, %gather3A_355 : vector<16xf32>
      %add3A_370 = arith.addf %add3A_369, %gather3A_364 : vector<16xf32>
      %add3A_371 = arith.addf %gather3A_354, %gather3A_356 : vector<16xf32>
      %add3A_372 = arith.addf %add3A_371, %gather3A_368 : vector<16xf32>
      %gt3A_373 = arith.constant 0.000000e+00 : f32
      %gt3A_374 = vector.broadcast %gt3A_373 : f32 to vector<16xf32>
      %gt3A_375 = arith.cmpf ogt, %add3A_370, %gt3A_374 : vector<16xf32>
      %mul3A_376 = arith.constant 2.000000e-01 : f32
      %mul3A_377 = vector.broadcast %mul3A_376 : f32 to vector<16xf32>
      %mul3A_378 = arith.mulf %mul3A_377, %add3A_370 : vector<16xf32>
      %select_n3A_379 = arith.select %gt3A_375, %add3A_370, %mul3A_378 : vector<16xi1>, vector<16xf32>
      %gt3A_380 = arith.constant 0.000000e+00 : f32
      %gt3A_381 = vector.broadcast %gt3A_380 : f32 to vector<16xf32>
      %gt3A_382 = arith.cmpf ogt, %add3A_372, %gt3A_381 : vector<16xf32>
      %mul3A_383 = arith.constant 2.000000e-01 : f32
      %mul3A_384 = vector.broadcast %mul3A_383 : f32 to vector<16xf32>
      %mul3A_385 = arith.mulf %mul3A_384, %add3A_372 : vector<16xf32>
      %select_n3A_386 = arith.select %gt3A_382, %add3A_372, %mul3A_385 : vector<16xi1>, vector<16xf32>
      %exp3A_387 = math.exp %select_n3A_379 : vector<16xf32>
      tpu.vector_store_idx %arg15[%add3A_346, %broadcast_in_dim3A_5], %exp3A_387 : memref<128x2xf32, #tpu.memory_space<vmem>>[vector<16xi32>, vector<16xi32>], vector<16xf32>,
      %exp3A_388 = math.exp %select_n3A_386 : vector<16xf32>
      tpu.vector_store_idx %arg15[%add3A_346, %broadcast_in_dim3A_7], %exp3A_388 : memref<128x2xf32, #tpu.memory_space<vmem>>[vector<16xi32>, vector<16xi32>], vector<16xf32>,
      %add3A_389 = arith.constant 80 : i32
      %add3A_390 = vector.broadcast %add3A_389 : i32 to vector<16xi32>
      %add3A_391 = arith.addi %iota3A, %add3A_390 : vector<16xi32>
      %add3A_392 = arith.constant 128 : i32
      %add3A_393 = vector.broadcast %add3A_392 : i32 to vector<16xi32>
      %add3A_394 = arith.addi %broadcast_in_dim3A_5, %add3A_393 : vector<16xi32>
      %gather3A_395 = tpu.vector_load_idx %arg12[%add3A_391, %add3A_394] : memref<128x144xf32, #tpu.memory_space<vmem>>[vector<16xi32>, vector<16xi32>], vector<16xf32>,
      %add3A_396 = arith.constant 129 : i32
      %add3A_397 = vector.broadcast %add3A_396 : i32 to vector<16xi32>
      %add3A_398 = arith.addi %broadcast_in_dim3A_5, %add3A_397 : vector<16xi32>
      %gather3A_399 = tpu.vector_load_idx %arg12[%add3A_391, %add3A_398] : memref<128x144xf32, #tpu.memory_space<vmem>>[vector<16xi32>, vector<16xi32>], vector<16xf32>,
      %gather3A_400 = tpu.vector_load_idx %arg13[%add3A_391, %broadcast_in_dim3A_5] : memref<128x16xf32, #tpu.memory_space<vmem>>[vector<16xi32>, vector<16xi32>], vector<16xf32>,
      %gather3A_401 = tpu.vector_load_idx %arg13[%add3A_391, %broadcast_in_dim3A_7] : memref<128x16xf32, #tpu.memory_space<vmem>>[vector<16xi32>, vector<16xi32>], vector<16xf32>,
      %mul3A_402 = arith.constant 4 : i32
      %mul3A_403 = vector.broadcast %mul3A_402 : i32 to vector<16xi32>
      %mul3A_404 = arith.muli %add3A_391, %mul3A_403 : vector<16xi32>
      %mul3A_405 = arith.constant 2 : i32
      %mul3A_406 = arith.muli %mul3A_405, %arg0 : i32
      %add3A_407 = vector.broadcast %mul3A_406 : i32 to vector<16xi32>
      %add3A_408 = arith.addi %mul3A_404, %add3A_407 : vector<16xi32>
      %gather3A_409 = tpu.vector_load_idx %arg14[%add3A_408] : memref<512xf32, #tpu.memory_space<vmem>>[vector<16xi32>], vector<16xf32>,
      %add3A_410 = arith.constant 1 : i32
      %add3A_411 = vector.broadcast %add3A_410 : i32 to vector<16xi32>
      %add3A_412 = arith.addi %add3A_408, %add3A_411 : vector<16xi32>
      %gather3A_413 = tpu.vector_load_idx %arg14[%add3A_412] : memref<512xf32, #tpu.memory_space<vmem>>[vector<16xi32>], vector<16xf32>,
      %add3A_414 = arith.addf %gather3A_395, %gather3A_400 : vector<16xf32>
      %add3A_415 = arith.addf %add3A_414, %gather3A_409 : vector<16xf32>
      %add3A_416 = arith.addf %gather3A_399, %gather3A_401 : vector<16xf32>
      %add3A_417 = arith.addf %add3A_416, %gather3A_413 : vector<16xf32>
      %gt3A_418 = arith.constant 0.000000e+00 : f32
      %gt3A_419 = vector.broadcast %gt3A_418 : f32 to vector<16xf32>
      %gt3A_420 = arith.cmpf ogt, %add3A_415, %gt3A_419 : vector<16xf32>
      %mul3A_421 = arith.constant 2.000000e-01 : f32
      %mul3A_422 = vector.broadcast %mul3A_421 : f32 to vector<16xf32>
      %mul3A_423 = arith.mulf %mul3A_422, %add3A_415 : vector<16xf32>
      %select_n3A_424 = arith.select %gt3A_420, %add3A_415, %mul3A_423 : vector<16xi1>, vector<16xf32>
      %gt3A_425 = arith.constant 0.000000e+00 : f32
      %gt3A_426 = vector.broadcast %gt3A_425 : f32 to vector<16xf32>
      %gt3A_427 = arith.cmpf ogt, %add3A_417, %gt3A_426 : vector<16xf32>
      %mul3A_428 = arith.constant 2.000000e-01 : f32
      %mul3A_429 = vector.broadcast %mul3A_428 : f32 to vector<16xf32>
      %mul3A_430 = arith.mulf %mul3A_429, %add3A_417 : vector<16xf32>
      %select_n3A_431 = arith.select %gt3A_427, %add3A_417, %mul3A_430 : vector<16xi1>, vector<16xf32>
      %exp3A_432 = math.exp %select_n3A_424 : vector<16xf32>
      tpu.vector_store_idx %arg15[%add3A_391, %broadcast_in_dim3A_5], %exp3A_432 : memref<128x2xf32, #tpu.memory_space<vmem>>[vector<16xi32>, vector<16xi32>], vector<16xf32>,
      %exp3A_433 = math.exp %select_n3A_431 : vector<16xf32>
      tpu.vector_store_idx %arg15[%add3A_391, %broadcast_in_dim3A_7], %exp3A_433 : memref<128x2xf32, #tpu.memory_space<vmem>>[vector<16xi32>, vector<16xi32>], vector<16xf32>,
      %add3A_434 = arith.constant 96 : i32
      %add3A_435 = vector.broadcast %add3A_434 : i32 to vector<16xi32>
      %add3A_436 = arith.addi %iota3A, %add3A_435 : vector<16xi32>
      %add3A_437 = arith.constant 128 : i32
      %add3A_438 = vector.broadcast %add3A_437 : i32 to vector<16xi32>
      %add3A_439 = arith.addi %broadcast_in_dim3A_5, %add3A_438 : vector<16xi32>
      %gather3A_440 = tpu.vector_load_idx %arg12[%add3A_436, %add3A_439] : memref<128x144xf32, #tpu.memory_space<vmem>>[vector<16xi32>, vector<16xi32>], vector<16xf32>,
      %add3A_441 = arith.constant 129 : i32
      %add3A_442 = vector.broadcast %add3A_441 : i32 to vector<16xi32>
      %add3A_443 = arith.addi %broadcast_in_dim3A_5, %add3A_442 : vector<16xi32>
      %gather3A_444 = tpu.vector_load_idx %arg12[%add3A_436, %add3A_443] : memref<128x144xf32, #tpu.memory_space<vmem>>[vector<16xi32>, vector<16xi32>], vector<16xf32>,
      %gather3A_445 = tpu.vector_load_idx %arg13[%add3A_436, %broadcast_in_dim3A_5] : memref<128x16xf32, #tpu.memory_space<vmem>>[vector<16xi32>, vector<16xi32>], vector<16xf32>,
      %gather3A_446 = tpu.vector_load_idx %arg13[%add3A_436, %broadcast_in_dim3A_7] : memref<128x16xf32, #tpu.memory_space<vmem>>[vector<16xi32>, vector<16xi32>], vector<16xf32>,
      %mul3A_447 = arith.constant 4 : i32
      %mul3A_448 = vector.broadcast %mul3A_447 : i32 to vector<16xi32>
      %mul3A_449 = arith.muli %add3A_436, %mul3A_448 : vector<16xi32>
      %mul3A_450 = arith.constant 2 : i32
      %mul3A_451 = arith.muli %mul3A_450, %arg0 : i32
      %add3A_452 = vector.broadcast %mul3A_451 : i32 to vector<16xi32>
      %add3A_453 = arith.addi %mul3A_449, %add3A_452 : vector<16xi32>
      %gather3A_454 = tpu.vector_load_idx %arg14[%add3A_453] : memref<512xf32, #tpu.memory_space<vmem>>[vector<16xi32>], vector<16xf32>,
      %add3A_455 = arith.constant 1 : i32
      %add3A_456 = vector.broadcast %add3A_455 : i32 to vector<16xi32>
      %add3A_457 = arith.addi %add3A_453, %add3A_456 : vector<16xi32>
      %gather3A_458 = tpu.vector_load_idx %arg14[%add3A_457] : memref<512xf32, #tpu.memory_space<vmem>>[vector<16xi32>], vector<16xf32>,
      %add3A_459 = arith.addf %gather3A_440, %gather3A_445 : vector<16xf32>
      %add3A_460 = arith.addf %add3A_459, %gather3A_454 : vector<16xf32>
      %add3A_461 = arith.addf %gather3A_444, %gather3A_446 : vector<16xf32>
      %add3A_462 = arith.addf %add3A_461, %gather3A_458 : vector<16xf32>
      %gt3A_463 = arith.constant 0.000000e+00 : f32
      %gt3A_464 = vector.broadcast %gt3A_463 : f32 to vector<16xf32>
      %gt3A_465 = arith.cmpf ogt, %add3A_460, %gt3A_464 : vector<16xf32>
      %mul3A_466 = arith.constant 2.000000e-01 : f32
      %mul3A_467 = vector.broadcast %mul3A_466 : f32 to vector<16xf32>
      %mul3A_468 = arith.mulf %mul3A_467, %add3A_460 : vector<16xf32>
      %select_n3A_469 = arith.select %gt3A_465, %add3A_460, %mul3A_468 : vector<16xi1>, vector<16xf32>
      %gt3A_470 = arith.constant 0.000000e+00 : f32
      %gt3A_471 = vector.broadcast %gt3A_470 : f32 to vector<16xf32>
      %gt3A_472 = arith.cmpf ogt, %add3A_462, %gt3A_471 : vector<16xf32>
      %mul3A_473 = arith.constant 2.000000e-01 : f32
      %mul3A_474 = vector.broadcast %mul3A_473 : f32 to vector<16xf32>
      %mul3A_475 = arith.mulf %mul3A_474, %add3A_462 : vector<16xf32>
      %select_n3A_476 = arith.select %gt3A_472, %add3A_462, %mul3A_475 : vector<16xi1>, vector<16xf32>
      %exp3A_477 = math.exp %select_n3A_469 : vector<16xf32>
      tpu.vector_store_idx %arg15[%add3A_436, %broadcast_in_dim3A_5], %exp3A_477 : memref<128x2xf32, #tpu.memory_space<vmem>>[vector<16xi32>, vector<16xi32>], vector<16xf32>,
      %exp3A_478 = math.exp %select_n3A_476 : vector<16xf32>
      tpu.vector_store_idx %arg15[%add3A_436, %broadcast_in_dim3A_7], %exp3A_478 : memref<128x2xf32, #tpu.memory_space<vmem>>[vector<16xi32>, vector<16xi32>], vector<16xf32>,
      %add3A_479 = arith.constant 112 : i32
      %add3A_480 = vector.broadcast %add3A_479 : i32 to vector<16xi32>
      %add3A_481 = arith.addi %iota3A, %add3A_480 : vector<16xi32>
      %add3A_482 = arith.constant 128 : i32
      %add3A_483 = vector.broadcast %add3A_482 : i32 to vector<16xi32>
      %add3A_484 = arith.addi %broadcast_in_dim3A_5, %add3A_483 : vector<16xi32>
      %gather3A_485 = tpu.vector_load_idx %arg12[%add3A_481, %add3A_484] : memref<128x144xf32, #tpu.memory_space<vmem>>[vector<16xi32>, vector<16xi32>], vector<16xf32>,
      %add3A_486 = arith.constant 129 : i32
      %add3A_487 = vector.broadcast %add3A_486 : i32 to vector<16xi32>
      %add3A_488 = arith.addi %broadcast_in_dim3A_5, %add3A_487 : vector<16xi32>
      %gather3A_489 = tpu.vector_load_idx %arg12[%add3A_481, %add3A_488] : memref<128x144xf32, #tpu.memory_space<vmem>>[vector<16xi32>, vector<16xi32>], vector<16xf32>,
      %gather3A_490 = tpu.vector_load_idx %arg13[%add3A_481, %broadcast_in_dim3A_5] : memref<128x16xf32, #tpu.memory_space<vmem>>[vector<16xi32>, vector<16xi32>], vector<16xf32>,
      %gather3A_491 = tpu.vector_load_idx %arg13[%add3A_481, %broadcast_in_dim3A_7] : memref<128x16xf32, #tpu.memory_space<vmem>>[vector<16xi32>, vector<16xi32>], vector<16xf32>,
      %mul3A_492 = arith.constant 4 : i32
      %mul3A_493 = vector.broadcast %mul3A_492 : i32 to vector<16xi32>
      %mul3A_494 = arith.muli %add3A_481, %mul3A_493 : vector<16xi32>
      %mul3A_495 = arith.constant 2 : i32
      %mul3A_496 = arith.muli %mul3A_495, %arg0 : i32
      %add3A_497 = vector.broadcast %mul3A_496 : i32 to vector<16xi32>
      %add3A_498 = arith.addi %mul3A_494, %add3A_497 : vector<16xi32>
      %gather3A_499 = tpu.vector_load_idx %arg14[%add3A_498] : memref<512xf32, #tpu.memory_space<vmem>>[vector<16xi32>], vector<16xf32>,
      %add3A_500 = arith.constant 1 : i32
      %add3A_501 = vector.broadcast %add3A_500 : i32 to vector<16xi32>
      %add3A_502 = arith.addi %add3A_498, %add3A_501 : vector<16xi32>
      %gather3A_503 = tpu.vector_load_idx %arg14[%add3A_502] : memref<512xf32, #tpu.memory_space<vmem>>[vector<16xi32>], vector<16xf32>,
      %add3A_504 = arith.addf %gather3A_485, %gather3A_490 : vector<16xf32>
      %add3A_505 = arith.addf %add3A_504, %gather3A_499 : vector<16xf32>
      %add3A_506 = arith.addf %gather3A_489, %gather3A_491 : vector<16xf32>
      %add3A_507 = arith.addf %add3A_506, %gather3A_503 : vector<16xf32>
      %gt3A_508 = arith.constant 0.000000e+00 : f32
      %gt3A_509 = vector.broadcast %gt3A_508 : f32 to vector<16xf32>
      %gt3A_510 = arith.cmpf ogt, %add3A_505, %gt3A_509 : vector<16xf32>
      %mul3A_511 = arith.constant 2.000000e-01 : f32
      %mul3A_512 = vector.broadcast %mul3A_511 : f32 to vector<16xf32>
      %mul3A_513 = arith.mulf %mul3A_512, %add3A_505 : vector<16xf32>
      %select_n3A_514 = arith.select %gt3A_510, %add3A_505, %mul3A_513 : vector<16xi1>, vector<16xf32>
      %gt3A_515 = arith.constant 0.000000e+00 : f32
      %gt3A_516 = vector.broadcast %gt3A_515 : f32 to vector<16xf32>
      %gt3A_517 = arith.cmpf ogt, %add3A_507, %gt3A_516 : vector<16xf32>
      %mul3A_518 = arith.constant 2.000000e-01 : f32
      %mul3A_519 = vector.broadcast %mul3A_518 : f32 to vector<16xf32>
      %mul3A_520 = arith.mulf %mul3A_519, %add3A_507 : vector<16xf32>
      %select_n3A_521 = arith.select %gt3A_517, %add3A_507, %mul3A_520 : vector<16xi1>, vector<16xf32>
      %exp3A_522 = math.exp %select_n3A_514 : vector<16xf32>
      tpu.vector_store_idx %arg15[%add3A_481, %broadcast_in_dim3A_5], %exp3A_522 : memref<128x2xf32, #tpu.memory_space<vmem>>[vector<16xi32>, vector<16xi32>], vector<16xf32>,
      %exp3A_523 = math.exp %select_n3A_521 : vector<16xf32>
      tpu.vector_store_idx %arg15[%add3A_481, %broadcast_in_dim3A_7], %exp3A_523 : memref<128x2xf32, #tpu.memory_space<vmem>>[vector<16xi32>, vector<16xi32>], vector<16xf32>,
      %scan3A_524 = arith.constant 0 : i32
      %scan3A_525 = arith.constant 0 : i32
      %scan3A_526 = arith.constant 128 : i32
      %scan3A_527 = arith.addi %scan3A_525, %scan3A_526 : i32
      %scan3A_528 = arith.constant 1 : i32
      scf.for %scan3A_530 = %scan3A_525 to %scan3A_527 step %scan3A_528  : i32 {
        %broadcast_in_dim3A_531 = vector.broadcast %scan3A_530 : i32 to vector<16xi32>
        %gather3A_532 = tpu.vector_load_idx %arg15[%broadcast_in_dim3A_531, %broadcast_in_dim3A_5] : memref<128x2xf32, #tpu.memory_space<vmem>>[vector<16xi32>, vector<16xi32>], vector<16xf32>,
        %gather3A_533 = tpu.vector_load_idx %arg15[%broadcast_in_dim3A_531, %broadcast_in_dim3A_7] : memref<128x2xf32, #tpu.memory_space<vmem>>[vector<16xi32>, vector<16xi32>], vector<16xf32>,
        %get3A_534 = arith.index_cast %scan3A_530 : i32 to index
        %get3A_535 = arith.constant 0 : index
        %get3A_536 = tpu.vector_load %arg12[%get3A_534, %get3A_535] {strides = array<i32>} : memref<128x144xf32, #tpu.memory_space<vmem>>, vector<16xf32>,
        %mul3A_537 = arith.mulf %get3A_536, %gather3A_532 : vector<16xf32>
        %swap3A_538 = arith.index_cast %scan3A_530 : i32 to index
        %swap3A_539 = arith.constant 0 : index
        %swap3A_540 = tpu.vector_load %arg12[%swap3A_538, %swap3A_539] {strides = array<i32>} : memref<128x144xf32, #tpu.memory_space<vmem>>, vector<16xf32>,
        tpu.vector_store %arg12[%swap3A_538, %swap3A_539], %mul3A_537 {strides = array<i32>} : memref<128x144xf32, #tpu.memory_space<vmem>>, vector<16xf32>,
        %get3A_541 = arith.index_cast %scan3A_530 : i32 to index
        %get3A_542 = arith.constant 16 : index
        %get3A_543 = tpu.vector_load %arg12[%get3A_541, %get3A_542] {strides = array<i32>} : memref<128x144xf32, #tpu.memory_space<vmem>>, vector<16xf32>,
        %mul3A_544 = arith.mulf %get3A_543, %gather3A_532 : vector<16xf32>
        %swap3A_545 = arith.index_cast %scan3A_530 : i32 to index
        %swap3A_546 = arith.constant 16 : index
        %swap3A_547 = tpu.vector_load %arg12[%swap3A_545, %swap3A_546] {strides = array<i32>} : memref<128x144xf32, #tpu.memory_space<vmem>>, vector<16xf32>,
        tpu.vector_store %arg12[%swap3A_545, %swap3A_546], %mul3A_544 {strides = array<i32>} : memref<128x144xf32, #tpu.memory_space<vmem>>, vector<16xf32>,
        %get3A_548 = arith.index_cast %scan3A_530 : i32 to index
        %get3A_549 = arith.constant 32 : index
        %get3A_550 = tpu.vector_load %arg12[%get3A_548, %get3A_549] {strides = array<i32>} : memref<128x144xf32, #tpu.memory_space<vmem>>, vector<16xf32>,
        %mul3A_551 = arith.mulf %get3A_550, %gather3A_532 : vector<16xf32>
        %swap3A_552 = arith.index_cast %scan3A_530 : i32 to index
        %swap3A_553 = arith.constant 32 : index
        %swap3A_554 = tpu.vector_load %arg12[%swap3A_552, %swap3A_553] {strides = array<i32>} : memref<128x144xf32, #tpu.memory_space<vmem>>, vector<16xf32>,
        tpu.vector_store %arg12[%swap3A_552, %swap3A_553], %mul3A_551 {strides = array<i32>} : memref<128x144xf32, #tpu.memory_space<vmem>>, vector<16xf32>,
        %get3A_555 = arith.index_cast %scan3A_530 : i32 to index
        %get3A_556 = arith.constant 48 : index
        %get3A_557 = tpu.vector_load %arg12[%get3A_555, %get3A_556] {strides = array<i32>} : memref<128x144xf32, #tpu.memory_space<vmem>>, vector<16xf32>,
        %mul3A_558 = arith.mulf %get3A_557, %gather3A_532 : vector<16xf32>
        %swap3A_559 = arith.index_cast %scan3A_530 : i32 to index
        %swap3A_560 = arith.constant 48 : index
        %swap3A_561 = tpu.vector_load %arg12[%swap3A_559, %swap3A_560] {strides = array<i32>} : memref<128x144xf32, #tpu.memory_space<vmem>>, vector<16xf32>,
        tpu.vector_store %arg12[%swap3A_559, %swap3A_560], %mul3A_558 {strides = array<i32>} : memref<128x144xf32, #tpu.memory_space<vmem>>, vector<16xf32>,
        %get3A_562 = arith.index_cast %scan3A_530 : i32 to index
        %get3A_563 = arith.constant 64 : index
        %get3A_564 = tpu.vector_load %arg12[%get3A_562, %get3A_563] {strides = array<i32>} : memref<128x144xf32, #tpu.memory_space<vmem>>, vector<16xf32>,
        %mul3A_565 = arith.mulf %get3A_564, %gather3A_533 : vector<16xf32>
        %swap3A_566 = arith.index_cast %scan3A_530 : i32 to index
        %swap3A_567 = arith.constant 64 : index
        %swap3A_568 = tpu.vector_load %arg12[%swap3A_566, %swap3A_567] {strides = array<i32>} : memref<128x144xf32, #tpu.memory_space<vmem>>, vector<16xf32>,
        tpu.vector_store %arg12[%swap3A_566, %swap3A_567], %mul3A_565 {strides = array<i32>} : memref<128x144xf32, #tpu.memory_space<vmem>>, vector<16xf32>,
        %get3A_569 = arith.index_cast %scan3A_530 : i32 to index
        %get3A_570 = arith.constant 80 : index
        %get3A_571 = tpu.vector_load %arg12[%get3A_569, %get3A_570] {strides = array<i32>} : memref<128x144xf32, #tpu.memory_space<vmem>>, vector<16xf32>,
        %mul3A_572 = arith.mulf %get3A_571, %gather3A_533 : vector<16xf32>
        %swap3A_573 = arith.index_cast %scan3A_530 : i32 to index
        %swap3A_574 = arith.constant 80 : index
        %swap3A_575 = tpu.vector_load %arg12[%swap3A_573, %swap3A_574] {strides = array<i32>} : memref<128x144xf32, #tpu.memory_space<vmem>>, vector<16xf32>,
        tpu.vector_store %arg12[%swap3A_573, %swap3A_574], %mul3A_572 {strides = array<i32>} : memref<128x144xf32, #tpu.memory_space<vmem>>, vector<16xf32>,
        %get3A_576 = arith.index_cast %scan3A_530 : i32 to index
        %get3A_577 = arith.constant 96 : index
        %get3A_578 = tpu.vector_load %arg12[%get3A_576, %get3A_577] {strides = array<i32>} : memref<128x144xf32, #tpu.memory_space<vmem>>, vector<16xf32>,
        %mul3A_579 = arith.mulf %get3A_578, %gather3A_533 : vector<16xf32>
        %swap3A_580 = arith.index_cast %scan3A_530 : i32 to index
        %swap3A_581 = arith.constant 96 : index
        %swap3A_582 = tpu.vector_load %arg12[%swap3A_580, %swap3A_581] {strides = array<i32>} : memref<128x144xf32, #tpu.memory_space<vmem>>, vector<16xf32>,
        tpu.vector_store %arg12[%swap3A_580, %swap3A_581], %mul3A_579 {strides = array<i32>} : memref<128x144xf32, #tpu.memory_space<vmem>>, vector<16xf32>,
        %get3A_583 = arith.index_cast %scan3A_530 : i32 to index
        %get3A_584 = arith.constant 112 : index
        %get3A_585 = tpu.vector_load %arg12[%get3A_583, %get3A_584] {strides = array<i32>} : memref<128x144xf32, #tpu.memory_space<vmem>>, vector<16xf32>,
        %mul3A_586 = arith.mulf %get3A_585, %gather3A_533 : vector<16xf32>
        %swap3A_587 = arith.index_cast %scan3A_530 : i32 to index
        %swap3A_588 = arith.constant 112 : index
        %swap3A_589 = tpu.vector_load %arg12[%swap3A_587, %swap3A_588] {strides = array<i32>} : memref<128x144xf32, #tpu.memory_space<vmem>>, vector<16xf32>,
        tpu.vector_store %arg12[%swap3A_587, %swap3A_588], %mul3A_586 {strides = array<i32>} : memref<128x144xf32, #tpu.memory_space<vmem>>, vector<16xf32>,
        %eq3A = arith.constant 0 : i32
        %eq3A_590 = vector.broadcast %eq3A : i32 to vector<16xi32>
        %eq3A_591 = arith.cmpi eq, %iota3A, %eq3A_590 : vector<16xi32>
        %jit3A = arith.constant 0.000000e+00 : f32
        %broadcast_in_dim3A_592 = vector.broadcast %jit3A : f32 to vector<16xf32>
        %select_n3A_593 = arith.select %eq3A_591, %gather3A_532, %broadcast_in_dim3A_592 : vector<16xi1>, vector<16xf32>
        %eq3A_594 = arith.constant 1 : i32
        %eq3A_595 = vector.broadcast %eq3A_594 : i32 to vector<16xi32>
        %eq3A_596 = arith.cmpi eq, %iota3A, %eq3A_595 : vector<16xi32>
        %jit3A_597 = arith.constant 0.000000e+00 : f32
        %broadcast_in_dim3A_598 = vector.broadcast %jit3A_597 : f32 to vector<16xf32>
        %select_n3A_599 = arith.select %eq3A_596, %gather3A_533, %broadcast_in_dim3A_598 : vector<16xi1>, vector<16xf32>
        %add3A_600 = arith.addf %select_n3A_593, %select_n3A_599 : vector<16xf32>
        %swap3A_601 = arith.index_cast %scan3A_530 : i32 to index
        %swap3A_602 = arith.constant 128 : index
        %swap3A_603 = tpu.vector_load %arg12[%swap3A_601, %swap3A_602] {strides = array<i32>} : memref<128x144xf32, #tpu.memory_space<vmem>>, vector<16xf32>,
        tpu.vector_store %arg12[%swap3A_601, %swap3A_602], %add3A_600 {strides = array<i32>} : memref<128x144xf32, #tpu.memory_space<vmem>>, vector<16xf32>,
      }
      %scan3A_529 = arith.constant 128 : i32
      "tpu.region"() ({
        %run_scoped3A = tpu.sem_alloc : memref<!tpu.dma_semaphore, #tpu.memory_space<semaphore_mem>>
        %dma_start3A_530 = arith.constant 0 : i32
        %dma_start3A_531 = arith.constant 0 : i32
        %dma_start3A_532 = tpu.memref_slice %arg16[%dma_start3A_530, %dma_start3A_531] : memref<10112x144xf32, #tpu.memory_space<vmem_shared>> -> memref<10112x144xf32, #tpu.memory_space<vmem_shared>>
        tpu.enqueue_indirect_dma source(%arg12 : memref<128x144xf32, #tpu.memory_space<vmem>>) target(%dma_start3A_532 : memref<10112x144xf32, #tpu.memory_space<vmem_shared>>) offsets(%arg9 : memref<128xi32, #tpu.memory_space<vmem>>) semaphore(%run_scoped3A : memref<!tpu.dma_semaphore, #tpu.memory_space<semaphore_mem>>) {add = true}
        %dma_wait3A_533 = arith.constant 0 : i32
        %dma_wait3A_534 = arith.constant 0 : i32
        %dma_wait3A_535 = tpu.memref_slice %arg16[%dma_wait3A_533, %dma_wait3A_534] : memref<10112x144xf32, #tpu.memory_space<vmem_shared>> -> memref<10112x144xf32, #tpu.memory_space<vmem_shared>>
        tpu.wait_indirect_dma semaphore(%run_scoped3A : memref<!tpu.dma_semaphore, #tpu.memory_space<semaphore_mem>>) src(%arg12 : memref<128x144xf32, #tpu.memory_space<vmem>>) dst(%dma_wait3A_535 : memref<10112x144xf32, #tpu.memory_space<vmem_shared>>)
        tpu.yield
      }) : () -> ()
    }
    %scan3A_31 = arith.constant 79 : i32
    %barrier3A_32 = arith.constant 0 : index
    tpu.barrier barrier_id(%barrier3A_32)
    %add3A_33 = arith.constant 0 : i32
    %add3A_34 = arith.addi %mul3A_4, %add3A_33 : i32
    "tpu.region"() ({
      %run_scoped3A = tpu.sem_alloc : memref<!tpu.dma_semaphore, #tpu.memory_space<semaphore_mem>>
      %dma_start3A = arith.constant 0 : i32
      %dma_start3A_58 = arith.constant 0 : i32
      %dma_start3A_59 = tpu.memref_slice %arg12[%dma_start3A, %dma_start3A_58] : memref<128x144xf32, #tpu.memory_space<vmem>> -> memref<128x144xf32, #tpu.memory_space<vmem>>
      %dma_start3A_60 = arith.constant 0 : i32
      %dma_start3A_61 = tpu.memref_slice %arg16[%add3A_34, %dma_start3A_60] : memref<10112x144xf32, #tpu.memory_space<vmem_shared>> -> memref<128x144xf32, #tpu.memory_space<vmem_shared>>
      %dma_start3A_62 = arith.constant 0 : i32
      %dma_start3A_63 = arith.constant 0 : i32
      %dma_start3A_64 = tpu.memref_slice %arg12[%dma_start3A_62, %dma_start3A_63] : memref<128x144xf32, #tpu.memory_space<vmem>> -> memref<128x144xf32, #tpu.memory_space<vmem>>
      %dma_start3A_65 = arith.constant 0 : i32
      %dma_start3A_66 = tpu.memref_slice %arg16[%add3A_34, %dma_start3A_65] : memref<10112x144xf32, #tpu.memory_space<vmem_shared>> -> memref<128x144xf32, #tpu.memory_space<vmem_shared>>
      tpu.enqueue_dma source(%dma_start3A_66 : memref<128x144xf32, #tpu.memory_space<vmem_shared>>) target(%dma_start3A_64 : memref<128x144xf32, #tpu.memory_space<vmem>>) target_semaphore(%run_scoped3A : memref<!tpu.dma_semaphore, #tpu.memory_space<semaphore_mem>>)
      %dma_wait3A = arith.constant 0 : i32
      %dma_wait3A_67 = arith.constant 0 : i32
      %dma_wait3A_68 = tpu.memref_slice %arg12[%dma_wait3A, %dma_wait3A_67] : memref<128x144xf32, #tpu.memory_space<vmem>> -> memref<128x144xf32, #tpu.memory_space<vmem>>
      %dma_wait3A_69 = arith.constant 0 : i32
      %dma_wait3A_70 = tpu.memref_slice %arg16[%add3A_34, %dma_wait3A_69] : memref<10112x144xf32, #tpu.memory_space<vmem_shared>> -> memref<128x144xf32, #tpu.memory_space<vmem_shared>>
      %dma_wait3A_71 = arith.constant 0 : i32
      %dma_wait3A_72 = arith.constant 0 : i32
      %dma_wait3A_73 = tpu.memref_slice %arg12[%dma_wait3A_71, %dma_wait3A_72] : memref<128x144xf32, #tpu.memory_space<vmem>> -> memref<128x144xf32, #tpu.memory_space<vmem>>
      %dma_wait3A_74 = arith.constant 0 : i32
      %dma_wait3A_75 = tpu.memref_slice %arg16[%add3A_34, %dma_wait3A_74] : memref<10112x144xf32, #tpu.memory_space<vmem_shared>> -> memref<128x144xf32, #tpu.memory_space<vmem_shared>>
      tpu.wait_dma2 semaphore(%run_scoped3A : memref<!tpu.dma_semaphore, #tpu.memory_space<semaphore_mem>>) src(%dma_wait3A_75 : memref<128x144xf32, #tpu.memory_space<vmem_shared>>) dst(%dma_wait3A_73 : memref<128x144xf32, #tpu.memory_space<vmem>>)
      tpu.yield
    }) : () -> ()
    %add3A_35 = arith.addi %mul3A_2, %mul3A_4 : i32
    %add3A_36 = arith.constant 0 : i32
    %add3A_37 = arith.addi %add3A_35, %add3A_36 : i32
    "tpu.region"() ({
      %run_scoped3A = tpu.sem_alloc : memref<!tpu.dma_semaphore, #tpu.memory_space<semaphore_mem>>
      %dma_start3A = arith.constant 0 : i32
      %dma_start3A_58 = arith.constant 0 : i32
      %dma_start3A_59 = tpu.memref_slice %arg12[%dma_start3A, %dma_start3A_58] : memref<128x144xf32, #tpu.memory_space<vmem>> -> memref<128x144xf32, #tpu.memory_space<vmem>>
      %dma_start3A_60 = arith.constant 0 : i32
      %dma_start3A_61 = tpu.memref_slice %arg7[%add3A_37, %dma_start3A_60] : memref<20224x144xf32, #tpu.memory_space<hbm>> -> memref<128x144xf32, #tpu.memory_space<hbm>>
      %dma_start3A_62 = arith.constant 0 : i32
      %dma_start3A_63 = tpu.memref_slice %arg7[%add3A_37, %dma_start3A_62] : memref<20224x144xf32, #tpu.memory_space<hbm>> -> memref<128x144xf32, #tpu.memory_space<hbm>>
      %dma_start3A_64 = arith.constant 0 : i32
      %dma_start3A_65 = arith.constant 0 : i32
      %dma_start3A_66 = tpu.memref_slice %arg12[%dma_start3A_64, %dma_start3A_65] : memref<128x144xf32, #tpu.memory_space<vmem>> -> memref<128x144xf32, #tpu.memory_space<vmem>>
      tpu.enqueue_dma source(%dma_start3A_66 : memref<128x144xf32, #tpu.memory_space<vmem>>) target(%dma_start3A_63 : memref<128x144xf32, #tpu.memory_space<hbm>>) target_semaphore(%run_scoped3A : memref<!tpu.dma_semaphore, #tpu.memory_space<semaphore_mem>>)
      %dma_wait3A = arith.constant 0 : i32
      %dma_wait3A_67 = arith.constant 0 : i32
      %dma_wait3A_68 = tpu.memref_slice %arg12[%dma_wait3A, %dma_wait3A_67] : memref<128x144xf32, #tpu.memory_space<vmem>> -> memref<128x144xf32, #tpu.memory_space<vmem>>
      %dma_wait3A_69 = arith.constant 0 : i32
      %dma_wait3A_70 = tpu.memref_slice %arg7[%add3A_37, %dma_wait3A_69] : memref<20224x144xf32, #tpu.memory_space<hbm>> -> memref<128x144xf32, #tpu.memory_space<hbm>>
      %dma_wait3A_71 = arith.constant 0 : i32
      %dma_wait3A_72 = tpu.memref_slice %arg7[%add3A_37, %dma_wait3A_71] : memref<20224x144xf32, #tpu.memory_space<hbm>> -> memref<128x144xf32, #tpu.memory_space<hbm>>
      %dma_wait3A_73 = arith.constant 0 : i32
      %dma_wait3A_74 = arith.constant 0 : i32
      %dma_wait3A_75 = tpu.memref_slice %arg12[%dma_wait3A_73, %dma_wait3A_74] : memref<128x144xf32, #tpu.memory_space<vmem>> -> memref<128x144xf32, #tpu.memory_space<vmem>>
      tpu.wait_dma2 semaphore(%run_scoped3A : memref<!tpu.dma_semaphore, #tpu.memory_space<semaphore_mem>>) src(%dma_wait3A_75 : memref<128x144xf32, #tpu.memory_space<vmem>>) dst(%dma_wait3A_72 : memref<128x144xf32, #tpu.memory_space<hbm>>)
      tpu.yield
    }) : () -> ()
    %add3A_38 = arith.constant 128 : i32
    %add3A_39 = arith.addi %mul3A_4, %add3A_38 : i32
    "tpu.region"() ({
      %run_scoped3A = tpu.sem_alloc : memref<!tpu.dma_semaphore, #tpu.memory_space<semaphore_mem>>
      %dma_start3A = arith.constant 0 : i32
      %dma_start3A_58 = arith.constant 0 : i32
      %dma_start3A_59 = tpu.memref_slice %arg12[%dma_start3A, %dma_start3A_58] : memref<128x144xf32, #tpu.memory_space<vmem>> -> memref<128x144xf32, #tpu.memory_space<vmem>>
      %dma_start3A_60 = arith.constant 0 : i32
      %dma_start3A_61 = tpu.memref_slice %arg16[%add3A_39, %dma_start3A_60] : memref<10112x144xf32, #tpu.memory_space<vmem_shared>> -> memref<128x144xf32, #tpu.memory_space<vmem_shared>>
      %dma_start3A_62 = arith.constant 0 : i32
      %dma_start3A_63 = arith.constant 0 : i32
      %dma_start3A_64 = tpu.memref_slice %arg12[%dma_start3A_62, %dma_start3A_63] : memref<128x144xf32, #tpu.memory_space<vmem>> -> memref<128x144xf32, #tpu.memory_space<vmem>>
      %dma_start3A_65 = arith.constant 0 : i32
      %dma_start3A_66 = tpu.memref_slice %arg16[%add3A_39, %dma_start3A_65] : memref<10112x144xf32, #tpu.memory_space<vmem_shared>> -> memref<128x144xf32, #tpu.memory_space<vmem_shared>>
      tpu.enqueue_dma source(%dma_start3A_66 : memref<128x144xf32, #tpu.memory_space<vmem_shared>>) target(%dma_start3A_64 : memref<128x144xf32, #tpu.memory_space<vmem>>) target_semaphore(%run_scoped3A : memref<!tpu.dma_semaphore, #tpu.memory_space<semaphore_mem>>)
      %dma_wait3A = arith.constant 0 : i32
      %dma_wait3A_67 = arith.constant 0 : i32
      %dma_wait3A_68 = tpu.memref_slice %arg12[%dma_wait3A, %dma_wait3A_67] : memref<128x144xf32, #tpu.memory_space<vmem>> -> memref<128x144xf32, #tpu.memory_space<vmem>>
      %dma_wait3A_69 = arith.constant 0 : i32
      %dma_wait3A_70 = tpu.memref_slice %arg16[%add3A_39, %dma_wait3A_69] : memref<10112x144xf32, #tpu.memory_space<vmem_shared>> -> memref<128x144xf32, #tpu.memory_space<vmem_shared>>
      %dma_wait3A_71 = arith.constant 0 : i32
      %dma_wait3A_72 = arith.constant 0 : i32
      %dma_wait3A_73 = tpu.memref_slice %arg12[%dma_wait3A_71, %dma_wait3A_72] : memref<128x144xf32, #tpu.memory_space<vmem>> -> memref<128x144xf32, #tpu.memory_space<vmem>>
      %dma_wait3A_74 = arith.constant 0 : i32
      %dma_wait3A_75 = tpu.memref_slice %arg16[%add3A_39, %dma_wait3A_74] : memref<10112x144xf32, #tpu.memory_space<vmem_shared>> -> memref<128x144xf32, #tpu.memory_space<vmem_shared>>
      tpu.wait_dma2 semaphore(%run_scoped3A : memref<!tpu.dma_semaphore, #tpu.memory_space<semaphore_mem>>) src(%dma_wait3A_75 : memref<128x144xf32, #tpu.memory_space<vmem_shared>>) dst(%dma_wait3A_73 : memref<128x144xf32, #tpu.memory_space<vmem>>)
      tpu.yield
    }) : () -> ()
    %add3A_40 = arith.addi %mul3A_2, %mul3A_4 : i32
    %add3A_41 = arith.constant 128 : i32
    %add3A_42 = arith.addi %add3A_40, %add3A_41 : i32
    "tpu.region"() ({
      %run_scoped3A = tpu.sem_alloc : memref<!tpu.dma_semaphore, #tpu.memory_space<semaphore_mem>>
      %dma_start3A = arith.constant 0 : i32
      %dma_start3A_58 = arith.constant 0 : i32
      %dma_start3A_59 = tpu.memref_slice %arg12[%dma_start3A, %dma_start3A_58] : memref<128x144xf32, #tpu.memory_space<vmem>> -> memref<128x144xf32, #tpu.memory_space<vmem>>
      %dma_start3A_60 = arith.constant 0 : i32
      %dma_start3A_61 = tpu.memref_slice %arg7[%add3A_42, %dma_start3A_60] : memref<20224x144xf32, #tpu.memory_space<hbm>> -> memref<128x144xf32, #tpu.memory_space<hbm>>
      %dma_start3A_62 = arith.constant 0 : i32
      %dma_start3A_63 = tpu.memref_slice %arg7[%add3A_42, %dma_start3A_62] : memref<20224x144xf32, #tpu.memory_space<hbm>> -> memref<128x144xf32, #tpu.memory_space<hbm>>
      %dma_start3A_64 = arith.constant 0 : i32
      %dma_start3A_65 = arith.constant 0 : i32
      %dma_start3A_66 = tpu.memref_slice %arg12[%dma_start3A_64, %dma_start3A_65] : memref<128x144xf32, #tpu.memory_space<vmem>> -> memref<128x144xf32, #tpu.memory_space<vmem>>
      tpu.enqueue_dma source(%dma_start3A_66 : memref<128x144xf32, #tpu.memory_space<vmem>>) target(%dma_start3A_63 : memref<128x144xf32, #tpu.memory_space<hbm>>) target_semaphore(%run_scoped3A : memref<!tpu.dma_semaphore, #tpu.memory_space<semaphore_mem>>)
      %dma_wait3A = arith.constant 0 : i32
      %dma_wait3A_67 = arith.constant 0 : i32
      %dma_wait3A_68 = tpu.memref_slice %arg12[%dma_wait3A, %dma_wait3A_67] : memref<128x144xf32, #tpu.memory_space<vmem>> -> memref<128x144xf32, #tpu.memory_space<vmem>>
      %dma_wait3A_69 = arith.constant 0 : i32
      %dma_wait3A_70 = tpu.memref_slice %arg7[%add3A_42, %dma_wait3A_69] : memref<20224x144xf32, #tpu.memory_space<hbm>> -> memref<128x144xf32, #tpu.memory_space<hbm>>
      %dma_wait3A_71 = arith.constant 0 : i32
      %dma_wait3A_72 = tpu.memref_slice %arg7[%add3A_42, %dma_wait3A_71] : memref<20224x144xf32, #tpu.memory_space<hbm>> -> memref<128x144xf32, #tpu.memory_space<hbm>>
      %dma_wait3A_73 = arith.constant 0 : i32
      %dma_wait3A_74 = arith.constant 0 : i32
      %dma_wait3A_75 = tpu.memref_slice %arg12[%dma_wait3A_73, %dma_wait3A_74] : memref<128x144xf32, #tpu.memory_space<vmem>> -> memref<128x144xf32, #tpu.memory_space<vmem>>
      tpu.wait_dma2 semaphore(%run_scoped3A : memref<!tpu.dma_semaphore, #tpu.memory_space<semaphore_mem>>) src(%dma_wait3A_75 : memref<128x144xf32, #tpu.memory_space<vmem>>) dst(%dma_wait3A_72 : memref<128x144xf32, #tpu.memory_space<hbm>>)
      tpu.yield
    }) : () -> ()
    %add3A_43 = arith.constant 256 : i32
    %add3A_44 = arith.addi %mul3A_4, %add3A_43 : i32
    "tpu.region"() ({
      %run_scoped3A = tpu.sem_alloc : memref<!tpu.dma_semaphore, #tpu.memory_space<semaphore_mem>>
      %dma_start3A = arith.constant 0 : i32
      %dma_start3A_58 = arith.constant 0 : i32
      %dma_start3A_59 = tpu.memref_slice %arg12[%dma_start3A, %dma_start3A_58] : memref<128x144xf32, #tpu.memory_space<vmem>> -> memref<128x144xf32, #tpu.memory_space<vmem>>
      %dma_start3A_60 = arith.constant 0 : i32
      %dma_start3A_61 = tpu.memref_slice %arg16[%add3A_44, %dma_start3A_60] : memref<10112x144xf32, #tpu.memory_space<vmem_shared>> -> memref<128x144xf32, #tpu.memory_space<vmem_shared>>
      %dma_start3A_62 = arith.constant 0 : i32
      %dma_start3A_63 = arith.constant 0 : i32
      %dma_start3A_64 = tpu.memref_slice %arg12[%dma_start3A_62, %dma_start3A_63] : memref<128x144xf32, #tpu.memory_space<vmem>> -> memref<128x144xf32, #tpu.memory_space<vmem>>
      %dma_start3A_65 = arith.constant 0 : i32
      %dma_start3A_66 = tpu.memref_slice %arg16[%add3A_44, %dma_start3A_65] : memref<10112x144xf32, #tpu.memory_space<vmem_shared>> -> memref<128x144xf32, #tpu.memory_space<vmem_shared>>
      tpu.enqueue_dma source(%dma_start3A_66 : memref<128x144xf32, #tpu.memory_space<vmem_shared>>) target(%dma_start3A_64 : memref<128x144xf32, #tpu.memory_space<vmem>>) target_semaphore(%run_scoped3A : memref<!tpu.dma_semaphore, #tpu.memory_space<semaphore_mem>>)
      %dma_wait3A = arith.constant 0 : i32
      %dma_wait3A_67 = arith.constant 0 : i32
      %dma_wait3A_68 = tpu.memref_slice %arg12[%dma_wait3A, %dma_wait3A_67] : memref<128x144xf32, #tpu.memory_space<vmem>> -> memref<128x144xf32, #tpu.memory_space<vmem>>
      %dma_wait3A_69 = arith.constant 0 : i32
      %dma_wait3A_70 = tpu.memref_slice %arg16[%add3A_44, %dma_wait3A_69] : memref<10112x144xf32, #tpu.memory_space<vmem_shared>> -> memref<128x144xf32, #tpu.memory_space<vmem_shared>>
      %dma_wait3A_71 = arith.constant 0 : i32
      %dma_wait3A_72 = arith.constant 0 : i32
      %dma_wait3A_73 = tpu.memref_slice %arg12[%dma_wait3A_71, %dma_wait3A_72] : memref<128x144xf32, #tpu.memory_space<vmem>> -> memref<128x144xf32, #tpu.memory_space<vmem>>
      %dma_wait3A_74 = arith.constant 0 : i32
      %dma_wait3A_75 = tpu.memref_slice %arg16[%add3A_44, %dma_wait3A_74] : memref<10112x144xf32, #tpu.memory_space<vmem_shared>> -> memref<128x144xf32, #tpu.memory_space<vmem_shared>>
      tpu.wait_dma2 semaphore(%run_scoped3A : memref<!tpu.dma_semaphore, #tpu.memory_space<semaphore_mem>>) src(%dma_wait3A_75 : memref<128x144xf32, #tpu.memory_space<vmem_shared>>) dst(%dma_wait3A_73 : memref<128x144xf32, #tpu.memory_space<vmem>>)
      tpu.yield
    }) : () -> ()
    %add3A_45 = arith.addi %mul3A_2, %mul3A_4 : i32
    %add3A_46 = arith.constant 256 : i32
    %add3A_47 = arith.addi %add3A_45, %add3A_46 : i32
    "tpu.region"() ({
      %run_scoped3A = tpu.sem_alloc : memref<!tpu.dma_semaphore, #tpu.memory_space<semaphore_mem>>
      %dma_start3A = arith.constant 0 : i32
      %dma_start3A_58 = arith.constant 0 : i32
      %dma_start3A_59 = tpu.memref_slice %arg12[%dma_start3A, %dma_start3A_58] : memref<128x144xf32, #tpu.memory_space<vmem>> -> memref<128x144xf32, #tpu.memory_space<vmem>>
      %dma_start3A_60 = arith.constant 0 : i32
      %dma_start3A_61 = tpu.memref_slice %arg7[%add3A_47, %dma_start3A_60] : memref<20224x144xf32, #tpu.memory_space<hbm>> -> memref<128x144xf32, #tpu.memory_space<hbm>>
      %dma_start3A_62 = arith.constant 0 : i32
      %dma_start3A_63 = tpu.memref_slice %arg7[%add3A_47, %dma_start3A_62] : memref<20224x144xf32, #tpu.memory_space<hbm>> -> memref<128x144xf32, #tpu.memory_space<hbm>>
      %dma_start3A_64 = arith.constant 0 : i32
      %dma_start3A_65 = arith.constant 0 : i32
      %dma_start3A_66 = tpu.memref_slice %arg12[%dma_start3A_64, %dma_start3A_65] : memref<128x144xf32, #tpu.memory_space<vmem>> -> memref<128x144xf32, #tpu.memory_space<vmem>>
      tpu.enqueue_dma source(%dma_start3A_66 : memref<128x144xf32, #tpu.memory_space<vmem>>) target(%dma_start3A_63 : memref<128x144xf32, #tpu.memory_space<hbm>>) target_semaphore(%run_scoped3A : memref<!tpu.dma_semaphore, #tpu.memory_space<semaphore_mem>>)
      %dma_wait3A = arith.constant 0 : i32
      %dma_wait3A_67 = arith.constant 0 : i32
      %dma_wait3A_68 = tpu.memref_slice %arg12[%dma_wait3A, %dma_wait3A_67] : memref<128x144xf32, #tpu.memory_space<vmem>> -> memref<128x144xf32, #tpu.memory_space<vmem>>
      %dma_wait3A_69 = arith.constant 0 : i32
      %dma_wait3A_70 = tpu.memref_slice %arg7[%add3A_47, %dma_wait3A_69] : memref<20224x144xf32, #tpu.memory_space<hbm>> -> memref<128x144xf32, #tpu.memory_space<hbm>>
      %dma_wait3A_71 = arith.constant 0 : i32
      %dma_wait3A_72 = tpu.memref_slice %arg7[%add3A_47, %dma_wait3A_71] : memref<20224x144xf32, #tpu.memory_space<hbm>> -> memref<128x144xf32, #tpu.memory_space<hbm>>
      %dma_wait3A_73 = arith.constant 0 : i32
      %dma_wait3A_74 = arith.constant 0 : i32
      %dma_wait3A_75 = tpu.memref_slice %arg12[%dma_wait3A_73, %dma_wait3A_74] : memref<128x144xf32, #tpu.memory_space<vmem>> -> memref<128x144xf32, #tpu.memory_space<vmem>>
      tpu.wait_dma2 semaphore(%run_scoped3A : memref<!tpu.dma_semaphore, #tpu.memory_space<semaphore_mem>>) src(%dma_wait3A_75 : memref<128x144xf32, #tpu.memory_space<vmem>>) dst(%dma_wait3A_72 : memref<128x144xf32, #tpu.memory_space<hbm>>)
      tpu.yield
    }) : () -> ()
    %add3A_48 = arith.constant 384 : i32
    %add3A_49 = arith.addi %mul3A_4, %add3A_48 : i32
    "tpu.region"() ({
      %run_scoped3A = tpu.sem_alloc : memref<!tpu.dma_semaphore, #tpu.memory_space<semaphore_mem>>
      %dma_start3A = arith.constant 0 : i32
      %dma_start3A_58 = arith.constant 0 : i32
      %dma_start3A_59 = tpu.memref_slice %arg12[%dma_start3A, %dma_start3A_58] : memref<128x144xf32, #tpu.memory_space<vmem>> -> memref<128x144xf32, #tpu.memory_space<vmem>>
      %dma_start3A_60 = arith.constant 0 : i32
      %dma_start3A_61 = tpu.memref_slice %arg16[%add3A_49, %dma_start3A_60] : memref<10112x144xf32, #tpu.memory_space<vmem_shared>> -> memref<128x144xf32, #tpu.memory_space<vmem_shared>>
      %dma_start3A_62 = arith.constant 0 : i32
      %dma_start3A_63 = arith.constant 0 : i32
      %dma_start3A_64 = tpu.memref_slice %arg12[%dma_start3A_62, %dma_start3A_63] : memref<128x144xf32, #tpu.memory_space<vmem>> -> memref<128x144xf32, #tpu.memory_space<vmem>>
      %dma_start3A_65 = arith.constant 0 : i32
      %dma_start3A_66 = tpu.memref_slice %arg16[%add3A_49, %dma_start3A_65] : memref<10112x144xf32, #tpu.memory_space<vmem_shared>> -> memref<128x144xf32, #tpu.memory_space<vmem_shared>>
      tpu.enqueue_dma source(%dma_start3A_66 : memref<128x144xf32, #tpu.memory_space<vmem_shared>>) target(%dma_start3A_64 : memref<128x144xf32, #tpu.memory_space<vmem>>) target_semaphore(%run_scoped3A : memref<!tpu.dma_semaphore, #tpu.memory_space<semaphore_mem>>)
      %dma_wait3A = arith.constant 0 : i32
      %dma_wait3A_67 = arith.constant 0 : i32
      %dma_wait3A_68 = tpu.memref_slice %arg12[%dma_wait3A, %dma_wait3A_67] : memref<128x144xf32, #tpu.memory_space<vmem>> -> memref<128x144xf32, #tpu.memory_space<vmem>>
      %dma_wait3A_69 = arith.constant 0 : i32
      %dma_wait3A_70 = tpu.memref_slice %arg16[%add3A_49, %dma_wait3A_69] : memref<10112x144xf32, #tpu.memory_space<vmem_shared>> -> memref<128x144xf32, #tpu.memory_space<vmem_shared>>
      %dma_wait3A_71 = arith.constant 0 : i32
      %dma_wait3A_72 = arith.constant 0 : i32
      %dma_wait3A_73 = tpu.memref_slice %arg12[%dma_wait3A_71, %dma_wait3A_72] : memref<128x144xf32, #tpu.memory_space<vmem>> -> memref<128x144xf32, #tpu.memory_space<vmem>>
      %dma_wait3A_74 = arith.constant 0 : i32
      %dma_wait3A_75 = tpu.memref_slice %arg16[%add3A_49, %dma_wait3A_74] : memref<10112x144xf32, #tpu.memory_space<vmem_shared>> -> memref<128x144xf32, #tpu.memory_space<vmem_shared>>
      tpu.wait_dma2 semaphore(%run_scoped3A : memref<!tpu.dma_semaphore, #tpu.memory_space<semaphore_mem>>) src(%dma_wait3A_75 : memref<128x144xf32, #tpu.memory_space<vmem_shared>>) dst(%dma_wait3A_73 : memref<128x144xf32, #tpu.memory_space<vmem>>)
      tpu.yield
    }) : () -> ()
    %add3A_50 = arith.addi %mul3A_2, %mul3A_4 : i32
    %add3A_51 = arith.constant 384 : i32
    %add3A_52 = arith.addi %add3A_50, %add3A_51 : i32
    "tpu.region"() ({
      %run_scoped3A = tpu.sem_alloc : memref<!tpu.dma_semaphore, #tpu.memory_space<semaphore_mem>>
      %dma_start3A = arith.constant 0 : i32
      %dma_start3A_58 = arith.constant 0 : i32
      %dma_start3A_59 = tpu.memref_slice %arg12[%dma_start3A, %dma_start3A_58] : memref<128x144xf32, #tpu.memory_space<vmem>> -> memref<128x144xf32, #tpu.memory_space<vmem>>
      %dma_start3A_60 = arith.constant 0 : i32
      %dma_start3A_61 = tpu.memref_slice %arg7[%add3A_52, %dma_start3A_60] : memref<20224x144xf32, #tpu.memory_space<hbm>> -> memref<128x144xf32, #tpu.memory_space<hbm>>
      %dma_start3A_62 = arith.constant 0 : i32
      %dma_start3A_63 = tpu.memref_slice %arg7[%add3A_52, %dma_start3A_62] : memref<20224x144xf32, #tpu.memory_space<hbm>> -> memref<128x144xf32, #tpu.memory_space<hbm>>
      %dma_start3A_64 = arith.constant 0 : i32
      %dma_start3A_65 = arith.constant 0 : i32
      %dma_start3A_66 = tpu.memref_slice %arg12[%dma_start3A_64, %dma_start3A_65] : memref<128x144xf32, #tpu.memory_space<vmem>> -> memref<128x144xf32, #tpu.memory_space<vmem>>
      tpu.enqueue_dma source(%dma_start3A_66 : memref<128x144xf32, #tpu.memory_space<vmem>>) target(%dma_start3A_63 : memref<128x144xf32, #tpu.memory_space<hbm>>) target_semaphore(%run_scoped3A : memref<!tpu.dma_semaphore, #tpu.memory_space<semaphore_mem>>)
      %dma_wait3A = arith.constant 0 : i32
      %dma_wait3A_67 = arith.constant 0 : i32
      %dma_wait3A_68 = tpu.memref_slice %arg12[%dma_wait3A, %dma_wait3A_67] : memref<128x144xf32, #tpu.memory_space<vmem>> -> memref<128x144xf32, #tpu.memory_space<vmem>>
      %dma_wait3A_69 = arith.constant 0 : i32
      %dma_wait3A_70 = tpu.memref_slice %arg7[%add3A_52, %dma_wait3A_69] : memref<20224x144xf32, #tpu.memory_space<hbm>> -> memref<128x144xf32, #tpu.memory_space<hbm>>
      %dma_wait3A_71 = arith.constant 0 : i32
      %dma_wait3A_72 = tpu.memref_slice %arg7[%add3A_52, %dma_wait3A_71] : memref<20224x144xf32, #tpu.memory_space<hbm>> -> memref<128x144xf32, #tpu.memory_space<hbm>>
      %dma_wait3A_73 = arith.constant 0 : i32
      %dma_wait3A_74 = arith.constant 0 : i32
      %dma_wait3A_75 = tpu.memref_slice %arg12[%dma_wait3A_73, %dma_wait3A_74] : memref<128x144xf32, #tpu.memory_space<vmem>> -> memref<128x144xf32, #tpu.memory_space<vmem>>
      tpu.wait_dma2 semaphore(%run_scoped3A : memref<!tpu.dma_semaphore, #tpu.memory_space<semaphore_mem>>) src(%dma_wait3A_75 : memref<128x144xf32, #tpu.memory_space<vmem>>) dst(%dma_wait3A_72 : memref<128x144xf32, #tpu.memory_space<hbm>>)
      tpu.yield
    }) : () -> ()
    %add3A_53 = arith.constant 512 : i32
    %add3A_54 = arith.addi %mul3A_4, %add3A_53 : i32
    "tpu.region"() ({
      %run_scoped3A = tpu.sem_alloc : memref<!tpu.dma_semaphore, #tpu.memory_space<semaphore_mem>>
      %dma_start3A = arith.constant 0 : i32
      %dma_start3A_58 = arith.constant 0 : i32
      %dma_start3A_59 = tpu.memref_slice %arg12[%dma_start3A, %dma_start3A_58] : memref<128x144xf32, #tpu.memory_space<vmem>> -> memref<120x144xf32, #tpu.memory_space<vmem>>
      %dma_start3A_60 = arith.constant 0 : i32
      %dma_start3A_61 = tpu.memref_slice %arg16[%add3A_54, %dma_start3A_60] : memref<10112x144xf32, #tpu.memory_space<vmem_shared>> -> memref<120x144xf32, #tpu.memory_space<vmem_shared>>
      %dma_start3A_62 = arith.constant 0 : i32
      %dma_start3A_63 = arith.constant 0 : i32
      %dma_start3A_64 = tpu.memref_slice %arg12[%dma_start3A_62, %dma_start3A_63] : memref<128x144xf32, #tpu.memory_space<vmem>> -> memref<120x144xf32, #tpu.memory_space<vmem>>
      %dma_start3A_65 = arith.constant 0 : i32
      %dma_start3A_66 = tpu.memref_slice %arg16[%add3A_54, %dma_start3A_65] : memref<10112x144xf32, #tpu.memory_space<vmem_shared>> -> memref<120x144xf32, #tpu.memory_space<vmem_shared>>
      tpu.enqueue_dma source(%dma_start3A_66 : memref<120x144xf32, #tpu.memory_space<vmem_shared>>) target(%dma_start3A_64 : memref<120x144xf32, #tpu.memory_space<vmem>>) target_semaphore(%run_scoped3A : memref<!tpu.dma_semaphore, #tpu.memory_space<semaphore_mem>>)
      %dma_wait3A = arith.constant 0 : i32
      %dma_wait3A_67 = arith.constant 0 : i32
      %dma_wait3A_68 = tpu.memref_slice %arg12[%dma_wait3A, %dma_wait3A_67] : memref<128x144xf32, #tpu.memory_space<vmem>> -> memref<120x144xf32, #tpu.memory_space<vmem>>
      %dma_wait3A_69 = arith.constant 0 : i32
      %dma_wait3A_70 = tpu.memref_slice %arg16[%add3A_54, %dma_wait3A_69] : memref<10112x144xf32, #tpu.memory_space<vmem_shared>> -> memref<120x144xf32, #tpu.memory_space<vmem_shared>>
      %dma_wait3A_71 = arith.constant 0 : i32
      %dma_wait3A_72 = arith.constant 0 : i32
      %dma_wait3A_73 = tpu.memref_slice %arg12[%dma_wait3A_71, %dma_wait3A_72] : memref<128x144xf32, #tpu.memory_space<vmem>> -> memref<120x144xf32, #tpu.memory_space<vmem>>
      %dma_wait3A_74 = arith.constant 0 : i32
      %dma_wait3A_75 = tpu.memref_slice %arg16[%add3A_54, %dma_wait3A_74] : memref<10112x144xf32, #tpu.memory_space<vmem_shared>> -> memref<120x144xf32, #tpu.memory_space<vmem_shared>>
      tpu.wait_dma2 semaphore(%run_scoped3A : memref<!tpu.dma_semaphore, #tpu.memory_space<semaphore_mem>>) src(%dma_wait3A_75 : memref<120x144xf32, #tpu.memory_space<vmem_shared>>) dst(%dma_wait3A_73 : memref<120x144xf32, #tpu.memory_space<vmem>>)
      tpu.yield
    }) : () -> ()
    %add3A_55 = arith.addi %mul3A_2, %mul3A_4 : i32
    %add3A_56 = arith.constant 512 : i32
    %add3A_57 = arith.addi %add3A_55, %add3A_56 : i32
    "tpu.region"() ({
      %run_scoped3A = tpu.sem_alloc : memref<!tpu.dma_semaphore, #tpu.memory_space<semaphore_mem>>
      %dma_start3A = arith.constant 0 : i32
      %dma_start3A_58 = arith.constant 0 : i32
      %dma_start3A_59 = tpu.memref_slice %arg12[%dma_start3A, %dma_start3A_58] : memref<128x144xf32, #tpu.memory_space<vmem>> -> memref<120x144xf32, #tpu.memory_space<vmem>>
      %dma_start3A_60 = arith.constant 0 : i32
      %dma_start3A_61 = tpu.memref_slice %arg7[%add3A_57, %dma_start3A_60] : memref<20224x144xf32, #tpu.memory_space<hbm>> -> memref<120x144xf32, #tpu.memory_space<hbm>>
      %dma_start3A_62 = arith.constant 0 : i32
      %dma_start3A_63 = tpu.memref_slice %arg7[%add3A_57, %dma_start3A_62] : memref<20224x144xf32, #tpu.memory_space<hbm>> -> memref<120x144xf32, #tpu.memory_space<hbm>>
      %dma_start3A_64 = arith.constant 0 : i32
      %dma_start3A_65 = arith.constant 0 : i32
      %dma_start3A_66 = tpu.memref_slice %arg12[%dma_start3A_64, %dma_start3A_65] : memref<128x144xf32, #tpu.memory_space<vmem>> -> memref<120x144xf32, #tpu.memory_space<vmem>>
      tpu.enqueue_dma source(%dma_start3A_66 : memref<120x144xf32, #tpu.memory_space<vmem>>) target(%dma_start3A_63 : memref<120x144xf32, #tpu.memory_space<hbm>>) target_semaphore(%run_scoped3A : memref<!tpu.dma_semaphore, #tpu.memory_space<semaphore_mem>>)
      %dma_wait3A = arith.constant 0 : i32
      %dma_wait3A_67 = arith.constant 0 : i32
      %dma_wait3A_68 = tpu.memref_slice %arg12[%dma_wait3A, %dma_wait3A_67] : memref<128x144xf32, #tpu.memory_space<vmem>> -> memref<120x144xf32, #tpu.memory_space<vmem>>
      %dma_wait3A_69 = arith.constant 0 : i32
      %dma_wait3A_70 = tpu.memref_slice %arg7[%add3A_57, %dma_wait3A_69] : memref<20224x144xf32, #tpu.memory_space<hbm>> -> memref<120x144xf32, #tpu.memory_space<hbm>>
      %dma_wait3A_71 = arith.constant 0 : i32
      %dma_wait3A_72 = tpu.memref_slice %arg7[%add3A_57, %dma_wait3A_71] : memref<20224x144xf32, #tpu.memory_space<hbm>> -> memref<120x144xf32, #tpu.memory_space<hbm>>
      %dma_wait3A_73 = arith.constant 0 : i32
      %dma_wait3A_74 = arith.constant 0 : i32
      %dma_wait3A_75 = tpu.memref_slice %arg12[%dma_wait3A_73, %dma_wait3A_74] : memref<128x144xf32, #tpu.memory_space<vmem>> -> memref<120x144xf32, #tpu.memory_space<vmem>>
      tpu.wait_dma2 semaphore(%run_scoped3A : memref<!tpu.dma_semaphore, #tpu.memory_space<semaphore_mem>>) src(%dma_wait3A_75 : memref<120x144xf32, #tpu.memory_space<vmem>>) dst(%dma_wait3A_72 : memref<120x144xf32, #tpu.memory_space<hbm>>)
      tpu.yield
    }) : () -> ()
    return
  }
}

#map = affine_map<(d0, d1) -> (0, 0)>
#map1 = affine_map<(d0, d1) -> (0)>
module attributes {stable_mosaic.version = 14 : i64} {
  func.func @k(%arg0: i32, %arg1: i32, %arg2: memref<20000x144xf32, #tpu.memory_space<hbm>>, %arg3: memref<20000x16xf32, #tpu.memory_space<hbm>>, %arg4: memref<647168xf32, #tpu.memory_space<hbm>>, %arg5: memref<161792xi32, #tpu.memory_space<hbm>>, %arg6: memref<161792xi32, #tpu.memory_space<hbm>>, %arg7: memref<20224x144xf32, #tpu.memory_space<hbm>>, %arg8: memref<128xi32, #tpu.memory_space<vmem>>, %arg9: memref<128xi32, #tpu.memory_space<vmem>>, %arg10: memref<128xi32, #tpu.memory_space<vmem>>, %arg11: memref<128xi32, #tpu.memory_space<vmem>>, %arg12: memref<128x144xf32, #tpu.memory_space<vmem>>, %arg13: memref<128x16xf32, #tpu.memory_space<vmem>>, %arg14: memref<512xf32, #tpu.memory_space<vmem>>, %arg15: memref<128x2xf32, #tpu.memory_space<vmem>>, %arg16: memref<10112x144xf32, #tpu.memory_space<vmem_shared>>, %arg17: memref<!tpu.dma_semaphore, #tpu.memory_space<semaphore_mem>>, %arg18: memref<!tpu.dma_semaphore, #tpu.memory_space<semaphore_mem>>) attributes {dimension_semantics = [#tpu.dimension_semantics<core_parallel>, #tpu.dimension_semantics<subcore_parallel>], iteration_bounds = array<i64: 2, 16>, scalar_prefetch = 0 : i64, scratch_operands = 11 : i64, tpu.core_type = #tpu.core_type<sc_vector_subcore>, window_params = [{transform_indices = #map}, {transform_indices = #map}, {transform_indices = #map1}, {transform_indices = #map1}, {transform_indices = #map1}, {transform_indices = #map}]} {
    %mul3A = arith.constant 10000 : i32
    %mul3A_0 = arith.muli %arg0, %mul3A : i32
    %mul3A_1 = arith.constant 10112 : i32
    %mul3A_2 = arith.muli %arg0, %mul3A_1 : i32
    %mul3A_3 = arith.constant 632 : i32
    %mul3A_4 = arith.muli %arg1, %mul3A_3 : i32
    %iota3A = tpu.iota {dimensions = array<i32: 0>} : vector<16xi32>
    %broadcast_in_dim3A = arith.constant 0 : i32
    %broadcast_in_dim3A_5 = vector.broadcast %broadcast_in_dim3A : i32 to vector<16xi32>
    %broadcast_in_dim3A_6 = arith.constant 1 : i32
    %broadcast_in_dim3A_7 = vector.broadcast %broadcast_in_dim3A_6 : i32 to vector<16xi32>
    %broadcast_in_dim3A_8 = arith.constant 0.000000e+00 : f32
    %broadcast_in_dim3A_9 = vector.broadcast %broadcast_in_dim3A_8 : f32 to vector<16xf32>
    %scan3A = arith.constant 0 : i32
    %scan3A_10 = arith.constant 0 : i32
    %scan3A_11 = arith.constant 128 : i32
    %scan3A_12 = arith.addi %scan3A_10, %scan3A_11 : i32
    %scan3A_13 = arith.constant 1 : i32
    scf.for %scan3A_58 = %scan3A_10 to %scan3A_12 step %scan3A_13  : i32 {
      %swap3A = arith.index_cast %scan3A_58 : i32 to index
      %swap3A_59 = arith.constant 0 : index
      %swap3A_60 = tpu.vector_load %arg12[%swap3A, %swap3A_59] {strides = array<i32>} : memref<128x144xf32, #tpu.memory_space<vmem>>, vector<16xf32>,
      tpu.vector_store %arg12[%swap3A, %swap3A_59], %broadcast_in_dim3A_9 {strides = array<i32>} : memref<128x144xf32, #tpu.memory_space<vmem>>, vector<16xf32>,
      %swap3A_61 = arith.index_cast %scan3A_58 : i32 to index
      %swap3A_62 = arith.constant 16 : index
      %swap3A_63 = tpu.vector_load %arg12[%swap3A_61, %swap3A_62] {strides = array<i32>} : memref<128x144xf32, #tpu.memory_space<vmem>>, vector<16xf32>,
      tpu.vector_store %arg12[%swap3A_61, %swap3A_62], %broadcast_in_dim3A_9 {strides = array<i32>} : memref<128x144xf32, #tpu.memory_space<vmem>>, vector<16xf32>,
      %swap3A_64 = arith.index_cast %scan3A_58 : i32 to index
      %swap3A_65 = arith.constant 32 : index
      %swap3A_66 = tpu.vector_load %arg12[%swap3A_64, %swap3A_65] {strides = array<i32>} : memref<128x144xf32, #tpu.memory_space<vmem>>, vector<16xf32>,
      tpu.vector_store %arg12[%swap3A_64, %swap3A_65], %broadcast_in_dim3A_9 {strides = array<i32>} : memref<128x144xf32, #tpu.memory_space<vmem>>, vector<16xf32>,
      %swap3A_67 = arith.index_cast %scan3A_58 : i32 to index
      %swap3A_68 = arith.constant 48 : index
      %swap3A_69 = tpu.vector_load %arg12[%swap3A_67, %swap3A_68] {strides = array<i32>} : memref<128x144xf32, #tpu.memory_space<vmem>>, vector<16xf32>,
      tpu.vector_store %arg12[%swap3A_67, %swap3A_68], %broadcast_in_dim3A_9 {strides = array<i32>} : memref<128x144xf32, #tpu.memory_space<vmem>>, vector<16xf32>,
      %swap3A_70 = arith.index_cast %scan3A_58 : i32 to index
      %swap3A_71 = arith.constant 64 : index
      %swap3A_72 = tpu.vector_load %arg12[%swap3A_70, %swap3A_71] {strides = array<i32>} : memref<128x144xf32, #tpu.memory_space<vmem>>, vector<16xf32>,
      tpu.vector_store %arg12[%swap3A_70, %swap3A_71], %broadcast_in_dim3A_9 {strides = array<i32>} : memref<128x144xf32, #tpu.memory_space<vmem>>, vector<16xf32>,
      %swap3A_73 = arith.index_cast %scan3A_58 : i32 to index
      %swap3A_74 = arith.constant 80 : index
      %swap3A_75 = tpu.vector_load %arg12[%swap3A_73, %swap3A_74] {strides = array<i32>} : memref<128x144xf32, #tpu.memory_space<vmem>>, vector<16xf32>,
      tpu.vector_store %arg12[%swap3A_73, %swap3A_74], %broadcast_in_dim3A_9 {strides = array<i32>} : memref<128x144xf32, #tpu.memory_space<vmem>>, vector<16xf32>,
      %swap3A_76 = arith.index_cast %scan3A_58 : i32 to index
      %swap3A_77 = arith.constant 96 : index
      %swap3A_78 = tpu.vector_load %arg12[%swap3A_76, %swap3A_77] {strides = array<i32>} : memref<128x144xf32, #tpu.memory_space<vmem>>, vector<16xf32>,
      tpu.vector_store %arg12[%swap3A_76, %swap3A_77], %broadcast_in_dim3A_9 {strides = array<i32>} : memref<128x144xf32, #tpu.memory_space<vmem>>, vector<16xf32>,
      %swap3A_79 = arith.index_cast %scan3A_58 : i32 to index
      %swap3A_80 = arith.constant 112 : index
      %swap3A_81 = tpu.vector_load %arg12[%swap3A_79, %swap3A_80] {strides = array<i32>} : memref<128x144xf32, #tpu.memory_space<vmem>>, vector<16xf32>,
      tpu.vector_store %arg12[%swap3A_79, %swap3A_80], %broadcast_in_dim3A_9 {strides = array<i32>} : memref<128x144xf32, #tpu.memory_space<vmem>>, vector<16xf32>,
      %swap3A_82 = arith.index_cast %scan3A_58 : i32 to index
      %swap3A_83 = arith.constant 128 : index
      %swap3A_84 = tpu.vector_load %arg12[%swap3A_82, %swap3A_83] {strides = array<i32>} : memref<128x144xf32, #tpu.memory_space<vmem>>, vector<16xf32>,
      tpu.vector_store %arg12[%swap3A_82, %swap3A_83], %broadcast_in_dim3A_9 {strides = array<i32>} : memref<128x144xf32, #tpu.memory_space<vmem>>, vector<16xf32>,
    }
    %scan3A_14 = arith.constant 128 : i32
    %add3A = arith.constant 0 : i32
    %add3A_15 = arith.addi %mul3A_4, %add3A : i32
    "tpu.region"() ({
      %run_scoped3A = tpu.sem_alloc : memref<!tpu.dma_semaphore, #tpu.memory_space<semaphore_mem>>
      %dma_start3A = arith.constant 0 : i32
      %dma_start3A_58 = arith.constant 0 : i32
      %dma_start3A_59 = tpu.memref_slice %arg12[%dma_start3A, %dma_start3A_58] : memref<128x144xf32, #tpu.memory_space<vmem>> -> memref<128x144xf32, #tpu.memory_space<vmem>>
      %dma_start3A_60 = arith.constant 0 : i32
      %dma_start3A_61 = tpu.memref_slice %arg16[%add3A_15, %dma_start3A_60] : memref<10112x144xf32, #tpu.memory_space<vmem_shared>> -> memref<128x144xf32, #tpu.memory_space<vmem_shared>>
      %dma_start3A_62 = arith.constant 0 : i32
      %dma_start3A_63 = tpu.memref_slice %arg16[%add3A_15, %dma_start3A_62] : memref<10112x144xf32, #tpu.memory_space<vmem_shared>> -> memref<128x144xf32, #tpu.memory_space<vmem_shared>>
      %dma_start3A_64 = arith.constant 0 : i32
      %dma_start3A_65 = arith.constant 0 : i32
      %dma_start3A_66 = tpu.memref_slice %arg12[%dma_start3A_64, %dma_start3A_65] : memref<128x144xf32, #tpu.memory_space<vmem>> -> memref<128x144xf32, #tpu.memory_space<vmem>>
      tpu.enqueue_dma source(%dma_start3A_66 : memref<128x144xf32, #tpu.memory_space<vmem>>) target(%dma_start3A_63 : memref<128x144xf32, #tpu.memory_space<vmem_shared>>) target_semaphore(%run_scoped3A : memref<!tpu.dma_semaphore, #tpu.memory_space<semaphore_mem>>)
      %dma_wait3A = arith.constant 0 : i32
      %dma_wait3A_67 = arith.constant 0 : i32
      %dma_wait3A_68 = tpu.memref_slice %arg12[%dma_wait3A, %dma_wait3A_67] : memref<128x144xf32, #tpu.memory_space<vmem>> -> memref<128x144xf32, #tpu.memory_space<vmem>>
      %dma_wait3A_69 = arith.constant 0 : i32
      %dma_wait3A_70 = tpu.memref_slice %arg16[%add3A_15, %dma_wait3A_69] : memref<10112x144xf32, #tpu.memory_space<vmem_shared>> -> memref<128x144xf32, #tpu.memory_space<vmem_shared>>
      %dma_wait3A_71 = arith.constant 0 : i32
      %dma_wait3A_72 = tpu.memref_slice %arg16[%add3A_15, %dma_wait3A_71] : memref<10112x144xf32, #tpu.memory_space<vmem_shared>> -> memref<128x144xf32, #tpu.memory_space<vmem_shared>>
      %dma_wait3A_73 = arith.constant 0 : i32
      %dma_wait3A_74 = arith.constant 0 : i32
      %dma_wait3A_75 = tpu.memref_slice %arg12[%dma_wait3A_73, %dma_wait3A_74] : memref<128x144xf32, #tpu.memory_space<vmem>> -> memref<128x144xf32, #tpu.memory_space<vmem>>
      tpu.wait_dma2 semaphore(%run_scoped3A : memref<!tpu.dma_semaphore, #tpu.memory_space<semaphore_mem>>) src(%dma_wait3A_75 : memref<128x144xf32, #tpu.memory_space<vmem>>) dst(%dma_wait3A_72 : memref<128x144xf32, #tpu.memory_space<vmem_shared>>)
      tpu.yield
    }) : () -> ()
    %add3A_16 = arith.constant 128 : i32
    %add3A_17 = arith.addi %mul3A_4, %add3A_16 : i32
    "tpu.region"() ({
      %run_scoped3A = tpu.sem_alloc : memref<!tpu.dma_semaphore, #tpu.memory_space<semaphore_mem>>
      %dma_start3A = arith.constant 0 : i32
      %dma_start3A_58 = arith.constant 0 : i32
      %dma_start3A_59 = tpu.memref_slice %arg12[%dma_start3A, %dma_start3A_58] : memref<128x144xf32, #tpu.memory_space<vmem>> -> memref<128x144xf32, #tpu.memory_space<vmem>>
      %dma_start3A_60 = arith.constant 0 : i32
      %dma_start3A_61 = tpu.memref_slice %arg16[%add3A_17, %dma_start3A_60] : memref<10112x144xf32, #tpu.memory_space<vmem_shared>> -> memref<128x144xf32, #tpu.memory_space<vmem_shared>>
      %dma_start3A_62 = arith.constant 0 : i32
      %dma_start3A_63 = tpu.memref_slice %arg16[%add3A_17, %dma_start3A_62] : memref<10112x144xf32, #tpu.memory_space<vmem_shared>> -> memref<128x144xf32, #tpu.memory_space<vmem_shared>>
      %dma_start3A_64 = arith.constant 0 : i32
      %dma_start3A_65 = arith.constant 0 : i32
      %dma_start3A_66 = tpu.memref_slice %arg12[%dma_start3A_64, %dma_start3A_65] : memref<128x144xf32, #tpu.memory_space<vmem>> -> memref<128x144xf32, #tpu.memory_space<vmem>>
      tpu.enqueue_dma source(%dma_start3A_66 : memref<128x144xf32, #tpu.memory_space<vmem>>) target(%dma_start3A_63 : memref<128x144xf32, #tpu.memory_space<vmem_shared>>) target_semaphore(%run_scoped3A : memref<!tpu.dma_semaphore, #tpu.memory_space<semaphore_mem>>)
      %dma_wait3A = arith.constant 0 : i32
      %dma_wait3A_67 = arith.constant 0 : i32
      %dma_wait3A_68 = tpu.memref_slice %arg12[%dma_wait3A, %dma_wait3A_67] : memref<128x144xf32, #tpu.memory_space<vmem>> -> memref<128x144xf32, #tpu.memory_space<vmem>>
      %dma_wait3A_69 = arith.constant 0 : i32
      %dma_wait3A_70 = tpu.memref_slice %arg16[%add3A_17, %dma_wait3A_69] : memref<10112x144xf32, #tpu.memory_space<vmem_shared>> -> memref<128x144xf32, #tpu.memory_space<vmem_shared>>
      %dma_wait3A_71 = arith.constant 0 : i32
      %dma_wait3A_72 = tpu.memref_slice %arg16[%add3A_17, %dma_wait3A_71] : memref<10112x144xf32, #tpu.memory_space<vmem_shared>> -> memref<128x144xf32, #tpu.memory_space<vmem_shared>>
      %dma_wait3A_73 = arith.constant 0 : i32
      %dma_wait3A_74 = arith.constant 0 : i32
      %dma_wait3A_75 = tpu.memref_slice %arg12[%dma_wait3A_73, %dma_wait3A_74] : memref<128x144xf32, #tpu.memory_space<vmem>> -> memref<128x144xf32, #tpu.memory_space<vmem>>
      tpu.wait_dma2 semaphore(%run_scoped3A : memref<!tpu.dma_semaphore, #tpu.memory_space<semaphore_mem>>) src(%dma_wait3A_75 : memref<128x144xf32, #tpu.memory_space<vmem>>) dst(%dma_wait3A_72 : memref<128x144xf32, #tpu.memory_space<vmem_shared>>)
      tpu.yield
    }) : () -> ()
    %add3A_18 = arith.constant 256 : i32
    %add3A_19 = arith.addi %mul3A_4, %add3A_18 : i32
    "tpu.region"() ({
      %run_scoped3A = tpu.sem_alloc : memref<!tpu.dma_semaphore, #tpu.memory_space<semaphore_mem>>
      %dma_start3A = arith.constant 0 : i32
      %dma_start3A_58 = arith.constant 0 : i32
      %dma_start3A_59 = tpu.memref_slice %arg12[%dma_start3A, %dma_start3A_58] : memref<128x144xf32, #tpu.memory_space<vmem>> -> memref<128x144xf32, #tpu.memory_space<vmem>>
      %dma_start3A_60 = arith.constant 0 : i32
      %dma_start3A_61 = tpu.memref_slice %arg16[%add3A_19, %dma_start3A_60] : memref<10112x144xf32, #tpu.memory_space<vmem_shared>> -> memref<128x144xf32, #tpu.memory_space<vmem_shared>>
      %dma_start3A_62 = arith.constant 0 : i32
      %dma_start3A_63 = tpu.memref_slice %arg16[%add3A_19, %dma_start3A_62] : memref<10112x144xf32, #tpu.memory_space<vmem_shared>> -> memref<128x144xf32, #tpu.memory_space<vmem_shared>>
      %dma_start3A_64 = arith.constant 0 : i32
      %dma_start3A_65 = arith.constant 0 : i32
      %dma_start3A_66 = tpu.memref_slice %arg12[%dma_start3A_64, %dma_start3A_65] : memref<128x144xf32, #tpu.memory_space<vmem>> -> memref<128x144xf32, #tpu.memory_space<vmem>>
      tpu.enqueue_dma source(%dma_start3A_66 : memref<128x144xf32, #tpu.memory_space<vmem>>) target(%dma_start3A_63 : memref<128x144xf32, #tpu.memory_space<vmem_shared>>) target_semaphore(%run_scoped3A : memref<!tpu.dma_semaphore, #tpu.memory_space<semaphore_mem>>)
      %dma_wait3A = arith.constant 0 : i32
      %dma_wait3A_67 = arith.constant 0 : i32
      %dma_wait3A_68 = tpu.memref_slice %arg12[%dma_wait3A, %dma_wait3A_67] : memref<128x144xf32, #tpu.memory_space<vmem>> -> memref<128x144xf32, #tpu.memory_space<vmem>>
      %dma_wait3A_69 = arith.constant 0 : i32
      %dma_wait3A_70 = tpu.memref_slice %arg16[%add3A_19, %dma_wait3A_69] : memref<10112x144xf32, #tpu.memory_space<vmem_shared>> -> memref<128x144xf32, #tpu.memory_space<vmem_shared>>
      %dma_wait3A_71 = arith.constant 0 : i32
      %dma_wait3A_72 = tpu.memref_slice %arg16[%add3A_19, %dma_wait3A_71] : memref<10112x144xf32, #tpu.memory_space<vmem_shared>> -> memref<128x144xf32, #tpu.memory_space<vmem_shared>>
      %dma_wait3A_73 = arith.constant 0 : i32
      %dma_wait3A_74 = arith.constant 0 : i32
      %dma_wait3A_75 = tpu.memref_slice %arg12[%dma_wait3A_73, %dma_wait3A_74] : memref<128x144xf32, #tpu.memory_space<vmem>> -> memref<128x144xf32, #tpu.memory_space<vmem>>
      tpu.wait_dma2 semaphore(%run_scoped3A : memref<!tpu.dma_semaphore, #tpu.memory_space<semaphore_mem>>) src(%dma_wait3A_75 : memref<128x144xf32, #tpu.memory_space<vmem>>) dst(%dma_wait3A_72 : memref<128x144xf32, #tpu.memory_space<vmem_shared>>)
      tpu.yield
    }) : () -> ()
    %add3A_20 = arith.constant 384 : i32
    %add3A_21 = arith.addi %mul3A_4, %add3A_20 : i32
    "tpu.region"() ({
      %run_scoped3A = tpu.sem_alloc : memref<!tpu.dma_semaphore, #tpu.memory_space<semaphore_mem>>
      %dma_start3A = arith.constant 0 : i32
      %dma_start3A_58 = arith.constant 0 : i32
      %dma_start3A_59 = tpu.memref_slice %arg12[%dma_start3A, %dma_start3A_58] : memref<128x144xf32, #tpu.memory_space<vmem>> -> memref<128x144xf32, #tpu.memory_space<vmem>>
      %dma_start3A_60 = arith.constant 0 : i32
      %dma_start3A_61 = tpu.memref_slice %arg16[%add3A_21, %dma_start3A_60] : memref<10112x144xf32, #tpu.memory_space<vmem_shared>> -> memref<128x144xf32, #tpu.memory_space<vmem_shared>>
      %dma_start3A_62 = arith.constant 0 : i32
      %dma_start3A_63 = tpu.memref_slice %arg16[%add3A_21, %dma_start3A_62] : memref<10112x144xf32, #tpu.memory_space<vmem_shared>> -> memref<128x144xf32, #tpu.memory_space<vmem_shared>>
      %dma_start3A_64 = arith.constant 0 : i32
      %dma_start3A_65 = arith.constant 0 : i32
      %dma_start3A_66 = tpu.memref_slice %arg12[%dma_start3A_64, %dma_start3A_65] : memref<128x144xf32, #tpu.memory_space<vmem>> -> memref<128x144xf32, #tpu.memory_space<vmem>>
      tpu.enqueue_dma source(%dma_start3A_66 : memref<128x144xf32, #tpu.memory_space<vmem>>) target(%dma_start3A_63 : memref<128x144xf32, #tpu.memory_space<vmem_shared>>) target_semaphore(%run_scoped3A : memref<!tpu.dma_semaphore, #tpu.memory_space<semaphore_mem>>)
      %dma_wait3A = arith.constant 0 : i32
      %dma_wait3A_67 = arith.constant 0 : i32
      %dma_wait3A_68 = tpu.memref_slice %arg12[%dma_wait3A, %dma_wait3A_67] : memref<128x144xf32, #tpu.memory_space<vmem>> -> memref<128x144xf32, #tpu.memory_space<vmem>>
      %dma_wait3A_69 = arith.constant 0 : i32
      %dma_wait3A_70 = tpu.memref_slice %arg16[%add3A_21, %dma_wait3A_69] : memref<10112x144xf32, #tpu.memory_space<vmem_shared>> -> memref<128x144xf32, #tpu.memory_space<vmem_shared>>
      %dma_wait3A_71 = arith.constant 0 : i32
      %dma_wait3A_72 = tpu.memref_slice %arg16[%add3A_21, %dma_wait3A_71] : memref<10112x144xf32, #tpu.memory_space<vmem_shared>> -> memref<128x144xf32, #tpu.memory_space<vmem_shared>>
      %dma_wait3A_73 = arith.constant 0 : i32
      %dma_wait3A_74 = arith.constant 0 : i32
      %dma_wait3A_75 = tpu.memref_slice %arg12[%dma_wait3A_73, %dma_wait3A_74] : memref<128x144xf32, #tpu.memory_space<vmem>> -> memref<128x144xf32, #tpu.memory_space<vmem>>
      tpu.wait_dma2 semaphore(%run_scoped3A : memref<!tpu.dma_semaphore, #tpu.memory_space<semaphore_mem>>) src(%dma_wait3A_75 : memref<128x144xf32, #tpu.memory_space<vmem>>) dst(%dma_wait3A_72 : memref<128x144xf32, #tpu.memory_space<vmem_shared>>)
      tpu.yield
    }) : () -> ()
    %add3A_22 = arith.constant 512 : i32
    %add3A_23 = arith.addi %mul3A_4, %add3A_22 : i32
    "tpu.region"() ({
      %run_scoped3A = tpu.sem_alloc : memref<!tpu.dma_semaphore, #tpu.memory_space<semaphore_mem>>
      %dma_start3A = arith.constant 0 : i32
      %dma_start3A_58 = arith.constant 0 : i32
      %dma_start3A_59 = tpu.memref_slice %arg12[%dma_start3A, %dma_start3A_58] : memref<128x144xf32, #tpu.memory_space<vmem>> -> memref<120x144xf32, #tpu.memory_space<vmem>>
      %dma_start3A_60 = arith.constant 0 : i32
      %dma_start3A_61 = tpu.memref_slice %arg16[%add3A_23, %dma_start3A_60] : memref<10112x144xf32, #tpu.memory_space<vmem_shared>> -> memref<120x144xf32, #tpu.memory_space<vmem_shared>>
      %dma_start3A_62 = arith.constant 0 : i32
      %dma_start3A_63 = tpu.memref_slice %arg16[%add3A_23, %dma_start3A_62] : memref<10112x144xf32, #tpu.memory_space<vmem_shared>> -> memref<120x144xf32, #tpu.memory_space<vmem_shared>>
      %dma_start3A_64 = arith.constant 0 : i32
      %dma_start3A_65 = arith.constant 0 : i32
      %dma_start3A_66 = tpu.memref_slice %arg12[%dma_start3A_64, %dma_start3A_65] : memref<128x144xf32, #tpu.memory_space<vmem>> -> memref<120x144xf32, #tpu.memory_space<vmem>>
      tpu.enqueue_dma source(%dma_start3A_66 : memref<120x144xf32, #tpu.memory_space<vmem>>) target(%dma_start3A_63 : memref<120x144xf32, #tpu.memory_space<vmem_shared>>) target_semaphore(%run_scoped3A : memref<!tpu.dma_semaphore, #tpu.memory_space<semaphore_mem>>)
      %dma_wait3A = arith.constant 0 : i32
      %dma_wait3A_67 = arith.constant 0 : i32
      %dma_wait3A_68 = tpu.memref_slice %arg12[%dma_wait3A, %dma_wait3A_67] : memref<128x144xf32, #tpu.memory_space<vmem>> -> memref<120x144xf32, #tpu.memory_space<vmem>>
      %dma_wait3A_69 = arith.constant 0 : i32
      %dma_wait3A_70 = tpu.memref_slice %arg16[%add3A_23, %dma_wait3A_69] : memref<10112x144xf32, #tpu.memory_space<vmem_shared>> -> memref<120x144xf32, #tpu.memory_space<vmem_shared>>
      %dma_wait3A_71 = arith.constant 0 : i32
      %dma_wait3A_72 = tpu.memref_slice %arg16[%add3A_23, %dma_wait3A_71] : memref<10112x144xf32, #tpu.memory_space<vmem_shared>> -> memref<120x144xf32, #tpu.memory_space<vmem_shared>>
      %dma_wait3A_73 = arith.constant 0 : i32
      %dma_wait3A_74 = arith.constant 0 : i32
      %dma_wait3A_75 = tpu.memref_slice %arg12[%dma_wait3A_73, %dma_wait3A_74] : memref<128x144xf32, #tpu.memory_space<vmem>> -> memref<120x144xf32, #tpu.memory_space<vmem>>
      tpu.wait_dma2 semaphore(%run_scoped3A : memref<!tpu.dma_semaphore, #tpu.memory_space<semaphore_mem>>) src(%dma_wait3A_75 : memref<120x144xf32, #tpu.memory_space<vmem>>) dst(%dma_wait3A_72 : memref<120x144xf32, #tpu.memory_space<vmem_shared>>)
      tpu.yield
    }) : () -> ()
    %barrier3A = arith.constant 0 : index
    tpu.barrier barrier_id(%barrier3A)
    %mul3A_24 = arith.constant 10112 : i32
    %mul3A_25 = arith.muli %arg1, %mul3A_24 : i32
    %scan3A_26 = arith.constant 0 : i32
    %scan3A_27 = arith.constant 0 : i32
    %scan3A_28 = arith.constant 79 : i32
    %scan3A_29 = arith.addi %scan3A_27, %scan3A_28 : i32
    %scan3A_30 = arith.constant 1 : i32
    scf.for %scan3A_58 = %scan3A_27 to %scan3A_29 step %scan3A_30  : i32 {
      %mul3A_59 = arith.constant 128 : i32
      %mul3A_60 = arith.muli %scan3A_58, %mul3A_59 : i32
      %add3A_61 = arith.addi %mul3A_25, %mul3A_60 : i32
      "tpu.region"() ({
        %run_scoped3A = tpu.sem_alloc : memref<!tpu.dma_semaphore, #tpu.memory_space<semaphore_mem>>
        %dma_start3A_530 = tpu.memref_slice %arg5[%add3A_61] : memref<161792xi32, #tpu.memory_space<hbm>> -> memref<128xi32, #tpu.memory_space<hbm>>
        %dma_start3A_531 = tpu.memref_slice %arg5[%add3A_61] : memref<161792xi32, #tpu.memory_space<hbm>> -> memref<128xi32, #tpu.memory_space<hbm>>
        tpu.enqueue_dma source(%dma_start3A_531 : memref<128xi32, #tpu.memory_space<hbm>>) target(%arg8 : memref<128xi32, #tpu.memory_space<vmem>>) target_semaphore(%run_scoped3A : memref<!tpu.dma_semaphore, #tpu.memory_space<semaphore_mem>>)
        %dma_wait3A_532 = tpu.memref_slice %arg5[%add3A_61] : memref<161792xi32, #tpu.memory_space<hbm>> -> memref<128xi32, #tpu.memory_space<hbm>>
        %dma_wait3A_533 = tpu.memref_slice %arg5[%add3A_61] : memref<161792xi32, #tpu.memory_space<hbm>> -> memref<128xi32, #tpu.memory_space<hbm>>
        tpu.wait_dma2 semaphore(%run_scoped3A : memref<!tpu.dma_semaphore, #tpu.memory_space<semaphore_mem>>) src(%dma_wait3A_533 : memref<128xi32, #tpu.memory_space<hbm>>) dst(%arg8 : memref<128xi32, #tpu.memory_space<vmem>>)
        tpu.yield
      }) : () -> ()
      "tpu.region"() ({
        %run_scoped3A = tpu.sem_alloc : memref<!tpu.dma_semaphore, #tpu.memory_space<semaphore_mem>>
        %dma_start3A_530 = tpu.memref_slice %arg6[%add3A_61] : memref<161792xi32, #tpu.memory_space<hbm>> -> memref<128xi32, #tpu.memory_space<hbm>>
        %dma_start3A_531 = tpu.memref_slice %arg6[%add3A_61] : memref<161792xi32, #tpu.memory_space<hbm>> -> memref<128xi32, #tpu.memory_space<hbm>>
        tpu.enqueue_dma source(%dma_start3A_531 : memref<128xi32, #tpu.memory_space<hbm>>) target(%arg9 : memref<128xi32, #tpu.memory_space<vmem>>) target_semaphore(%run_scoped3A : memref<!tpu.dma_semaphore, #tpu.memory_space<semaphore_mem>>)
        %dma_wait3A_532 = tpu.memref_slice %arg6[%add3A_61] : memref<161792xi32, #tpu.memory_space<hbm>> -> memref<128xi32, #tpu.memory_space<hbm>>
        %dma_wait3A_533 = tpu.memref_slice %arg6[%add3A_61] : memref<161792xi32, #tpu.memory_space<hbm>> -> memref<128xi32, #tpu.memory_space<hbm>>
        tpu.wait_dma2 semaphore(%run_scoped3A : memref<!tpu.dma_semaphore, #tpu.memory_space<semaphore_mem>>) src(%dma_wait3A_533 : memref<128xi32, #tpu.memory_space<hbm>>) dst(%arg9 : memref<128xi32, #tpu.memory_space<vmem>>)
        tpu.yield
      }) : () -> ()
      %mul3A_62 = arith.constant 4 : i32
      %mul3A_63 = arith.muli %add3A_61, %mul3A_62 : i32
      "tpu.region"() ({
        %run_scoped3A = tpu.sem_alloc : memref<!tpu.dma_semaphore, #tpu.memory_space<semaphore_mem>>
        %dma_start3A_530 = tpu.memref_slice %arg4[%mul3A_63] : memref<647168xf32, #tpu.memory_space<hbm>> -> memref<512xf32, #tpu.memory_space<hbm>>
        %dma_start3A_531 = tpu.memref_slice %arg4[%mul3A_63] : memref<647168xf32, #tpu.memory_space<hbm>> -> memref<512xf32, #tpu.memory_space<hbm>>
        tpu.enqueue_dma source(%dma_start3A_531 : memref<512xf32, #tpu.memory_space<hbm>>) target(%arg14 : memref<512xf32, #tpu.memory_space<vmem>>) target_semaphore(%run_scoped3A : memref<!tpu.dma_semaphore, #tpu.memory_space<semaphore_mem>>)
        %dma_wait3A_532 = tpu.memref_slice %arg4[%mul3A_63] : memref<647168xf32, #tpu.memory_space<hbm>> -> memref<512xf32, #tpu.memory_space<hbm>>
        %dma_wait3A_533 = tpu.memref_slice %arg4[%mul3A_63] : memref<647168xf32, #tpu.memory_space<hbm>> -> memref<512xf32, #tpu.memory_space<hbm>>
        tpu.wait_dma2 semaphore(%run_scoped3A : memref<!tpu.dma_semaphore, #tpu.memory_space<semaphore_mem>>) src(%dma_wait3A_533 : memref<512xf32, #tpu.memory_space<hbm>>) dst(%arg14 : memref<512xf32, #tpu.memory_space<vmem>>)
        tpu.yield
      }) : () -> ()
      %get3A = arith.constant 0 : index
      %get3A_64 = tpu.vector_load %arg8[%get3A] {strides = array<i32>} : memref<128xi32, #tpu.memory_space<vmem>>, vector<16xi32>,
      %add3A_65 = vector.broadcast %mul3A_0 : i32 to vector<16xi32>
      %add3A_66 = arith.addi %get3A_64, %add3A_65 : vector<16xi32>
      %swap3A = arith.constant 0 : index
      %swap3A_67 = tpu.vector_load %arg10[%swap3A] {strides = array<i32>} : memref<128xi32, #tpu.memory_space<vmem>>, vector<16xi32>,
      tpu.vector_store %arg10[%swap3A], %add3A_66 {strides = array<i32>} : memref<128xi32, #tpu.memory_space<vmem>>, vector<16xi32>,
      %get3A_68 = arith.constant 0 : index
      %get3A_69 = tpu.vector_load %arg9[%get3A_68] {strides = array<i32>} : memref<128xi32, #tpu.memory_space<vmem>>, vector<16xi32>,
      %add3A_70 = vector.broadcast %mul3A_0 : i32 to vector<16xi32>
      %add3A_71 = arith.addi %get3A_69, %add3A_70 : vector<16xi32>
      %swap3A_72 = arith.constant 0 : index
      %swap3A_73 = tpu.vector_load %arg11[%swap3A_72] {strides = array<i32>} : memref<128xi32, #tpu.memory_space<vmem>>, vector<16xi32>,
      tpu.vector_store %arg11[%swap3A_72], %add3A_71 {strides = array<i32>} : memref<128xi32, #tpu.memory_space<vmem>>, vector<16xi32>,
      %get3A_74 = arith.constant 16 : index
      %get3A_75 = tpu.vector_load %arg8[%get3A_74] {strides = array<i32>} : memref<128xi32, #tpu.memory_space<vmem>>, vector<16xi32>,
      %add3A_76 = vector.broadcast %mul3A_0 : i32 to vector<16xi32>
      %add3A_77 = arith.addi %get3A_75, %add3A_76 : vector<16xi32>
      %swap3A_78 = arith.constant 16 : index
      %swap3A_79 = tpu.vector_load %arg10[%swap3A_78] {strides = array<i32>} : memref<128xi32, #tpu.memory_space<vmem>>, vector<16xi32>,
      tpu.vector_store %arg10[%swap3A_78], %add3A_77 {strides = array<i32>} : memref<128xi32, #tpu.memory_space<vmem>>, vector<16xi32>,
      %get3A_80 = arith.constant 16 : index
      %get3A_81 = tpu.vector_load %arg9[%get3A_80] {strides = array<i32>} : memref<128xi32, #tpu.memory_space<vmem>>, vector<16xi32>,
      %add3A_82 = vector.broadcast %mul3A_0 : i32 to vector<16xi32>
      %add3A_83 = arith.addi %get3A_81, %add3A_82 : vector<16xi32>
      %swap3A_84 = arith.constant 16 : index
      %swap3A_85 = tpu.vector_load %arg11[%swap3A_84] {strides = array<i32>} : memref<128xi32, #tpu.memory_space<vmem>>, vector<16xi32>,
      tpu.vector_store %arg11[%swap3A_84], %add3A_83 {strides = array<i32>} : memref<128xi32, #tpu.memory_space<vmem>>, vector<16xi32>,
      %get3A_86 = arith.constant 32 : index
      %get3A_87 = tpu.vector_load %arg8[%get3A_86] {strides = array<i32>} : memref<128xi32, #tpu.memory_space<vmem>>, vector<16xi32>,
      %add3A_88 = vector.broadcast %mul3A_0 : i32 to vector<16xi32>
      %add3A_89 = arith.addi %get3A_87, %add3A_88 : vector<16xi32>
      %swap3A_90 = arith.constant 32 : index
      %swap3A_91 = tpu.vector_load %arg10[%swap3A_90] {strides = array<i32>} : memref<128xi32, #tpu.memory_space<vmem>>, vector<16xi32>,
      tpu.vector_store %arg10[%swap3A_90], %add3A_89 {strides = array<i32>} : memref<128xi32, #tpu.memory_space<vmem>>, vector<16xi32>,
      %get3A_92 = arith.constant 32 : index
      %get3A_93 = tpu.vector_load %arg9[%get3A_92] {strides = array<i32>} : memref<128xi32, #tpu.memory_space<vmem>>, vector<16xi32>,
      %add3A_94 = vector.broadcast %mul3A_0 : i32 to vector<16xi32>
      %add3A_95 = arith.addi %get3A_93, %add3A_94 : vector<16xi32>
      %swap3A_96 = arith.constant 32 : index
      %swap3A_97 = tpu.vector_load %arg11[%swap3A_96] {strides = array<i32>} : memref<128xi32, #tpu.memory_space<vmem>>, vector<16xi32>,
      tpu.vector_store %arg11[%swap3A_96], %add3A_95 {strides = array<i32>} : memref<128xi32, #tpu.memory_space<vmem>>, vector<16xi32>,
      %get3A_98 = arith.constant 48 : index
      %get3A_99 = tpu.vector_load %arg8[%get3A_98] {strides = array<i32>} : memref<128xi32, #tpu.memory_space<vmem>>, vector<16xi32>,
      %add3A_100 = vector.broadcast %mul3A_0 : i32 to vector<16xi32>
      %add3A_101 = arith.addi %get3A_99, %add3A_100 : vector<16xi32>
      %swap3A_102 = arith.constant 48 : index
      %swap3A_103 = tpu.vector_load %arg10[%swap3A_102] {strides = array<i32>} : memref<128xi32, #tpu.memory_space<vmem>>, vector<16xi32>,
      tpu.vector_store %arg10[%swap3A_102], %add3A_101 {strides = array<i32>} : memref<128xi32, #tpu.memory_space<vmem>>, vector<16xi32>,
      %get3A_104 = arith.constant 48 : index
      %get3A_105 = tpu.vector_load %arg9[%get3A_104] {strides = array<i32>} : memref<128xi32, #tpu.memory_space<vmem>>, vector<16xi32>,
      %add3A_106 = vector.broadcast %mul3A_0 : i32 to vector<16xi32>
      %add3A_107 = arith.addi %get3A_105, %add3A_106 : vector<16xi32>
      %swap3A_108 = arith.constant 48 : index
      %swap3A_109 = tpu.vector_load %arg11[%swap3A_108] {strides = array<i32>} : memref<128xi32, #tpu.memory_space<vmem>>, vector<16xi32>,
      tpu.vector_store %arg11[%swap3A_108], %add3A_107 {strides = array<i32>} : memref<128xi32, #tpu.memory_space<vmem>>, vector<16xi32>,
      %get3A_110 = arith.constant 64 : index
      %get3A_111 = tpu.vector_load %arg8[%get3A_110] {strides = array<i32>} : memref<128xi32, #tpu.memory_space<vmem>>, vector<16xi32>,
      %add3A_112 = vector.broadcast %mul3A_0 : i32 to vector<16xi32>
      %add3A_113 = arith.addi %get3A_111, %add3A_112 : vector<16xi32>
      %swap3A_114 = arith.constant 64 : index
      %swap3A_115 = tpu.vector_load %arg10[%swap3A_114] {strides = array<i32>} : memref<128xi32, #tpu.memory_space<vmem>>, vector<16xi32>,
      tpu.vector_store %arg10[%swap3A_114], %add3A_113 {strides = array<i32>} : memref<128xi32, #tpu.memory_space<vmem>>, vector<16xi32>,
      %get3A_116 = arith.constant 64 : index
      %get3A_117 = tpu.vector_load %arg9[%get3A_116] {strides = array<i32>} : memref<128xi32, #tpu.memory_space<vmem>>, vector<16xi32>,
      %add3A_118 = vector.broadcast %mul3A_0 : i32 to vector<16xi32>
      %add3A_119 = arith.addi %get3A_117, %add3A_118 : vector<16xi32>
      %swap3A_120 = arith.constant 64 : index
      %swap3A_121 = tpu.vector_load %arg11[%swap3A_120] {strides = array<i32>} : memref<128xi32, #tpu.memory_space<vmem>>, vector<16xi32>,
      tpu.vector_store %arg11[%swap3A_120], %add3A_119 {strides = array<i32>} : memref<128xi32, #tpu.memory_space<vmem>>, vector<16xi32>,
      %get3A_122 = arith.constant 80 : index
      %get3A_123 = tpu.vector_load %arg8[%get3A_122] {strides = array<i32>} : memref<128xi32, #tpu.memory_space<vmem>>, vector<16xi32>,
      %add3A_124 = vector.broadcast %mul3A_0 : i32 to vector<16xi32>
      %add3A_125 = arith.addi %get3A_123, %add3A_124 : vector<16xi32>
      %swap3A_126 = arith.constant 80 : index
      %swap3A_127 = tpu.vector_load %arg10[%swap3A_126] {strides = array<i32>} : memref<128xi32, #tpu.memory_space<vmem>>, vector<16xi32>,
      tpu.vector_store %arg10[%swap3A_126], %add3A_125 {strides = array<i32>} : memref<128xi32, #tpu.memory_space<vmem>>, vector<16xi32>,
      %get3A_128 = arith.constant 80 : index
      %get3A_129 = tpu.vector_load %arg9[%get3A_128] {strides = array<i32>} : memref<128xi32, #tpu.memory_space<vmem>>, vector<16xi32>,
      %add3A_130 = vector.broadcast %mul3A_0 : i32 to vector<16xi32>
      %add3A_131 = arith.addi %get3A_129, %add3A_130 : vector<16xi32>
      %swap3A_132 = arith.constant 80 : index
      %swap3A_133 = tpu.vector_load %arg11[%swap3A_132] {strides = array<i32>} : memref<128xi32, #tpu.memory_space<vmem>>, vector<16xi32>,
      tpu.vector_store %arg11[%swap3A_132], %add3A_131 {strides = array<i32>} : memref<128xi32, #tpu.memory_space<vmem>>, vector<16xi32>,
      %get3A_134 = arith.constant 96 : index
      %get3A_135 = tpu.vector_load %arg8[%get3A_134] {strides = array<i32>} : memref<128xi32, #tpu.memory_space<vmem>>, vector<16xi32>,
      %add3A_136 = vector.broadcast %mul3A_0 : i32 to vector<16xi32>
      %add3A_137 = arith.addi %get3A_135, %add3A_136 : vector<16xi32>
      %swap3A_138 = arith.constant 96 : index
      %swap3A_139 = tpu.vector_load %arg10[%swap3A_138] {strides = array<i32>} : memref<128xi32, #tpu.memory_space<vmem>>, vector<16xi32>,
      tpu.vector_store %arg10[%swap3A_138], %add3A_137 {strides = array<i32>} : memref<128xi32, #tpu.memory_space<vmem>>, vector<16xi32>,
      %get3A_140 = arith.constant 96 : index
      %get3A_141 = tpu.vector_load %arg9[%get3A_140] {strides = array<i32>} : memref<128xi32, #tpu.memory_space<vmem>>, vector<16xi32>,
      %add3A_142 = vector.broadcast %mul3A_0 : i32 to vector<16xi32>
      %add3A_143 = arith.addi %get3A_141, %add3A_142 : vector<16xi32>
      %swap3A_144 = arith.constant 96 : index
      %swap3A_145 = tpu.vector_load %arg11[%swap3A_144] {strides = array<i32>} : memref<128xi32, #tpu.memory_space<vmem>>, vector<16xi32>,
      tpu.vector_store %arg11[%swap3A_144], %add3A_143 {strides = array<i32>} : memref<128xi32, #tpu.memory_space<vmem>>, vector<16xi32>,
      %get3A_146 = arith.constant 112 : index
      %get3A_147 = tpu.vector_load %arg8[%get3A_146] {strides = array<i32>} : memref<128xi32, #tpu.memory_space<vmem>>, vector<16xi32>,
      %add3A_148 = vector.broadcast %mul3A_0 : i32 to vector<16xi32>
      %add3A_149 = arith.addi %get3A_147, %add3A_148 : vector<16xi32>
      %swap3A_150 = arith.constant 112 : index
      %swap3A_151 = tpu.vector_load %arg10[%swap3A_150] {strides = array<i32>} : memref<128xi32, #tpu.memory_space<vmem>>, vector<16xi32>,
      tpu.vector_store %arg10[%swap3A_150], %add3A_149 {strides = array<i32>} : memref<128xi32, #tpu.memory_space<vmem>>, vector<16xi32>,
      %get3A_152 = arith.constant 112 : index
      %get3A_153 = tpu.vector_load %arg9[%get3A_152] {strides = array<i32>} : memref<128xi32, #tpu.memory_space<vmem>>, vector<16xi32>,
      %add3A_154 = vector.broadcast %mul3A_0 : i32 to vector<16xi32>
      %add3A_155 = arith.addi %get3A_153, %add3A_154 : vector<16xi32>
      %swap3A_156 = arith.constant 112 : index
      %swap3A_157 = tpu.vector_load %arg11[%swap3A_156] {strides = array<i32>} : memref<128xi32, #tpu.memory_space<vmem>>, vector<16xi32>,
      tpu.vector_store %arg11[%swap3A_156], %add3A_155 {strides = array<i32>} : memref<128xi32, #tpu.memory_space<vmem>>, vector<16xi32>,
      %dma_start3A = arith.constant 0 : i32
      %dma_start3A_158 = arith.constant 0 : i32
      %dma_start3A_159 = tpu.memref_slice %arg2[%dma_start3A, %dma_start3A_158] : memref<20000x144xf32, #tpu.memory_space<hbm>> -> memref<20000x144xf32, #tpu.memory_space<hbm>>
      tpu.enqueue_indirect_dma source(%dma_start3A_159 : memref<20000x144xf32, #tpu.memory_space<hbm>>) target(%arg12 : memref<128x144xf32, #tpu.memory_space<vmem>>) offsets(%arg10 : memref<128xi32, #tpu.memory_space<vmem>>) semaphore(%arg17 : memref<!tpu.dma_semaphore, #tpu.memory_space<semaphore_mem>>)
      %dma_start3A_160 = arith.constant 0 : i32
      %dma_start3A_161 = arith.constant 0 : i32
      %dma_start3A_162 = tpu.memref_slice %arg3[%dma_start3A_160, %dma_start3A_161] : memref<20000x16xf32, #tpu.memory_space<hbm>> -> memref<20000x16xf32, #tpu.memory_space<hbm>>
      tpu.enqueue_indirect_dma source(%dma_start3A_162 : memref<20000x16xf32, #tpu.memory_space<hbm>>) target(%arg13 : memref<128x16xf32, #tpu.memory_space<vmem>>) offsets(%arg11 : memref<128xi32, #tpu.memory_space<vmem>>) semaphore(%arg18 : memref<!tpu.dma_semaphore, #tpu.memory_space<semaphore_mem>>)
      %dma_wait3A = arith.constant 0 : i32
      %dma_wait3A_163 = arith.constant 0 : i32
      %dma_wait3A_164 = tpu.memref_slice %arg2[%dma_wait3A, %dma_wait3A_163] : memref<20000x144xf32, #tpu.memory_space<hbm>> -> memref<20000x144xf32, #tpu.memory_space<hbm>>
      tpu.wait_indirect_dma semaphore(%arg17 : memref<!tpu.dma_semaphore, #tpu.memory_space<semaphore_mem>>) src(%dma_wait3A_164 : memref<20000x144xf32, #tpu.memory_space<hbm>>) dst(%arg12 : memref<128x144xf32, #tpu.memory_space<vmem>>)
      %dma_wait3A_165 = arith.constant 0 : i32
      %dma_wait3A_166 = arith.constant 0 : i32
      %dma_wait3A_167 = tpu.memref_slice %arg3[%dma_wait3A_165, %dma_wait3A_166] : memref<20000x16xf32, #tpu.memory_space<hbm>> -> memref<20000x16xf32, #tpu.memory_space<hbm>>
      tpu.wait_indirect_dma semaphore(%arg18 : memref<!tpu.dma_semaphore, #tpu.memory_space<semaphore_mem>>) src(%dma_wait3A_167 : memref<20000x16xf32, #tpu.memory_space<hbm>>) dst(%arg13 : memref<128x16xf32, #tpu.memory_space<vmem>>)
      %add3A_168 = arith.constant 0 : i32
      %add3A_169 = vector.broadcast %add3A_168 : i32 to vector<16xi32>
      %add3A_170 = arith.addi %iota3A, %add3A_169 : vector<16xi32>
      %add3A_171 = arith.constant 128 : i32
      %add3A_172 = vector.broadcast %add3A_171 : i32 to vector<16xi32>
      %add3A_173 = arith.addi %broadcast_in_dim3A_5, %add3A_172 : vector<16xi32>
      %gather3A = tpu.vector_load_idx %arg12[%add3A_170, %add3A_173] : memref<128x144xf32, #tpu.memory_space<vmem>>[vector<16xi32>, vector<16xi32>], vector<16xf32>,
      %add3A_174 = arith.constant 129 : i32
      %add3A_175 = vector.broadcast %add3A_174 : i32 to vector<16xi32>
      %add3A_176 = arith.addi %broadcast_in_dim3A_5, %add3A_175 : vector<16xi32>
      %gather3A_177 = tpu.vector_load_idx %arg12[%add3A_170, %add3A_176] : memref<128x144xf32, #tpu.memory_space<vmem>>[vector<16xi32>, vector<16xi32>], vector<16xf32>,
      %gather3A_178 = tpu.vector_load_idx %arg13[%add3A_170, %broadcast_in_dim3A_5] : memref<128x16xf32, #tpu.memory_space<vmem>>[vector<16xi32>, vector<16xi32>], vector<16xf32>,
      %gather3A_179 = tpu.vector_load_idx %arg13[%add3A_170, %broadcast_in_dim3A_7] : memref<128x16xf32, #tpu.memory_space<vmem>>[vector<16xi32>, vector<16xi32>], vector<16xf32>,
      %mul3A_180 = arith.constant 4 : i32
      %mul3A_181 = vector.broadcast %mul3A_180 : i32 to vector<16xi32>
      %mul3A_182 = arith.muli %add3A_170, %mul3A_181 : vector<16xi32>
      %mul3A_183 = arith.constant 2 : i32
      %mul3A_184 = arith.muli %mul3A_183, %arg0 : i32
      %add3A_185 = vector.broadcast %mul3A_184 : i32 to vector<16xi32>
      %add3A_186 = arith.addi %mul3A_182, %add3A_185 : vector<16xi32>
      %gather3A_187 = tpu.vector_load_idx %arg14[%add3A_186] : memref<512xf32, #tpu.memory_space<vmem>>[vector<16xi32>], vector<16xf32>,
      %add3A_188 = arith.constant 1 : i32
      %add3A_189 = vector.broadcast %add3A_188 : i32 to vector<16xi32>
      %add3A_190 = arith.addi %add3A_186, %add3A_189 : vector<16xi32>
      %gather3A_191 = tpu.vector_load_idx %arg14[%add3A_190] : memref<512xf32, #tpu.memory_space<vmem>>[vector<16xi32>], vector<16xf32>,
      %add3A_192 = arith.addf %gather3A, %gather3A_178 : vector<16xf32>
      %add3A_193 = arith.addf %add3A_192, %gather3A_187 : vector<16xf32>
      %add3A_194 = arith.addf %gather3A_177, %gather3A_179 : vector<16xf32>
      %add3A_195 = arith.addf %add3A_194, %gather3A_191 : vector<16xf32>
      %gt3A = arith.constant 0.000000e+00 : f32
      %gt3A_196 = vector.broadcast %gt3A : f32 to vector<16xf32>
      %gt3A_197 = arith.cmpf ogt, %add3A_193, %gt3A_196 : vector<16xf32>
      %mul3A_198 = arith.constant 2.000000e-01 : f32
      %mul3A_199 = vector.broadcast %mul3A_198 : f32 to vector<16xf32>
      %mul3A_200 = arith.mulf %mul3A_199, %add3A_193 : vector<16xf32>
      %select_n3A = arith.select %gt3A_197, %add3A_193, %mul3A_200 : vector<16xi1>, vector<16xf32>
      %gt3A_201 = arith.constant 0.000000e+00 : f32
      %gt3A_202 = vector.broadcast %gt3A_201 : f32 to vector<16xf32>
      %gt3A_203 = arith.cmpf ogt, %add3A_195, %gt3A_202 : vector<16xf32>
      %mul3A_204 = arith.constant 2.000000e-01 : f32
      %mul3A_205 = vector.broadcast %mul3A_204 : f32 to vector<16xf32>
      %mul3A_206 = arith.mulf %mul3A_205, %add3A_195 : vector<16xf32>
      %select_n3A_207 = arith.select %gt3A_203, %add3A_195, %mul3A_206 : vector<16xi1>, vector<16xf32>
      %exp3A = math.exp %select_n3A : vector<16xf32>
      tpu.vector_store_idx %arg15[%add3A_170, %broadcast_in_dim3A_5], %exp3A : memref<128x2xf32, #tpu.memory_space<vmem>>[vector<16xi32>, vector<16xi32>], vector<16xf32>,
      %exp3A_208 = math.exp %select_n3A_207 : vector<16xf32>
      tpu.vector_store_idx %arg15[%add3A_170, %broadcast_in_dim3A_7], %exp3A_208 : memref<128x2xf32, #tpu.memory_space<vmem>>[vector<16xi32>, vector<16xi32>], vector<16xf32>,
      %add3A_209 = arith.constant 16 : i32
      %add3A_210 = vector.broadcast %add3A_209 : i32 to vector<16xi32>
      %add3A_211 = arith.addi %iota3A, %add3A_210 : vector<16xi32>
      %add3A_212 = arith.constant 128 : i32
      %add3A_213 = vector.broadcast %add3A_212 : i32 to vector<16xi32>
      %add3A_214 = arith.addi %broadcast_in_dim3A_5, %add3A_213 : vector<16xi32>
      %gather3A_215 = tpu.vector_load_idx %arg12[%add3A_211, %add3A_214] : memref<128x144xf32, #tpu.memory_space<vmem>>[vector<16xi32>, vector<16xi32>], vector<16xf32>,
      %add3A_216 = arith.constant 129 : i32
      %add3A_217 = vector.broadcast %add3A_216 : i32 to vector<16xi32>
      %add3A_218 = arith.addi %broadcast_in_dim3A_5, %add3A_217 : vector<16xi32>
      %gather3A_219 = tpu.vector_load_idx %arg12[%add3A_211, %add3A_218] : memref<128x144xf32, #tpu.memory_space<vmem>>[vector<16xi32>, vector<16xi32>], vector<16xf32>,
      %gather3A_220 = tpu.vector_load_idx %arg13[%add3A_211, %broadcast_in_dim3A_5] : memref<128x16xf32, #tpu.memory_space<vmem>>[vector<16xi32>, vector<16xi32>], vector<16xf32>,
      %gather3A_221 = tpu.vector_load_idx %arg13[%add3A_211, %broadcast_in_dim3A_7] : memref<128x16xf32, #tpu.memory_space<vmem>>[vector<16xi32>, vector<16xi32>], vector<16xf32>,
      %mul3A_222 = arith.constant 4 : i32
      %mul3A_223 = vector.broadcast %mul3A_222 : i32 to vector<16xi32>
      %mul3A_224 = arith.muli %add3A_211, %mul3A_223 : vector<16xi32>
      %mul3A_225 = arith.constant 2 : i32
      %mul3A_226 = arith.muli %mul3A_225, %arg0 : i32
      %add3A_227 = vector.broadcast %mul3A_226 : i32 to vector<16xi32>
      %add3A_228 = arith.addi %mul3A_224, %add3A_227 : vector<16xi32>
      %gather3A_229 = tpu.vector_load_idx %arg14[%add3A_228] : memref<512xf32, #tpu.memory_space<vmem>>[vector<16xi32>], vector<16xf32>,
      %add3A_230 = arith.constant 1 : i32
      %add3A_231 = vector.broadcast %add3A_230 : i32 to vector<16xi32>
      %add3A_232 = arith.addi %add3A_228, %add3A_231 : vector<16xi32>
      %gather3A_233 = tpu.vector_load_idx %arg14[%add3A_232] : memref<512xf32, #tpu.memory_space<vmem>>[vector<16xi32>], vector<16xf32>,
      %add3A_234 = arith.addf %gather3A_215, %gather3A_220 : vector<16xf32>
      %add3A_235 = arith.addf %add3A_234, %gather3A_229 : vector<16xf32>
      %add3A_236 = arith.addf %gather3A_219, %gather3A_221 : vector<16xf32>
      %add3A_237 = arith.addf %add3A_236, %gather3A_233 : vector<16xf32>
      %gt3A_238 = arith.constant 0.000000e+00 : f32
      %gt3A_239 = vector.broadcast %gt3A_238 : f32 to vector<16xf32>
      %gt3A_240 = arith.cmpf ogt, %add3A_235, %gt3A_239 : vector<16xf32>
      %mul3A_241 = arith.constant 2.000000e-01 : f32
      %mul3A_242 = vector.broadcast %mul3A_241 : f32 to vector<16xf32>
      %mul3A_243 = arith.mulf %mul3A_242, %add3A_235 : vector<16xf32>
      %select_n3A_244 = arith.select %gt3A_240, %add3A_235, %mul3A_243 : vector<16xi1>, vector<16xf32>
      %gt3A_245 = arith.constant 0.000000e+00 : f32
      %gt3A_246 = vector.broadcast %gt3A_245 : f32 to vector<16xf32>
      %gt3A_247 = arith.cmpf ogt, %add3A_237, %gt3A_246 : vector<16xf32>
      %mul3A_248 = arith.constant 2.000000e-01 : f32
      %mul3A_249 = vector.broadcast %mul3A_248 : f32 to vector<16xf32>
      %mul3A_250 = arith.mulf %mul3A_249, %add3A_237 : vector<16xf32>
      %select_n3A_251 = arith.select %gt3A_247, %add3A_237, %mul3A_250 : vector<16xi1>, vector<16xf32>
      %exp3A_252 = math.exp %select_n3A_244 : vector<16xf32>
      tpu.vector_store_idx %arg15[%add3A_211, %broadcast_in_dim3A_5], %exp3A_252 : memref<128x2xf32, #tpu.memory_space<vmem>>[vector<16xi32>, vector<16xi32>], vector<16xf32>,
      %exp3A_253 = math.exp %select_n3A_251 : vector<16xf32>
      tpu.vector_store_idx %arg15[%add3A_211, %broadcast_in_dim3A_7], %exp3A_253 : memref<128x2xf32, #tpu.memory_space<vmem>>[vector<16xi32>, vector<16xi32>], vector<16xf32>,
      %add3A_254 = arith.constant 32 : i32
      %add3A_255 = vector.broadcast %add3A_254 : i32 to vector<16xi32>
      %add3A_256 = arith.addi %iota3A, %add3A_255 : vector<16xi32>
      %add3A_257 = arith.constant 128 : i32
      %add3A_258 = vector.broadcast %add3A_257 : i32 to vector<16xi32>
      %add3A_259 = arith.addi %broadcast_in_dim3A_5, %add3A_258 : vector<16xi32>
      %gather3A_260 = tpu.vector_load_idx %arg12[%add3A_256, %add3A_259] : memref<128x144xf32, #tpu.memory_space<vmem>>[vector<16xi32>, vector<16xi32>], vector<16xf32>,
      %add3A_261 = arith.constant 129 : i32
      %add3A_262 = vector.broadcast %add3A_261 : i32 to vector<16xi32>
      %add3A_263 = arith.addi %broadcast_in_dim3A_5, %add3A_262 : vector<16xi32>
      %gather3A_264 = tpu.vector_load_idx %arg12[%add3A_256, %add3A_263] : memref<128x144xf32, #tpu.memory_space<vmem>>[vector<16xi32>, vector<16xi32>], vector<16xf32>,
      %gather3A_265 = tpu.vector_load_idx %arg13[%add3A_256, %broadcast_in_dim3A_5] : memref<128x16xf32, #tpu.memory_space<vmem>>[vector<16xi32>, vector<16xi32>], vector<16xf32>,
      %gather3A_266 = tpu.vector_load_idx %arg13[%add3A_256, %broadcast_in_dim3A_7] : memref<128x16xf32, #tpu.memory_space<vmem>>[vector<16xi32>, vector<16xi32>], vector<16xf32>,
      %mul3A_267 = arith.constant 4 : i32
      %mul3A_268 = vector.broadcast %mul3A_267 : i32 to vector<16xi32>
      %mul3A_269 = arith.muli %add3A_256, %mul3A_268 : vector<16xi32>
      %mul3A_270 = arith.constant 2 : i32
      %mul3A_271 = arith.muli %mul3A_270, %arg0 : i32
      %add3A_272 = vector.broadcast %mul3A_271 : i32 to vector<16xi32>
      %add3A_273 = arith.addi %mul3A_269, %add3A_272 : vector<16xi32>
      %gather3A_274 = tpu.vector_load_idx %arg14[%add3A_273] : memref<512xf32, #tpu.memory_space<vmem>>[vector<16xi32>], vector<16xf32>,
      %add3A_275 = arith.constant 1 : i32
      %add3A_276 = vector.broadcast %add3A_275 : i32 to vector<16xi32>
      %add3A_277 = arith.addi %add3A_273, %add3A_276 : vector<16xi32>
      %gather3A_278 = tpu.vector_load_idx %arg14[%add3A_277] : memref<512xf32, #tpu.memory_space<vmem>>[vector<16xi32>], vector<16xf32>,
      %add3A_279 = arith.addf %gather3A_260, %gather3A_265 : vector<16xf32>
      %add3A_280 = arith.addf %add3A_279, %gather3A_274 : vector<16xf32>
      %add3A_281 = arith.addf %gather3A_264, %gather3A_266 : vector<16xf32>
      %add3A_282 = arith.addf %add3A_281, %gather3A_278 : vector<16xf32>
      %gt3A_283 = arith.constant 0.000000e+00 : f32
      %gt3A_284 = vector.broadcast %gt3A_283 : f32 to vector<16xf32>
      %gt3A_285 = arith.cmpf ogt, %add3A_280, %gt3A_284 : vector<16xf32>
      %mul3A_286 = arith.constant 2.000000e-01 : f32
      %mul3A_287 = vector.broadcast %mul3A_286 : f32 to vector<16xf32>
      %mul3A_288 = arith.mulf %mul3A_287, %add3A_280 : vector<16xf32>
      %select_n3A_289 = arith.select %gt3A_285, %add3A_280, %mul3A_288 : vector<16xi1>, vector<16xf32>
      %gt3A_290 = arith.constant 0.000000e+00 : f32
      %gt3A_291 = vector.broadcast %gt3A_290 : f32 to vector<16xf32>
      %gt3A_292 = arith.cmpf ogt, %add3A_282, %gt3A_291 : vector<16xf32>
      %mul3A_293 = arith.constant 2.000000e-01 : f32
      %mul3A_294 = vector.broadcast %mul3A_293 : f32 to vector<16xf32>
      %mul3A_295 = arith.mulf %mul3A_294, %add3A_282 : vector<16xf32>
      %select_n3A_296 = arith.select %gt3A_292, %add3A_282, %mul3A_295 : vector<16xi1>, vector<16xf32>
      %exp3A_297 = math.exp %select_n3A_289 : vector<16xf32>
      tpu.vector_store_idx %arg15[%add3A_256, %broadcast_in_dim3A_5], %exp3A_297 : memref<128x2xf32, #tpu.memory_space<vmem>>[vector<16xi32>, vector<16xi32>], vector<16xf32>,
      %exp3A_298 = math.exp %select_n3A_296 : vector<16xf32>
      tpu.vector_store_idx %arg15[%add3A_256, %broadcast_in_dim3A_7], %exp3A_298 : memref<128x2xf32, #tpu.memory_space<vmem>>[vector<16xi32>, vector<16xi32>], vector<16xf32>,
      %add3A_299 = arith.constant 48 : i32
      %add3A_300 = vector.broadcast %add3A_299 : i32 to vector<16xi32>
      %add3A_301 = arith.addi %iota3A, %add3A_300 : vector<16xi32>
      %add3A_302 = arith.constant 128 : i32
      %add3A_303 = vector.broadcast %add3A_302 : i32 to vector<16xi32>
      %add3A_304 = arith.addi %broadcast_in_dim3A_5, %add3A_303 : vector<16xi32>
      %gather3A_305 = tpu.vector_load_idx %arg12[%add3A_301, %add3A_304] : memref<128x144xf32, #tpu.memory_space<vmem>>[vector<16xi32>, vector<16xi32>], vector<16xf32>,
      %add3A_306 = arith.constant 129 : i32
      %add3A_307 = vector.broadcast %add3A_306 : i32 to vector<16xi32>
      %add3A_308 = arith.addi %broadcast_in_dim3A_5, %add3A_307 : vector<16xi32>
      %gather3A_309 = tpu.vector_load_idx %arg12[%add3A_301, %add3A_308] : memref<128x144xf32, #tpu.memory_space<vmem>>[vector<16xi32>, vector<16xi32>], vector<16xf32>,
      %gather3A_310 = tpu.vector_load_idx %arg13[%add3A_301, %broadcast_in_dim3A_5] : memref<128x16xf32, #tpu.memory_space<vmem>>[vector<16xi32>, vector<16xi32>], vector<16xf32>,
      %gather3A_311 = tpu.vector_load_idx %arg13[%add3A_301, %broadcast_in_dim3A_7] : memref<128x16xf32, #tpu.memory_space<vmem>>[vector<16xi32>, vector<16xi32>], vector<16xf32>,
      %mul3A_312 = arith.constant 4 : i32
      %mul3A_313 = vector.broadcast %mul3A_312 : i32 to vector<16xi32>
      %mul3A_314 = arith.muli %add3A_301, %mul3A_313 : vector<16xi32>
      %mul3A_315 = arith.constant 2 : i32
      %mul3A_316 = arith.muli %mul3A_315, %arg0 : i32
      %add3A_317 = vector.broadcast %mul3A_316 : i32 to vector<16xi32>
      %add3A_318 = arith.addi %mul3A_314, %add3A_317 : vector<16xi32>
      %gather3A_319 = tpu.vector_load_idx %arg14[%add3A_318] : memref<512xf32, #tpu.memory_space<vmem>>[vector<16xi32>], vector<16xf32>,
      %add3A_320 = arith.constant 1 : i32
      %add3A_321 = vector.broadcast %add3A_320 : i32 to vector<16xi32>
      %add3A_322 = arith.addi %add3A_318, %add3A_321 : vector<16xi32>
      %gather3A_323 = tpu.vector_load_idx %arg14[%add3A_322] : memref<512xf32, #tpu.memory_space<vmem>>[vector<16xi32>], vector<16xf32>,
      %add3A_324 = arith.addf %gather3A_305, %gather3A_310 : vector<16xf32>
      %add3A_325 = arith.addf %add3A_324, %gather3A_319 : vector<16xf32>
      %add3A_326 = arith.addf %gather3A_309, %gather3A_311 : vector<16xf32>
      %add3A_327 = arith.addf %add3A_326, %gather3A_323 : vector<16xf32>
      %gt3A_328 = arith.constant 0.000000e+00 : f32
      %gt3A_329 = vector.broadcast %gt3A_328 : f32 to vector<16xf32>
      %gt3A_330 = arith.cmpf ogt, %add3A_325, %gt3A_329 : vector<16xf32>
      %mul3A_331 = arith.constant 2.000000e-01 : f32
      %mul3A_332 = vector.broadcast %mul3A_331 : f32 to vector<16xf32>
      %mul3A_333 = arith.mulf %mul3A_332, %add3A_325 : vector<16xf32>
      %select_n3A_334 = arith.select %gt3A_330, %add3A_325, %mul3A_333 : vector<16xi1>, vector<16xf32>
      %gt3A_335 = arith.constant 0.000000e+00 : f32
      %gt3A_336 = vector.broadcast %gt3A_335 : f32 to vector<16xf32>
      %gt3A_337 = arith.cmpf ogt, %add3A_327, %gt3A_336 : vector<16xf32>
      %mul3A_338 = arith.constant 2.000000e-01 : f32
      %mul3A_339 = vector.broadcast %mul3A_338 : f32 to vector<16xf32>
      %mul3A_340 = arith.mulf %mul3A_339, %add3A_327 : vector<16xf32>
      %select_n3A_341 = arith.select %gt3A_337, %add3A_327, %mul3A_340 : vector<16xi1>, vector<16xf32>
      %exp3A_342 = math.exp %select_n3A_334 : vector<16xf32>
      tpu.vector_store_idx %arg15[%add3A_301, %broadcast_in_dim3A_5], %exp3A_342 : memref<128x2xf32, #tpu.memory_space<vmem>>[vector<16xi32>, vector<16xi32>], vector<16xf32>,
      %exp3A_343 = math.exp %select_n3A_341 : vector<16xf32>
      tpu.vector_store_idx %arg15[%add3A_301, %broadcast_in_dim3A_7], %exp3A_343 : memref<128x2xf32, #tpu.memory_space<vmem>>[vector<16xi32>, vector<16xi32>], vector<16xf32>,
      %add3A_344 = arith.constant 64 : i32
      %add3A_345 = vector.broadcast %add3A_344 : i32 to vector<16xi32>
      %add3A_346 = arith.addi %iota3A, %add3A_345 : vector<16xi32>
      %add3A_347 = arith.constant 128 : i32
      %add3A_348 = vector.broadcast %add3A_347 : i32 to vector<16xi32>
      %add3A_349 = arith.addi %broadcast_in_dim3A_5, %add3A_348 : vector<16xi32>
      %gather3A_350 = tpu.vector_load_idx %arg12[%add3A_346, %add3A_349] : memref<128x144xf32, #tpu.memory_space<vmem>>[vector<16xi32>, vector<16xi32>], vector<16xf32>,
      %add3A_351 = arith.constant 129 : i32
      %add3A_352 = vector.broadcast %add3A_351 : i32 to vector<16xi32>
      %add3A_353 = arith.addi %broadcast_in_dim3A_5, %add3A_352 : vector<16xi32>
      %gather3A_354 = tpu.vector_load_idx %arg12[%add3A_346, %add3A_353] : memref<128x144xf32, #tpu.memory_space<vmem>>[vector<16xi32>, vector<16xi32>], vector<16xf32>,
      %gather3A_355 = tpu.vector_load_idx %arg13[%add3A_346, %broadcast_in_dim3A_5] : memref<128x16xf32, #tpu.memory_space<vmem>>[vector<16xi32>, vector<16xi32>], vector<16xf32>,
      %gather3A_356 = tpu.vector_load_idx %arg13[%add3A_346, %broadcast_in_dim3A_7] : memref<128x16xf32, #tpu.memory_space<vmem>>[vector<16xi32>, vector<16xi32>], vector<16xf32>,
      %mul3A_357 = arith.constant 4 : i32
      %mul3A_358 = vector.broadcast %mul3A_357 : i32 to vector<16xi32>
      %mul3A_359 = arith.muli %add3A_346, %mul3A_358 : vector<16xi32>
      %mul3A_360 = arith.constant 2 : i32
      %mul3A_361 = arith.muli %mul3A_360, %arg0 : i32
      %add3A_362 = vector.broadcast %mul3A_361 : i32 to vector<16xi32>
      %add3A_363 = arith.addi %mul3A_359, %add3A_362 : vector<16xi32>
      %gather3A_364 = tpu.vector_load_idx %arg14[%add3A_363] : memref<512xf32, #tpu.memory_space<vmem>>[vector<16xi32>], vector<16xf32>,
      %add3A_365 = arith.constant 1 : i32
      %add3A_366 = vector.broadcast %add3A_365 : i32 to vector<16xi32>
      %add3A_367 = arith.addi %add3A_363, %add3A_366 : vector<16xi32>
      %gather3A_368 = tpu.vector_load_idx %arg14[%add3A_367] : memref<512xf32, #tpu.memory_space<vmem>>[vector<16xi32>], vector<16xf32>,
      %add3A_369 = arith.addf %gather3A_350, %gather3A_355 : vector<16xf32>
      %add3A_370 = arith.addf %add3A_369, %gather3A_364 : vector<16xf32>
      %add3A_371 = arith.addf %gather3A_354, %gather3A_356 : vector<16xf32>
      %add3A_372 = arith.addf %add3A_371, %gather3A_368 : vector<16xf32>
      %gt3A_373 = arith.constant 0.000000e+00 : f32
      %gt3A_374 = vector.broadcast %gt3A_373 : f32 to vector<16xf32>
      %gt3A_375 = arith.cmpf ogt, %add3A_370, %gt3A_374 : vector<16xf32>
      %mul3A_376 = arith.constant 2.000000e-01 : f32
      %mul3A_377 = vector.broadcast %mul3A_376 : f32 to vector<16xf32>
      %mul3A_378 = arith.mulf %mul3A_377, %add3A_370 : vector<16xf32>
      %select_n3A_379 = arith.select %gt3A_375, %add3A_370, %mul3A_378 : vector<16xi1>, vector<16xf32>
      %gt3A_380 = arith.constant 0.000000e+00 : f32
      %gt3A_381 = vector.broadcast %gt3A_380 : f32 to vector<16xf32>
      %gt3A_382 = arith.cmpf ogt, %add3A_372, %gt3A_381 : vector<16xf32>
      %mul3A_383 = arith.constant 2.000000e-01 : f32
      %mul3A_384 = vector.broadcast %mul3A_383 : f32 to vector<16xf32>
      %mul3A_385 = arith.mulf %mul3A_384, %add3A_372 : vector<16xf32>
      %select_n3A_386 = arith.select %gt3A_382, %add3A_372, %mul3A_385 : vector<16xi1>, vector<16xf32>
      %exp3A_387 = math.exp %select_n3A_379 : vector<16xf32>
      tpu.vector_store_idx %arg15[%add3A_346, %broadcast_in_dim3A_5], %exp3A_387 : memref<128x2xf32, #tpu.memory_space<vmem>>[vector<16xi32>, vector<16xi32>], vector<16xf32>,
      %exp3A_388 = math.exp %select_n3A_386 : vector<16xf32>
      tpu.vector_store_idx %arg15[%add3A_346, %broadcast_in_dim3A_7], %exp3A_388 : memref<128x2xf32, #tpu.memory_space<vmem>>[vector<16xi32>, vector<16xi32>], vector<16xf32>,
      %add3A_389 = arith.constant 80 : i32
      %add3A_390 = vector.broadcast %add3A_389 : i32 to vector<16xi32>
      %add3A_391 = arith.addi %iota3A, %add3A_390 : vector<16xi32>
      %add3A_392 = arith.constant 128 : i32
      %add3A_393 = vector.broadcast %add3A_392 : i32 to vector<16xi32>
      %add3A_394 = arith.addi %broadcast_in_dim3A_5, %add3A_393 : vector<16xi32>
      %gather3A_395 = tpu.vector_load_idx %arg12[%add3A_391, %add3A_394] : memref<128x144xf32, #tpu.memory_space<vmem>>[vector<16xi32>, vector<16xi32>], vector<16xf32>,
      %add3A_396 = arith.constant 129 : i32
      %add3A_397 = vector.broadcast %add3A_396 : i32 to vector<16xi32>
      %add3A_398 = arith.addi %broadcast_in_dim3A_5, %add3A_397 : vector<16xi32>
      %gather3A_399 = tpu.vector_load_idx %arg12[%add3A_391, %add3A_398] : memref<128x144xf32, #tpu.memory_space<vmem>>[vector<16xi32>, vector<16xi32>], vector<16xf32>,
      %gather3A_400 = tpu.vector_load_idx %arg13[%add3A_391, %broadcast_in_dim3A_5] : memref<128x16xf32, #tpu.memory_space<vmem>>[vector<16xi32>, vector<16xi32>], vector<16xf32>,
      %gather3A_401 = tpu.vector_load_idx %arg13[%add3A_391, %broadcast_in_dim3A_7] : memref<128x16xf32, #tpu.memory_space<vmem>>[vector<16xi32>, vector<16xi32>], vector<16xf32>,
      %mul3A_402 = arith.constant 4 : i32
      %mul3A_403 = vector.broadcast %mul3A_402 : i32 to vector<16xi32>
      %mul3A_404 = arith.muli %add3A_391, %mul3A_403 : vector<16xi32>
      %mul3A_405 = arith.constant 2 : i32
      %mul3A_406 = arith.muli %mul3A_405, %arg0 : i32
      %add3A_407 = vector.broadcast %mul3A_406 : i32 to vector<16xi32>
      %add3A_408 = arith.addi %mul3A_404, %add3A_407 : vector<16xi32>
      %gather3A_409 = tpu.vector_load_idx %arg14[%add3A_408] : memref<512xf32, #tpu.memory_space<vmem>>[vector<16xi32>], vector<16xf32>,
      %add3A_410 = arith.constant 1 : i32
      %add3A_411 = vector.broadcast %add3A_410 : i32 to vector<16xi32>
      %add3A_412 = arith.addi %add3A_408, %add3A_411 : vector<16xi32>
      %gather3A_413 = tpu.vector_load_idx %arg14[%add3A_412] : memref<512xf32, #tpu.memory_space<vmem>>[vector<16xi32>], vector<16xf32>,
      %add3A_414 = arith.addf %gather3A_395, %gather3A_400 : vector<16xf32>
      %add3A_415 = arith.addf %add3A_414, %gather3A_409 : vector<16xf32>
      %add3A_416 = arith.addf %gather3A_399, %gather3A_401 : vector<16xf32>
      %add3A_417 = arith.addf %add3A_416, %gather3A_413 : vector<16xf32>
      %gt3A_418 = arith.constant 0.000000e+00 : f32
      %gt3A_419 = vector.broadcast %gt3A_418 : f32 to vector<16xf32>
      %gt3A_420 = arith.cmpf ogt, %add3A_415, %gt3A_419 : vector<16xf32>
      %mul3A_421 = arith.constant 2.000000e-01 : f32
      %mul3A_422 = vector.broadcast %mul3A_421 : f32 to vector<16xf32>
      %mul3A_423 = arith.mulf %mul3A_422, %add3A_415 : vector<16xf32>
      %select_n3A_424 = arith.select %gt3A_420, %add3A_415, %mul3A_423 : vector<16xi1>, vector<16xf32>
      %gt3A_425 = arith.constant 0.000000e+00 : f32
      %gt3A_426 = vector.broadcast %gt3A_425 : f32 to vector<16xf32>
      %gt3A_427 = arith.cmpf ogt, %add3A_417, %gt3A_426 : vector<16xf32>
      %mul3A_428 = arith.constant 2.000000e-01 : f32
      %mul3A_429 = vector.broadcast %mul3A_428 : f32 to vector<16xf32>
      %mul3A_430 = arith.mulf %mul3A_429, %add3A_417 : vector<16xf32>
      %select_n3A_431 = arith.select %gt3A_427, %add3A_417, %mul3A_430 : vector<16xi1>, vector<16xf32>
      %exp3A_432 = math.exp %select_n3A_424 : vector<16xf32>
      tpu.vector_store_idx %arg15[%add3A_391, %broadcast_in_dim3A_5], %exp3A_432 : memref<128x2xf32, #tpu.memory_space<vmem>>[vector<16xi32>, vector<16xi32>], vector<16xf32>,
      %exp3A_433 = math.exp %select_n3A_431 : vector<16xf32>
      tpu.vector_store_idx %arg15[%add3A_391, %broadcast_in_dim3A_7], %exp3A_433 : memref<128x2xf32, #tpu.memory_space<vmem>>[vector<16xi32>, vector<16xi32>], vector<16xf32>,
      %add3A_434 = arith.constant 96 : i32
      %add3A_435 = vector.broadcast %add3A_434 : i32 to vector<16xi32>
      %add3A_436 = arith.addi %iota3A, %add3A_435 : vector<16xi32>
      %add3A_437 = arith.constant 128 : i32
      %add3A_438 = vector.broadcast %add3A_437 : i32 to vector<16xi32>
      %add3A_439 = arith.addi %broadcast_in_dim3A_5, %add3A_438 : vector<16xi32>
      %gather3A_440 = tpu.vector_load_idx %arg12[%add3A_436, %add3A_439] : memref<128x144xf32, #tpu.memory_space<vmem>>[vector<16xi32>, vector<16xi32>], vector<16xf32>,
      %add3A_441 = arith.constant 129 : i32
      %add3A_442 = vector.broadcast %add3A_441 : i32 to vector<16xi32>
      %add3A_443 = arith.addi %broadcast_in_dim3A_5, %add3A_442 : vector<16xi32>
      %gather3A_444 = tpu.vector_load_idx %arg12[%add3A_436, %add3A_443] : memref<128x144xf32, #tpu.memory_space<vmem>>[vector<16xi32>, vector<16xi32>], vector<16xf32>,
      %gather3A_445 = tpu.vector_load_idx %arg13[%add3A_436, %broadcast_in_dim3A_5] : memref<128x16xf32, #tpu.memory_space<vmem>>[vector<16xi32>, vector<16xi32>], vector<16xf32>,
      %gather3A_446 = tpu.vector_load_idx %arg13[%add3A_436, %broadcast_in_dim3A_7] : memref<128x16xf32, #tpu.memory_space<vmem>>[vector<16xi32>, vector<16xi32>], vector<16xf32>,
      %mul3A_447 = arith.constant 4 : i32
      %mul3A_448 = vector.broadcast %mul3A_447 : i32 to vector<16xi32>
      %mul3A_449 = arith.muli %add3A_436, %mul3A_448 : vector<16xi32>
      %mul3A_450 = arith.constant 2 : i32
      %mul3A_451 = arith.muli %mul3A_450, %arg0 : i32
      %add3A_452 = vector.broadcast %mul3A_451 : i32 to vector<16xi32>
      %add3A_453 = arith.addi %mul3A_449, %add3A_452 : vector<16xi32>
      %gather3A_454 = tpu.vector_load_idx %arg14[%add3A_453] : memref<512xf32, #tpu.memory_space<vmem>>[vector<16xi32>], vector<16xf32>,
      %add3A_455 = arith.constant 1 : i32
      %add3A_456 = vector.broadcast %add3A_455 : i32 to vector<16xi32>
      %add3A_457 = arith.addi %add3A_453, %add3A_456 : vector<16xi32>
      %gather3A_458 = tpu.vector_load_idx %arg14[%add3A_457] : memref<512xf32, #tpu.memory_space<vmem>>[vector<16xi32>], vector<16xf32>,
      %add3A_459 = arith.addf %gather3A_440, %gather3A_445 : vector<16xf32>
      %add3A_460 = arith.addf %add3A_459, %gather3A_454 : vector<16xf32>
      %add3A_461 = arith.addf %gather3A_444, %gather3A_446 : vector<16xf32>
      %add3A_462 = arith.addf %add3A_461, %gather3A_458 : vector<16xf32>
      %gt3A_463 = arith.constant 0.000000e+00 : f32
      %gt3A_464 = vector.broadcast %gt3A_463 : f32 to vector<16xf32>
      %gt3A_465 = arith.cmpf ogt, %add3A_460, %gt3A_464 : vector<16xf32>
      %mul3A_466 = arith.constant 2.000000e-01 : f32
      %mul3A_467 = vector.broadcast %mul3A_466 : f32 to vector<16xf32>
      %mul3A_468 = arith.mulf %mul3A_467, %add3A_460 : vector<16xf32>
      %select_n3A_469 = arith.select %gt3A_465, %add3A_460, %mul3A_468 : vector<16xi1>, vector<16xf32>
      %gt3A_470 = arith.constant 0.000000e+00 : f32
      %gt3A_471 = vector.broadcast %gt3A_470 : f32 to vector<16xf32>
      %gt3A_472 = arith.cmpf ogt, %add3A_462, %gt3A_471 : vector<16xf32>
      %mul3A_473 = arith.constant 2.000000e-01 : f32
      %mul3A_474 = vector.broadcast %mul3A_473 : f32 to vector<16xf32>
      %mul3A_475 = arith.mulf %mul3A_474, %add3A_462 : vector<16xf32>
      %select_n3A_476 = arith.select %gt3A_472, %add3A_462, %mul3A_475 : vector<16xi1>, vector<16xf32>
      %exp3A_477 = math.exp %select_n3A_469 : vector<16xf32>
      tpu.vector_store_idx %arg15[%add3A_436, %broadcast_in_dim3A_5], %exp3A_477 : memref<128x2xf32, #tpu.memory_space<vmem>>[vector<16xi32>, vector<16xi32>], vector<16xf32>,
      %exp3A_478 = math.exp %select_n3A_476 : vector<16xf32>
      tpu.vector_store_idx %arg15[%add3A_436, %broadcast_in_dim3A_7], %exp3A_478 : memref<128x2xf32, #tpu.memory_space<vmem>>[vector<16xi32>, vector<16xi32>], vector<16xf32>,
      %add3A_479 = arith.constant 112 : i32
      %add3A_480 = vector.broadcast %add3A_479 : i32 to vector<16xi32>
      %add3A_481 = arith.addi %iota3A, %add3A_480 : vector<16xi32>
      %add3A_482 = arith.constant 128 : i32
      %add3A_483 = vector.broadcast %add3A_482 : i32 to vector<16xi32>
      %add3A_484 = arith.addi %broadcast_in_dim3A_5, %add3A_483 : vector<16xi32>
      %gather3A_485 = tpu.vector_load_idx %arg12[%add3A_481, %add3A_484] : memref<128x144xf32, #tpu.memory_space<vmem>>[vector<16xi32>, vector<16xi32>], vector<16xf32>,
      %add3A_486 = arith.constant 129 : i32
      %add3A_487 = vector.broadcast %add3A_486 : i32 to vector<16xi32>
      %add3A_488 = arith.addi %broadcast_in_dim3A_5, %add3A_487 : vector<16xi32>
      %gather3A_489 = tpu.vector_load_idx %arg12[%add3A_481, %add3A_488] : memref<128x144xf32, #tpu.memory_space<vmem>>[vector<16xi32>, vector<16xi32>], vector<16xf32>,
      %gather3A_490 = tpu.vector_load_idx %arg13[%add3A_481, %broadcast_in_dim3A_5] : memref<128x16xf32, #tpu.memory_space<vmem>>[vector<16xi32>, vector<16xi32>], vector<16xf32>,
      %gather3A_491 = tpu.vector_load_idx %arg13[%add3A_481, %broadcast_in_dim3A_7] : memref<128x16xf32, #tpu.memory_space<vmem>>[vector<16xi32>, vector<16xi32>], vector<16xf32>,
      %mul3A_492 = arith.constant 4 : i32
      %mul3A_493 = vector.broadcast %mul3A_492 : i32 to vector<16xi32>
      %mul3A_494 = arith.muli %add3A_481, %mul3A_493 : vector<16xi32>
      %mul3A_495 = arith.constant 2 : i32
      %mul3A_496 = arith.muli %mul3A_495, %arg0 : i32
      %add3A_497 = vector.broadcast %mul3A_496 : i32 to vector<16xi32>
      %add3A_498 = arith.addi %mul3A_494, %add3A_497 : vector<16xi32>
      %gather3A_499 = tpu.vector_load_idx %arg14[%add3A_498] : memref<512xf32, #tpu.memory_space<vmem>>[vector<16xi32>], vector<16xf32>,
      %add3A_500 = arith.constant 1 : i32
      %add3A_501 = vector.broadcast %add3A_500 : i32 to vector<16xi32>
      %add3A_502 = arith.addi %add3A_498, %add3A_501 : vector<16xi32>
      %gather3A_503 = tpu.vector_load_idx %arg14[%add3A_502] : memref<512xf32, #tpu.memory_space<vmem>>[vector<16xi32>], vector<16xf32>,
      %add3A_504 = arith.addf %gather3A_485, %gather3A_490 : vector<16xf32>
      %add3A_505 = arith.addf %add3A_504, %gather3A_499 : vector<16xf32>
      %add3A_506 = arith.addf %gather3A_489, %gather3A_491 : vector<16xf32>
      %add3A_507 = arith.addf %add3A_506, %gather3A_503 : vector<16xf32>
      %gt3A_508 = arith.constant 0.000000e+00 : f32
      %gt3A_509 = vector.broadcast %gt3A_508 : f32 to vector<16xf32>
      %gt3A_510 = arith.cmpf ogt, %add3A_505, %gt3A_509 : vector<16xf32>
      %mul3A_511 = arith.constant 2.000000e-01 : f32
      %mul3A_512 = vector.broadcast %mul3A_511 : f32 to vector<16xf32>
      %mul3A_513 = arith.mulf %mul3A_512, %add3A_505 : vector<16xf32>
      %select_n3A_514 = arith.select %gt3A_510, %add3A_505, %mul3A_513 : vector<16xi1>, vector<16xf32>
      %gt3A_515 = arith.constant 0.000000e+00 : f32
      %gt3A_516 = vector.broadcast %gt3A_515 : f32 to vector<16xf32>
      %gt3A_517 = arith.cmpf ogt, %add3A_507, %gt3A_516 : vector<16xf32>
      %mul3A_518 = arith.constant 2.000000e-01 : f32
      %mul3A_519 = vector.broadcast %mul3A_518 : f32 to vector<16xf32>
      %mul3A_520 = arith.mulf %mul3A_519, %add3A_507 : vector<16xf32>
      %select_n3A_521 = arith.select %gt3A_517, %add3A_507, %mul3A_520 : vector<16xi1>, vector<16xf32>
      %exp3A_522 = math.exp %select_n3A_514 : vector<16xf32>
      tpu.vector_store_idx %arg15[%add3A_481, %broadcast_in_dim3A_5], %exp3A_522 : memref<128x2xf32, #tpu.memory_space<vmem>>[vector<16xi32>, vector<16xi32>], vector<16xf32>,
      %exp3A_523 = math.exp %select_n3A_521 : vector<16xf32>
      tpu.vector_store_idx %arg15[%add3A_481, %broadcast_in_dim3A_7], %exp3A_523 : memref<128x2xf32, #tpu.memory_space<vmem>>[vector<16xi32>, vector<16xi32>], vector<16xf32>,
      %scan3A_524 = arith.constant 0 : i32
      %scan3A_525 = arith.constant 0 : i32
      %scan3A_526 = arith.constant 128 : i32
      %scan3A_527 = arith.addi %scan3A_525, %scan3A_526 : i32
      %scan3A_528 = arith.constant 1 : i32
      scf.for %scan3A_530 = %scan3A_525 to %scan3A_527 step %scan3A_528  : i32 {
        %broadcast_in_dim3A_531 = vector.broadcast %scan3A_530 : i32 to vector<16xi32>
        %gather3A_532 = tpu.vector_load_idx %arg15[%broadcast_in_dim3A_531, %broadcast_in_dim3A_5] : memref<128x2xf32, #tpu.memory_space<vmem>>[vector<16xi32>, vector<16xi32>], vector<16xf32>,
        %gather3A_533 = tpu.vector_load_idx %arg15[%broadcast_in_dim3A_531, %broadcast_in_dim3A_7] : memref<128x2xf32, #tpu.memory_space<vmem>>[vector<16xi32>, vector<16xi32>], vector<16xf32>,
        %get3A_534 = arith.index_cast %scan3A_530 : i32 to index
        %get3A_535 = arith.constant 0 : index
        %get3A_536 = tpu.vector_load %arg12[%get3A_534, %get3A_535] {strides = array<i32>} : memref<128x144xf32, #tpu.memory_space<vmem>>, vector<16xf32>,
        %mul3A_537 = arith.mulf %get3A_536, %gather3A_532 : vector<16xf32>
        %swap3A_538 = arith.index_cast %scan3A_530 : i32 to index
        %swap3A_539 = arith.constant 0 : index
        %swap3A_540 = tpu.vector_load %arg12[%swap3A_538, %swap3A_539] {strides = array<i32>} : memref<128x144xf32, #tpu.memory_space<vmem>>, vector<16xf32>,
        tpu.vector_store %arg12[%swap3A_538, %swap3A_539], %mul3A_537 {strides = array<i32>} : memref<128x144xf32, #tpu.memory_space<vmem>>, vector<16xf32>,
        %get3A_541 = arith.index_cast %scan3A_530 : i32 to index
        %get3A_542 = arith.constant 16 : index
        %get3A_543 = tpu.vector_load %arg12[%get3A_541, %get3A_542] {strides = array<i32>} : memref<128x144xf32, #tpu.memory_space<vmem>>, vector<16xf32>,
        %mul3A_544 = arith.mulf %get3A_543, %gather3A_532 : vector<16xf32>
        %swap3A_545 = arith.index_cast %scan3A_530 : i32 to index
        %swap3A_546 = arith.constant 16 : index
        %swap3A_547 = tpu.vector_load %arg12[%swap3A_545, %swap3A_546] {strides = array<i32>} : memref<128x144xf32, #tpu.memory_space<vmem>>, vector<16xf32>,
        tpu.vector_store %arg12[%swap3A_545, %swap3A_546], %mul3A_544 {strides = array<i32>} : memref<128x144xf32, #tpu.memory_space<vmem>>, vector<16xf32>,
        %get3A_548 = arith.index_cast %scan3A_530 : i32 to index
        %get3A_549 = arith.constant 32 : index
        %get3A_550 = tpu.vector_load %arg12[%get3A_548, %get3A_549] {strides = array<i32>} : memref<128x144xf32, #tpu.memory_space<vmem>>, vector<16xf32>,
        %mul3A_551 = arith.mulf %get3A_550, %gather3A_532 : vector<16xf32>
        %swap3A_552 = arith.index_cast %scan3A_530 : i32 to index
        %swap3A_553 = arith.constant 32 : index
        %swap3A_554 = tpu.vector_load %arg12[%swap3A_552, %swap3A_553] {strides = array<i32>} : memref<128x144xf32, #tpu.memory_space<vmem>>, vector<16xf32>,
        tpu.vector_store %arg12[%swap3A_552, %swap3A_553], %mul3A_551 {strides = array<i32>} : memref<128x144xf32, #tpu.memory_space<vmem>>, vector<16xf32>,
        %get3A_555 = arith.index_cast %scan3A_530 : i32 to index
        %get3A_556 = arith.constant 48 : index
        %get3A_557 = tpu.vector_load %arg12[%get3A_555, %get3A_556] {strides = array<i32>} : memref<128x144xf32, #tpu.memory_space<vmem>>, vector<16xf32>,
        %mul3A_558 = arith.mulf %get3A_557, %gather3A_532 : vector<16xf32>
        %swap3A_559 = arith.index_cast %scan3A_530 : i32 to index
        %swap3A_560 = arith.constant 48 : index
        %swap3A_561 = tpu.vector_load %arg12[%swap3A_559, %swap3A_560] {strides = array<i32>} : memref<128x144xf32, #tpu.memory_space<vmem>>, vector<16xf32>,
        tpu.vector_store %arg12[%swap3A_559, %swap3A_560], %mul3A_558 {strides = array<i32>} : memref<128x144xf32, #tpu.memory_space<vmem>>, vector<16xf32>,
        %get3A_562 = arith.index_cast %scan3A_530 : i32 to index
        %get3A_563 = arith.constant 64 : index
        %get3A_564 = tpu.vector_load %arg12[%get3A_562, %get3A_563] {strides = array<i32>} : memref<128x144xf32, #tpu.memory_space<vmem>>, vector<16xf32>,
        %mul3A_565 = arith.mulf %get3A_564, %gather3A_533 : vector<16xf32>
        %swap3A_566 = arith.index_cast %scan3A_530 : i32 to index
        %swap3A_567 = arith.constant 64 : index
        %swap3A_568 = tpu.vector_load %arg12[%swap3A_566, %swap3A_567] {strides = array<i32>} : memref<128x144xf32, #tpu.memory_space<vmem>>, vector<16xf32>,
        tpu.vector_store %arg12[%swap3A_566, %swap3A_567], %mul3A_565 {strides = array<i32>} : memref<128x144xf32, #tpu.memory_space<vmem>>, vector<16xf32>,
        %get3A_569 = arith.index_cast %scan3A_530 : i32 to index
        %get3A_570 = arith.constant 80 : index
        %get3A_571 = tpu.vector_load %arg12[%get3A_569, %get3A_570] {strides = array<i32>} : memref<128x144xf32, #tpu.memory_space<vmem>>, vector<16xf32>,
        %mul3A_572 = arith.mulf %get3A_571, %gather3A_533 : vector<16xf32>
        %swap3A_573 = arith.index_cast %scan3A_530 : i32 to index
        %swap3A_574 = arith.constant 80 : index
        %swap3A_575 = tpu.vector_load %arg12[%swap3A_573, %swap3A_574] {strides = array<i32>} : memref<128x144xf32, #tpu.memory_space<vmem>>, vector<16xf32>,
        tpu.vector_store %arg12[%swap3A_573, %swap3A_574], %mul3A_572 {strides = array<i32>} : memref<128x144xf32, #tpu.memory_space<vmem>>, vector<16xf32>,
        %get3A_576 = arith.index_cast %scan3A_530 : i32 to index
        %get3A_577 = arith.constant 96 : index
        %get3A_578 = tpu.vector_load %arg12[%get3A_576, %get3A_577] {strides = array<i32>} : memref<128x144xf32, #tpu.memory_space<vmem>>, vector<16xf32>,
        %mul3A_579 = arith.mulf %get3A_578, %gather3A_533 : vector<16xf32>
        %swap3A_580 = arith.index_cast %scan3A_530 : i32 to index
        %swap3A_581 = arith.constant 96 : index
        %swap3A_582 = tpu.vector_load %arg12[%swap3A_580, %swap3A_581] {strides = array<i32>} : memref<128x144xf32, #tpu.memory_space<vmem>>, vector<16xf32>,
        tpu.vector_store %arg12[%swap3A_580, %swap3A_581], %mul3A_579 {strides = array<i32>} : memref<128x144xf32, #tpu.memory_space<vmem>>, vector<16xf32>,
        %get3A_583 = arith.index_cast %scan3A_530 : i32 to index
        %get3A_584 = arith.constant 112 : index
        %get3A_585 = tpu.vector_load %arg12[%get3A_583, %get3A_584] {strides = array<i32>} : memref<128x144xf32, #tpu.memory_space<vmem>>, vector<16xf32>,
        %mul3A_586 = arith.mulf %get3A_585, %gather3A_533 : vector<16xf32>
        %swap3A_587 = arith.index_cast %scan3A_530 : i32 to index
        %swap3A_588 = arith.constant 112 : index
        %swap3A_589 = tpu.vector_load %arg12[%swap3A_587, %swap3A_588] {strides = array<i32>} : memref<128x144xf32, #tpu.memory_space<vmem>>, vector<16xf32>,
        tpu.vector_store %arg12[%swap3A_587, %swap3A_588], %mul3A_586 {strides = array<i32>} : memref<128x144xf32, #tpu.memory_space<vmem>>, vector<16xf32>,
        %eq3A = arith.constant 0 : i32
        %eq3A_590 = vector.broadcast %eq3A : i32 to vector<16xi32>
        %eq3A_591 = arith.cmpi eq, %iota3A, %eq3A_590 : vector<16xi32>
        %jit3A = arith.constant 0.000000e+00 : f32
        %broadcast_in_dim3A_592 = vector.broadcast %jit3A : f32 to vector<16xf32>
        %select_n3A_593 = arith.select %eq3A_591, %gather3A_532, %broadcast_in_dim3A_592 : vector<16xi1>, vector<16xf32>
        %eq3A_594 = arith.constant 1 : i32
        %eq3A_595 = vector.broadcast %eq3A_594 : i32 to vector<16xi32>
        %eq3A_596 = arith.cmpi eq, %iota3A, %eq3A_595 : vector<16xi32>
        %jit3A_597 = arith.constant 0.000000e+00 : f32
        %broadcast_in_dim3A_598 = vector.broadcast %jit3A_597 : f32 to vector<16xf32>
        %select_n3A_599 = arith.select %eq3A_596, %gather3A_533, %broadcast_in_dim3A_598 : vector<16xi1>, vector<16xf32>
        %add3A_600 = arith.addf %select_n3A_593, %select_n3A_599 : vector<16xf32>
        %swap3A_601 = arith.index_cast %scan3A_530 : i32 to index
        %swap3A_602 = arith.constant 128 : index
        %swap3A_603 = tpu.vector_load %arg12[%swap3A_601, %swap3A_602] {strides = array<i32>} : memref<128x144xf32, #tpu.memory_space<vmem>>, vector<16xf32>,
        tpu.vector_store %arg12[%swap3A_601, %swap3A_602], %add3A_600 {strides = array<i32>} : memref<128x144xf32, #tpu.memory_space<vmem>>, vector<16xf32>,
      }
      %scan3A_529 = arith.constant 128 : i32
      "tpu.region"() ({
        %run_scoped3A = tpu.sem_alloc : memref<!tpu.dma_semaphore, #tpu.memory_space<semaphore_mem>>
        %dma_start3A_530 = arith.constant 0 : i32
        %dma_start3A_531 = arith.constant 0 : i32
        %dma_start3A_532 = tpu.memref_slice %arg16[%dma_start3A_530, %dma_start3A_531] : memref<10112x144xf32, #tpu.memory_space<vmem_shared>> -> memref<10112x144xf32, #tpu.memory_space<vmem_shared>>
        tpu.enqueue_indirect_dma source(%arg12 : memref<128x144xf32, #tpu.memory_space<vmem>>) target(%dma_start3A_532 : memref<10112x144xf32, #tpu.memory_space<vmem_shared>>) offsets(%arg9 : memref<128xi32, #tpu.memory_space<vmem>>) semaphore(%run_scoped3A : memref<!tpu.dma_semaphore, #tpu.memory_space<semaphore_mem>>) {add = true}
        %dma_wait3A_533 = arith.constant 0 : i32
        %dma_wait3A_534 = arith.constant 0 : i32
        %dma_wait3A_535 = tpu.memref_slice %arg16[%dma_wait3A_533, %dma_wait3A_534] : memref<10112x144xf32, #tpu.memory_space<vmem_shared>> -> memref<10112x144xf32, #tpu.memory_space<vmem_shared>>
        tpu.wait_indirect_dma semaphore(%run_scoped3A : memref<!tpu.dma_semaphore, #tpu.memory_space<semaphore_mem>>) src(%arg12 : memref<128x144xf32, #tpu.memory_space<vmem>>) dst(%dma_wait3A_535 : memref<10112x144xf32, #tpu.memory_space<vmem_shared>>)
        tpu.yield
      }) : () -> ()
    }
    %scan3A_31 = arith.constant 79 : i32
    %barrier3A_32 = arith.constant 0 : index
    tpu.barrier barrier_id(%barrier3A_32)
    %add3A_33 = arith.constant 0 : i32
    %add3A_34 = arith.addi %mul3A_4, %add3A_33 : i32
    "tpu.region"() ({
      %run_scoped3A = tpu.sem_alloc : memref<!tpu.dma_semaphore, #tpu.memory_space<semaphore_mem>>
      %dma_start3A = arith.constant 0 : i32
      %dma_start3A_58 = arith.constant 0 : i32
      %dma_start3A_59 = tpu.memref_slice %arg12[%dma_start3A, %dma_start3A_58] : memref<128x144xf32, #tpu.memory_space<vmem>> -> memref<128x144xf32, #tpu.memory_space<vmem>>
      %dma_start3A_60 = arith.constant 0 : i32
      %dma_start3A_61 = tpu.memref_slice %arg16[%add3A_34, %dma_start3A_60] : memref<10112x144xf32, #tpu.memory_space<vmem_shared>> -> memref<128x144xf32, #tpu.memory_space<vmem_shared>>
      %dma_start3A_62 = arith.constant 0 : i32
      %dma_start3A_63 = arith.constant 0 : i32
      %dma_start3A_64 = tpu.memref_slice %arg12[%dma_start3A_62, %dma_start3A_63] : memref<128x144xf32, #tpu.memory_space<vmem>> -> memref<128x144xf32, #tpu.memory_space<vmem>>
      %dma_start3A_65 = arith.constant 0 : i32
      %dma_start3A_66 = tpu.memref_slice %arg16[%add3A_34, %dma_start3A_65] : memref<10112x144xf32, #tpu.memory_space<vmem_shared>> -> memref<128x144xf32, #tpu.memory_space<vmem_shared>>
      tpu.enqueue_dma source(%dma_start3A_66 : memref<128x144xf32, #tpu.memory_space<vmem_shared>>) target(%dma_start3A_64 : memref<128x144xf32, #tpu.memory_space<vmem>>) target_semaphore(%run_scoped3A : memref<!tpu.dma_semaphore, #tpu.memory_space<semaphore_mem>>)
      %dma_wait3A = arith.constant 0 : i32
      %dma_wait3A_67 = arith.constant 0 : i32
      %dma_wait3A_68 = tpu.memref_slice %arg12[%dma_wait3A, %dma_wait3A_67] : memref<128x144xf32, #tpu.memory_space<vmem>> -> memref<128x144xf32, #tpu.memory_space<vmem>>
      %dma_wait3A_69 = arith.constant 0 : i32
      %dma_wait3A_70 = tpu.memref_slice %arg16[%add3A_34, %dma_wait3A_69] : memref<10112x144xf32, #tpu.memory_space<vmem_shared>> -> memref<128x144xf32, #tpu.memory_space<vmem_shared>>
      %dma_wait3A_71 = arith.constant 0 : i32
      %dma_wait3A_72 = arith.constant 0 : i32
      %dma_wait3A_73 = tpu.memref_slice %arg12[%dma_wait3A_71, %dma_wait3A_72] : memref<128x144xf32, #tpu.memory_space<vmem>> -> memref<128x144xf32, #tpu.memory_space<vmem>>
      %dma_wait3A_74 = arith.constant 0 : i32
      %dma_wait3A_75 = tpu.memref_slice %arg16[%add3A_34, %dma_wait3A_74] : memref<10112x144xf32, #tpu.memory_space<vmem_shared>> -> memref<128x144xf32, #tpu.memory_space<vmem_shared>>
      tpu.wait_dma2 semaphore(%run_scoped3A : memref<!tpu.dma_semaphore, #tpu.memory_space<semaphore_mem>>) src(%dma_wait3A_75 : memref<128x144xf32, #tpu.memory_space<vmem_shared>>) dst(%dma_wait3A_73 : memref<128x144xf32, #tpu.memory_space<vmem>>)
      tpu.yield
    }) : () -> ()
    %add3A_35 = arith.addi %mul3A_2, %mul3A_4 : i32
    %add3A_36 = arith.constant 0 : i32
    %add3A_37 = arith.addi %add3A_35, %add3A_36 : i32
    "tpu.region"() ({
      %run_scoped3A = tpu.sem_alloc : memref<!tpu.dma_semaphore, #tpu.memory_space<semaphore_mem>>
      %dma_start3A = arith.constant 0 : i32
      %dma_start3A_58 = arith.constant 0 : i32
      %dma_start3A_59 = tpu.memref_slice %arg12[%dma_start3A, %dma_start3A_58] : memref<128x144xf32, #tpu.memory_space<vmem>> -> memref<128x144xf32, #tpu.memory_space<vmem>>
      %dma_start3A_60 = arith.constant 0 : i32
      %dma_start3A_61 = tpu.memref_slice %arg7[%add3A_37, %dma_start3A_60] : memref<20224x144xf32, #tpu.memory_space<hbm>> -> memref<128x144xf32, #tpu.memory_space<hbm>>
      %dma_start3A_62 = arith.constant 0 : i32
      %dma_start3A_63 = tpu.memref_slice %arg7[%add3A_37, %dma_start3A_62] : memref<20224x144xf32, #tpu.memory_space<hbm>> -> memref<128x144xf32, #tpu.memory_space<hbm>>
      %dma_start3A_64 = arith.constant 0 : i32
      %dma_start3A_65 = arith.constant 0 : i32
      %dma_start3A_66 = tpu.memref_slice %arg12[%dma_start3A_64, %dma_start3A_65] : memref<128x144xf32, #tpu.memory_space<vmem>> -> memref<128x144xf32, #tpu.memory_space<vmem>>
      tpu.enqueue_dma source(%dma_start3A_66 : memref<128x144xf32, #tpu.memory_space<vmem>>) target(%dma_start3A_63 : memref<128x144xf32, #tpu.memory_space<hbm>>) target_semaphore(%run_scoped3A : memref<!tpu.dma_semaphore, #tpu.memory_space<semaphore_mem>>)
      %dma_wait3A = arith.constant 0 : i32
      %dma_wait3A_67 = arith.constant 0 : i32
      %dma_wait3A_68 = tpu.memref_slice %arg12[%dma_wait3A, %dma_wait3A_67] : memref<128x144xf32, #tpu.memory_space<vmem>> -> memref<128x144xf32, #tpu.memory_space<vmem>>
      %dma_wait3A_69 = arith.constant 0 : i32
      %dma_wait3A_70 = tpu.memref_slice %arg7[%add3A_37, %dma_wait3A_69] : memref<20224x144xf32, #tpu.memory_space<hbm>> -> memref<128x144xf32, #tpu.memory_space<hbm>>
      %dma_wait3A_71 = arith.constant 0 : i32
      %dma_wait3A_72 = tpu.memref_slice %arg7[%add3A_37, %dma_wait3A_71] : memref<20224x144xf32, #tpu.memory_space<hbm>> -> memref<128x144xf32, #tpu.memory_space<hbm>>
      %dma_wait3A_73 = arith.constant 0 : i32
      %dma_wait3A_74 = arith.constant 0 : i32
      %dma_wait3A_75 = tpu.memref_slice %arg12[%dma_wait3A_73, %dma_wait3A_74] : memref<128x144xf32, #tpu.memory_space<vmem>> -> memref<128x144xf32, #tpu.memory_space<vmem>>
      tpu.wait_dma2 semaphore(%run_scoped3A : memref<!tpu.dma_semaphore, #tpu.memory_space<semaphore_mem>>) src(%dma_wait3A_75 : memref<128x144xf32, #tpu.memory_space<vmem>>) dst(%dma_wait3A_72 : memref<128x144xf32, #tpu.memory_space<hbm>>)
      tpu.yield
    }) : () -> ()
    %add3A_38 = arith.constant 128 : i32
    %add3A_39 = arith.addi %mul3A_4, %add3A_38 : i32
    "tpu.region"() ({
      %run_scoped3A = tpu.sem_alloc : memref<!tpu.dma_semaphore, #tpu.memory_space<semaphore_mem>>
      %dma_start3A = arith.constant 0 : i32
      %dma_start3A_58 = arith.constant 0 : i32
      %dma_start3A_59 = tpu.memref_slice %arg12[%dma_start3A, %dma_start3A_58] : memref<128x144xf32, #tpu.memory_space<vmem>> -> memref<128x144xf32, #tpu.memory_space<vmem>>
      %dma_start3A_60 = arith.constant 0 : i32
      %dma_start3A_61 = tpu.memref_slice %arg16[%add3A_39, %dma_start3A_60] : memref<10112x144xf32, #tpu.memory_space<vmem_shared>> -> memref<128x144xf32, #tpu.memory_space<vmem_shared>>
      %dma_start3A_62 = arith.constant 0 : i32
      %dma_start3A_63 = arith.constant 0 : i32
      %dma_start3A_64 = tpu.memref_slice %arg12[%dma_start3A_62, %dma_start3A_63] : memref<128x144xf32, #tpu.memory_space<vmem>> -> memref<128x144xf32, #tpu.memory_space<vmem>>
      %dma_start3A_65 = arith.constant 0 : i32
      %dma_start3A_66 = tpu.memref_slice %arg16[%add3A_39, %dma_start3A_65] : memref<10112x144xf32, #tpu.memory_space<vmem_shared>> -> memref<128x144xf32, #tpu.memory_space<vmem_shared>>
      tpu.enqueue_dma source(%dma_start3A_66 : memref<128x144xf32, #tpu.memory_space<vmem_shared>>) target(%dma_start3A_64 : memref<128x144xf32, #tpu.memory_space<vmem>>) target_semaphore(%run_scoped3A : memref<!tpu.dma_semaphore, #tpu.memory_space<semaphore_mem>>)
      %dma_wait3A = arith.constant 0 : i32
      %dma_wait3A_67 = arith.constant 0 : i32
      %dma_wait3A_68 = tpu.memref_slice %arg12[%dma_wait3A, %dma_wait3A_67] : memref<128x144xf32, #tpu.memory_space<vmem>> -> memref<128x144xf32, #tpu.memory_space<vmem>>
      %dma_wait3A_69 = arith.constant 0 : i32
      %dma_wait3A_70 = tpu.memref_slice %arg16[%add3A_39, %dma_wait3A_69] : memref<10112x144xf32, #tpu.memory_space<vmem_shared>> -> memref<128x144xf32, #tpu.memory_space<vmem_shared>>
      %dma_wait3A_71 = arith.constant 0 : i32
      %dma_wait3A_72 = arith.constant 0 : i32
      %dma_wait3A_73 = tpu.memref_slice %arg12[%dma_wait3A_71, %dma_wait3A_72] : memref<128x144xf32, #tpu.memory_space<vmem>> -> memref<128x144xf32, #tpu.memory_space<vmem>>
      %dma_wait3A_74 = arith.constant 0 : i32
      %dma_wait3A_75 = tpu.memref_slice %arg16[%add3A_39, %dma_wait3A_74] : memref<10112x144xf32, #tpu.memory_space<vmem_shared>> -> memref<128x144xf32, #tpu.memory_space<vmem_shared>>
      tpu.wait_dma2 semaphore(%run_scoped3A : memref<!tpu.dma_semaphore, #tpu.memory_space<semaphore_mem>>) src(%dma_wait3A_75 : memref<128x144xf32, #tpu.memory_space<vmem_shared>>) dst(%dma_wait3A_73 : memref<128x144xf32, #tpu.memory_space<vmem>>)
      tpu.yield
    }) : () -> ()
    %add3A_40 = arith.addi %mul3A_2, %mul3A_4 : i32
    %add3A_41 = arith.constant 128 : i32
    %add3A_42 = arith.addi %add3A_40, %add3A_41 : i32
    "tpu.region"() ({
      %run_scoped3A = tpu.sem_alloc : memref<!tpu.dma_semaphore, #tpu.memory_space<semaphore_mem>>
      %dma_start3A = arith.constant 0 : i32
      %dma_start3A_58 = arith.constant 0 : i32
      %dma_start3A_59 = tpu.memref_slice %arg12[%dma_start3A, %dma_start3A_58] : memref<128x144xf32, #tpu.memory_space<vmem>> -> memref<128x144xf32, #tpu.memory_space<vmem>>
      %dma_start3A_60 = arith.constant 0 : i32
      %dma_start3A_61 = tpu.memref_slice %arg7[%add3A_42, %dma_start3A_60] : memref<20224x144xf32, #tpu.memory_space<hbm>> -> memref<128x144xf32, #tpu.memory_space<hbm>>
      %dma_start3A_62 = arith.constant 0 : i32
      %dma_start3A_63 = tpu.memref_slice %arg7[%add3A_42, %dma_start3A_62] : memref<20224x144xf32, #tpu.memory_space<hbm>> -> memref<128x144xf32, #tpu.memory_space<hbm>>
      %dma_start3A_64 = arith.constant 0 : i32
      %dma_start3A_65 = arith.constant 0 : i32
      %dma_start3A_66 = tpu.memref_slice %arg12[%dma_start3A_64, %dma_start3A_65] : memref<128x144xf32, #tpu.memory_space<vmem>> -> memref<128x144xf32, #tpu.memory_space<vmem>>
      tpu.enqueue_dma source(%dma_start3A_66 : memref<128x144xf32, #tpu.memory_space<vmem>>) target(%dma_start3A_63 : memref<128x144xf32, #tpu.memory_space<hbm>>) target_semaphore(%run_scoped3A : memref<!tpu.dma_semaphore, #tpu.memory_space<semaphore_mem>>)
      %dma_wait3A = arith.constant 0 : i32
      %dma_wait3A_67 = arith.constant 0 : i32
      %dma_wait3A_68 = tpu.memref_slice %arg12[%dma_wait3A, %dma_wait3A_67] : memref<128x144xf32, #tpu.memory_space<vmem>> -> memref<128x144xf32, #tpu.memory_space<vmem>>
      %dma_wait3A_69 = arith.constant 0 : i32
      %dma_wait3A_70 = tpu.memref_slice %arg7[%add3A_42, %dma_wait3A_69] : memref<20224x144xf32, #tpu.memory_space<hbm>> -> memref<128x144xf32, #tpu.memory_space<hbm>>
      %dma_wait3A_71 = arith.constant 0 : i32
      %dma_wait3A_72 = tpu.memref_slice %arg7[%add3A_42, %dma_wait3A_71] : memref<20224x144xf32, #tpu.memory_space<hbm>> -> memref<128x144xf32, #tpu.memory_space<hbm>>
      %dma_wait3A_73 = arith.constant 0 : i32
      %dma_wait3A_74 = arith.constant 0 : i32
      %dma_wait3A_75 = tpu.memref_slice %arg12[%dma_wait3A_73, %dma_wait3A_74] : memref<128x144xf32, #tpu.memory_space<vmem>> -> memref<128x144xf32, #tpu.memory_space<vmem>>
      tpu.wait_dma2 semaphore(%run_scoped3A : memref<!tpu.dma_semaphore, #tpu.memory_space<semaphore_mem>>) src(%dma_wait3A_75 : memref<128x144xf32, #tpu.memory_space<vmem>>) dst(%dma_wait3A_72 : memref<128x144xf32, #tpu.memory_space<hbm>>)
      tpu.yield
    }) : () -> ()
    %add3A_43 = arith.constant 256 : i32
    %add3A_44 = arith.addi %mul3A_4, %add3A_43 : i32
    "tpu.region"() ({
      %run_scoped3A = tpu.sem_alloc : memref<!tpu.dma_semaphore, #tpu.memory_space<semaphore_mem>>
      %dma_start3A = arith.constant 0 : i32
      %dma_start3A_58 = arith.constant 0 : i32
      %dma_start3A_59 = tpu.memref_slice %arg12[%dma_start3A, %dma_start3A_58] : memref<128x144xf32, #tpu.memory_space<vmem>> -> memref<128x144xf32, #tpu.memory_space<vmem>>
      %dma_start3A_60 = arith.constant 0 : i32
      %dma_start3A_61 = tpu.memref_slice %arg16[%add3A_44, %dma_start3A_60] : memref<10112x144xf32, #tpu.memory_space<vmem_shared>> -> memref<128x144xf32, #tpu.memory_space<vmem_shared>>
      %dma_start3A_62 = arith.constant 0 : i32
      %dma_start3A_63 = arith.constant 0 : i32
      %dma_start3A_64 = tpu.memref_slice %arg12[%dma_start3A_62, %dma_start3A_63] : memref<128x144xf32, #tpu.memory_space<vmem>> -> memref<128x144xf32, #tpu.memory_space<vmem>>
      %dma_start3A_65 = arith.constant 0 : i32
      %dma_start3A_66 = tpu.memref_slice %arg16[%add3A_44, %dma_start3A_65] : memref<10112x144xf32, #tpu.memory_space<vmem_shared>> -> memref<128x144xf32, #tpu.memory_space<vmem_shared>>
      tpu.enqueue_dma source(%dma_start3A_66 : memref<128x144xf32, #tpu.memory_space<vmem_shared>>) target(%dma_start3A_64 : memref<128x144xf32, #tpu.memory_space<vmem>>) target_semaphore(%run_scoped3A : memref<!tpu.dma_semaphore, #tpu.memory_space<semaphore_mem>>)
      %dma_wait3A = arith.constant 0 : i32
      %dma_wait3A_67 = arith.constant 0 : i32
      %dma_wait3A_68 = tpu.memref_slice %arg12[%dma_wait3A, %dma_wait3A_67] : memref<128x144xf32, #tpu.memory_space<vmem>> -> memref<128x144xf32, #tpu.memory_space<vmem>>
      %dma_wait3A_69 = arith.constant 0 : i32
      %dma_wait3A_70 = tpu.memref_slice %arg16[%add3A_44, %dma_wait3A_69] : memref<10112x144xf32, #tpu.memory_space<vmem_shared>> -> memref<128x144xf32, #tpu.memory_space<vmem_shared>>
      %dma_wait3A_71 = arith.constant 0 : i32
      %dma_wait3A_72 = arith.constant 0 : i32
      %dma_wait3A_73 = tpu.memref_slice %arg12[%dma_wait3A_71, %dma_wait3A_72] : memref<128x144xf32, #tpu.memory_space<vmem>> -> memref<128x144xf32, #tpu.memory_space<vmem>>
      %dma_wait3A_74 = arith.constant 0 : i32
      %dma_wait3A_75 = tpu.memref_slice %arg16[%add3A_44, %dma_wait3A_74] : memref<10112x144xf32, #tpu.memory_space<vmem_shared>> -> memref<128x144xf32, #tpu.memory_space<vmem_shared>>
      tpu.wait_dma2 semaphore(%run_scoped3A : memref<!tpu.dma_semaphore, #tpu.memory_space<semaphore_mem>>) src(%dma_wait3A_75 : memref<128x144xf32, #tpu.memory_space<vmem_shared>>) dst(%dma_wait3A_73 : memref<128x144xf32, #tpu.memory_space<vmem>>)
      tpu.yield
    }) : () -> ()
    %add3A_45 = arith.addi %mul3A_2, %mul3A_4 : i32
    %add3A_46 = arith.constant 256 : i32
    %add3A_47 = arith.addi %add3A_45, %add3A_46 : i32
    "tpu.region"() ({
      %run_scoped3A = tpu.sem_alloc : memref<!tpu.dma_semaphore, #tpu.memory_space<semaphore_mem>>
      %dma_start3A = arith.constant 0 : i32
      %dma_start3A_58 = arith.constant 0 : i32
      %dma_start3A_59 = tpu.memref_slice %arg12[%dma_start3A, %dma_start3A_58] : memref<128x144xf32, #tpu.memory_space<vmem>> -> memref<128x144xf32, #tpu.memory_space<vmem>>
      %dma_start3A_60 = arith.constant 0 : i32
      %dma_start3A_61 = tpu.memref_slice %arg7[%add3A_47, %dma_start3A_60] : memref<20224x144xf32, #tpu.memory_space<hbm>> -> memref<128x144xf32, #tpu.memory_space<hbm>>
      %dma_start3A_62 = arith.constant 0 : i32
      %dma_start3A_63 = tpu.memref_slice %arg7[%add3A_47, %dma_start3A_62] : memref<20224x144xf32, #tpu.memory_space<hbm>> -> memref<128x144xf32, #tpu.memory_space<hbm>>
      %dma_start3A_64 = arith.constant 0 : i32
      %dma_start3A_65 = arith.constant 0 : i32
      %dma_start3A_66 = tpu.memref_slice %arg12[%dma_start3A_64, %dma_start3A_65] : memref<128x144xf32, #tpu.memory_space<vmem>> -> memref<128x144xf32, #tpu.memory_space<vmem>>
      tpu.enqueue_dma source(%dma_start3A_66 : memref<128x144xf32, #tpu.memory_space<vmem>>) target(%dma_start3A_63 : memref<128x144xf32, #tpu.memory_space<hbm>>) target_semaphore(%run_scoped3A : memref<!tpu.dma_semaphore, #tpu.memory_space<semaphore_mem>>)
      %dma_wait3A = arith.constant 0 : i32
      %dma_wait3A_67 = arith.constant 0 : i32
      %dma_wait3A_68 = tpu.memref_slice %arg12[%dma_wait3A, %dma_wait3A_67] : memref<128x144xf32, #tpu.memory_space<vmem>> -> memref<128x144xf32, #tpu.memory_space<vmem>>
      %dma_wait3A_69 = arith.constant 0 : i32
      %dma_wait3A_70 = tpu.memref_slice %arg7[%add3A_47, %dma_wait3A_69] : memref<20224x144xf32, #tpu.memory_space<hbm>> -> memref<128x144xf32, #tpu.memory_space<hbm>>
      %dma_wait3A_71 = arith.constant 0 : i32
      %dma_wait3A_72 = tpu.memref_slice %arg7[%add3A_47, %dma_wait3A_71] : memref<20224x144xf32, #tpu.memory_space<hbm>> -> memref<128x144xf32, #tpu.memory_space<hbm>>
      %dma_wait3A_73 = arith.constant 0 : i32
      %dma_wait3A_74 = arith.constant 0 : i32
      %dma_wait3A_75 = tpu.memref_slice %arg12[%dma_wait3A_73, %dma_wait3A_74] : memref<128x144xf32, #tpu.memory_space<vmem>> -> memref<128x144xf32, #tpu.memory_space<vmem>>
      tpu.wait_dma2 semaphore(%run_scoped3A : memref<!tpu.dma_semaphore, #tpu.memory_space<semaphore_mem>>) src(%dma_wait3A_75 : memref<128x144xf32, #tpu.memory_space<vmem>>) dst(%dma_wait3A_72 : memref<128x144xf32, #tpu.memory_space<hbm>>)
      tpu.yield
    }) : () -> ()
    %add3A_48 = arith.constant 384 : i32
    %add3A_49 = arith.addi %mul3A_4, %add3A_48 : i32
    "tpu.region"() ({
      %run_scoped3A = tpu.sem_alloc : memref<!tpu.dma_semaphore, #tpu.memory_space<semaphore_mem>>
      %dma_start3A = arith.constant 0 : i32
      %dma_start3A_58 = arith.constant 0 : i32
      %dma_start3A_59 = tpu.memref_slice %arg12[%dma_start3A, %dma_start3A_58] : memref<128x144xf32, #tpu.memory_space<vmem>> -> memref<128x144xf32, #tpu.memory_space<vmem>>
      %dma_start3A_60 = arith.constant 0 : i32
      %dma_start3A_61 = tpu.memref_slice %arg16[%add3A_49, %dma_start3A_60] : memref<10112x144xf32, #tpu.memory_space<vmem_shared>> -> memref<128x144xf32, #tpu.memory_space<vmem_shared>>
      %dma_start3A_62 = arith.constant 0 : i32
      %dma_start3A_63 = arith.constant 0 : i32
      %dma_start3A_64 = tpu.memref_slice %arg12[%dma_start3A_62, %dma_start3A_63] : memref<128x144xf32, #tpu.memory_space<vmem>> -> memref<128x144xf32, #tpu.memory_space<vmem>>
      %dma_start3A_65 = arith.constant 0 : i32
      %dma_start3A_66 = tpu.memref_slice %arg16[%add3A_49, %dma_start3A_65] : memref<10112x144xf32, #tpu.memory_space<vmem_shared>> -> memref<128x144xf32, #tpu.memory_space<vmem_shared>>
      tpu.enqueue_dma source(%dma_start3A_66 : memref<128x144xf32, #tpu.memory_space<vmem_shared>>) target(%dma_start3A_64 : memref<128x144xf32, #tpu.memory_space<vmem>>) target_semaphore(%run_scoped3A : memref<!tpu.dma_semaphore, #tpu.memory_space<semaphore_mem>>)
      %dma_wait3A = arith.constant 0 : i32
      %dma_wait3A_67 = arith.constant 0 : i32
      %dma_wait3A_68 = tpu.memref_slice %arg12[%dma_wait3A, %dma_wait3A_67] : memref<128x144xf32, #tpu.memory_space<vmem>> -> memref<128x144xf32, #tpu.memory_space<vmem>>
      %dma_wait3A_69 = arith.constant 0 : i32
      %dma_wait3A_70 = tpu.memref_slice %arg16[%add3A_49, %dma_wait3A_69] : memref<10112x144xf32, #tpu.memory_space<vmem_shared>> -> memref<128x144xf32, #tpu.memory_space<vmem_shared>>
      %dma_wait3A_71 = arith.constant 0 : i32
      %dma_wait3A_72 = arith.constant 0 : i32
      %dma_wait3A_73 = tpu.memref_slice %arg12[%dma_wait3A_71, %dma_wait3A_72] : memref<128x144xf32, #tpu.memory_space<vmem>> -> memref<128x144xf32, #tpu.memory_space<vmem>>
      %dma_wait3A_74 = arith.constant 0 : i32
      %dma_wait3A_75 = tpu.memref_slice %arg16[%add3A_49, %dma_wait3A_74] : memref<10112x144xf32, #tpu.memory_space<vmem_shared>> -> memref<128x144xf32, #tpu.memory_space<vmem_shared>>
      tpu.wait_dma2 semaphore(%run_scoped3A : memref<!tpu.dma_semaphore, #tpu.memory_space<semaphore_mem>>) src(%dma_wait3A_75 : memref<128x144xf32, #tpu.memory_space<vmem_shared>>) dst(%dma_wait3A_73 : memref<128x144xf32, #tpu.memory_space<vmem>>)
      tpu.yield
    }) : () -> ()
    %add3A_50 = arith.addi %mul3A_2, %mul3A_4 : i32
    %add3A_51 = arith.constant 384 : i32
    %add3A_52 = arith.addi %add3A_50, %add3A_51 : i32
    "tpu.region"() ({
      %run_scoped3A = tpu.sem_alloc : memref<!tpu.dma_semaphore, #tpu.memory_space<semaphore_mem>>
      %dma_start3A = arith.constant 0 : i32
      %dma_start3A_58 = arith.constant 0 : i32
      %dma_start3A_59 = tpu.memref_slice %arg12[%dma_start3A, %dma_start3A_58] : memref<128x144xf32, #tpu.memory_space<vmem>> -> memref<128x144xf32, #tpu.memory_space<vmem>>
      %dma_start3A_60 = arith.constant 0 : i32
      %dma_start3A_61 = tpu.memref_slice %arg7[%add3A_52, %dma_start3A_60] : memref<20224x144xf32, #tpu.memory_space<hbm>> -> memref<128x144xf32, #tpu.memory_space<hbm>>
      %dma_start3A_62 = arith.constant 0 : i32
      %dma_start3A_63 = tpu.memref_slice %arg7[%add3A_52, %dma_start3A_62] : memref<20224x144xf32, #tpu.memory_space<hbm>> -> memref<128x144xf32, #tpu.memory_space<hbm>>
      %dma_start3A_64 = arith.constant 0 : i32
      %dma_start3A_65 = arith.constant 0 : i32
      %dma_start3A_66 = tpu.memref_slice %arg12[%dma_start3A_64, %dma_start3A_65] : memref<128x144xf32, #tpu.memory_space<vmem>> -> memref<128x144xf32, #tpu.memory_space<vmem>>
      tpu.enqueue_dma source(%dma_start3A_66 : memref<128x144xf32, #tpu.memory_space<vmem>>) target(%dma_start3A_63 : memref<128x144xf32, #tpu.memory_space<hbm>>) target_semaphore(%run_scoped3A : memref<!tpu.dma_semaphore, #tpu.memory_space<semaphore_mem>>)
      %dma_wait3A = arith.constant 0 : i32
      %dma_wait3A_67 = arith.constant 0 : i32
      %dma_wait3A_68 = tpu.memref_slice %arg12[%dma_wait3A, %dma_wait3A_67] : memref<128x144xf32, #tpu.memory_space<vmem>> -> memref<128x144xf32, #tpu.memory_space<vmem>>
      %dma_wait3A_69 = arith.constant 0 : i32
      %dma_wait3A_70 = tpu.memref_slice %arg7[%add3A_52, %dma_wait3A_69] : memref<20224x144xf32, #tpu.memory_space<hbm>> -> memref<128x144xf32, #tpu.memory_space<hbm>>
      %dma_wait3A_71 = arith.constant 0 : i32
      %dma_wait3A_72 = tpu.memref_slice %arg7[%add3A_52, %dma_wait3A_71] : memref<20224x144xf32, #tpu.memory_space<hbm>> -> memref<128x144xf32, #tpu.memory_space<hbm>>
      %dma_wait3A_73 = arith.constant 0 : i32
      %dma_wait3A_74 = arith.constant 0 : i32
      %dma_wait3A_75 = tpu.memref_slice %arg12[%dma_wait3A_73, %dma_wait3A_74] : memref<128x144xf32, #tpu.memory_space<vmem>> -> memref<128x144xf32, #tpu.memory_space<vmem>>
      tpu.wait_dma2 semaphore(%run_scoped3A : memref<!tpu.dma_semaphore, #tpu.memory_space<semaphore_mem>>) src(%dma_wait3A_75 : memref<128x144xf32, #tpu.memory_space<vmem>>) dst(%dma_wait3A_72 : memref<128x144xf32, #tpu.memory_space<hbm>>)
      tpu.yield
    }) : () -> ()
    %add3A_53 = arith.constant 512 : i32
    %add3A_54 = arith.addi %mul3A_4, %add3A_53 : i32
    "tpu.region"() ({
      %run_scoped3A = tpu.sem_alloc : memref<!tpu.dma_semaphore, #tpu.memory_space<semaphore_mem>>
      %dma_start3A = arith.constant 0 : i32
      %dma_start3A_58 = arith.constant 0 : i32
      %dma_start3A_59 = tpu.memref_slice %arg12[%dma_start3A, %dma_start3A_58] : memref<128x144xf32, #tpu.memory_space<vmem>> -> memref<120x144xf32, #tpu.memory_space<vmem>>
      %dma_start3A_60 = arith.constant 0 : i32
      %dma_start3A_61 = tpu.memref_slice %arg16[%add3A_54, %dma_start3A_60] : memref<10112x144xf32, #tpu.memory_space<vmem_shared>> -> memref<120x144xf32, #tpu.memory_space<vmem_shared>>
      %dma_start3A_62 = arith.constant 0 : i32
      %dma_start3A_63 = arith.constant 0 : i32
      %dma_start3A_64 = tpu.memref_slice %arg12[%dma_start3A_62, %dma_start3A_63] : memref<128x144xf32, #tpu.memory_space<vmem>> -> memref<120x144xf32, #tpu.memory_space<vmem>>
      %dma_start3A_65 = arith.constant 0 : i32
      %dma_start3A_66 = tpu.memref_slice %arg16[%add3A_54, %dma_start3A_65] : memref<10112x144xf32, #tpu.memory_space<vmem_shared>> -> memref<120x144xf32, #tpu.memory_space<vmem_shared>>
      tpu.enqueue_dma source(%dma_start3A_66 : memref<120x144xf32, #tpu.memory_space<vmem_shared>>) target(%dma_start3A_64 : memref<120x144xf32, #tpu.memory_space<vmem>>) target_semaphore(%run_scoped3A : memref<!tpu.dma_semaphore, #tpu.memory_space<semaphore_mem>>)
      %dma_wait3A = arith.constant 0 : i32
      %dma_wait3A_67 = arith.constant 0 : i32
      %dma_wait3A_68 = tpu.memref_slice %arg12[%dma_wait3A, %dma_wait3A_67] : memref<128x144xf32, #tpu.memory_space<vmem>> -> memref<120x144xf32, #tpu.memory_space<vmem>>
      %dma_wait3A_69 = arith.constant 0 : i32
      %dma_wait3A_70 = tpu.memref_slice %arg16[%add3A_54, %dma_wait3A_69] : memref<10112x144xf32, #tpu.memory_space<vmem_shared>> -> memref<120x144xf32, #tpu.memory_space<vmem_shared>>
      %dma_wait3A_71 = arith.constant 0 : i32
      %dma_wait3A_72 = arith.constant 0 : i32
      %dma_wait3A_73 = tpu.memref_slice %arg12[%dma_wait3A_71, %dma_wait3A_72] : memref<128x144xf32, #tpu.memory_space<vmem>> -> memref<120x144xf32, #tpu.memory_space<vmem>>
      %dma_wait3A_74 = arith.constant 0 : i32
      %dma_wait3A_75 = tpu.memref_slice %arg16[%add3A_54, %dma_wait3A_74] : memref<10112x144xf32, #tpu.memory_space<vmem_shared>> -> memref<120x144xf32, #tpu.memory_space<vmem_shared>>
      tpu.wait_dma2 semaphore(%run_scoped3A : memref<!tpu.dma_semaphore, #tpu.memory_space<semaphore_mem>>) src(%dma_wait3A_75 : memref<120x144xf32, #tpu.memory_space<vmem_shared>>) dst(%dma_wait3A_73 : memref<120x144xf32, #tpu.memory_space<vmem>>)
      tpu.yield
    }) : () -> ()
    %add3A_55 = arith.addi %mul3A_2, %mul3A_4 : i32
    %add3A_56 = arith.constant 512 : i32
    %add3A_57 = arith.addi %add3A_55, %add3A_56 : i32
    "tpu.region"() ({
      %run_scoped3A = tpu.sem_alloc : memref<!tpu.dma_semaphore, #tpu.memory_space<semaphore_mem>>
      %dma_start3A = arith.constant 0 : i32
      %dma_start3A_58 = arith.constant 0 : i32
      %dma_start3A_59 = tpu.memref_slice %arg12[%dma_start3A, %dma_start3A_58] : memref<128x144xf32, #tpu.memory_space<vmem>> -> memref<120x144xf32, #tpu.memory_space<vmem>>
      %dma_start3A_60 = arith.constant 0 : i32
      %dma_start3A_61 = tpu.memref_slice %arg7[%add3A_57, %dma_start3A_60] : memref<20224x144xf32, #tpu.memory_space<hbm>> -> memref<120x144xf32, #tpu.memory_space<hbm>>
      %dma_start3A_62 = arith.constant 0 : i32
      %dma_start3A_63 = tpu.memref_slice %arg7[%add3A_57, %dma_start3A_62] : memref<20224x144xf32, #tpu.memory_space<hbm>> -> memref<120x144xf32, #tpu.memory_space<hbm>>
      %dma_start3A_64 = arith.constant 0 : i32
      %dma_start3A_65 = arith.constant 0 : i32
      %dma_start3A_66 = tpu.memref_slice %arg12[%dma_start3A_64, %dma_start3A_65] : memref<128x144xf32, #tpu.memory_space<vmem>> -> memref<120x144xf32, #tpu.memory_space<vmem>>
      tpu.enqueue_dma source(%dma_start3A_66 : memref<120x144xf32, #tpu.memory_space<vmem>>) target(%dma_start3A_63 : memref<120x144xf32, #tpu.memory_space<hbm>>) target_semaphore(%run_scoped3A : memref<!tpu.dma_semaphore, #tpu.memory_space<semaphore_mem>>)
      %dma_wait3A = arith.constant 0 : i32
      %dma_wait3A_67 = arith.constant 0 : i32
      %dma_wait3A_68 = tpu.memref_slice %arg12[%dma_wait3A, %dma_wait3A_67] : memref<128x144xf32, #tpu.memory_space<vmem>> -> memref<120x144xf32, #tpu.memory_space<vmem>>
      %dma_wait3A_69 = arith.constant 0 : i32
      %dma_wait3A_70 = tpu.memref_slice %arg7[%add3A_57, %dma_wait3A_69] : memref<20224x144xf32, #tpu.memory_space<hbm>> -> memref<120x144xf32, #tpu.memory_space<hbm>>
      %dma_wait3A_71 = arith.constant 0 : i32
      %dma_wait3A_72 = tpu.memref_slice %arg7[%add3A_57, %dma_wait3A_71] : memref<20224x144xf32, #tpu.memory_space<hbm>> -> memref<120x144xf32, #tpu.memory_space<hbm>>
      %dma_wait3A_73 = arith.constant 0 : i32
      %dma_wait3A_74 = arith.constant 0 : i32
      %dma_wait3A_75 = tpu.memref_slice %arg12[%dma_wait3A_73, %dma_wait3A_74] : memref<128x144xf32, #tpu.memory_space<vmem>> -> memref<120x144xf32, #tpu.memory_space<vmem>>
      tpu.wait_dma2 semaphore(%run_scoped3A : memref<!tpu.dma_semaphore, #tpu.memory_space<semaphore_mem>>) src(%dma_wait3A_75 : memref<120x144xf32, #tpu.memory_space<vmem>>) dst(%dma_wait3A_72 : memref<120x144xf32, #tpu.memory_space<hbm>>)
      tpu.yield
    }) : () -> ()
    return
  }
}

#map = affine_map<(d0, d1) -> (0, 0)>
#map1 = affine_map<(d0, d1) -> (0)>
module attributes {stable_mosaic.version = 14 : i64} {
  func.func @k(%arg0: i32, %arg1: i32, %arg2: memref<20000x144xf32, #tpu.memory_space<hbm>>, %arg3: memref<20000x16xf32, #tpu.memory_space<hbm>>, %arg4: memref<647168xf32, #tpu.memory_space<hbm>>, %arg5: memref<161792xi32, #tpu.memory_space<hbm>>, %arg6: memref<161792xi32, #tpu.memory_space<hbm>>, %arg7: memref<20224x144xf32, #tpu.memory_space<hbm>>, %arg8: memref<128xi32, #tpu.memory_space<vmem>>, %arg9: memref<128xi32, #tpu.memory_space<vmem>>, %arg10: memref<128xi32, #tpu.memory_space<vmem>>, %arg11: memref<128xi32, #tpu.memory_space<vmem>>, %arg12: memref<128x144xf32, #tpu.memory_space<vmem>>, %arg13: memref<128x16xf32, #tpu.memory_space<vmem>>, %arg14: memref<512xf32, #tpu.memory_space<vmem>>, %arg15: memref<128x2xf32, #tpu.memory_space<vmem>>, %arg16: memref<10112x144xf32, #tpu.memory_space<vmem_shared>>, %arg17: memref<!tpu.dma_semaphore, #tpu.memory_space<semaphore_mem>>, %arg18: memref<!tpu.dma_semaphore, #tpu.memory_space<semaphore_mem>>) attributes {dimension_semantics = [#tpu.dimension_semantics<core_parallel>, #tpu.dimension_semantics<subcore_parallel>], iteration_bounds = array<i64: 2, 16>, scalar_prefetch = 0 : i64, scratch_operands = 11 : i64, tpu.core_type = #tpu.core_type<sc_vector_subcore>, window_params = [{transform_indices = #map}, {transform_indices = #map}, {transform_indices = #map1}, {transform_indices = #map1}, {transform_indices = #map1}, {transform_indices = #map}]} {
    %mul3A = arith.constant 10000 : i32
    %mul3A_0 = arith.muli %arg0, %mul3A : i32
    %mul3A_1 = arith.constant 10112 : i32
    %mul3A_2 = arith.muli %arg0, %mul3A_1 : i32
    %mul3A_3 = arith.constant 632 : i32
    %mul3A_4 = arith.muli %arg1, %mul3A_3 : i32
    %iota3A = tpu.iota {dimensions = array<i32: 0>} : vector<16xi32>
    %broadcast_in_dim3A = arith.constant 0 : i32
    %broadcast_in_dim3A_5 = vector.broadcast %broadcast_in_dim3A : i32 to vector<16xi32>
    %broadcast_in_dim3A_6 = arith.constant 1 : i32
    %broadcast_in_dim3A_7 = vector.broadcast %broadcast_in_dim3A_6 : i32 to vector<16xi32>
    %broadcast_in_dim3A_8 = arith.constant 0.000000e+00 : f32
    %broadcast_in_dim3A_9 = vector.broadcast %broadcast_in_dim3A_8 : f32 to vector<16xf32>
    %scan3A = arith.constant 0 : i32
    %scan3A_10 = arith.constant 0 : i32
    %scan3A_11 = arith.constant 128 : i32
    %scan3A_12 = arith.addi %scan3A_10, %scan3A_11 : i32
    %scan3A_13 = arith.constant 1 : i32
    scf.for %scan3A_58 = %scan3A_10 to %scan3A_12 step %scan3A_13  : i32 {
      %swap3A = arith.index_cast %scan3A_58 : i32 to index
      %swap3A_59 = arith.constant 0 : index
      %swap3A_60 = tpu.vector_load %arg12[%swap3A, %swap3A_59] {strides = array<i32>} : memref<128x144xf32, #tpu.memory_space<vmem>>, vector<16xf32>,
      tpu.vector_store %arg12[%swap3A, %swap3A_59], %broadcast_in_dim3A_9 {strides = array<i32>} : memref<128x144xf32, #tpu.memory_space<vmem>>, vector<16xf32>,
      %swap3A_61 = arith.index_cast %scan3A_58 : i32 to index
      %swap3A_62 = arith.constant 16 : index
      %swap3A_63 = tpu.vector_load %arg12[%swap3A_61, %swap3A_62] {strides = array<i32>} : memref<128x144xf32, #tpu.memory_space<vmem>>, vector<16xf32>,
      tpu.vector_store %arg12[%swap3A_61, %swap3A_62], %broadcast_in_dim3A_9 {strides = array<i32>} : memref<128x144xf32, #tpu.memory_space<vmem>>, vector<16xf32>,
      %swap3A_64 = arith.index_cast %scan3A_58 : i32 to index
      %swap3A_65 = arith.constant 32 : index
      %swap3A_66 = tpu.vector_load %arg12[%swap3A_64, %swap3A_65] {strides = array<i32>} : memref<128x144xf32, #tpu.memory_space<vmem>>, vector<16xf32>,
      tpu.vector_store %arg12[%swap3A_64, %swap3A_65], %broadcast_in_dim3A_9 {strides = array<i32>} : memref<128x144xf32, #tpu.memory_space<vmem>>, vector<16xf32>,
      %swap3A_67 = arith.index_cast %scan3A_58 : i32 to index
      %swap3A_68 = arith.constant 48 : index
      %swap3A_69 = tpu.vector_load %arg12[%swap3A_67, %swap3A_68] {strides = array<i32>} : memref<128x144xf32, #tpu.memory_space<vmem>>, vector<16xf32>,
      tpu.vector_store %arg12[%swap3A_67, %swap3A_68], %broadcast_in_dim3A_9 {strides = array<i32>} : memref<128x144xf32, #tpu.memory_space<vmem>>, vector<16xf32>,
      %swap3A_70 = arith.index_cast %scan3A_58 : i32 to index
      %swap3A_71 = arith.constant 64 : index
      %swap3A_72 = tpu.vector_load %arg12[%swap3A_70, %swap3A_71] {strides = array<i32>} : memref<128x144xf32, #tpu.memory_space<vmem>>, vector<16xf32>,
      tpu.vector_store %arg12[%swap3A_70, %swap3A_71], %broadcast_in_dim3A_9 {strides = array<i32>} : memref<128x144xf32, #tpu.memory_space<vmem>>, vector<16xf32>,
      %swap3A_73 = arith.index_cast %scan3A_58 : i32 to index
      %swap3A_74 = arith.constant 80 : index
      %swap3A_75 = tpu.vector_load %arg12[%swap3A_73, %swap3A_74] {strides = array<i32>} : memref<128x144xf32, #tpu.memory_space<vmem>>, vector<16xf32>,
      tpu.vector_store %arg12[%swap3A_73, %swap3A_74], %broadcast_in_dim3A_9 {strides = array<i32>} : memref<128x144xf32, #tpu.memory_space<vmem>>, vector<16xf32>,
      %swap3A_76 = arith.index_cast %scan3A_58 : i32 to index
      %swap3A_77 = arith.constant 96 : index
      %swap3A_78 = tpu.vector_load %arg12[%swap3A_76, %swap3A_77] {strides = array<i32>} : memref<128x144xf32, #tpu.memory_space<vmem>>, vector<16xf32>,
      tpu.vector_store %arg12[%swap3A_76, %swap3A_77], %broadcast_in_dim3A_9 {strides = array<i32>} : memref<128x144xf32, #tpu.memory_space<vmem>>, vector<16xf32>,
      %swap3A_79 = arith.index_cast %scan3A_58 : i32 to index
      %swap3A_80 = arith.constant 112 : index
      %swap3A_81 = tpu.vector_load %arg12[%swap3A_79, %swap3A_80] {strides = array<i32>} : memref<128x144xf32, #tpu.memory_space<vmem>>, vector<16xf32>,
      tpu.vector_store %arg12[%swap3A_79, %swap3A_80], %broadcast_in_dim3A_9 {strides = array<i32>} : memref<128x144xf32, #tpu.memory_space<vmem>>, vector<16xf32>,
      %swap3A_82 = arith.index_cast %scan3A_58 : i32 to index
      %swap3A_83 = arith.constant 128 : index
      %swap3A_84 = tpu.vector_load %arg12[%swap3A_82, %swap3A_83] {strides = array<i32>} : memref<128x144xf32, #tpu.memory_space<vmem>>, vector<16xf32>,
      tpu.vector_store %arg12[%swap3A_82, %swap3A_83], %broadcast_in_dim3A_9 {strides = array<i32>} : memref<128x144xf32, #tpu.memory_space<vmem>>, vector<16xf32>,
    }
    %scan3A_14 = arith.constant 128 : i32
    %add3A = arith.constant 0 : i32
    %add3A_15 = arith.addi %mul3A_4, %add3A : i32
    "tpu.region"() ({
      %run_scoped3A = tpu.sem_alloc : memref<!tpu.dma_semaphore, #tpu.memory_space<semaphore_mem>>
      %dma_start3A = arith.constant 0 : i32
      %dma_start3A_58 = arith.constant 0 : i32
      %dma_start3A_59 = tpu.memref_slice %arg12[%dma_start3A, %dma_start3A_58] : memref<128x144xf32, #tpu.memory_space<vmem>> -> memref<128x144xf32, #tpu.memory_space<vmem>>
      %dma_start3A_60 = arith.constant 0 : i32
      %dma_start3A_61 = tpu.memref_slice %arg16[%add3A_15, %dma_start3A_60] : memref<10112x144xf32, #tpu.memory_space<vmem_shared>> -> memref<128x144xf32, #tpu.memory_space<vmem_shared>>
      %dma_start3A_62 = arith.constant 0 : i32
      %dma_start3A_63 = tpu.memref_slice %arg16[%add3A_15, %dma_start3A_62] : memref<10112x144xf32, #tpu.memory_space<vmem_shared>> -> memref<128x144xf32, #tpu.memory_space<vmem_shared>>
      %dma_start3A_64 = arith.constant 0 : i32
      %dma_start3A_65 = arith.constant 0 : i32
      %dma_start3A_66 = tpu.memref_slice %arg12[%dma_start3A_64, %dma_start3A_65] : memref<128x144xf32, #tpu.memory_space<vmem>> -> memref<128x144xf32, #tpu.memory_space<vmem>>
      tpu.enqueue_dma source(%dma_start3A_66 : memref<128x144xf32, #tpu.memory_space<vmem>>) target(%dma_start3A_63 : memref<128x144xf32, #tpu.memory_space<vmem_shared>>) target_semaphore(%run_scoped3A : memref<!tpu.dma_semaphore, #tpu.memory_space<semaphore_mem>>)
      %dma_wait3A = arith.constant 0 : i32
      %dma_wait3A_67 = arith.constant 0 : i32
      %dma_wait3A_68 = tpu.memref_slice %arg12[%dma_wait3A, %dma_wait3A_67] : memref<128x144xf32, #tpu.memory_space<vmem>> -> memref<128x144xf32, #tpu.memory_space<vmem>>
      %dma_wait3A_69 = arith.constant 0 : i32
      %dma_wait3A_70 = tpu.memref_slice %arg16[%add3A_15, %dma_wait3A_69] : memref<10112x144xf32, #tpu.memory_space<vmem_shared>> -> memref<128x144xf32, #tpu.memory_space<vmem_shared>>
      %dma_wait3A_71 = arith.constant 0 : i32
      %dma_wait3A_72 = tpu.memref_slice %arg16[%add3A_15, %dma_wait3A_71] : memref<10112x144xf32, #tpu.memory_space<vmem_shared>> -> memref<128x144xf32, #tpu.memory_space<vmem_shared>>
      %dma_wait3A_73 = arith.constant 0 : i32
      %dma_wait3A_74 = arith.constant 0 : i32
      %dma_wait3A_75 = tpu.memref_slice %arg12[%dma_wait3A_73, %dma_wait3A_74] : memref<128x144xf32, #tpu.memory_space<vmem>> -> memref<128x144xf32, #tpu.memory_space<vmem>>
      tpu.wait_dma2 semaphore(%run_scoped3A : memref<!tpu.dma_semaphore, #tpu.memory_space<semaphore_mem>>) src(%dma_wait3A_75 : memref<128x144xf32, #tpu.memory_space<vmem>>) dst(%dma_wait3A_72 : memref<128x144xf32, #tpu.memory_space<vmem_shared>>)
      tpu.yield
    }) : () -> ()
    %add3A_16 = arith.constant 128 : i32
    %add3A_17 = arith.addi %mul3A_4, %add3A_16 : i32
    "tpu.region"() ({
      %run_scoped3A = tpu.sem_alloc : memref<!tpu.dma_semaphore, #tpu.memory_space<semaphore_mem>>
      %dma_start3A = arith.constant 0 : i32
      %dma_start3A_58 = arith.constant 0 : i32
      %dma_start3A_59 = tpu.memref_slice %arg12[%dma_start3A, %dma_start3A_58] : memref<128x144xf32, #tpu.memory_space<vmem>> -> memref<128x144xf32, #tpu.memory_space<vmem>>
      %dma_start3A_60 = arith.constant 0 : i32
      %dma_start3A_61 = tpu.memref_slice %arg16[%add3A_17, %dma_start3A_60] : memref<10112x144xf32, #tpu.memory_space<vmem_shared>> -> memref<128x144xf32, #tpu.memory_space<vmem_shared>>
      %dma_start3A_62 = arith.constant 0 : i32
      %dma_start3A_63 = tpu.memref_slice %arg16[%add3A_17, %dma_start3A_62] : memref<10112x144xf32, #tpu.memory_space<vmem_shared>> -> memref<128x144xf32, #tpu.memory_space<vmem_shared>>
      %dma_start3A_64 = arith.constant 0 : i32
      %dma_start3A_65 = arith.constant 0 : i32
      %dma_start3A_66 = tpu.memref_slice %arg12[%dma_start3A_64, %dma_start3A_65] : memref<128x144xf32, #tpu.memory_space<vmem>> -> memref<128x144xf32, #tpu.memory_space<vmem>>
      tpu.enqueue_dma source(%dma_start3A_66 : memref<128x144xf32, #tpu.memory_space<vmem>>) target(%dma_start3A_63 : memref<128x144xf32, #tpu.memory_space<vmem_shared>>) target_semaphore(%run_scoped3A : memref<!tpu.dma_semaphore, #tpu.memory_space<semaphore_mem>>)
      %dma_wait3A = arith.constant 0 : i32
      %dma_wait3A_67 = arith.constant 0 : i32
      %dma_wait3A_68 = tpu.memref_slice %arg12[%dma_wait3A, %dma_wait3A_67] : memref<128x144xf32, #tpu.memory_space<vmem>> -> memref<128x144xf32, #tpu.memory_space<vmem>>
      %dma_wait3A_69 = arith.constant 0 : i32
      %dma_wait3A_70 = tpu.memref_slice %arg16[%add3A_17, %dma_wait3A_69] : memref<10112x144xf32, #tpu.memory_space<vmem_shared>> -> memref<128x144xf32, #tpu.memory_space<vmem_shared>>
      %dma_wait3A_71 = arith.constant 0 : i32
      %dma_wait3A_72 = tpu.memref_slice %arg16[%add3A_17, %dma_wait3A_71] : memref<10112x144xf32, #tpu.memory_space<vmem_shared>> -> memref<128x144xf32, #tpu.memory_space<vmem_shared>>
      %dma_wait3A_73 = arith.constant 0 : i32
      %dma_wait3A_74 = arith.constant 0 : i32
      %dma_wait3A_75 = tpu.memref_slice %arg12[%dma_wait3A_73, %dma_wait3A_74] : memref<128x144xf32, #tpu.memory_space<vmem>> -> memref<128x144xf32, #tpu.memory_space<vmem>>
      tpu.wait_dma2 semaphore(%run_scoped3A : memref<!tpu.dma_semaphore, #tpu.memory_space<semaphore_mem>>) src(%dma_wait3A_75 : memref<128x144xf32, #tpu.memory_space<vmem>>) dst(%dma_wait3A_72 : memref<128x144xf32, #tpu.memory_space<vmem_shared>>)
      tpu.yield
    }) : () -> ()
    %add3A_18 = arith.constant 256 : i32
    %add3A_19 = arith.addi %mul3A_4, %add3A_18 : i32
    "tpu.region"() ({
      %run_scoped3A = tpu.sem_alloc : memref<!tpu.dma_semaphore, #tpu.memory_space<semaphore_mem>>
      %dma_start3A = arith.constant 0 : i32
      %dma_start3A_58 = arith.constant 0 : i32
      %dma_start3A_59 = tpu.memref_slice %arg12[%dma_start3A, %dma_start3A_58] : memref<128x144xf32, #tpu.memory_space<vmem>> -> memref<128x144xf32, #tpu.memory_space<vmem>>
      %dma_start3A_60 = arith.constant 0 : i32
      %dma_start3A_61 = tpu.memref_slice %arg16[%add3A_19, %dma_start3A_60] : memref<10112x144xf32, #tpu.memory_space<vmem_shared>> -> memref<128x144xf32, #tpu.memory_space<vmem_shared>>
      %dma_start3A_62 = arith.constant 0 : i32
      %dma_start3A_63 = tpu.memref_slice %arg16[%add3A_19, %dma_start3A_62] : memref<10112x144xf32, #tpu.memory_space<vmem_shared>> -> memref<128x144xf32, #tpu.memory_space<vmem_shared>>
      %dma_start3A_64 = arith.constant 0 : i32
      %dma_start3A_65 = arith.constant 0 : i32
      %dma_start3A_66 = tpu.memref_slice %arg12[%dma_start3A_64, %dma_start3A_65] : memref<128x144xf32, #tpu.memory_space<vmem>> -> memref<128x144xf32, #tpu.memory_space<vmem>>
      tpu.enqueue_dma source(%dma_start3A_66 : memref<128x144xf32, #tpu.memory_space<vmem>>) target(%dma_start3A_63 : memref<128x144xf32, #tpu.memory_space<vmem_shared>>) target_semaphore(%run_scoped3A : memref<!tpu.dma_semaphore, #tpu.memory_space<semaphore_mem>>)
      %dma_wait3A = arith.constant 0 : i32
      %dma_wait3A_67 = arith.constant 0 : i32
      %dma_wait3A_68 = tpu.memref_slice %arg12[%dma_wait3A, %dma_wait3A_67] : memref<128x144xf32, #tpu.memory_space<vmem>> -> memref<128x144xf32, #tpu.memory_space<vmem>>
      %dma_wait3A_69 = arith.constant 0 : i32
      %dma_wait3A_70 = tpu.memref_slice %arg16[%add3A_19, %dma_wait3A_69] : memref<10112x144xf32, #tpu.memory_space<vmem_shared>> -> memref<128x144xf32, #tpu.memory_space<vmem_shared>>
      %dma_wait3A_71 = arith.constant 0 : i32
      %dma_wait3A_72 = tpu.memref_slice %arg16[%add3A_19, %dma_wait3A_71] : memref<10112x144xf32, #tpu.memory_space<vmem_shared>> -> memref<128x144xf32, #tpu.memory_space<vmem_shared>>
      %dma_wait3A_73 = arith.constant 0 : i32
      %dma_wait3A_74 = arith.constant 0 : i32
      %dma_wait3A_75 = tpu.memref_slice %arg12[%dma_wait3A_73, %dma_wait3A_74] : memref<128x144xf32, #tpu.memory_space<vmem>> -> memref<128x144xf32, #tpu.memory_space<vmem>>
      tpu.wait_dma2 semaphore(%run_scoped3A : memref<!tpu.dma_semaphore, #tpu.memory_space<semaphore_mem>>) src(%dma_wait3A_75 : memref<128x144xf32, #tpu.memory_space<vmem>>) dst(%dma_wait3A_72 : memref<128x144xf32, #tpu.memory_space<vmem_shared>>)
      tpu.yield
    }) : () -> ()
    %add3A_20 = arith.constant 384 : i32
    %add3A_21 = arith.addi %mul3A_4, %add3A_20 : i32
    "tpu.region"() ({
      %run_scoped3A = tpu.sem_alloc : memref<!tpu.dma_semaphore, #tpu.memory_space<semaphore_mem>>
      %dma_start3A = arith.constant 0 : i32
      %dma_start3A_58 = arith.constant 0 : i32
      %dma_start3A_59 = tpu.memref_slice %arg12[%dma_start3A, %dma_start3A_58] : memref<128x144xf32, #tpu.memory_space<vmem>> -> memref<128x144xf32, #tpu.memory_space<vmem>>
      %dma_start3A_60 = arith.constant 0 : i32
      %dma_start3A_61 = tpu.memref_slice %arg16[%add3A_21, %dma_start3A_60] : memref<10112x144xf32, #tpu.memory_space<vmem_shared>> -> memref<128x144xf32, #tpu.memory_space<vmem_shared>>
      %dma_start3A_62 = arith.constant 0 : i32
      %dma_start3A_63 = tpu.memref_slice %arg16[%add3A_21, %dma_start3A_62] : memref<10112x144xf32, #tpu.memory_space<vmem_shared>> -> memref<128x144xf32, #tpu.memory_space<vmem_shared>>
      %dma_start3A_64 = arith.constant 0 : i32
      %dma_start3A_65 = arith.constant 0 : i32
      %dma_start3A_66 = tpu.memref_slice %arg12[%dma_start3A_64, %dma_start3A_65] : memref<128x144xf32, #tpu.memory_space<vmem>> -> memref<128x144xf32, #tpu.memory_space<vmem>>
      tpu.enqueue_dma source(%dma_start3A_66 : memref<128x144xf32, #tpu.memory_space<vmem>>) target(%dma_start3A_63 : memref<128x144xf32, #tpu.memory_space<vmem_shared>>) target_semaphore(%run_scoped3A : memref<!tpu.dma_semaphore, #tpu.memory_space<semaphore_mem>>)
      %dma_wait3A = arith.constant 0 : i32
      %dma_wait3A_67 = arith.constant 0 : i32
      %dma_wait3A_68 = tpu.memref_slice %arg12[%dma_wait3A, %dma_wait3A_67] : memref<128x144xf32, #tpu.memory_space<vmem>> -> memref<128x144xf32, #tpu.memory_space<vmem>>
      %dma_wait3A_69 = arith.constant 0 : i32
      %dma_wait3A_70 = tpu.memref_slice %arg16[%add3A_21, %dma_wait3A_69] : memref<10112x144xf32, #tpu.memory_space<vmem_shared>> -> memref<128x144xf32, #tpu.memory_space<vmem_shared>>
      %dma_wait3A_71 = arith.constant 0 : i32
      %dma_wait3A_72 = tpu.memref_slice %arg16[%add3A_21, %dma_wait3A_71] : memref<10112x144xf32, #tpu.memory_space<vmem_shared>> -> memref<128x144xf32, #tpu.memory_space<vmem_shared>>
      %dma_wait3A_73 = arith.constant 0 : i32
      %dma_wait3A_74 = arith.constant 0 : i32
      %dma_wait3A_75 = tpu.memref_slice %arg12[%dma_wait3A_73, %dma_wait3A_74] : memref<128x144xf32, #tpu.memory_space<vmem>> -> memref<128x144xf32, #tpu.memory_space<vmem>>
      tpu.wait_dma2 semaphore(%run_scoped3A : memref<!tpu.dma_semaphore, #tpu.memory_space<semaphore_mem>>) src(%dma_wait3A_75 : memref<128x144xf32, #tpu.memory_space<vmem>>) dst(%dma_wait3A_72 : memref<128x144xf32, #tpu.memory_space<vmem_shared>>)
      tpu.yield
    }) : () -> ()
    %add3A_22 = arith.constant 512 : i32
    %add3A_23 = arith.addi %mul3A_4, %add3A_22 : i32
    "tpu.region"() ({
      %run_scoped3A = tpu.sem_alloc : memref<!tpu.dma_semaphore, #tpu.memory_space<semaphore_mem>>
      %dma_start3A = arith.constant 0 : i32
      %dma_start3A_58 = arith.constant 0 : i32
      %dma_start3A_59 = tpu.memref_slice %arg12[%dma_start3A, %dma_start3A_58] : memref<128x144xf32, #tpu.memory_space<vmem>> -> memref<120x144xf32, #tpu.memory_space<vmem>>
      %dma_start3A_60 = arith.constant 0 : i32
      %dma_start3A_61 = tpu.memref_slice %arg16[%add3A_23, %dma_start3A_60] : memref<10112x144xf32, #tpu.memory_space<vmem_shared>> -> memref<120x144xf32, #tpu.memory_space<vmem_shared>>
      %dma_start3A_62 = arith.constant 0 : i32
      %dma_start3A_63 = tpu.memref_slice %arg16[%add3A_23, %dma_start3A_62] : memref<10112x144xf32, #tpu.memory_space<vmem_shared>> -> memref<120x144xf32, #tpu.memory_space<vmem_shared>>
      %dma_start3A_64 = arith.constant 0 : i32
      %dma_start3A_65 = arith.constant 0 : i32
      %dma_start3A_66 = tpu.memref_slice %arg12[%dma_start3A_64, %dma_start3A_65] : memref<128x144xf32, #tpu.memory_space<vmem>> -> memref<120x144xf32, #tpu.memory_space<vmem>>
      tpu.enqueue_dma source(%dma_start3A_66 : memref<120x144xf32, #tpu.memory_space<vmem>>) target(%dma_start3A_63 : memref<120x144xf32, #tpu.memory_space<vmem_shared>>) target_semaphore(%run_scoped3A : memref<!tpu.dma_semaphore, #tpu.memory_space<semaphore_mem>>)
      %dma_wait3A = arith.constant 0 : i32
      %dma_wait3A_67 = arith.constant 0 : i32
      %dma_wait3A_68 = tpu.memref_slice %arg12[%dma_wait3A, %dma_wait3A_67] : memref<128x144xf32, #tpu.memory_space<vmem>> -> memref<120x144xf32, #tpu.memory_space<vmem>>
      %dma_wait3A_69 = arith.constant 0 : i32
      %dma_wait3A_70 = tpu.memref_slice %arg16[%add3A_23, %dma_wait3A_69] : memref<10112x144xf32, #tpu.memory_space<vmem_shared>> -> memref<120x144xf32, #tpu.memory_space<vmem_shared>>
      %dma_wait3A_71 = arith.constant 0 : i32
      %dma_wait3A_72 = tpu.memref_slice %arg16[%add3A_23, %dma_wait3A_71] : memref<10112x144xf32, #tpu.memory_space<vmem_shared>> -> memref<120x144xf32, #tpu.memory_space<vmem_shared>>
      %dma_wait3A_73 = arith.constant 0 : i32
      %dma_wait3A_74 = arith.constant 0 : i32
      %dma_wait3A_75 = tpu.memref_slice %arg12[%dma_wait3A_73, %dma_wait3A_74] : memref<128x144xf32, #tpu.memory_space<vmem>> -> memref<120x144xf32, #tpu.memory_space<vmem>>
      tpu.wait_dma2 semaphore(%run_scoped3A : memref<!tpu.dma_semaphore, #tpu.memory_space<semaphore_mem>>) src(%dma_wait3A_75 : memref<120x144xf32, #tpu.memory_space<vmem>>) dst(%dma_wait3A_72 : memref<120x144xf32, #tpu.memory_space<vmem_shared>>)
      tpu.yield
    }) : () -> ()
    %barrier3A = arith.constant 0 : index
    tpu.barrier barrier_id(%barrier3A)
    %mul3A_24 = arith.constant 10112 : i32
    %mul3A_25 = arith.muli %arg1, %mul3A_24 : i32
    %scan3A_26 = arith.constant 0 : i32
    %scan3A_27 = arith.constant 0 : i32
    %scan3A_28 = arith.constant 79 : i32
    %scan3A_29 = arith.addi %scan3A_27, %scan3A_28 : i32
    %scan3A_30 = arith.constant 1 : i32
    scf.for %scan3A_58 = %scan3A_27 to %scan3A_29 step %scan3A_30  : i32 {
      %mul3A_59 = arith.constant 128 : i32
      %mul3A_60 = arith.muli %scan3A_58, %mul3A_59 : i32
      %add3A_61 = arith.addi %mul3A_25, %mul3A_60 : i32
      "tpu.region"() ({
        %run_scoped3A = tpu.sem_alloc : memref<!tpu.dma_semaphore, #tpu.memory_space<semaphore_mem>>
        %dma_start3A_530 = tpu.memref_slice %arg5[%add3A_61] : memref<161792xi32, #tpu.memory_space<hbm>> -> memref<128xi32, #tpu.memory_space<hbm>>
        %dma_start3A_531 = tpu.memref_slice %arg5[%add3A_61] : memref<161792xi32, #tpu.memory_space<hbm>> -> memref<128xi32, #tpu.memory_space<hbm>>
        tpu.enqueue_dma source(%dma_start3A_531 : memref<128xi32, #tpu.memory_space<hbm>>) target(%arg8 : memref<128xi32, #tpu.memory_space<vmem>>) target_semaphore(%run_scoped3A : memref<!tpu.dma_semaphore, #tpu.memory_space<semaphore_mem>>)
        %dma_wait3A_532 = tpu.memref_slice %arg5[%add3A_61] : memref<161792xi32, #tpu.memory_space<hbm>> -> memref<128xi32, #tpu.memory_space<hbm>>
        %dma_wait3A_533 = tpu.memref_slice %arg5[%add3A_61] : memref<161792xi32, #tpu.memory_space<hbm>> -> memref<128xi32, #tpu.memory_space<hbm>>
        tpu.wait_dma2 semaphore(%run_scoped3A : memref<!tpu.dma_semaphore, #tpu.memory_space<semaphore_mem>>) src(%dma_wait3A_533 : memref<128xi32, #tpu.memory_space<hbm>>) dst(%arg8 : memref<128xi32, #tpu.memory_space<vmem>>)
        tpu.yield
      }) : () -> ()
      "tpu.region"() ({
        %run_scoped3A = tpu.sem_alloc : memref<!tpu.dma_semaphore, #tpu.memory_space<semaphore_mem>>
        %dma_start3A_530 = tpu.memref_slice %arg6[%add3A_61] : memref<161792xi32, #tpu.memory_space<hbm>> -> memref<128xi32, #tpu.memory_space<hbm>>
        %dma_start3A_531 = tpu.memref_slice %arg6[%add3A_61] : memref<161792xi32, #tpu.memory_space<hbm>> -> memref<128xi32, #tpu.memory_space<hbm>>
        tpu.enqueue_dma source(%dma_start3A_531 : memref<128xi32, #tpu.memory_space<hbm>>) target(%arg9 : memref<128xi32, #tpu.memory_space<vmem>>) target_semaphore(%run_scoped3A : memref<!tpu.dma_semaphore, #tpu.memory_space<semaphore_mem>>)
        %dma_wait3A_532 = tpu.memref_slice %arg6[%add3A_61] : memref<161792xi32, #tpu.memory_space<hbm>> -> memref<128xi32, #tpu.memory_space<hbm>>
        %dma_wait3A_533 = tpu.memref_slice %arg6[%add3A_61] : memref<161792xi32, #tpu.memory_space<hbm>> -> memref<128xi32, #tpu.memory_space<hbm>>
        tpu.wait_dma2 semaphore(%run_scoped3A : memref<!tpu.dma_semaphore, #tpu.memory_space<semaphore_mem>>) src(%dma_wait3A_533 : memref<128xi32, #tpu.memory_space<hbm>>) dst(%arg9 : memref<128xi32, #tpu.memory_space<vmem>>)
        tpu.yield
      }) : () -> ()
      %mul3A_62 = arith.constant 4 : i32
      %mul3A_63 = arith.muli %add3A_61, %mul3A_62 : i32
      "tpu.region"() ({
        %run_scoped3A = tpu.sem_alloc : memref<!tpu.dma_semaphore, #tpu.memory_space<semaphore_mem>>
        %dma_start3A_530 = tpu.memref_slice %arg4[%mul3A_63] : memref<647168xf32, #tpu.memory_space<hbm>> -> memref<512xf32, #tpu.memory_space<hbm>>
        %dma_start3A_531 = tpu.memref_slice %arg4[%mul3A_63] : memref<647168xf32, #tpu.memory_space<hbm>> -> memref<512xf32, #tpu.memory_space<hbm>>
        tpu.enqueue_dma source(%dma_start3A_531 : memref<512xf32, #tpu.memory_space<hbm>>) target(%arg14 : memref<512xf32, #tpu.memory_space<vmem>>) target_semaphore(%run_scoped3A : memref<!tpu.dma_semaphore, #tpu.memory_space<semaphore_mem>>)
        %dma_wait3A_532 = tpu.memref_slice %arg4[%mul3A_63] : memref<647168xf32, #tpu.memory_space<hbm>> -> memref<512xf32, #tpu.memory_space<hbm>>
        %dma_wait3A_533 = tpu.memref_slice %arg4[%mul3A_63] : memref<647168xf32, #tpu.memory_space<hbm>> -> memref<512xf32, #tpu.memory_space<hbm>>
        tpu.wait_dma2 semaphore(%run_scoped3A : memref<!tpu.dma_semaphore, #tpu.memory_space<semaphore_mem>>) src(%dma_wait3A_533 : memref<512xf32, #tpu.memory_space<hbm>>) dst(%arg14 : memref<512xf32, #tpu.memory_space<vmem>>)
        tpu.yield
      }) : () -> ()
      %get3A = arith.constant 0 : index
      %get3A_64 = tpu.vector_load %arg8[%get3A] {strides = array<i32>} : memref<128xi32, #tpu.memory_space<vmem>>, vector<16xi32>,
      %add3A_65 = vector.broadcast %mul3A_0 : i32 to vector<16xi32>
      %add3A_66 = arith.addi %get3A_64, %add3A_65 : vector<16xi32>
      %swap3A = arith.constant 0 : index
      %swap3A_67 = tpu.vector_load %arg10[%swap3A] {strides = array<i32>} : memref<128xi32, #tpu.memory_space<vmem>>, vector<16xi32>,
      tpu.vector_store %arg10[%swap3A], %add3A_66 {strides = array<i32>} : memref<128xi32, #tpu.memory_space<vmem>>, vector<16xi32>,
      %get3A_68 = arith.constant 0 : index
      %get3A_69 = tpu.vector_load %arg9[%get3A_68] {strides = array<i32>} : memref<128xi32, #tpu.memory_space<vmem>>, vector<16xi32>,
      %add3A_70 = vector.broadcast %mul3A_0 : i32 to vector<16xi32>
      %add3A_71 = arith.addi %get3A_69, %add3A_70 : vector<16xi32>
      %swap3A_72 = arith.constant 0 : index
      %swap3A_73 = tpu.vector_load %arg11[%swap3A_72] {strides = array<i32>} : memref<128xi32, #tpu.memory_space<vmem>>, vector<16xi32>,
      tpu.vector_store %arg11[%swap3A_72], %add3A_71 {strides = array<i32>} : memref<128xi32, #tpu.memory_space<vmem>>, vector<16xi32>,
      %get3A_74 = arith.constant 16 : index
      %get3A_75 = tpu.vector_load %arg8[%get3A_74] {strides = array<i32>} : memref<128xi32, #tpu.memory_space<vmem>>, vector<16xi32>,
      %add3A_76 = vector.broadcast %mul3A_0 : i32 to vector<16xi32>
      %add3A_77 = arith.addi %get3A_75, %add3A_76 : vector<16xi32>
      %swap3A_78 = arith.constant 16 : index
      %swap3A_79 = tpu.vector_load %arg10[%swap3A_78] {strides = array<i32>} : memref<128xi32, #tpu.memory_space<vmem>>, vector<16xi32>,
      tpu.vector_store %arg10[%swap3A_78], %add3A_77 {strides = array<i32>} : memref<128xi32, #tpu.memory_space<vmem>>, vector<16xi32>,
      %get3A_80 = arith.constant 16 : index
      %get3A_81 = tpu.vector_load %arg9[%get3A_80] {strides = array<i32>} : memref<128xi32, #tpu.memory_space<vmem>>, vector<16xi32>,
      %add3A_82 = vector.broadcast %mul3A_0 : i32 to vector<16xi32>
      %add3A_83 = arith.addi %get3A_81, %add3A_82 : vector<16xi32>
      %swap3A_84 = arith.constant 16 : index
      %swap3A_85 = tpu.vector_load %arg11[%swap3A_84] {strides = array<i32>} : memref<128xi32, #tpu.memory_space<vmem>>, vector<16xi32>,
      tpu.vector_store %arg11[%swap3A_84], %add3A_83 {strides = array<i32>} : memref<128xi32, #tpu.memory_space<vmem>>, vector<16xi32>,
      %get3A_86 = arith.constant 32 : index
      %get3A_87 = tpu.vector_load %arg8[%get3A_86] {strides = array<i32>} : memref<128xi32, #tpu.memory_space<vmem>>, vector<16xi32>,
      %add3A_88 = vector.broadcast %mul3A_0 : i32 to vector<16xi32>
      %add3A_89 = arith.addi %get3A_87, %add3A_88 : vector<16xi32>
      %swap3A_90 = arith.constant 32 : index
      %swap3A_91 = tpu.vector_load %arg10[%swap3A_90] {strides = array<i32>} : memref<128xi32, #tpu.memory_space<vmem>>, vector<16xi32>,
      tpu.vector_store %arg10[%swap3A_90], %add3A_89 {strides = array<i32>} : memref<128xi32, #tpu.memory_space<vmem>>, vector<16xi32>,
      %get3A_92 = arith.constant 32 : index
      %get3A_93 = tpu.vector_load %arg9[%get3A_92] {strides = array<i32>} : memref<128xi32, #tpu.memory_space<vmem>>, vector<16xi32>,
      %add3A_94 = vector.broadcast %mul3A_0 : i32 to vector<16xi32>
      %add3A_95 = arith.addi %get3A_93, %add3A_94 : vector<16xi32>
      %swap3A_96 = arith.constant 32 : index
      %swap3A_97 = tpu.vector_load %arg11[%swap3A_96] {strides = array<i32>} : memref<128xi32, #tpu.memory_space<vmem>>, vector<16xi32>,
      tpu.vector_store %arg11[%swap3A_96], %add3A_95 {strides = array<i32>} : memref<128xi32, #tpu.memory_space<vmem>>, vector<16xi32>,
      %get3A_98 = arith.constant 48 : index
      %get3A_99 = tpu.vector_load %arg8[%get3A_98] {strides = array<i32>} : memref<128xi32, #tpu.memory_space<vmem>>, vector<16xi32>,
      %add3A_100 = vector.broadcast %mul3A_0 : i32 to vector<16xi32>
      %add3A_101 = arith.addi %get3A_99, %add3A_100 : vector<16xi32>
      %swap3A_102 = arith.constant 48 : index
      %swap3A_103 = tpu.vector_load %arg10[%swap3A_102] {strides = array<i32>} : memref<128xi32, #tpu.memory_space<vmem>>, vector<16xi32>,
      tpu.vector_store %arg10[%swap3A_102], %add3A_101 {strides = array<i32>} : memref<128xi32, #tpu.memory_space<vmem>>, vector<16xi32>,
      %get3A_104 = arith.constant 48 : index
      %get3A_105 = tpu.vector_load %arg9[%get3A_104] {strides = array<i32>} : memref<128xi32, #tpu.memory_space<vmem>>, vector<16xi32>,
      %add3A_106 = vector.broadcast %mul3A_0 : i32 to vector<16xi32>
      %add3A_107 = arith.addi %get3A_105, %add3A_106 : vector<16xi32>
      %swap3A_108 = arith.constant 48 : index
      %swap3A_109 = tpu.vector_load %arg11[%swap3A_108] {strides = array<i32>} : memref<128xi32, #tpu.memory_space<vmem>>, vector<16xi32>,
      tpu.vector_store %arg11[%swap3A_108], %add3A_107 {strides = array<i32>} : memref<128xi32, #tpu.memory_space<vmem>>, vector<16xi32>,
      %get3A_110 = arith.constant 64 : index
      %get3A_111 = tpu.vector_load %arg8[%get3A_110] {strides = array<i32>} : memref<128xi32, #tpu.memory_space<vmem>>, vector<16xi32>,
      %add3A_112 = vector.broadcast %mul3A_0 : i32 to vector<16xi32>
      %add3A_113 = arith.addi %get3A_111, %add3A_112 : vector<16xi32>
      %swap3A_114 = arith.constant 64 : index
      %swap3A_115 = tpu.vector_load %arg10[%swap3A_114] {strides = array<i32>} : memref<128xi32, #tpu.memory_space<vmem>>, vector<16xi32>,
      tpu.vector_store %arg10[%swap3A_114], %add3A_113 {strides = array<i32>} : memref<128xi32, #tpu.memory_space<vmem>>, vector<16xi32>,
      %get3A_116 = arith.constant 64 : index
      %get3A_117 = tpu.vector_load %arg9[%get3A_116] {strides = array<i32>} : memref<128xi32, #tpu.memory_space<vmem>>, vector<16xi32>,
      %add3A_118 = vector.broadcast %mul3A_0 : i32 to vector<16xi32>
      %add3A_119 = arith.addi %get3A_117, %add3A_118 : vector<16xi32>
      %swap3A_120 = arith.constant 64 : index
      %swap3A_121 = tpu.vector_load %arg11[%swap3A_120] {strides = array<i32>} : memref<128xi32, #tpu.memory_space<vmem>>, vector<16xi32>,
      tpu.vector_store %arg11[%swap3A_120], %add3A_119 {strides = array<i32>} : memref<128xi32, #tpu.memory_space<vmem>>, vector<16xi32>,
      %get3A_122 = arith.constant 80 : index
      %get3A_123 = tpu.vector_load %arg8[%get3A_122] {strides = array<i32>} : memref<128xi32, #tpu.memory_space<vmem>>, vector<16xi32>,
      %add3A_124 = vector.broadcast %mul3A_0 : i32 to vector<16xi32>
      %add3A_125 = arith.addi %get3A_123, %add3A_124 : vector<16xi32>
      %swap3A_126 = arith.constant 80 : index
      %swap3A_127 = tpu.vector_load %arg10[%swap3A_126] {strides = array<i32>} : memref<128xi32, #tpu.memory_space<vmem>>, vector<16xi32>,
      tpu.vector_store %arg10[%swap3A_126], %add3A_125 {strides = array<i32>} : memref<128xi32, #tpu.memory_space<vmem>>, vector<16xi32>,
      %get3A_128 = arith.constant 80 : index
      %get3A_129 = tpu.vector_load %arg9[%get3A_128] {strides = array<i32>} : memref<128xi32, #tpu.memory_space<vmem>>, vector<16xi32>,
      %add3A_130 = vector.broadcast %mul3A_0 : i32 to vector<16xi32>
      %add3A_131 = arith.addi %get3A_129, %add3A_130 : vector<16xi32>
      %swap3A_132 = arith.constant 80 : index
      %swap3A_133 = tpu.vector_load %arg11[%swap3A_132] {strides = array<i32>} : memref<128xi32, #tpu.memory_space<vmem>>, vector<16xi32>,
      tpu.vector_store %arg11[%swap3A_132], %add3A_131 {strides = array<i32>} : memref<128xi32, #tpu.memory_space<vmem>>, vector<16xi32>,
      %get3A_134 = arith.constant 96 : index
      %get3A_135 = tpu.vector_load %arg8[%get3A_134] {strides = array<i32>} : memref<128xi32, #tpu.memory_space<vmem>>, vector<16xi32>,
      %add3A_136 = vector.broadcast %mul3A_0 : i32 to vector<16xi32>
      %add3A_137 = arith.addi %get3A_135, %add3A_136 : vector<16xi32>
      %swap3A_138 = arith.constant 96 : index
      %swap3A_139 = tpu.vector_load %arg10[%swap3A_138] {strides = array<i32>} : memref<128xi32, #tpu.memory_space<vmem>>, vector<16xi32>,
      tpu.vector_store %arg10[%swap3A_138], %add3A_137 {strides = array<i32>} : memref<128xi32, #tpu.memory_space<vmem>>, vector<16xi32>,
      %get3A_140 = arith.constant 96 : index
      %get3A_141 = tpu.vector_load %arg9[%get3A_140] {strides = array<i32>} : memref<128xi32, #tpu.memory_space<vmem>>, vector<16xi32>,
      %add3A_142 = vector.broadcast %mul3A_0 : i32 to vector<16xi32>
      %add3A_143 = arith.addi %get3A_141, %add3A_142 : vector<16xi32>
      %swap3A_144 = arith.constant 96 : index
      %swap3A_145 = tpu.vector_load %arg11[%swap3A_144] {strides = array<i32>} : memref<128xi32, #tpu.memory_space<vmem>>, vector<16xi32>,
      tpu.vector_store %arg11[%swap3A_144], %add3A_143 {strides = array<i32>} : memref<128xi32, #tpu.memory_space<vmem>>, vector<16xi32>,
      %get3A_146 = arith.constant 112 : index
      %get3A_147 = tpu.vector_load %arg8[%get3A_146] {strides = array<i32>} : memref<128xi32, #tpu.memory_space<vmem>>, vector<16xi32>,
      %add3A_148 = vector.broadcast %mul3A_0 : i32 to vector<16xi32>
      %add3A_149 = arith.addi %get3A_147, %add3A_148 : vector<16xi32>
      %swap3A_150 = arith.constant 112 : index
      %swap3A_151 = tpu.vector_load %arg10[%swap3A_150] {strides = array<i32>} : memref<128xi32, #tpu.memory_space<vmem>>, vector<16xi32>,
      tpu.vector_store %arg10[%swap3A_150], %add3A_149 {strides = array<i32>} : memref<128xi32, #tpu.memory_space<vmem>>, vector<16xi32>,
      %get3A_152 = arith.constant 112 : index
      %get3A_153 = tpu.vector_load %arg9[%get3A_152] {strides = array<i32>} : memref<128xi32, #tpu.memory_space<vmem>>, vector<16xi32>,
      %add3A_154 = vector.broadcast %mul3A_0 : i32 to vector<16xi32>
      %add3A_155 = arith.addi %get3A_153, %add3A_154 : vector<16xi32>
      %swap3A_156 = arith.constant 112 : index
      %swap3A_157 = tpu.vector_load %arg11[%swap3A_156] {strides = array<i32>} : memref<128xi32, #tpu.memory_space<vmem>>, vector<16xi32>,
      tpu.vector_store %arg11[%swap3A_156], %add3A_155 {strides = array<i32>} : memref<128xi32, #tpu.memory_space<vmem>>, vector<16xi32>,
      %dma_start3A = arith.constant 0 : i32
      %dma_start3A_158 = arith.constant 0 : i32
      %dma_start3A_159 = tpu.memref_slice %arg2[%dma_start3A, %dma_start3A_158] : memref<20000x144xf32, #tpu.memory_space<hbm>> -> memref<20000x144xf32, #tpu.memory_space<hbm>>
      tpu.enqueue_indirect_dma source(%dma_start3A_159 : memref<20000x144xf32, #tpu.memory_space<hbm>>) target(%arg12 : memref<128x144xf32, #tpu.memory_space<vmem>>) offsets(%arg10 : memref<128xi32, #tpu.memory_space<vmem>>) semaphore(%arg17 : memref<!tpu.dma_semaphore, #tpu.memory_space<semaphore_mem>>)
      %dma_start3A_160 = arith.constant 0 : i32
      %dma_start3A_161 = arith.constant 0 : i32
      %dma_start3A_162 = tpu.memref_slice %arg3[%dma_start3A_160, %dma_start3A_161] : memref<20000x16xf32, #tpu.memory_space<hbm>> -> memref<20000x16xf32, #tpu.memory_space<hbm>>
      tpu.enqueue_indirect_dma source(%dma_start3A_162 : memref<20000x16xf32, #tpu.memory_space<hbm>>) target(%arg13 : memref<128x16xf32, #tpu.memory_space<vmem>>) offsets(%arg11 : memref<128xi32, #tpu.memory_space<vmem>>) semaphore(%arg18 : memref<!tpu.dma_semaphore, #tpu.memory_space<semaphore_mem>>)
      %dma_wait3A = arith.constant 0 : i32
      %dma_wait3A_163 = arith.constant 0 : i32
      %dma_wait3A_164 = tpu.memref_slice %arg2[%dma_wait3A, %dma_wait3A_163] : memref<20000x144xf32, #tpu.memory_space<hbm>> -> memref<20000x144xf32, #tpu.memory_space<hbm>>
      tpu.wait_indirect_dma semaphore(%arg17 : memref<!tpu.dma_semaphore, #tpu.memory_space<semaphore_mem>>) src(%dma_wait3A_164 : memref<20000x144xf32, #tpu.memory_space<hbm>>) dst(%arg12 : memref<128x144xf32, #tpu.memory_space<vmem>>)
      %dma_wait3A_165 = arith.constant 0 : i32
      %dma_wait3A_166 = arith.constant 0 : i32
      %dma_wait3A_167 = tpu.memref_slice %arg3[%dma_wait3A_165, %dma_wait3A_166] : memref<20000x16xf32, #tpu.memory_space<hbm>> -> memref<20000x16xf32, #tpu.memory_space<hbm>>
      tpu.wait_indirect_dma semaphore(%arg18 : memref<!tpu.dma_semaphore, #tpu.memory_space<semaphore_mem>>) src(%dma_wait3A_167 : memref<20000x16xf32, #tpu.memory_space<hbm>>) dst(%arg13 : memref<128x16xf32, #tpu.memory_space<vmem>>)
      %add3A_168 = arith.constant 0 : i32
      %add3A_169 = vector.broadcast %add3A_168 : i32 to vector<16xi32>
      %add3A_170 = arith.addi %iota3A, %add3A_169 : vector<16xi32>
      %add3A_171 = arith.constant 128 : i32
      %add3A_172 = vector.broadcast %add3A_171 : i32 to vector<16xi32>
      %add3A_173 = arith.addi %broadcast_in_dim3A_5, %add3A_172 : vector<16xi32>
      %gather3A = tpu.vector_load_idx %arg12[%add3A_170, %add3A_173] : memref<128x144xf32, #tpu.memory_space<vmem>>[vector<16xi32>, vector<16xi32>], vector<16xf32>,
      %add3A_174 = arith.constant 129 : i32
      %add3A_175 = vector.broadcast %add3A_174 : i32 to vector<16xi32>
      %add3A_176 = arith.addi %broadcast_in_dim3A_5, %add3A_175 : vector<16xi32>
      %gather3A_177 = tpu.vector_load_idx %arg12[%add3A_170, %add3A_176] : memref<128x144xf32, #tpu.memory_space<vmem>>[vector<16xi32>, vector<16xi32>], vector<16xf32>,
      %gather3A_178 = tpu.vector_load_idx %arg13[%add3A_170, %broadcast_in_dim3A_5] : memref<128x16xf32, #tpu.memory_space<vmem>>[vector<16xi32>, vector<16xi32>], vector<16xf32>,
      %gather3A_179 = tpu.vector_load_idx %arg13[%add3A_170, %broadcast_in_dim3A_7] : memref<128x16xf32, #tpu.memory_space<vmem>>[vector<16xi32>, vector<16xi32>], vector<16xf32>,
      %mul3A_180 = arith.constant 4 : i32
      %mul3A_181 = vector.broadcast %mul3A_180 : i32 to vector<16xi32>
      %mul3A_182 = arith.muli %add3A_170, %mul3A_181 : vector<16xi32>
      %mul3A_183 = arith.constant 2 : i32
      %mul3A_184 = arith.muli %mul3A_183, %arg0 : i32
      %add3A_185 = vector.broadcast %mul3A_184 : i32 to vector<16xi32>
      %add3A_186 = arith.addi %mul3A_182, %add3A_185 : vector<16xi32>
      %gather3A_187 = tpu.vector_load_idx %arg14[%add3A_186] : memref<512xf32, #tpu.memory_space<vmem>>[vector<16xi32>], vector<16xf32>,
      %add3A_188 = arith.constant 1 : i32
      %add3A_189 = vector.broadcast %add3A_188 : i32 to vector<16xi32>
      %add3A_190 = arith.addi %add3A_186, %add3A_189 : vector<16xi32>
      %gather3A_191 = tpu.vector_load_idx %arg14[%add3A_190] : memref<512xf32, #tpu.memory_space<vmem>>[vector<16xi32>], vector<16xf32>,
      %add3A_192 = arith.addf %gather3A, %gather3A_178 : vector<16xf32>
      %add3A_193 = arith.addf %add3A_192, %gather3A_187 : vector<16xf32>
      %add3A_194 = arith.addf %gather3A_177, %gather3A_179 : vector<16xf32>
      %add3A_195 = arith.addf %add3A_194, %gather3A_191 : vector<16xf32>
      %gt3A = arith.constant 0.000000e+00 : f32
      %gt3A_196 = vector.broadcast %gt3A : f32 to vector<16xf32>
      %gt3A_197 = arith.cmpf ogt, %add3A_193, %gt3A_196 : vector<16xf32>
      %mul3A_198 = arith.constant 2.000000e-01 : f32
      %mul3A_199 = vector.broadcast %mul3A_198 : f32 to vector<16xf32>
      %mul3A_200 = arith.mulf %mul3A_199, %add3A_193 : vector<16xf32>
      %select_n3A = arith.select %gt3A_197, %add3A_193, %mul3A_200 : vector<16xi1>, vector<16xf32>
      %gt3A_201 = arith.constant 0.000000e+00 : f32
      %gt3A_202 = vector.broadcast %gt3A_201 : f32 to vector<16xf32>
      %gt3A_203 = arith.cmpf ogt, %add3A_195, %gt3A_202 : vector<16xf32>
      %mul3A_204 = arith.constant 2.000000e-01 : f32
      %mul3A_205 = vector.broadcast %mul3A_204 : f32 to vector<16xf32>
      %mul3A_206 = arith.mulf %mul3A_205, %add3A_195 : vector<16xf32>
      %select_n3A_207 = arith.select %gt3A_203, %add3A_195, %mul3A_206 : vector<16xi1>, vector<16xf32>
      %exp3A = math.exp %select_n3A : vector<16xf32>
      tpu.vector_store_idx %arg15[%add3A_170, %broadcast_in_dim3A_5], %exp3A : memref<128x2xf32, #tpu.memory_space<vmem>>[vector<16xi32>, vector<16xi32>], vector<16xf32>,
      %exp3A_208 = math.exp %select_n3A_207 : vector<16xf32>
      tpu.vector_store_idx %arg15[%add3A_170, %broadcast_in_dim3A_7], %exp3A_208 : memref<128x2xf32, #tpu.memory_space<vmem>>[vector<16xi32>, vector<16xi32>], vector<16xf32>,
      %add3A_209 = arith.constant 16 : i32
      %add3A_210 = vector.broadcast %add3A_209 : i32 to vector<16xi32>
      %add3A_211 = arith.addi %iota3A, %add3A_210 : vector<16xi32>
      %add3A_212 = arith.constant 128 : i32
      %add3A_213 = vector.broadcast %add3A_212 : i32 to vector<16xi32>
      %add3A_214 = arith.addi %broadcast_in_dim3A_5, %add3A_213 : vector<16xi32>
      %gather3A_215 = tpu.vector_load_idx %arg12[%add3A_211, %add3A_214] : memref<128x144xf32, #tpu.memory_space<vmem>>[vector<16xi32>, vector<16xi32>], vector<16xf32>,
      %add3A_216 = arith.constant 129 : i32
      %add3A_217 = vector.broadcast %add3A_216 : i32 to vector<16xi32>
      %add3A_218 = arith.addi %broadcast_in_dim3A_5, %add3A_217 : vector<16xi32>
      %gather3A_219 = tpu.vector_load_idx %arg12[%add3A_211, %add3A_218] : memref<128x144xf32, #tpu.memory_space<vmem>>[vector<16xi32>, vector<16xi32>], vector<16xf32>,
      %gather3A_220 = tpu.vector_load_idx %arg13[%add3A_211, %broadcast_in_dim3A_5] : memref<128x16xf32, #tpu.memory_space<vmem>>[vector<16xi32>, vector<16xi32>], vector<16xf32>,
      %gather3A_221 = tpu.vector_load_idx %arg13[%add3A_211, %broadcast_in_dim3A_7] : memref<128x16xf32, #tpu.memory_space<vmem>>[vector<16xi32>, vector<16xi32>], vector<16xf32>,
      %mul3A_222 = arith.constant 4 : i32
      %mul3A_223 = vector.broadcast %mul3A_222 : i32 to vector<16xi32>
      %mul3A_224 = arith.muli %add3A_211, %mul3A_223 : vector<16xi32>
      %mul3A_225 = arith.constant 2 : i32
      %mul3A_226 = arith.muli %mul3A_225, %arg0 : i32
      %add3A_227 = vector.broadcast %mul3A_226 : i32 to vector<16xi32>
      %add3A_228 = arith.addi %mul3A_224, %add3A_227 : vector<16xi32>
      %gather3A_229 = tpu.vector_load_idx %arg14[%add3A_228] : memref<512xf32, #tpu.memory_space<vmem>>[vector<16xi32>], vector<16xf32>,
      %add3A_230 = arith.constant 1 : i32
      %add3A_231 = vector.broadcast %add3A_230 : i32 to vector<16xi32>
      %add3A_232 = arith.addi %add3A_228, %add3A_231 : vector<16xi32>
      %gather3A_233 = tpu.vector_load_idx %arg14[%add3A_232] : memref<512xf32, #tpu.memory_space<vmem>>[vector<16xi32>], vector<16xf32>,
      %add3A_234 = arith.addf %gather3A_215, %gather3A_220 : vector<16xf32>
      %add3A_235 = arith.addf %add3A_234, %gather3A_229 : vector<16xf32>
      %add3A_236 = arith.addf %gather3A_219, %gather3A_221 : vector<16xf32>
      %add3A_237 = arith.addf %add3A_236, %gather3A_233 : vector<16xf32>
      %gt3A_238 = arith.constant 0.000000e+00 : f32
      %gt3A_239 = vector.broadcast %gt3A_238 : f32 to vector<16xf32>
      %gt3A_240 = arith.cmpf ogt, %add3A_235, %gt3A_239 : vector<16xf32>
      %mul3A_241 = arith.constant 2.000000e-01 : f32
      %mul3A_242 = vector.broadcast %mul3A_241 : f32 to vector<16xf32>
      %mul3A_243 = arith.mulf %mul3A_242, %add3A_235 : vector<16xf32>
      %select_n3A_244 = arith.select %gt3A_240, %add3A_235, %mul3A_243 : vector<16xi1>, vector<16xf32>
      %gt3A_245 = arith.constant 0.000000e+00 : f32
      %gt3A_246 = vector.broadcast %gt3A_245 : f32 to vector<16xf32>
      %gt3A_247 = arith.cmpf ogt, %add3A_237, %gt3A_246 : vector<16xf32>
      %mul3A_248 = arith.constant 2.000000e-01 : f32
      %mul3A_249 = vector.broadcast %mul3A_248 : f32 to vector<16xf32>
      %mul3A_250 = arith.mulf %mul3A_249, %add3A_237 : vector<16xf32>
      %select_n3A_251 = arith.select %gt3A_247, %add3A_237, %mul3A_250 : vector<16xi1>, vector<16xf32>
      %exp3A_252 = math.exp %select_n3A_244 : vector<16xf32>
      tpu.vector_store_idx %arg15[%add3A_211, %broadcast_in_dim3A_5], %exp3A_252 : memref<128x2xf32, #tpu.memory_space<vmem>>[vector<16xi32>, vector<16xi32>], vector<16xf32>,
      %exp3A_253 = math.exp %select_n3A_251 : vector<16xf32>
      tpu.vector_store_idx %arg15[%add3A_211, %broadcast_in_dim3A_7], %exp3A_253 : memref<128x2xf32, #tpu.memory_space<vmem>>[vector<16xi32>, vector<16xi32>], vector<16xf32>,
      %add3A_254 = arith.constant 32 : i32
      %add3A_255 = vector.broadcast %add3A_254 : i32 to vector<16xi32>
      %add3A_256 = arith.addi %iota3A, %add3A_255 : vector<16xi32>
      %add3A_257 = arith.constant 128 : i32
      %add3A_258 = vector.broadcast %add3A_257 : i32 to vector<16xi32>
      %add3A_259 = arith.addi %broadcast_in_dim3A_5, %add3A_258 : vector<16xi32>
      %gather3A_260 = tpu.vector_load_idx %arg12[%add3A_256, %add3A_259] : memref<128x144xf32, #tpu.memory_space<vmem>>[vector<16xi32>, vector<16xi32>], vector<16xf32>,
      %add3A_261 = arith.constant 129 : i32
      %add3A_262 = vector.broadcast %add3A_261 : i32 to vector<16xi32>
      %add3A_263 = arith.addi %broadcast_in_dim3A_5, %add3A_262 : vector<16xi32>
      %gather3A_264 = tpu.vector_load_idx %arg12[%add3A_256, %add3A_263] : memref<128x144xf32, #tpu.memory_space<vmem>>[vector<16xi32>, vector<16xi32>], vector<16xf32>,
      %gather3A_265 = tpu.vector_load_idx %arg13[%add3A_256, %broadcast_in_dim3A_5] : memref<128x16xf32, #tpu.memory_space<vmem>>[vector<16xi32>, vector<16xi32>], vector<16xf32>,
      %gather3A_266 = tpu.vector_load_idx %arg13[%add3A_256, %broadcast_in_dim3A_7] : memref<128x16xf32, #tpu.memory_space<vmem>>[vector<16xi32>, vector<16xi32>], vector<16xf32>,
      %mul3A_267 = arith.constant 4 : i32
      %mul3A_268 = vector.broadcast %mul3A_267 : i32 to vector<16xi32>
      %mul3A_269 = arith.muli %add3A_256, %mul3A_268 : vector<16xi32>
      %mul3A_270 = arith.constant 2 : i32
      %mul3A_271 = arith.muli %mul3A_270, %arg0 : i32
      %add3A_272 = vector.broadcast %mul3A_271 : i32 to vector<16xi32>
      %add3A_273 = arith.addi %mul3A_269, %add3A_272 : vector<16xi32>
      %gather3A_274 = tpu.vector_load_idx %arg14[%add3A_273] : memref<512xf32, #tpu.memory_space<vmem>>[vector<16xi32>], vector<16xf32>,
      %add3A_275 = arith.constant 1 : i32
      %add3A_276 = vector.broadcast %add3A_275 : i32 to vector<16xi32>
      %add3A_277 = arith.addi %add3A_273, %add3A_276 : vector<16xi32>
      %gather3A_278 = tpu.vector_load_idx %arg14[%add3A_277] : memref<512xf32, #tpu.memory_space<vmem>>[vector<16xi32>], vector<16xf32>,
      %add3A_279 = arith.addf %gather3A_260, %gather3A_265 : vector<16xf32>
      %add3A_280 = arith.addf %add3A_279, %gather3A_274 : vector<16xf32>
      %add3A_281 = arith.addf %gather3A_264, %gather3A_266 : vector<16xf32>
      %add3A_282 = arith.addf %add3A_281, %gather3A_278 : vector<16xf32>
      %gt3A_283 = arith.constant 0.000000e+00 : f32
      %gt3A_284 = vector.broadcast %gt3A_283 : f32 to vector<16xf32>
      %gt3A_285 = arith.cmpf ogt, %add3A_280, %gt3A_284 : vector<16xf32>
      %mul3A_286 = arith.constant 2.000000e-01 : f32
      %mul3A_287 = vector.broadcast %mul3A_286 : f32 to vector<16xf32>
      %mul3A_288 = arith.mulf %mul3A_287, %add3A_280 : vector<16xf32>
      %select_n3A_289 = arith.select %gt3A_285, %add3A_280, %mul3A_288 : vector<16xi1>, vector<16xf32>
      %gt3A_290 = arith.constant 0.000000e+00 : f32
      %gt3A_291 = vector.broadcast %gt3A_290 : f32 to vector<16xf32>
      %gt3A_292 = arith.cmpf ogt, %add3A_282, %gt3A_291 : vector<16xf32>
      %mul3A_293 = arith.constant 2.000000e-01 : f32
      %mul3A_294 = vector.broadcast %mul3A_293 : f32 to vector<16xf32>
      %mul3A_295 = arith.mulf %mul3A_294, %add3A_282 : vector<16xf32>
      %select_n3A_296 = arith.select %gt3A_292, %add3A_282, %mul3A_295 : vector<16xi1>, vector<16xf32>
      %exp3A_297 = math.exp %select_n3A_289 : vector<16xf32>
      tpu.vector_store_idx %arg15[%add3A_256, %broadcast_in_dim3A_5], %exp3A_297 : memref<128x2xf32, #tpu.memory_space<vmem>>[vector<16xi32>, vector<16xi32>], vector<16xf32>,
      %exp3A_298 = math.exp %select_n3A_296 : vector<16xf32>
      tpu.vector_store_idx %arg15[%add3A_256, %broadcast_in_dim3A_7], %exp3A_298 : memref<128x2xf32, #tpu.memory_space<vmem>>[vector<16xi32>, vector<16xi32>], vector<16xf32>,
      %add3A_299 = arith.constant 48 : i32
      %add3A_300 = vector.broadcast %add3A_299 : i32 to vector<16xi32>
      %add3A_301 = arith.addi %iota3A, %add3A_300 : vector<16xi32>
      %add3A_302 = arith.constant 128 : i32
      %add3A_303 = vector.broadcast %add3A_302 : i32 to vector<16xi32>
      %add3A_304 = arith.addi %broadcast_in_dim3A_5, %add3A_303 : vector<16xi32>
      %gather3A_305 = tpu.vector_load_idx %arg12[%add3A_301, %add3A_304] : memref<128x144xf32, #tpu.memory_space<vmem>>[vector<16xi32>, vector<16xi32>], vector<16xf32>,
      %add3A_306 = arith.constant 129 : i32
      %add3A_307 = vector.broadcast %add3A_306 : i32 to vector<16xi32>
      %add3A_308 = arith.addi %broadcast_in_dim3A_5, %add3A_307 : vector<16xi32>
      %gather3A_309 = tpu.vector_load_idx %arg12[%add3A_301, %add3A_308] : memref<128x144xf32, #tpu.memory_space<vmem>>[vector<16xi32>, vector<16xi32>], vector<16xf32>,
      %gather3A_310 = tpu.vector_load_idx %arg13[%add3A_301, %broadcast_in_dim3A_5] : memref<128x16xf32, #tpu.memory_space<vmem>>[vector<16xi32>, vector<16xi32>], vector<16xf32>,
      %gather3A_311 = tpu.vector_load_idx %arg13[%add3A_301, %broadcast_in_dim3A_7] : memref<128x16xf32, #tpu.memory_space<vmem>>[vector<16xi32>, vector<16xi32>], vector<16xf32>,
      %mul3A_312 = arith.constant 4 : i32
      %mul3A_313 = vector.broadcast %mul3A_312 : i32 to vector<16xi32>
      %mul3A_314 = arith.muli %add3A_301, %mul3A_313 : vector<16xi32>
      %mul3A_315 = arith.constant 2 : i32
      %mul3A_316 = arith.muli %mul3A_315, %arg0 : i32
      %add3A_317 = vector.broadcast %mul3A_316 : i32 to vector<16xi32>
      %add3A_318 = arith.addi %mul3A_314, %add3A_317 : vector<16xi32>
      %gather3A_319 = tpu.vector_load_idx %arg14[%add3A_318] : memref<512xf32, #tpu.memory_space<vmem>>[vector<16xi32>], vector<16xf32>,
      %add3A_320 = arith.constant 1 : i32
      %add3A_321 = vector.broadcast %add3A_320 : i32 to vector<16xi32>
      %add3A_322 = arith.addi %add3A_318, %add3A_321 : vector<16xi32>
      %gather3A_323 = tpu.vector_load_idx %arg14[%add3A_322] : memref<512xf32, #tpu.memory_space<vmem>>[vector<16xi32>], vector<16xf32>,
      %add3A_324 = arith.addf %gather3A_305, %gather3A_310 : vector<16xf32>
      %add3A_325 = arith.addf %add3A_324, %gather3A_319 : vector<16xf32>
      %add3A_326 = arith.addf %gather3A_309, %gather3A_311 : vector<16xf32>
      %add3A_327 = arith.addf %add3A_326, %gather3A_323 : vector<16xf32>
      %gt3A_328 = arith.constant 0.000000e+00 : f32
      %gt3A_329 = vector.broadcast %gt3A_328 : f32 to vector<16xf32>
      %gt3A_330 = arith.cmpf ogt, %add3A_325, %gt3A_329 : vector<16xf32>
      %mul3A_331 = arith.constant 2.000000e-01 : f32
      %mul3A_332 = vector.broadcast %mul3A_331 : f32 to vector<16xf32>
      %mul3A_333 = arith.mulf %mul3A_332, %add3A_325 : vector<16xf32>
      %select_n3A_334 = arith.select %gt3A_330, %add3A_325, %mul3A_333 : vector<16xi1>, vector<16xf32>
      %gt3A_335 = arith.constant 0.000000e+00 : f32
      %gt3A_336 = vector.broadcast %gt3A_335 : f32 to vector<16xf32>
      %gt3A_337 = arith.cmpf ogt, %add3A_327, %gt3A_336 : vector<16xf32>
      %mul3A_338 = arith.constant 2.000000e-01 : f32
      %mul3A_339 = vector.broadcast %mul3A_338 : f32 to vector<16xf32>
      %mul3A_340 = arith.mulf %mul3A_339, %add3A_327 : vector<16xf32>
      %select_n3A_341 = arith.select %gt3A_337, %add3A_327, %mul3A_340 : vector<16xi1>, vector<16xf32>
      %exp3A_342 = math.exp %select_n3A_334 : vector<16xf32>
      tpu.vector_store_idx %arg15[%add3A_301, %broadcast_in_dim3A_5], %exp3A_342 : memref<128x2xf32, #tpu.memory_space<vmem>>[vector<16xi32>, vector<16xi32>], vector<16xf32>,
      %exp3A_343 = math.exp %select_n3A_341 : vector<16xf32>
      tpu.vector_store_idx %arg15[%add3A_301, %broadcast_in_dim3A_7], %exp3A_343 : memref<128x2xf32, #tpu.memory_space<vmem>>[vector<16xi32>, vector<16xi32>], vector<16xf32>,
      %add3A_344 = arith.constant 64 : i32
      %add3A_345 = vector.broadcast %add3A_344 : i32 to vector<16xi32>
      %add3A_346 = arith.addi %iota3A, %add3A_345 : vector<16xi32>
      %add3A_347 = arith.constant 128 : i32
      %add3A_348 = vector.broadcast %add3A_347 : i32 to vector<16xi32>
      %add3A_349 = arith.addi %broadcast_in_dim3A_5, %add3A_348 : vector<16xi32>
      %gather3A_350 = tpu.vector_load_idx %arg12[%add3A_346, %add3A_349] : memref<128x144xf32, #tpu.memory_space<vmem>>[vector<16xi32>, vector<16xi32>], vector<16xf32>,
      %add3A_351 = arith.constant 129 : i32
      %add3A_352 = vector.broadcast %add3A_351 : i32 to vector<16xi32>
      %add3A_353 = arith.addi %broadcast_in_dim3A_5, %add3A_352 : vector<16xi32>
      %gather3A_354 = tpu.vector_load_idx %arg12[%add3A_346, %add3A_353] : memref<128x144xf32, #tpu.memory_space<vmem>>[vector<16xi32>, vector<16xi32>], vector<16xf32>,
      %gather3A_355 = tpu.vector_load_idx %arg13[%add3A_346, %broadcast_in_dim3A_5] : memref<128x16xf32, #tpu.memory_space<vmem>>[vector<16xi32>, vector<16xi32>], vector<16xf32>,
      %gather3A_356 = tpu.vector_load_idx %arg13[%add3A_346, %broadcast_in_dim3A_7] : memref<128x16xf32, #tpu.memory_space<vmem>>[vector<16xi32>, vector<16xi32>], vector<16xf32>,
      %mul3A_357 = arith.constant 4 : i32
      %mul3A_358 = vector.broadcast %mul3A_357 : i32 to vector<16xi32>
      %mul3A_359 = arith.muli %add3A_346, %mul3A_358 : vector<16xi32>
      %mul3A_360 = arith.constant 2 : i32
      %mul3A_361 = arith.muli %mul3A_360, %arg0 : i32
      %add3A_362 = vector.broadcast %mul3A_361 : i32 to vector<16xi32>
      %add3A_363 = arith.addi %mul3A_359, %add3A_362 : vector<16xi32>
      %gather3A_364 = tpu.vector_load_idx %arg14[%add3A_363] : memref<512xf32, #tpu.memory_space<vmem>>[vector<16xi32>], vector<16xf32>,
      %add3A_365 = arith.constant 1 : i32
      %add3A_366 = vector.broadcast %add3A_365 : i32 to vector<16xi32>
      %add3A_367 = arith.addi %add3A_363, %add3A_366 : vector<16xi32>
      %gather3A_368 = tpu.vector_load_idx %arg14[%add3A_367] : memref<512xf32, #tpu.memory_space<vmem>>[vector<16xi32>], vector<16xf32>,
      %add3A_369 = arith.addf %gather3A_350, %gather3A_355 : vector<16xf32>
      %add3A_370 = arith.addf %add3A_369, %gather3A_364 : vector<16xf32>
      %add3A_371 = arith.addf %gather3A_354, %gather3A_356 : vector<16xf32>
      %add3A_372 = arith.addf %add3A_371, %gather3A_368 : vector<16xf32>
      %gt3A_373 = arith.constant 0.000000e+00 : f32
      %gt3A_374 = vector.broadcast %gt3A_373 : f32 to vector<16xf32>
      %gt3A_375 = arith.cmpf ogt, %add3A_370, %gt3A_374 : vector<16xf32>
      %mul3A_376 = arith.constant 2.000000e-01 : f32
      %mul3A_377 = vector.broadcast %mul3A_376 : f32 to vector<16xf32>
      %mul3A_378 = arith.mulf %mul3A_377, %add3A_370 : vector<16xf32>
      %select_n3A_379 = arith.select %gt3A_375, %add3A_370, %mul3A_378 : vector<16xi1>, vector<16xf32>
      %gt3A_380 = arith.constant 0.000000e+00 : f32
      %gt3A_381 = vector.broadcast %gt3A_380 : f32 to vector<16xf32>
      %gt3A_382 = arith.cmpf ogt, %add3A_372, %gt3A_381 : vector<16xf32>
      %mul3A_383 = arith.constant 2.000000e-01 : f32
      %mul3A_384 = vector.broadcast %mul3A_383 : f32 to vector<16xf32>
      %mul3A_385 = arith.mulf %mul3A_384, %add3A_372 : vector<16xf32>
      %select_n3A_386 = arith.select %gt3A_382, %add3A_372, %mul3A_385 : vector<16xi1>, vector<16xf32>
      %exp3A_387 = math.exp %select_n3A_379 : vector<16xf32>
      tpu.vector_store_idx %arg15[%add3A_346, %broadcast_in_dim3A_5], %exp3A_387 : memref<128x2xf32, #tpu.memory_space<vmem>>[vector<16xi32>, vector<16xi32>], vector<16xf32>,
      %exp3A_388 = math.exp %select_n3A_386 : vector<16xf32>
      tpu.vector_store_idx %arg15[%add3A_346, %broadcast_in_dim3A_7], %exp3A_388 : memref<128x2xf32, #tpu.memory_space<vmem>>[vector<16xi32>, vector<16xi32>], vector<16xf32>,
      %add3A_389 = arith.constant 80 : i32
      %add3A_390 = vector.broadcast %add3A_389 : i32 to vector<16xi32>
      %add3A_391 = arith.addi %iota3A, %add3A_390 : vector<16xi32>
      %add3A_392 = arith.constant 128 : i32
      %add3A_393 = vector.broadcast %add3A_392 : i32 to vector<16xi32>
      %add3A_394 = arith.addi %broadcast_in_dim3A_5, %add3A_393 : vector<16xi32>
      %gather3A_395 = tpu.vector_load_idx %arg12[%add3A_391, %add3A_394] : memref<128x144xf32, #tpu.memory_space<vmem>>[vector<16xi32>, vector<16xi32>], vector<16xf32>,
      %add3A_396 = arith.constant 129 : i32
      %add3A_397 = vector.broadcast %add3A_396 : i32 to vector<16xi32>
      %add3A_398 = arith.addi %broadcast_in_dim3A_5, %add3A_397 : vector<16xi32>
      %gather3A_399 = tpu.vector_load_idx %arg12[%add3A_391, %add3A_398] : memref<128x144xf32, #tpu.memory_space<vmem>>[vector<16xi32>, vector<16xi32>], vector<16xf32>,
      %gather3A_400 = tpu.vector_load_idx %arg13[%add3A_391, %broadcast_in_dim3A_5] : memref<128x16xf32, #tpu.memory_space<vmem>>[vector<16xi32>, vector<16xi32>], vector<16xf32>,
      %gather3A_401 = tpu.vector_load_idx %arg13[%add3A_391, %broadcast_in_dim3A_7] : memref<128x16xf32, #tpu.memory_space<vmem>>[vector<16xi32>, vector<16xi32>], vector<16xf32>,
      %mul3A_402 = arith.constant 4 : i32
      %mul3A_403 = vector.broadcast %mul3A_402 : i32 to vector<16xi32>
      %mul3A_404 = arith.muli %add3A_391, %mul3A_403 : vector<16xi32>
      %mul3A_405 = arith.constant 2 : i32
      %mul3A_406 = arith.muli %mul3A_405, %arg0 : i32
      %add3A_407 = vector.broadcast %mul3A_406 : i32 to vector<16xi32>
      %add3A_408 = arith.addi %mul3A_404, %add3A_407 : vector<16xi32>
      %gather3A_409 = tpu.vector_load_idx %arg14[%add3A_408] : memref<512xf32, #tpu.memory_space<vmem>>[vector<16xi32>], vector<16xf32>,
      %add3A_410 = arith.constant 1 : i32
      %add3A_411 = vector.broadcast %add3A_410 : i32 to vector<16xi32>
      %add3A_412 = arith.addi %add3A_408, %add3A_411 : vector<16xi32>
      %gather3A_413 = tpu.vector_load_idx %arg14[%add3A_412] : memref<512xf32, #tpu.memory_space<vmem>>[vector<16xi32>], vector<16xf32>,
      %add3A_414 = arith.addf %gather3A_395, %gather3A_400 : vector<16xf32>
      %add3A_415 = arith.addf %add3A_414, %gather3A_409 : vector<16xf32>
      %add3A_416 = arith.addf %gather3A_399, %gather3A_401 : vector<16xf32>
      %add3A_417 = arith.addf %add3A_416, %gather3A_413 : vector<16xf32>
      %gt3A_418 = arith.constant 0.000000e+00 : f32
      %gt3A_419 = vector.broadcast %gt3A_418 : f32 to vector<16xf32>
      %gt3A_420 = arith.cmpf ogt, %add3A_415, %gt3A_419 : vector<16xf32>
      %mul3A_421 = arith.constant 2.000000e-01 : f32
      %mul3A_422 = vector.broadcast %mul3A_421 : f32 to vector<16xf32>
      %mul3A_423 = arith.mulf %mul3A_422, %add3A_415 : vector<16xf32>
      %select_n3A_424 = arith.select %gt3A_420, %add3A_415, %mul3A_423 : vector<16xi1>, vector<16xf32>
      %gt3A_425 = arith.constant 0.000000e+00 : f32
      %gt3A_426 = vector.broadcast %gt3A_425 : f32 to vector<16xf32>
      %gt3A_427 = arith.cmpf ogt, %add3A_417, %gt3A_426 : vector<16xf32>
      %mul3A_428 = arith.constant 2.000000e-01 : f32
      %mul3A_429 = vector.broadcast %mul3A_428 : f32 to vector<16xf32>
      %mul3A_430 = arith.mulf %mul3A_429, %add3A_417 : vector<16xf32>
      %select_n3A_431 = arith.select %gt3A_427, %add3A_417, %mul3A_430 : vector<16xi1>, vector<16xf32>
      %exp3A_432 = math.exp %select_n3A_424 : vector<16xf32>
      tpu.vector_store_idx %arg15[%add3A_391, %broadcast_in_dim3A_5], %exp3A_432 : memref<128x2xf32, #tpu.memory_space<vmem>>[vector<16xi32>, vector<16xi32>], vector<16xf32>,
      %exp3A_433 = math.exp %select_n3A_431 : vector<16xf32>
      tpu.vector_store_idx %arg15[%add3A_391, %broadcast_in_dim3A_7], %exp3A_433 : memref<128x2xf32, #tpu.memory_space<vmem>>[vector<16xi32>, vector<16xi32>], vector<16xf32>,
      %add3A_434 = arith.constant 96 : i32
      %add3A_435 = vector.broadcast %add3A_434 : i32 to vector<16xi32>
      %add3A_436 = arith.addi %iota3A, %add3A_435 : vector<16xi32>
      %add3A_437 = arith.constant 128 : i32
      %add3A_438 = vector.broadcast %add3A_437 : i32 to vector<16xi32>
      %add3A_439 = arith.addi %broadcast_in_dim3A_5, %add3A_438 : vector<16xi32>
      %gather3A_440 = tpu.vector_load_idx %arg12[%add3A_436, %add3A_439] : memref<128x144xf32, #tpu.memory_space<vmem>>[vector<16xi32>, vector<16xi32>], vector<16xf32>,
      %add3A_441 = arith.constant 129 : i32
      %add3A_442 = vector.broadcast %add3A_441 : i32 to vector<16xi32>
      %add3A_443 = arith.addi %broadcast_in_dim3A_5, %add3A_442 : vector<16xi32>
      %gather3A_444 = tpu.vector_load_idx %arg12[%add3A_436, %add3A_443] : memref<128x144xf32, #tpu.memory_space<vmem>>[vector<16xi32>, vector<16xi32>], vector<16xf32>,
      %gather3A_445 = tpu.vector_load_idx %arg13[%add3A_436, %broadcast_in_dim3A_5] : memref<128x16xf32, #tpu.memory_space<vmem>>[vector<16xi32>, vector<16xi32>], vector<16xf32>,
      %gather3A_446 = tpu.vector_load_idx %arg13[%add3A_436, %broadcast_in_dim3A_7] : memref<128x16xf32, #tpu.memory_space<vmem>>[vector<16xi32>, vector<16xi32>], vector<16xf32>,
      %mul3A_447 = arith.constant 4 : i32
      %mul3A_448 = vector.broadcast %mul3A_447 : i32 to vector<16xi32>
      %mul3A_449 = arith.muli %add3A_436, %mul3A_448 : vector<16xi32>
      %mul3A_450 = arith.constant 2 : i32
      %mul3A_451 = arith.muli %mul3A_450, %arg0 : i32
      %add3A_452 = vector.broadcast %mul3A_451 : i32 to vector<16xi32>
      %add3A_453 = arith.addi %mul3A_449, %add3A_452 : vector<16xi32>
      %gather3A_454 = tpu.vector_load_idx %arg14[%add3A_453] : memref<512xf32, #tpu.memory_space<vmem>>[vector<16xi32>], vector<16xf32>,
      %add3A_455 = arith.constant 1 : i32
      %add3A_456 = vector.broadcast %add3A_455 : i32 to vector<16xi32>
      %add3A_457 = arith.addi %add3A_453, %add3A_456 : vector<16xi32>
      %gather3A_458 = tpu.vector_load_idx %arg14[%add3A_457] : memref<512xf32, #tpu.memory_space<vmem>>[vector<16xi32>], vector<16xf32>,
      %add3A_459 = arith.addf %gather3A_440, %gather3A_445 : vector<16xf32>
      %add3A_460 = arith.addf %add3A_459, %gather3A_454 : vector<16xf32>
      %add3A_461 = arith.addf %gather3A_444, %gather3A_446 : vector<16xf32>
      %add3A_462 = arith.addf %add3A_461, %gather3A_458 : vector<16xf32>
      %gt3A_463 = arith.constant 0.000000e+00 : f32
      %gt3A_464 = vector.broadcast %gt3A_463 : f32 to vector<16xf32>
      %gt3A_465 = arith.cmpf ogt, %add3A_460, %gt3A_464 : vector<16xf32>
      %mul3A_466 = arith.constant 2.000000e-01 : f32
      %mul3A_467 = vector.broadcast %mul3A_466 : f32 to vector<16xf32>
      %mul3A_468 = arith.mulf %mul3A_467, %add3A_460 : vector<16xf32>
      %select_n3A_469 = arith.select %gt3A_465, %add3A_460, %mul3A_468 : vector<16xi1>, vector<16xf32>
      %gt3A_470 = arith.constant 0.000000e+00 : f32
      %gt3A_471 = vector.broadcast %gt3A_470 : f32 to vector<16xf32>
      %gt3A_472 = arith.cmpf ogt, %add3A_462, %gt3A_471 : vector<16xf32>
      %mul3A_473 = arith.constant 2.000000e-01 : f32
      %mul3A_474 = vector.broadcast %mul3A_473 : f32 to vector<16xf32>
      %mul3A_475 = arith.mulf %mul3A_474, %add3A_462 : vector<16xf32>
      %select_n3A_476 = arith.select %gt3A_472, %add3A_462, %mul3A_475 : vector<16xi1>, vector<16xf32>
      %exp3A_477 = math.exp %select_n3A_469 : vector<16xf32>
      tpu.vector_store_idx %arg15[%add3A_436, %broadcast_in_dim3A_5], %exp3A_477 : memref<128x2xf32, #tpu.memory_space<vmem>>[vector<16xi32>, vector<16xi32>], vector<16xf32>,
      %exp3A_478 = math.exp %select_n3A_476 : vector<16xf32>
      tpu.vector_store_idx %arg15[%add3A_436, %broadcast_in_dim3A_7], %exp3A_478 : memref<128x2xf32, #tpu.memory_space<vmem>>[vector<16xi32>, vector<16xi32>], vector<16xf32>,
      %add3A_479 = arith.constant 112 : i32
      %add3A_480 = vector.broadcast %add3A_479 : i32 to vector<16xi32>
      %add3A_481 = arith.addi %iota3A, %add3A_480 : vector<16xi32>
      %add3A_482 = arith.constant 128 : i32
      %add3A_483 = vector.broadcast %add3A_482 : i32 to vector<16xi32>
      %add3A_484 = arith.addi %broadcast_in_dim3A_5, %add3A_483 : vector<16xi32>
      %gather3A_485 = tpu.vector_load_idx %arg12[%add3A_481, %add3A_484] : memref<128x144xf32, #tpu.memory_space<vmem>>[vector<16xi32>, vector<16xi32>], vector<16xf32>,
      %add3A_486 = arith.constant 129 : i32
      %add3A_487 = vector.broadcast %add3A_486 : i32 to vector<16xi32>
      %add3A_488 = arith.addi %broadcast_in_dim3A_5, %add3A_487 : vector<16xi32>
      %gather3A_489 = tpu.vector_load_idx %arg12[%add3A_481, %add3A_488] : memref<128x144xf32, #tpu.memory_space<vmem>>[vector<16xi32>, vector<16xi32>], vector<16xf32>,
      %gather3A_490 = tpu.vector_load_idx %arg13[%add3A_481, %broadcast_in_dim3A_5] : memref<128x16xf32, #tpu.memory_space<vmem>>[vector<16xi32>, vector<16xi32>], vector<16xf32>,
      %gather3A_491 = tpu.vector_load_idx %arg13[%add3A_481, %broadcast_in_dim3A_7] : memref<128x16xf32, #tpu.memory_space<vmem>>[vector<16xi32>, vector<16xi32>], vector<16xf32>,
      %mul3A_492 = arith.constant 4 : i32
      %mul3A_493 = vector.broadcast %mul3A_492 : i32 to vector<16xi32>
      %mul3A_494 = arith.muli %add3A_481, %mul3A_493 : vector<16xi32>
      %mul3A_495 = arith.constant 2 : i32
      %mul3A_496 = arith.muli %mul3A_495, %arg0 : i32
      %add3A_497 = vector.broadcast %mul3A_496 : i32 to vector<16xi32>
      %add3A_498 = arith.addi %mul3A_494, %add3A_497 : vector<16xi32>
      %gather3A_499 = tpu.vector_load_idx %arg14[%add3A_498] : memref<512xf32, #tpu.memory_space<vmem>>[vector<16xi32>], vector<16xf32>,
      %add3A_500 = arith.constant 1 : i32
      %add3A_501 = vector.broadcast %add3A_500 : i32 to vector<16xi32>
      %add3A_502 = arith.addi %add3A_498, %add3A_501 : vector<16xi32>
      %gather3A_503 = tpu.vector_load_idx %arg14[%add3A_502] : memref<512xf32, #tpu.memory_space<vmem>>[vector<16xi32>], vector<16xf32>,
      %add3A_504 = arith.addf %gather3A_485, %gather3A_490 : vector<16xf32>
      %add3A_505 = arith.addf %add3A_504, %gather3A_499 : vector<16xf32>
      %add3A_506 = arith.addf %gather3A_489, %gather3A_491 : vector<16xf32>
      %add3A_507 = arith.addf %add3A_506, %gather3A_503 : vector<16xf32>
      %gt3A_508 = arith.constant 0.000000e+00 : f32
      %gt3A_509 = vector.broadcast %gt3A_508 : f32 to vector<16xf32>
      %gt3A_510 = arith.cmpf ogt, %add3A_505, %gt3A_509 : vector<16xf32>
      %mul3A_511 = arith.constant 2.000000e-01 : f32
      %mul3A_512 = vector.broadcast %mul3A_511 : f32 to vector<16xf32>
      %mul3A_513 = arith.mulf %mul3A_512, %add3A_505 : vector<16xf32>
      %select_n3A_514 = arith.select %gt3A_510, %add3A_505, %mul3A_513 : vector<16xi1>, vector<16xf32>
      %gt3A_515 = arith.constant 0.000000e+00 : f32
      %gt3A_516 = vector.broadcast %gt3A_515 : f32 to vector<16xf32>
      %gt3A_517 = arith.cmpf ogt, %add3A_507, %gt3A_516 : vector<16xf32>
      %mul3A_518 = arith.constant 2.000000e-01 : f32
      %mul3A_519 = vector.broadcast %mul3A_518 : f32 to vector<16xf32>
      %mul3A_520 = arith.mulf %mul3A_519, %add3A_507 : vector<16xf32>
      %select_n3A_521 = arith.select %gt3A_517, %add3A_507, %mul3A_520 : vector<16xi1>, vector<16xf32>
      %exp3A_522 = math.exp %select_n3A_514 : vector<16xf32>
      tpu.vector_store_idx %arg15[%add3A_481, %broadcast_in_dim3A_5], %exp3A_522 : memref<128x2xf32, #tpu.memory_space<vmem>>[vector<16xi32>, vector<16xi32>], vector<16xf32>,
      %exp3A_523 = math.exp %select_n3A_521 : vector<16xf32>
      tpu.vector_store_idx %arg15[%add3A_481, %broadcast_in_dim3A_7], %exp3A_523 : memref<128x2xf32, #tpu.memory_space<vmem>>[vector<16xi32>, vector<16xi32>], vector<16xf32>,
      %scan3A_524 = arith.constant 0 : i32
      %scan3A_525 = arith.constant 0 : i32
      %scan3A_526 = arith.constant 128 : i32
      %scan3A_527 = arith.addi %scan3A_525, %scan3A_526 : i32
      %scan3A_528 = arith.constant 1 : i32
      scf.for %scan3A_530 = %scan3A_525 to %scan3A_527 step %scan3A_528  : i32 {
        %broadcast_in_dim3A_531 = vector.broadcast %scan3A_530 : i32 to vector<16xi32>
        %gather3A_532 = tpu.vector_load_idx %arg15[%broadcast_in_dim3A_531, %broadcast_in_dim3A_5] : memref<128x2xf32, #tpu.memory_space<vmem>>[vector<16xi32>, vector<16xi32>], vector<16xf32>,
        %gather3A_533 = tpu.vector_load_idx %arg15[%broadcast_in_dim3A_531, %broadcast_in_dim3A_7] : memref<128x2xf32, #tpu.memory_space<vmem>>[vector<16xi32>, vector<16xi32>], vector<16xf32>,
        %get3A_534 = arith.index_cast %scan3A_530 : i32 to index
        %get3A_535 = arith.constant 0 : index
        %get3A_536 = tpu.vector_load %arg12[%get3A_534, %get3A_535] {strides = array<i32>} : memref<128x144xf32, #tpu.memory_space<vmem>>, vector<16xf32>,
        %mul3A_537 = arith.mulf %get3A_536, %gather3A_532 : vector<16xf32>
        %swap3A_538 = arith.index_cast %scan3A_530 : i32 to index
        %swap3A_539 = arith.constant 0 : index
        %swap3A_540 = tpu.vector_load %arg12[%swap3A_538, %swap3A_539] {strides = array<i32>} : memref<128x144xf32, #tpu.memory_space<vmem>>, vector<16xf32>,
        tpu.vector_store %arg12[%swap3A_538, %swap3A_539], %mul3A_537 {strides = array<i32>} : memref<128x144xf32, #tpu.memory_space<vmem>>, vector<16xf32>,
        %get3A_541 = arith.index_cast %scan3A_530 : i32 to index
        %get3A_542 = arith.constant 16 : index
        %get3A_543 = tpu.vector_load %arg12[%get3A_541, %get3A_542] {strides = array<i32>} : memref<128x144xf32, #tpu.memory_space<vmem>>, vector<16xf32>,
        %mul3A_544 = arith.mulf %get3A_543, %gather3A_532 : vector<16xf32>
        %swap3A_545 = arith.index_cast %scan3A_530 : i32 to index
        %swap3A_546 = arith.constant 16 : index
        %swap3A_547 = tpu.vector_load %arg12[%swap3A_545, %swap3A_546] {strides = array<i32>} : memref<128x144xf32, #tpu.memory_space<vmem>>, vector<16xf32>,
        tpu.vector_store %arg12[%swap3A_545, %swap3A_546], %mul3A_544 {strides = array<i32>} : memref<128x144xf32, #tpu.memory_space<vmem>>, vector<16xf32>,
        %get3A_548 = arith.index_cast %scan3A_530 : i32 to index
        %get3A_549 = arith.constant 32 : index
        %get3A_550 = tpu.vector_load %arg12[%get3A_548, %get3A_549] {strides = array<i32>} : memref<128x144xf32, #tpu.memory_space<vmem>>, vector<16xf32>,
        %mul3A_551 = arith.mulf %get3A_550, %gather3A_532 : vector<16xf32>
        %swap3A_552 = arith.index_cast %scan3A_530 : i32 to index
        %swap3A_553 = arith.constant 32 : index
        %swap3A_554 = tpu.vector_load %arg12[%swap3A_552, %swap3A_553] {strides = array<i32>} : memref<128x144xf32, #tpu.memory_space<vmem>>, vector<16xf32>,
        tpu.vector_store %arg12[%swap3A_552, %swap3A_553], %mul3A_551 {strides = array<i32>} : memref<128x144xf32, #tpu.memory_space<vmem>>, vector<16xf32>,
        %get3A_555 = arith.index_cast %scan3A_530 : i32 to index
        %get3A_556 = arith.constant 48 : index
        %get3A_557 = tpu.vector_load %arg12[%get3A_555, %get3A_556] {strides = array<i32>} : memref<128x144xf32, #tpu.memory_space<vmem>>, vector<16xf32>,
        %mul3A_558 = arith.mulf %get3A_557, %gather3A_532 : vector<16xf32>
        %swap3A_559 = arith.index_cast %scan3A_530 : i32 to index
        %swap3A_560 = arith.constant 48 : index
        %swap3A_561 = tpu.vector_load %arg12[%swap3A_559, %swap3A_560] {strides = array<i32>} : memref<128x144xf32, #tpu.memory_space<vmem>>, vector<16xf32>,
        tpu.vector_store %arg12[%swap3A_559, %swap3A_560], %mul3A_558 {strides = array<i32>} : memref<128x144xf32, #tpu.memory_space<vmem>>, vector<16xf32>,
        %get3A_562 = arith.index_cast %scan3A_530 : i32 to index
        %get3A_563 = arith.constant 64 : index
        %get3A_564 = tpu.vector_load %arg12[%get3A_562, %get3A_563] {strides = array<i32>} : memref<128x144xf32, #tpu.memory_space<vmem>>, vector<16xf32>,
        %mul3A_565 = arith.mulf %get3A_564, %gather3A_533 : vector<16xf32>
        %swap3A_566 = arith.index_cast %scan3A_530 : i32 to index
        %swap3A_567 = arith.constant 64 : index
        %swap3A_568 = tpu.vector_load %arg12[%swap3A_566, %swap3A_567] {strides = array<i32>} : memref<128x144xf32, #tpu.memory_space<vmem>>, vector<16xf32>,
        tpu.vector_store %arg12[%swap3A_566, %swap3A_567], %mul3A_565 {strides = array<i32>} : memref<128x144xf32, #tpu.memory_space<vmem>>, vector<16xf32>,
        %get3A_569 = arith.index_cast %scan3A_530 : i32 to index
        %get3A_570 = arith.constant 80 : index
        %get3A_571 = tpu.vector_load %arg12[%get3A_569, %get3A_570] {strides = array<i32>} : memref<128x144xf32, #tpu.memory_space<vmem>>, vector<16xf32>,
        %mul3A_572 = arith.mulf %get3A_571, %gather3A_533 : vector<16xf32>
        %swap3A_573 = arith.index_cast %scan3A_530 : i32 to index
        %swap3A_574 = arith.constant 80 : index
        %swap3A_575 = tpu.vector_load %arg12[%swap3A_573, %swap3A_574] {strides = array<i32>} : memref<128x144xf32, #tpu.memory_space<vmem>>, vector<16xf32>,
        tpu.vector_store %arg12[%swap3A_573, %swap3A_574], %mul3A_572 {strides = array<i32>} : memref<128x144xf32, #tpu.memory_space<vmem>>, vector<16xf32>,
        %get3A_576 = arith.index_cast %scan3A_530 : i32 to index
        %get3A_577 = arith.constant 96 : index
        %get3A_578 = tpu.vector_load %arg12[%get3A_576, %get3A_577] {strides = array<i32>} : memref<128x144xf32, #tpu.memory_space<vmem>>, vector<16xf32>,
        %mul3A_579 = arith.mulf %get3A_578, %gather3A_533 : vector<16xf32>
        %swap3A_580 = arith.index_cast %scan3A_530 : i32 to index
        %swap3A_581 = arith.constant 96 : index
        %swap3A_582 = tpu.vector_load %arg12[%swap3A_580, %swap3A_581] {strides = array<i32>} : memref<128x144xf32, #tpu.memory_space<vmem>>, vector<16xf32>,
        tpu.vector_store %arg12[%swap3A_580, %swap3A_581], %mul3A_579 {strides = array<i32>} : memref<128x144xf32, #tpu.memory_space<vmem>>, vector<16xf32>,
        %get3A_583 = arith.index_cast %scan3A_530 : i32 to index
        %get3A_584 = arith.constant 112 : index
        %get3A_585 = tpu.vector_load %arg12[%get3A_583, %get3A_584] {strides = array<i32>} : memref<128x144xf32, #tpu.memory_space<vmem>>, vector<16xf32>,
        %mul3A_586 = arith.mulf %get3A_585, %gather3A_533 : vector<16xf32>
        %swap3A_587 = arith.index_cast %scan3A_530 : i32 to index
        %swap3A_588 = arith.constant 112 : index
        %swap3A_589 = tpu.vector_load %arg12[%swap3A_587, %swap3A_588] {strides = array<i32>} : memref<128x144xf32, #tpu.memory_space<vmem>>, vector<16xf32>,
        tpu.vector_store %arg12[%swap3A_587, %swap3A_588], %mul3A_586 {strides = array<i32>} : memref<128x144xf32, #tpu.memory_space<vmem>>, vector<16xf32>,
        %eq3A = arith.constant 0 : i32
        %eq3A_590 = vector.broadcast %eq3A : i32 to vector<16xi32>
        %eq3A_591 = arith.cmpi eq, %iota3A, %eq3A_590 : vector<16xi32>
        %jit3A = arith.constant 0.000000e+00 : f32
        %broadcast_in_dim3A_592 = vector.broadcast %jit3A : f32 to vector<16xf32>
        %select_n3A_593 = arith.select %eq3A_591, %gather3A_532, %broadcast_in_dim3A_592 : vector<16xi1>, vector<16xf32>
        %eq3A_594 = arith.constant 1 : i32
        %eq3A_595 = vector.broadcast %eq3A_594 : i32 to vector<16xi32>
        %eq3A_596 = arith.cmpi eq, %iota3A, %eq3A_595 : vector<16xi32>
        %jit3A_597 = arith.constant 0.000000e+00 : f32
        %broadcast_in_dim3A_598 = vector.broadcast %jit3A_597 : f32 to vector<16xf32>
        %select_n3A_599 = arith.select %eq3A_596, %gather3A_533, %broadcast_in_dim3A_598 : vector<16xi1>, vector<16xf32>
        %add3A_600 = arith.addf %select_n3A_593, %select_n3A_599 : vector<16xf32>
        %swap3A_601 = arith.index_cast %scan3A_530 : i32 to index
        %swap3A_602 = arith.constant 128 : index
        %swap3A_603 = tpu.vector_load %arg12[%swap3A_601, %swap3A_602] {strides = array<i32>} : memref<128x144xf32, #tpu.memory_space<vmem>>, vector<16xf32>,
        tpu.vector_store %arg12[%swap3A_601, %swap3A_602], %add3A_600 {strides = array<i32>} : memref<128x144xf32, #tpu.memory_space<vmem>>, vector<16xf32>,
      }
      %scan3A_529 = arith.constant 128 : i32
      "tpu.region"() ({
        %run_scoped3A = tpu.sem_alloc : memref<!tpu.dma_semaphore, #tpu.memory_space<semaphore_mem>>
        %dma_start3A_530 = arith.constant 0 : i32
        %dma_start3A_531 = arith.constant 0 : i32
        %dma_start3A_532 = tpu.memref_slice %arg16[%dma_start3A_530, %dma_start3A_531] : memref<10112x144xf32, #tpu.memory_space<vmem_shared>> -> memref<10112x144xf32, #tpu.memory_space<vmem_shared>>
        tpu.enqueue_indirect_dma source(%arg12 : memref<128x144xf32, #tpu.memory_space<vmem>>) target(%dma_start3A_532 : memref<10112x144xf32, #tpu.memory_space<vmem_shared>>) offsets(%arg9 : memref<128xi32, #tpu.memory_space<vmem>>) semaphore(%run_scoped3A : memref<!tpu.dma_semaphore, #tpu.memory_space<semaphore_mem>>) {add = true}
        %dma_wait3A_533 = arith.constant 0 : i32
        %dma_wait3A_534 = arith.constant 0 : i32
        %dma_wait3A_535 = tpu.memref_slice %arg16[%dma_wait3A_533, %dma_wait3A_534] : memref<10112x144xf32, #tpu.memory_space<vmem_shared>> -> memref<10112x144xf32, #tpu.memory_space<vmem_shared>>
        tpu.wait_indirect_dma semaphore(%run_scoped3A : memref<!tpu.dma_semaphore, #tpu.memory_space<semaphore_mem>>) src(%arg12 : memref<128x144xf32, #tpu.memory_space<vmem>>) dst(%dma_wait3A_535 : memref<10112x144xf32, #tpu.memory_space<vmem_shared>>)
        tpu.yield
      }) : () -> ()
    }
    %scan3A_31 = arith.constant 79 : i32
    %barrier3A_32 = arith.constant 0 : index
    tpu.barrier barrier_id(%barrier3A_32)
    %add3A_33 = arith.constant 0 : i32
    %add3A_34 = arith.addi %mul3A_4, %add3A_33 : i32
    "tpu.region"() ({
      %run_scoped3A = tpu.sem_alloc : memref<!tpu.dma_semaphore, #tpu.memory_space<semaphore_mem>>
      %dma_start3A = arith.constant 0 : i32
      %dma_start3A_58 = arith.constant 0 : i32
      %dma_start3A_59 = tpu.memref_slice %arg12[%dma_start3A, %dma_start3A_58] : memref<128x144xf32, #tpu.memory_space<vmem>> -> memref<128x144xf32, #tpu.memory_space<vmem>>
      %dma_start3A_60 = arith.constant 0 : i32
      %dma_start3A_61 = tpu.memref_slice %arg16[%add3A_34, %dma_start3A_60] : memref<10112x144xf32, #tpu.memory_space<vmem_shared>> -> memref<128x144xf32, #tpu.memory_space<vmem_shared>>
      %dma_start3A_62 = arith.constant 0 : i32
      %dma_start3A_63 = arith.constant 0 : i32
      %dma_start3A_64 = tpu.memref_slice %arg12[%dma_start3A_62, %dma_start3A_63] : memref<128x144xf32, #tpu.memory_space<vmem>> -> memref<128x144xf32, #tpu.memory_space<vmem>>
      %dma_start3A_65 = arith.constant 0 : i32
      %dma_start3A_66 = tpu.memref_slice %arg16[%add3A_34, %dma_start3A_65] : memref<10112x144xf32, #tpu.memory_space<vmem_shared>> -> memref<128x144xf32, #tpu.memory_space<vmem_shared>>
      tpu.enqueue_dma source(%dma_start3A_66 : memref<128x144xf32, #tpu.memory_space<vmem_shared>>) target(%dma_start3A_64 : memref<128x144xf32, #tpu.memory_space<vmem>>) target_semaphore(%run_scoped3A : memref<!tpu.dma_semaphore, #tpu.memory_space<semaphore_mem>>)
      %dma_wait3A = arith.constant 0 : i32
      %dma_wait3A_67 = arith.constant 0 : i32
      %dma_wait3A_68 = tpu.memref_slice %arg12[%dma_wait3A, %dma_wait3A_67] : memref<128x144xf32, #tpu.memory_space<vmem>> -> memref<128x144xf32, #tpu.memory_space<vmem>>
      %dma_wait3A_69 = arith.constant 0 : i32
      %dma_wait3A_70 = tpu.memref_slice %arg16[%add3A_34, %dma_wait3A_69] : memref<10112x144xf32, #tpu.memory_space<vmem_shared>> -> memref<128x144xf32, #tpu.memory_space<vmem_shared>>
      %dma_wait3A_71 = arith.constant 0 : i32
      %dma_wait3A_72 = arith.constant 0 : i32
      %dma_wait3A_73 = tpu.memref_slice %arg12[%dma_wait3A_71, %dma_wait3A_72] : memref<128x144xf32, #tpu.memory_space<vmem>> -> memref<128x144xf32, #tpu.memory_space<vmem>>
      %dma_wait3A_74 = arith.constant 0 : i32
      %dma_wait3A_75 = tpu.memref_slice %arg16[%add3A_34, %dma_wait3A_74] : memref<10112x144xf32, #tpu.memory_space<vmem_shared>> -> memref<128x144xf32, #tpu.memory_space<vmem_shared>>
      tpu.wait_dma2 semaphore(%run_scoped3A : memref<!tpu.dma_semaphore, #tpu.memory_space<semaphore_mem>>) src(%dma_wait3A_75 : memref<128x144xf32, #tpu.memory_space<vmem_shared>>) dst(%dma_wait3A_73 : memref<128x144xf32, #tpu.memory_space<vmem>>)
      tpu.yield
    }) : () -> ()
    %add3A_35 = arith.addi %mul3A_2, %mul3A_4 : i32
    %add3A_36 = arith.constant 0 : i32
    %add3A_37 = arith.addi %add3A_35, %add3A_36 : i32
    "tpu.region"() ({
      %run_scoped3A = tpu.sem_alloc : memref<!tpu.dma_semaphore, #tpu.memory_space<semaphore_mem>>
      %dma_start3A = arith.constant 0 : i32
      %dma_start3A_58 = arith.constant 0 : i32
      %dma_start3A_59 = tpu.memref_slice %arg12[%dma_start3A, %dma_start3A_58] : memref<128x144xf32, #tpu.memory_space<vmem>> -> memref<128x144xf32, #tpu.memory_space<vmem>>
      %dma_start3A_60 = arith.constant 0 : i32
      %dma_start3A_61 = tpu.memref_slice %arg7[%add3A_37, %dma_start3A_60] : memref<20224x144xf32, #tpu.memory_space<hbm>> -> memref<128x144xf32, #tpu.memory_space<hbm>>
      %dma_start3A_62 = arith.constant 0 : i32
      %dma_start3A_63 = tpu.memref_slice %arg7[%add3A_37, %dma_start3A_62] : memref<20224x144xf32, #tpu.memory_space<hbm>> -> memref<128x144xf32, #tpu.memory_space<hbm>>
      %dma_start3A_64 = arith.constant 0 : i32
      %dma_start3A_65 = arith.constant 0 : i32
      %dma_start3A_66 = tpu.memref_slice %arg12[%dma_start3A_64, %dma_start3A_65] : memref<128x144xf32, #tpu.memory_space<vmem>> -> memref<128x144xf32, #tpu.memory_space<vmem>>
      tpu.enqueue_dma source(%dma_start3A_66 : memref<128x144xf32, #tpu.memory_space<vmem>>) target(%dma_start3A_63 : memref<128x144xf32, #tpu.memory_space<hbm>>) target_semaphore(%run_scoped3A : memref<!tpu.dma_semaphore, #tpu.memory_space<semaphore_mem>>)
      %dma_wait3A = arith.constant 0 : i32
      %dma_wait3A_67 = arith.constant 0 : i32
      %dma_wait3A_68 = tpu.memref_slice %arg12[%dma_wait3A, %dma_wait3A_67] : memref<128x144xf32, #tpu.memory_space<vmem>> -> memref<128x144xf32, #tpu.memory_space<vmem>>
      %dma_wait3A_69 = arith.constant 0 : i32
      %dma_wait3A_70 = tpu.memref_slice %arg7[%add3A_37, %dma_wait3A_69] : memref<20224x144xf32, #tpu.memory_space<hbm>> -> memref<128x144xf32, #tpu.memory_space<hbm>>
      %dma_wait3A_71 = arith.constant 0 : i32
      %dma_wait3A_72 = tpu.memref_slice %arg7[%add3A_37, %dma_wait3A_71] : memref<20224x144xf32, #tpu.memory_space<hbm>> -> memref<128x144xf32, #tpu.memory_space<hbm>>
      %dma_wait3A_73 = arith.constant 0 : i32
      %dma_wait3A_74 = arith.constant 0 : i32
      %dma_wait3A_75 = tpu.memref_slice %arg12[%dma_wait3A_73, %dma_wait3A_74] : memref<128x144xf32, #tpu.memory_space<vmem>> -> memref<128x144xf32, #tpu.memory_space<vmem>>
      tpu.wait_dma2 semaphore(%run_scoped3A : memref<!tpu.dma_semaphore, #tpu.memory_space<semaphore_mem>>) src(%dma_wait3A_75 : memref<128x144xf32, #tpu.memory_space<vmem>>) dst(%dma_wait3A_72 : memref<128x144xf32, #tpu.memory_space<hbm>>)
      tpu.yield
    }) : () -> ()
    %add3A_38 = arith.constant 128 : i32
    %add3A_39 = arith.addi %mul3A_4, %add3A_38 : i32
    "tpu.region"() ({
      %run_scoped3A = tpu.sem_alloc : memref<!tpu.dma_semaphore, #tpu.memory_space<semaphore_mem>>
      %dma_start3A = arith.constant 0 : i32
      %dma_start3A_58 = arith.constant 0 : i32
      %dma_start3A_59 = tpu.memref_slice %arg12[%dma_start3A, %dma_start3A_58] : memref<128x144xf32, #tpu.memory_space<vmem>> -> memref<128x144xf32, #tpu.memory_space<vmem>>
      %dma_start3A_60 = arith.constant 0 : i32
      %dma_start3A_61 = tpu.memref_slice %arg16[%add3A_39, %dma_start3A_60] : memref<10112x144xf32, #tpu.memory_space<vmem_shared>> -> memref<128x144xf32, #tpu.memory_space<vmem_shared>>
      %dma_start3A_62 = arith.constant 0 : i32
      %dma_start3A_63 = arith.constant 0 : i32
      %dma_start3A_64 = tpu.memref_slice %arg12[%dma_start3A_62, %dma_start3A_63] : memref<128x144xf32, #tpu.memory_space<vmem>> -> memref<128x144xf32, #tpu.memory_space<vmem>>
      %dma_start3A_65 = arith.constant 0 : i32
      %dma_start3A_66 = tpu.memref_slice %arg16[%add3A_39, %dma_start3A_65] : memref<10112x144xf32, #tpu.memory_space<vmem_shared>> -> memref<128x144xf32, #tpu.memory_space<vmem_shared>>
      tpu.enqueue_dma source(%dma_start3A_66 : memref<128x144xf32, #tpu.memory_space<vmem_shared>>) target(%dma_start3A_64 : memref<128x144xf32, #tpu.memory_space<vmem>>) target_semaphore(%run_scoped3A : memref<!tpu.dma_semaphore, #tpu.memory_space<semaphore_mem>>)
      %dma_wait3A = arith.constant 0 : i32
      %dma_wait3A_67 = arith.constant 0 : i32
      %dma_wait3A_68 = tpu.memref_slice %arg12[%dma_wait3A, %dma_wait3A_67] : memref<128x144xf32, #tpu.memory_space<vmem>> -> memref<128x144xf32, #tpu.memory_space<vmem>>
      %dma_wait3A_69 = arith.constant 0 : i32
      %dma_wait3A_70 = tpu.memref_slice %arg16[%add3A_39, %dma_wait3A_69] : memref<10112x144xf32, #tpu.memory_space<vmem_shared>> -> memref<128x144xf32, #tpu.memory_space<vmem_shared>>
      %dma_wait3A_71 = arith.constant 0 : i32
      %dma_wait3A_72 = arith.constant 0 : i32
      %dma_wait3A_73 = tpu.memref_slice %arg12[%dma_wait3A_71, %dma_wait3A_72] : memref<128x144xf32, #tpu.memory_space<vmem>> -> memref<128x144xf32, #tpu.memory_space<vmem>>
      %dma_wait3A_74 = arith.constant 0 : i32
      %dma_wait3A_75 = tpu.memref_slice %arg16[%add3A_39, %dma_wait3A_74] : memref<10112x144xf32, #tpu.memory_space<vmem_shared>> -> memref<128x144xf32, #tpu.memory_space<vmem_shared>>
      tpu.wait_dma2 semaphore(%run_scoped3A : memref<!tpu.dma_semaphore, #tpu.memory_space<semaphore_mem>>) src(%dma_wait3A_75 : memref<128x144xf32, #tpu.memory_space<vmem_shared>>) dst(%dma_wait3A_73 : memref<128x144xf32, #tpu.memory_space<vmem>>)
      tpu.yield
    }) : () -> ()
    %add3A_40 = arith.addi %mul3A_2, %mul3A_4 : i32
    %add3A_41 = arith.constant 128 : i32
    %add3A_42 = arith.addi %add3A_40, %add3A_41 : i32
    "tpu.region"() ({
      %run_scoped3A = tpu.sem_alloc : memref<!tpu.dma_semaphore, #tpu.memory_space<semaphore_mem>>
      %dma_start3A = arith.constant 0 : i32
      %dma_start3A_58 = arith.constant 0 : i32
      %dma_start3A_59 = tpu.memref_slice %arg12[%dma_start3A, %dma_start3A_58] : memref<128x144xf32, #tpu.memory_space<vmem>> -> memref<128x144xf32, #tpu.memory_space<vmem>>
      %dma_start3A_60 = arith.constant 0 : i32
      %dma_start3A_61 = tpu.memref_slice %arg7[%add3A_42, %dma_start3A_60] : memref<20224x144xf32, #tpu.memory_space<hbm>> -> memref<128x144xf32, #tpu.memory_space<hbm>>
      %dma_start3A_62 = arith.constant 0 : i32
      %dma_start3A_63 = tpu.memref_slice %arg7[%add3A_42, %dma_start3A_62] : memref<20224x144xf32, #tpu.memory_space<hbm>> -> memref<128x144xf32, #tpu.memory_space<hbm>>
      %dma_start3A_64 = arith.constant 0 : i32
      %dma_start3A_65 = arith.constant 0 : i32
      %dma_start3A_66 = tpu.memref_slice %arg12[%dma_start3A_64, %dma_start3A_65] : memref<128x144xf32, #tpu.memory_space<vmem>> -> memref<128x144xf32, #tpu.memory_space<vmem>>
      tpu.enqueue_dma source(%dma_start3A_66 : memref<128x144xf32, #tpu.memory_space<vmem>>) target(%dma_start3A_63 : memref<128x144xf32, #tpu.memory_space<hbm>>) target_semaphore(%run_scoped3A : memref<!tpu.dma_semaphore, #tpu.memory_space<semaphore_mem>>)
      %dma_wait3A = arith.constant 0 : i32
      %dma_wait3A_67 = arith.constant 0 : i32
      %dma_wait3A_68 = tpu.memref_slice %arg12[%dma_wait3A, %dma_wait3A_67] : memref<128x144xf32, #tpu.memory_space<vmem>> -> memref<128x144xf32, #tpu.memory_space<vmem>>
      %dma_wait3A_69 = arith.constant 0 : i32
      %dma_wait3A_70 = tpu.memref_slice %arg7[%add3A_42, %dma_wait3A_69] : memref<20224x144xf32, #tpu.memory_space<hbm>> -> memref<128x144xf32, #tpu.memory_space<hbm>>
      %dma_wait3A_71 = arith.constant 0 : i32
      %dma_wait3A_72 = tpu.memref_slice %arg7[%add3A_42, %dma_wait3A_71] : memref<20224x144xf32, #tpu.memory_space<hbm>> -> memref<128x144xf32, #tpu.memory_space<hbm>>
      %dma_wait3A_73 = arith.constant 0 : i32
      %dma_wait3A_74 = arith.constant 0 : i32
      %dma_wait3A_75 = tpu.memref_slice %arg12[%dma_wait3A_73, %dma_wait3A_74] : memref<128x144xf32, #tpu.memory_space<vmem>> -> memref<128x144xf32, #tpu.memory_space<vmem>>
      tpu.wait_dma2 semaphore(%run_scoped3A : memref<!tpu.dma_semaphore, #tpu.memory_space<semaphore_mem>>) src(%dma_wait3A_75 : memref<128x144xf32, #tpu.memory_space<vmem>>) dst(%dma_wait3A_72 : memref<128x144xf32, #tpu.memory_space<hbm>>)
      tpu.yield
    }) : () -> ()
    %add3A_43 = arith.constant 256 : i32
    %add3A_44 = arith.addi %mul3A_4, %add3A_43 : i32
    "tpu.region"() ({
      %run_scoped3A = tpu.sem_alloc : memref<!tpu.dma_semaphore, #tpu.memory_space<semaphore_mem>>
      %dma_start3A = arith.constant 0 : i32
      %dma_start3A_58 = arith.constant 0 : i32
      %dma_start3A_59 = tpu.memref_slice %arg12[%dma_start3A, %dma_start3A_58] : memref<128x144xf32, #tpu.memory_space<vmem>> -> memref<128x144xf32, #tpu.memory_space<vmem>>
      %dma_start3A_60 = arith.constant 0 : i32
      %dma_start3A_61 = tpu.memref_slice %arg16[%add3A_44, %dma_start3A_60] : memref<10112x144xf32, #tpu.memory_space<vmem_shared>> -> memref<128x144xf32, #tpu.memory_space<vmem_shared>>
      %dma_start3A_62 = arith.constant 0 : i32
      %dma_start3A_63 = arith.constant 0 : i32
      %dma_start3A_64 = tpu.memref_slice %arg12[%dma_start3A_62, %dma_start3A_63] : memref<128x144xf32, #tpu.memory_space<vmem>> -> memref<128x144xf32, #tpu.memory_space<vmem>>
      %dma_start3A_65 = arith.constant 0 : i32
      %dma_start3A_66 = tpu.memref_slice %arg16[%add3A_44, %dma_start3A_65] : memref<10112x144xf32, #tpu.memory_space<vmem_shared>> -> memref<128x144xf32, #tpu.memory_space<vmem_shared>>
      tpu.enqueue_dma source(%dma_start3A_66 : memref<128x144xf32, #tpu.memory_space<vmem_shared>>) target(%dma_start3A_64 : memref<128x144xf32, #tpu.memory_space<vmem>>) target_semaphore(%run_scoped3A : memref<!tpu.dma_semaphore, #tpu.memory_space<semaphore_mem>>)
      %dma_wait3A = arith.constant 0 : i32
      %dma_wait3A_67 = arith.constant 0 : i32
      %dma_wait3A_68 = tpu.memref_slice %arg12[%dma_wait3A, %dma_wait3A_67] : memref<128x144xf32, #tpu.memory_space<vmem>> -> memref<128x144xf32, #tpu.memory_space<vmem>>
      %dma_wait3A_69 = arith.constant 0 : i32
      %dma_wait3A_70 = tpu.memref_slice %arg16[%add3A_44, %dma_wait3A_69] : memref<10112x144xf32, #tpu.memory_space<vmem_shared>> -> memref<128x144xf32, #tpu.memory_space<vmem_shared>>
      %dma_wait3A_71 = arith.constant 0 : i32
      %dma_wait3A_72 = arith.constant 0 : i32
      %dma_wait3A_73 = tpu.memref_slice %arg12[%dma_wait3A_71, %dma_wait3A_72] : memref<128x144xf32, #tpu.memory_space<vmem>> -> memref<128x144xf32, #tpu.memory_space<vmem>>
      %dma_wait3A_74 = arith.constant 0 : i32
      %dma_wait3A_75 = tpu.memref_slice %arg16[%add3A_44, %dma_wait3A_74] : memref<10112x144xf32, #tpu.memory_space<vmem_shared>> -> memref<128x144xf32, #tpu.memory_space<vmem_shared>>
      tpu.wait_dma2 semaphore(%run_scoped3A : memref<!tpu.dma_semaphore, #tpu.memory_space<semaphore_mem>>) src(%dma_wait3A_75 : memref<128x144xf32, #tpu.memory_space<vmem_shared>>) dst(%dma_wait3A_73 : memref<128x144xf32, #tpu.memory_space<vmem>>)
      tpu.yield
    }) : () -> ()
    %add3A_45 = arith.addi %mul3A_2, %mul3A_4 : i32
    %add3A_46 = arith.constant 256 : i32
    %add3A_47 = arith.addi %add3A_45, %add3A_46 : i32
    "tpu.region"() ({
      %run_scoped3A = tpu.sem_alloc : memref<!tpu.dma_semaphore, #tpu.memory_space<semaphore_mem>>
      %dma_start3A = arith.constant 0 : i32
      %dma_start3A_58 = arith.constant 0 : i32
      %dma_start3A_59 = tpu.memref_slice %arg12[%dma_start3A, %dma_start3A_58] : memref<128x144xf32, #tpu.memory_space<vmem>> -> memref<128x144xf32, #tpu.memory_space<vmem>>
      %dma_start3A_60 = arith.constant 0 : i32
      %dma_start3A_61 = tpu.memref_slice %arg7[%add3A_47, %dma_start3A_60] : memref<20224x144xf32, #tpu.memory_space<hbm>> -> memref<128x144xf32, #tpu.memory_space<hbm>>
      %dma_start3A_62 = arith.constant 0 : i32
      %dma_start3A_63 = tpu.memref_slice %arg7[%add3A_47, %dma_start3A_62] : memref<20224x144xf32, #tpu.memory_space<hbm>> -> memref<128x144xf32, #tpu.memory_space<hbm>>
      %dma_start3A_64 = arith.constant 0 : i32
      %dma_start3A_65 = arith.constant 0 : i32
      %dma_start3A_66 = tpu.memref_slice %arg12[%dma_start3A_64, %dma_start3A_65] : memref<128x144xf32, #tpu.memory_space<vmem>> -> memref<128x144xf32, #tpu.memory_space<vmem>>
      tpu.enqueue_dma source(%dma_start3A_66 : memref<128x144xf32, #tpu.memory_space<vmem>>) target(%dma_start3A_63 : memref<128x144xf32, #tpu.memory_space<hbm>>) target_semaphore(%run_scoped3A : memref<!tpu.dma_semaphore, #tpu.memory_space<semaphore_mem>>)
      %dma_wait3A = arith.constant 0 : i32
      %dma_wait3A_67 = arith.constant 0 : i32
      %dma_wait3A_68 = tpu.memref_slice %arg12[%dma_wait3A, %dma_wait3A_67] : memref<128x144xf32, #tpu.memory_space<vmem>> -> memref<128x144xf32, #tpu.memory_space<vmem>>
      %dma_wait3A_69 = arith.constant 0 : i32
      %dma_wait3A_70 = tpu.memref_slice %arg7[%add3A_47, %dma_wait3A_69] : memref<20224x144xf32, #tpu.memory_space<hbm>> -> memref<128x144xf32, #tpu.memory_space<hbm>>
      %dma_wait3A_71 = arith.constant 0 : i32
      %dma_wait3A_72 = tpu.memref_slice %arg7[%add3A_47, %dma_wait3A_71] : memref<20224x144xf32, #tpu.memory_space<hbm>> -> memref<128x144xf32, #tpu.memory_space<hbm>>
      %dma_wait3A_73 = arith.constant 0 : i32
      %dma_wait3A_74 = arith.constant 0 : i32
      %dma_wait3A_75 = tpu.memref_slice %arg12[%dma_wait3A_73, %dma_wait3A_74] : memref<128x144xf32, #tpu.memory_space<vmem>> -> memref<128x144xf32, #tpu.memory_space<vmem>>
      tpu.wait_dma2 semaphore(%run_scoped3A : memref<!tpu.dma_semaphore, #tpu.memory_space<semaphore_mem>>) src(%dma_wait3A_75 : memref<128x144xf32, #tpu.memory_space<vmem>>) dst(%dma_wait3A_72 : memref<128x144xf32, #tpu.memory_space<hbm>>)
      tpu.yield
    }) : () -> ()
    %add3A_48 = arith.constant 384 : i32
    %add3A_49 = arith.addi %mul3A_4, %add3A_48 : i32
    "tpu.region"() ({
      %run_scoped3A = tpu.sem_alloc : memref<!tpu.dma_semaphore, #tpu.memory_space<semaphore_mem>>
      %dma_start3A = arith.constant 0 : i32
      %dma_start3A_58 = arith.constant 0 : i32
      %dma_start3A_59 = tpu.memref_slice %arg12[%dma_start3A, %dma_start3A_58] : memref<128x144xf32, #tpu.memory_space<vmem>> -> memref<128x144xf32, #tpu.memory_space<vmem>>
      %dma_start3A_60 = arith.constant 0 : i32
      %dma_start3A_61 = tpu.memref_slice %arg16[%add3A_49, %dma_start3A_60] : memref<10112x144xf32, #tpu.memory_space<vmem_shared>> -> memref<128x144xf32, #tpu.memory_space<vmem_shared>>
      %dma_start3A_62 = arith.constant 0 : i32
      %dma_start3A_63 = arith.constant 0 : i32
      %dma_start3A_64 = tpu.memref_slice %arg12[%dma_start3A_62, %dma_start3A_63] : memref<128x144xf32, #tpu.memory_space<vmem>> -> memref<128x144xf32, #tpu.memory_space<vmem>>
      %dma_start3A_65 = arith.constant 0 : i32
      %dma_start3A_66 = tpu.memref_slice %arg16[%add3A_49, %dma_start3A_65] : memref<10112x144xf32, #tpu.memory_space<vmem_shared>> -> memref<128x144xf32, #tpu.memory_space<vmem_shared>>
      tpu.enqueue_dma source(%dma_start3A_66 : memref<128x144xf32, #tpu.memory_space<vmem_shared>>) target(%dma_start3A_64 : memref<128x144xf32, #tpu.memory_space<vmem>>) target_semaphore(%run_scoped3A : memref<!tpu.dma_semaphore, #tpu.memory_space<semaphore_mem>>)
      %dma_wait3A = arith.constant 0 : i32
      %dma_wait3A_67 = arith.constant 0 : i32
      %dma_wait3A_68 = tpu.memref_slice %arg12[%dma_wait3A, %dma_wait3A_67] : memref<128x144xf32, #tpu.memory_space<vmem>> -> memref<128x144xf32, #tpu.memory_space<vmem>>
      %dma_wait3A_69 = arith.constant 0 : i32
      %dma_wait3A_70 = tpu.memref_slice %arg16[%add3A_49, %dma_wait3A_69] : memref<10112x144xf32, #tpu.memory_space<vmem_shared>> -> memref<128x144xf32, #tpu.memory_space<vmem_shared>>
      %dma_wait3A_71 = arith.constant 0 : i32
      %dma_wait3A_72 = arith.constant 0 : i32
      %dma_wait3A_73 = tpu.memref_slice %arg12[%dma_wait3A_71, %dma_wait3A_72] : memref<128x144xf32, #tpu.memory_space<vmem>> -> memref<128x144xf32, #tpu.memory_space<vmem>>
      %dma_wait3A_74 = arith.constant 0 : i32
      %dma_wait3A_75 = tpu.memref_slice %arg16[%add3A_49, %dma_wait3A_74] : memref<10112x144xf32, #tpu.memory_space<vmem_shared>> -> memref<128x144xf32, #tpu.memory_space<vmem_shared>>
      tpu.wait_dma2 semaphore(%run_scoped3A : memref<!tpu.dma_semaphore, #tpu.memory_space<semaphore_mem>>) src(%dma_wait3A_75 : memref<128x144xf32, #tpu.memory_space<vmem_shared>>) dst(%dma_wait3A_73 : memref<128x144xf32, #tpu.memory_space<vmem>>)
      tpu.yield
    }) : () -> ()
    %add3A_50 = arith.addi %mul3A_2, %mul3A_4 : i32
    %add3A_51 = arith.constant 384 : i32
    %add3A_52 = arith.addi %add3A_50, %add3A_51 : i32
    "tpu.region"() ({
      %run_scoped3A = tpu.sem_alloc : memref<!tpu.dma_semaphore, #tpu.memory_space<semaphore_mem>>
      %dma_start3A = arith.constant 0 : i32
      %dma_start3A_58 = arith.constant 0 : i32
      %dma_start3A_59 = tpu.memref_slice %arg12[%dma_start3A, %dma_start3A_58] : memref<128x144xf32, #tpu.memory_space<vmem>> -> memref<128x144xf32, #tpu.memory_space<vmem>>
      %dma_start3A_60 = arith.constant 0 : i32
      %dma_start3A_61 = tpu.memref_slice %arg7[%add3A_52, %dma_start3A_60] : memref<20224x144xf32, #tpu.memory_space<hbm>> -> memref<128x144xf32, #tpu.memory_space<hbm>>
      %dma_start3A_62 = arith.constant 0 : i32
      %dma_start3A_63 = tpu.memref_slice %arg7[%add3A_52, %dma_start3A_62] : memref<20224x144xf32, #tpu.memory_space<hbm>> -> memref<128x144xf32, #tpu.memory_space<hbm>>
      %dma_start3A_64 = arith.constant 0 : i32
      %dma_start3A_65 = arith.constant 0 : i32
      %dma_start3A_66 = tpu.memref_slice %arg12[%dma_start3A_64, %dma_start3A_65] : memref<128x144xf32, #tpu.memory_space<vmem>> -> memref<128x144xf32, #tpu.memory_space<vmem>>
      tpu.enqueue_dma source(%dma_start3A_66 : memref<128x144xf32, #tpu.memory_space<vmem>>) target(%dma_start3A_63 : memref<128x144xf32, #tpu.memory_space<hbm>>) target_semaphore(%run_scoped3A : memref<!tpu.dma_semaphore, #tpu.memory_space<semaphore_mem>>)
      %dma_wait3A = arith.constant 0 : i32
      %dma_wait3A_67 = arith.constant 0 : i32
      %dma_wait3A_68 = tpu.memref_slice %arg12[%dma_wait3A, %dma_wait3A_67] : memref<128x144xf32, #tpu.memory_space<vmem>> -> memref<128x144xf32, #tpu.memory_space<vmem>>
      %dma_wait3A_69 = arith.constant 0 : i32
      %dma_wait3A_70 = tpu.memref_slice %arg7[%add3A_52, %dma_wait3A_69] : memref<20224x144xf32, #tpu.memory_space<hbm>> -> memref<128x144xf32, #tpu.memory_space<hbm>>
      %dma_wait3A_71 = arith.constant 0 : i32
      %dma_wait3A_72 = tpu.memref_slice %arg7[%add3A_52, %dma_wait3A_71] : memref<20224x144xf32, #tpu.memory_space<hbm>> -> memref<128x144xf32, #tpu.memory_space<hbm>>
      %dma_wait3A_73 = arith.constant 0 : i32
      %dma_wait3A_74 = arith.constant 0 : i32
      %dma_wait3A_75 = tpu.memref_slice %arg12[%dma_wait3A_73, %dma_wait3A_74] : memref<128x144xf32, #tpu.memory_space<vmem>> -> memref<128x144xf32, #tpu.memory_space<vmem>>
      tpu.wait_dma2 semaphore(%run_scoped3A : memref<!tpu.dma_semaphore, #tpu.memory_space<semaphore_mem>>) src(%dma_wait3A_75 : memref<128x144xf32, #tpu.memory_space<vmem>>) dst(%dma_wait3A_72 : memref<128x144xf32, #tpu.memory_space<hbm>>)
      tpu.yield
    }) : () -> ()
    %add3A_53 = arith.constant 512 : i32
    %add3A_54 = arith.addi %mul3A_4, %add3A_53 : i32
    "tpu.region"() ({
      %run_scoped3A = tpu.sem_alloc : memref<!tpu.dma_semaphore, #tpu.memory_space<semaphore_mem>>
      %dma_start3A = arith.constant 0 : i32
      %dma_start3A_58 = arith.constant 0 : i32
      %dma_start3A_59 = tpu.memref_slice %arg12[%dma_start3A, %dma_start3A_58] : memref<128x144xf32, #tpu.memory_space<vmem>> -> memref<120x144xf32, #tpu.memory_space<vmem>>
      %dma_start3A_60 = arith.constant 0 : i32
      %dma_start3A_61 = tpu.memref_slice %arg16[%add3A_54, %dma_start3A_60] : memref<10112x144xf32, #tpu.memory_space<vmem_shared>> -> memref<120x144xf32, #tpu.memory_space<vmem_shared>>
      %dma_start3A_62 = arith.constant 0 : i32
      %dma_start3A_63 = arith.constant 0 : i32
      %dma_start3A_64 = tpu.memref_slice %arg12[%dma_start3A_62, %dma_start3A_63] : memref<128x144xf32, #tpu.memory_space<vmem>> -> memref<120x144xf32, #tpu.memory_space<vmem>>
      %dma_start3A_65 = arith.constant 0 : i32
      %dma_start3A_66 = tpu.memref_slice %arg16[%add3A_54, %dma_start3A_65] : memref<10112x144xf32, #tpu.memory_space<vmem_shared>> -> memref<120x144xf32, #tpu.memory_space<vmem_shared>>
      tpu.enqueue_dma source(%dma_start3A_66 : memref<120x144xf32, #tpu.memory_space<vmem_shared>>) target(%dma_start3A_64 : memref<120x144xf32, #tpu.memory_space<vmem>>) target_semaphore(%run_scoped3A : memref<!tpu.dma_semaphore, #tpu.memory_space<semaphore_mem>>)
      %dma_wait3A = arith.constant 0 : i32
      %dma_wait3A_67 = arith.constant 0 : i32
      %dma_wait3A_68 = tpu.memref_slice %arg12[%dma_wait3A, %dma_wait3A_67] : memref<128x144xf32, #tpu.memory_space<vmem>> -> memref<120x144xf32, #tpu.memory_space<vmem>>
      %dma_wait3A_69 = arith.constant 0 : i32
      %dma_wait3A_70 = tpu.memref_slice %arg16[%add3A_54, %dma_wait3A_69] : memref<10112x144xf32, #tpu.memory_space<vmem_shared>> -> memref<120x144xf32, #tpu.memory_space<vmem_shared>>
      %dma_wait3A_71 = arith.constant 0 : i32
      %dma_wait3A_72 = arith.constant 0 : i32
      %dma_wait3A_73 = tpu.memref_slice %arg12[%dma_wait3A_71, %dma_wait3A_72] : memref<128x144xf32, #tpu.memory_space<vmem>> -> memref<120x144xf32, #tpu.memory_space<vmem>>
      %dma_wait3A_74 = arith.constant 0 : i32
      %dma_wait3A_75 = tpu.memref_slice %arg16[%add3A_54, %dma_wait3A_74] : memref<10112x144xf32, #tpu.memory_space<vmem_shared>> -> memref<120x144xf32, #tpu.memory_space<vmem_shared>>
      tpu.wait_dma2 semaphore(%run_scoped3A : memref<!tpu.dma_semaphore, #tpu.memory_space<semaphore_mem>>) src(%dma_wait3A_75 : memref<120x144xf32, #tpu.memory_space<vmem_shared>>) dst(%dma_wait3A_73 : memref<120x144xf32, #tpu.memory_space<vmem>>)
      tpu.yield
    }) : () -> ()
    %add3A_55 = arith.addi %mul3A_2, %mul3A_4 : i32
    %add3A_56 = arith.constant 512 : i32
    %add3A_57 = arith.addi %add3A_55, %add3A_56 : i32
    "tpu.region"() ({
      %run_scoped3A = tpu.sem_alloc : memref<!tpu.dma_semaphore, #tpu.memory_space<semaphore_mem>>
      %dma_start3A = arith.constant 0 : i32
      %dma_start3A_58 = arith.constant 0 : i32
      %dma_start3A_59 = tpu.memref_slice %arg12[%dma_start3A, %dma_start3A_58] : memref<128x144xf32, #tpu.memory_space<vmem>> -> memref<120x144xf32, #tpu.memory_space<vmem>>
      %dma_start3A_60 = arith.constant 0 : i32
      %dma_start3A_61 = tpu.memref_slice %arg7[%add3A_57, %dma_start3A_60] : memref<20224x144xf32, #tpu.memory_space<hbm>> -> memref<120x144xf32, #tpu.memory_space<hbm>>
      %dma_start3A_62 = arith.constant 0 : i32
      %dma_start3A_63 = tpu.memref_slice %arg7[%add3A_57, %dma_start3A_62] : memref<20224x144xf32, #tpu.memory_space<hbm>> -> memref<120x144xf32, #tpu.memory_space<hbm>>
      %dma_start3A_64 = arith.constant 0 : i32
      %dma_start3A_65 = arith.constant 0 : i32
      %dma_start3A_66 = tpu.memref_slice %arg12[%dma_start3A_64, %dma_start3A_65] : memref<128x144xf32, #tpu.memory_space<vmem>> -> memref<120x144xf32, #tpu.memory_space<vmem>>
      tpu.enqueue_dma source(%dma_start3A_66 : memref<120x144xf32, #tpu.memory_space<vmem>>) target(%dma_start3A_63 : memref<120x144xf32, #tpu.memory_space<hbm>>) target_semaphore(%run_scoped3A : memref<!tpu.dma_semaphore, #tpu.memory_space<semaphore_mem>>)
      %dma_wait3A = arith.constant 0 : i32
      %dma_wait3A_67 = arith.constant 0 : i32
      %dma_wait3A_68 = tpu.memref_slice %arg12[%dma_wait3A, %dma_wait3A_67] : memref<128x144xf32, #tpu.memory_space<vmem>> -> memref<120x144xf32, #tpu.memory_space<vmem>>
      %dma_wait3A_69 = arith.constant 0 : i32
      %dma_wait3A_70 = tpu.memref_slice %arg7[%add3A_57, %dma_wait3A_69] : memref<20224x144xf32, #tpu.memory_space<hbm>> -> memref<120x144xf32, #tpu.memory_space<hbm>>
      %dma_wait3A_71 = arith.constant 0 : i32
      %dma_wait3A_72 = tpu.memref_slice %arg7[%add3A_57, %dma_wait3A_71] : memref<20224x144xf32, #tpu.memory_space<hbm>> -> memref<120x144xf32, #tpu.memory_space<hbm>>
      %dma_wait3A_73 = arith.constant 0 : i32
      %dma_wait3A_74 = arith.constant 0 : i32
      %dma_wait3A_75 = tpu.memref_slice %arg12[%dma_wait3A_73, %dma_wait3A_74] : memref<128x144xf32, #tpu.memory_space<vmem>> -> memref<120x144xf32, #tpu.memory_space<vmem>>
      tpu.wait_dma2 semaphore(%run_scoped3A : memref<!tpu.dma_semaphore, #tpu.memory_space<semaphore_mem>>) src(%dma_wait3A_75 : memref<120x144xf32, #tpu.memory_space<vmem>>) dst(%dma_wait3A_72 : memref<120x144xf32, #tpu.memory_space<hbm>>)
      tpu.yield
    }) : () -> ()
    return
  }
}

module attributes {stable_mosaic.version = 14 : i64} {
  func.func @body(%arg0: i32, %arg1: memref<1000x128xf32, #tpu.memory_space<vmem>>, %arg2: memref<1x128xf32, #tpu.memory_space<vmem>>, %arg3: memref<128x256xf32, #tpu.memory_space<vmem>>, %arg4: memref<256x4xf32, #tpu.memory_space<vmem>>, %arg5: memref<256x4xf32, #tpu.memory_space<vmem>>, %arg6: memref<2x1000x144xf32, #tpu.memory_space<vmem>>, %arg7: memref<2x1000x16xf32, #tpu.memory_space<vmem>>) attributes {dimension_semantics = [#tpu.dimension_semantics<arbitrary>], iteration_bounds = array<i64: 10>, scalar_prefetch = 0 : i64, scratch_operands = 0 : i64, tpu.core_type = #tpu.core_type<tc>, window_params = [{transform_indices = @transform_0, window_bounds = array<i64: 1000, 128>}, {pipeline_mode = #tpu.pipeline_mode<synchronous>, transform_indices = @transform_1, window_bounds = array<i64: 1, 128>}, {pipeline_mode = #tpu.pipeline_mode<synchronous>, transform_indices = @transform_2, window_bounds = array<i64: 128, 256>}, {pipeline_mode = #tpu.pipeline_mode<synchronous>, transform_indices = @transform_3, window_bounds = array<i64: 256, 4>}, {pipeline_mode = #tpu.pipeline_mode<synchronous>, transform_indices = @transform_4, window_bounds = array<i64: 256, 4>}, {transform_indices = @transform_5, window_bounds = array<i64: 2, 1000, 144>}, {transform_indices = @transform_6, window_bounds = array<i64: 2, 1000, 16>}]} {
    %get3A = arith.constant 0 : index
    %get3A_0 = arith.constant 0 : index
    %get3A_1 = vector.load %arg1[%get3A, %get3A_0] : memref<1000x128xf32, #tpu.memory_space<vmem>>, vector<1000x128xf32>
    %get3A_2 = arith.constant 0 : index
    %get3A_3 = arith.constant 0 : index
    %get3A_4 = vector.load %arg2[%get3A_2, %get3A_3] : memref<1x128xf32, #tpu.memory_space<vmem>>, vector<1x128xf32>
    %add3A = vector.broadcast %get3A_4 : vector<1x128xf32> to vector<1000x128xf32>
    %add3A_5 = arith.addf %get3A_1, %add3A : vector<1000x128xf32>
    %get3A_6 = arith.constant 0 : index
    %get3A_7 = arith.constant 0 : index
    %get3A_8 = vector.load %arg3[%get3A_6, %get3A_7] : memref<128x256xf32, #tpu.memory_space<vmem>>, vector<128x256xf32>
    %dot_general3A = arith.constant dense<0.000000e+00> : vector<1000x256xf32>
    %dot_general3A_9 = tpu.matmul %add3A_5, %get3A_8, %dot_general3A {dimension_numbers = #tpu.dot_dimension_numbers<[1], [0], [0], [1], [0, 0, 1, 1], [], []>, transpose_lhs_hint = false} : vector<1000x128xf32>, vector<128x256xf32>, vector<1000x256xf32> -> vector<1000x256xf32>
    %get3A_10 = arith.constant 0 : index
    %get3A_11 = arith.constant 0 : index
    %get3A_12 = vector.load %arg4[%get3A_10, %get3A_11] : memref<256x4xf32, #tpu.memory_space<vmem>>, vector<256x4xf32>
    %dot_general3A_13 = arith.constant dense<0.000000e+00> : vector<1000x4xf32>
    %dot_general3A_14 = tpu.matmul %dot_general3A_9, %get3A_12, %dot_general3A_13 {dimension_numbers = #tpu.dot_dimension_numbers<[1], [0], [0], [1], [0, 0, 1, 1], [], []>, transpose_lhs_hint = false} : vector<1000x256xf32>, vector<256x4xf32>, vector<1000x4xf32> -> vector<1000x4xf32>
    %get3A_15 = arith.constant 0 : index
    %get3A_16 = arith.constant 0 : index
    %get3A_17 = vector.load %arg5[%get3A_15, %get3A_16] : memref<256x4xf32, #tpu.memory_space<vmem>>, vector<256x4xf32>
    %dot_general3A_18 = arith.constant dense<0.000000e+00> : vector<1000x4xf32>
    %dot_general3A_19 = tpu.matmul %dot_general3A_9, %get3A_17, %dot_general3A_18 {dimension_numbers = #tpu.dot_dimension_numbers<[1], [0], [0], [1], [0, 0, 1, 1], [], []>, transpose_lhs_hint = false} : vector<1000x256xf32>, vector<256x4xf32>, vector<1000x4xf32> -> vector<1000x4xf32>
    %broadcast_in_dim3A = arith.constant 0.000000e+00 : f32
    %broadcast_in_dim3A_20 = vector.broadcast %broadcast_in_dim3A : f32 to vector<1000x14xf32>
    %slice3A = vector.extract_strided_slice %dot_general3A_9 {offsets = [0, 0], sizes = [1000, 128], strides = [1, 1]} : vector<1000x256xf32> to vector<1000x128xf32>
    %slice3A_21 = vector.extract_strided_slice %dot_general3A_14 {offsets = [0, 0], sizes = [1000, 2], strides = [1, 1]} : vector<1000x4xf32> to vector<1000x2xf32>
    %concatenate3A = tpu.concatenate %slice3A, %slice3A_21, %broadcast_in_dim3A_20 in 1 : vector<1000x128xf32>, vector<1000x2xf32>, vector<1000x14xf32> -> vector<1000x144xf32>
    %swap3A = arith.constant 0 : index
    %swap3A_22 = arith.constant 0 : index
    %swap3A_23 = arith.constant 0 : index
    %swap3A_24 = vector.load %arg6[%swap3A, %swap3A_22, %swap3A_23] : memref<2x1000x144xf32, #tpu.memory_space<vmem>>, vector<1x1000x144xf32>
    %swap3A_25 = vector.shape_cast %swap3A_24 : vector<1x1000x144xf32> to vector<1000x144xf32>
    %swap3A_26 = vector.shape_cast %concatenate3A : vector<1000x144xf32> to vector<1x1000x144xf32>
    tpu.vector_store %arg6[%swap3A, %swap3A_22, %swap3A_23], %swap3A_26 {strides = array<i32>} : memref<2x1000x144xf32, #tpu.memory_space<vmem>>, vector<1x1000x144xf32>,
    %slice3A_27 = vector.extract_strided_slice %dot_general3A_9 {offsets = [0, 128], sizes = [1000, 128], strides = [1, 1]} : vector<1000x256xf32> to vector<1000x128xf32>
    %slice3A_28 = vector.extract_strided_slice %dot_general3A_14 {offsets = [0, 2], sizes = [1000, 2], strides = [1, 1]} : vector<1000x4xf32> to vector<1000x2xf32>
    %concatenate3A_29 = tpu.concatenate %slice3A_27, %slice3A_28, %broadcast_in_dim3A_20 in 1 : vector<1000x128xf32>, vector<1000x2xf32>, vector<1000x14xf32> -> vector<1000x144xf32>
    %swap3A_30 = arith.constant 1 : index
    %swap3A_31 = arith.constant 0 : index
    %swap3A_32 = arith.constant 0 : index
    %swap3A_33 = vector.load %arg6[%swap3A_30, %swap3A_31, %swap3A_32] : memref<2x1000x144xf32, #tpu.memory_space<vmem>>, vector<1x1000x144xf32>
    %swap3A_34 = vector.shape_cast %swap3A_33 : vector<1x1000x144xf32> to vector<1000x144xf32>
    %swap3A_35 = vector.shape_cast %concatenate3A_29 : vector<1000x144xf32> to vector<1x1000x144xf32>
    tpu.vector_store %arg6[%swap3A_30, %swap3A_31, %swap3A_32], %swap3A_35 {strides = array<i32>} : memref<2x1000x144xf32, #tpu.memory_space<vmem>>, vector<1x1000x144xf32>,
    %slice3A_36 = vector.extract_strided_slice %dot_general3A_19 {offsets = [0, 0], sizes = [1000, 2], strides = [1, 1]} : vector<1000x4xf32> to vector<1000x2xf32>
    %concatenate3A_37 = tpu.concatenate %slice3A_36, %broadcast_in_dim3A_20 in 1 : vector<1000x2xf32>, vector<1000x14xf32> -> vector<1000x16xf32>
    %swap3A_38 = arith.constant 0 : index
    %swap3A_39 = arith.constant 0 : index
    %swap3A_40 = arith.constant 0 : index
    %swap3A_41 = vector.load %arg7[%swap3A_38, %swap3A_39, %swap3A_40] : memref<2x1000x16xf32, #tpu.memory_space<vmem>>, vector<1x1000x16xf32>
    %swap3A_42 = vector.shape_cast %swap3A_41 : vector<1x1000x16xf32> to vector<1000x16xf32>
    %swap3A_43 = vector.shape_cast %concatenate3A_37 : vector<1000x16xf32> to vector<1x1000x16xf32>
    tpu.vector_store %arg7[%swap3A_38, %swap3A_39, %swap3A_40], %swap3A_43 {strides = array<i32>} : memref<2x1000x16xf32, #tpu.memory_space<vmem>>, vector<1x1000x16xf32>,
    %slice3A_44 = vector.extract_strided_slice %dot_general3A_19 {offsets = [0, 2], sizes = [1000, 2], strides = [1, 1]} : vector<1000x4xf32> to vector<1000x2xf32>
    %concatenate3A_45 = tpu.concatenate %slice3A_44, %broadcast_in_dim3A_20 in 1 : vector<1000x2xf32>, vector<1000x14xf32> -> vector<1000x16xf32>
    %swap3A_46 = arith.constant 1 : index
    %swap3A_47 = arith.constant 0 : index
    %swap3A_48 = arith.constant 0 : index
    %swap3A_49 = vector.load %arg7[%swap3A_46, %swap3A_47, %swap3A_48] : memref<2x1000x16xf32, #tpu.memory_space<vmem>>, vector<1x1000x16xf32>
    %swap3A_50 = vector.shape_cast %swap3A_49 : vector<1x1000x16xf32> to vector<1000x16xf32>
    %swap3A_51 = vector.shape_cast %concatenate3A_45 : vector<1000x16xf32> to vector<1x1000x16xf32>
    tpu.vector_store %arg7[%swap3A_46, %swap3A_47, %swap3A_48], %swap3A_51 {strides = array<i32>} : memref<2x1000x16xf32, #tpu.memory_space<vmem>>, vector<1x1000x16xf32>,
    return
  }
  func.func @transform_0(%arg0: i32) -> (i32, i32) {
    %c0_i32 = arith.constant 0 : i32
    %c0_i32_0 = arith.constant 0 : i32
    return %arg0, %c0_i32 : i32, i32
  }
  func.func @transform_1(%arg0: i32) -> (i32, i32) {
    %c0_i32 = arith.constant 0 : i32
    %c0_i32_0 = arith.constant 0 : i32
    %c0_i32_1 = arith.constant 0 : i32
    return %c0_i32, %c0_i32_0 : i32, i32
  }
  func.func @transform_2(%arg0: i32) -> (i32, i32) {
    %c0_i32 = arith.constant 0 : i32
    %c0_i32_0 = arith.constant 0 : i32
    %c0_i32_1 = arith.constant 0 : i32
    return %c0_i32, %c0_i32_0 : i32, i32
  }
  func.func @transform_3(%arg0: i32) -> (i32, i32) {
    %c0_i32 = arith.constant 0 : i32
    %c0_i32_0 = arith.constant 0 : i32
    %c0_i32_1 = arith.constant 0 : i32
    return %c0_i32, %c0_i32_0 : i32, i32
  }
  func.func @transform_4(%arg0: i32) -> (i32, i32) {
    %c0_i32 = arith.constant 0 : i32
    %c0_i32_0 = arith.constant 0 : i32
    %c0_i32_1 = arith.constant 0 : i32
    return %c0_i32, %c0_i32_0 : i32, i32
  }
  func.func @transform_5(%arg0: i32) -> (i32, i32, i32) {
    %c0_i32 = arith.constant 0 : i32
    %c0_i32_0 = arith.constant 0 : i32
    %c0_i32_1 = arith.constant 0 : i32
    return %c0_i32, %arg0, %c0_i32_0 : i32, i32, i32
  }
  func.func @transform_6(%arg0: i32) -> (i32, i32, i32) {
    %c0_i32 = arith.constant 0 : i32
    %c0_i32_0 = arith.constant 0 : i32
    %c0_i32_1 = arith.constant 0 : i32
    return %c0_i32, %arg0, %c0_i32_0 : i32, i32, i32
  }
}

module attributes {stable_mosaic.version = 14 : i64} {
  func.func @body(%arg0: i32, %arg1: memref<2048x16xf32, #tpu.memory_space<vmem>>, %arg2: memref<16x12xf32, #tpu.memory_space<vmem>>, %arg3: memref<2048x4xf32, #tpu.memory_space<vmem>>, %arg4: memref<2048x4xf32, #tpu.memory_space<vmem>>, %arg5: memref<2048x4xf32, #tpu.memory_space<vmem>>) attributes {dimension_semantics = [#tpu.dimension_semantics<arbitrary>], iteration_bounds = array<i64: 79>, scalar_prefetch = 0 : i64, scratch_operands = 0 : i64, tpu.core_type = #tpu.core_type<tc>, window_params = [{transform_indices = @transform_0, window_bounds = array<i64: 2048, 16>}, {pipeline_mode = #tpu.pipeline_mode<synchronous>, transform_indices = @transform_1, window_bounds = array<i64: 16, 12>}, {transform_indices = @transform_2, window_bounds = array<i64: 2048, 4>}, {transform_indices = @transform_3, window_bounds = array<i64: 2048, 4>}, {transform_indices = @transform_4, window_bounds = array<i64: 2048, 4>}]} {
    %get3A = arith.constant 0 : index
    %get3A_0 = arith.constant 0 : index
    %get3A_1 = vector.load %arg1[%get3A, %get3A_0] : memref<2048x16xf32, #tpu.memory_space<vmem>>, vector<2048x16xf32>
    %get3A_2 = arith.constant 0 : index
    %get3A_3 = arith.constant 0 : index
    %get3A_4 = vector.load %arg2[%get3A_2, %get3A_3] : memref<16x12xf32, #tpu.memory_space<vmem>>, vector<16x12xf32>
    %dot_general3A = arith.constant dense<0.000000e+00> : vector<2048x12xf32>
    %dot_general3A_5 = tpu.matmul %get3A_1, %get3A_4, %dot_general3A {dimension_numbers = #tpu.dot_dimension_numbers<[1], [0], [0], [1], [0, 0, 1, 1], [], []>, transpose_lhs_hint = false} : vector<2048x16xf32>, vector<16x12xf32>, vector<2048x12xf32> -> vector<2048x12xf32>
    %mul3A = arith.constant 2048 : i32
    %mul3A_6 = arith.muli %arg0, %mul3A : i32
    %iota3A = tpu.iota {dimensions = array<i32: 0>} : vector<2048x4xi32>
    %add3A = vector.broadcast %mul3A_6 : i32 to vector<2048x4xi32>
    %add3A_7 = arith.addi %add3A, %iota3A : vector<2048x4xi32>
    %lt3A = arith.constant 160000 : i32
    %lt3A_8 = vector.broadcast %lt3A : i32 to vector<2048x4xi32>
    %lt3A_9 = arith.cmpi slt, %add3A_7, %lt3A_8 : vector<2048x4xi32>
    %slice3A = vector.extract_strided_slice %dot_general3A_5 {offsets = [0, 0], sizes = [2048, 4], strides = [1, 1]} : vector<2048x12xf32> to vector<2048x4xf32>
    %jit3A = arith.constant -1.000000e+30 : f32
    %broadcast_in_dim3A = vector.broadcast %jit3A : f32 to vector<2048x4xf32>
    %select_n3A = arith.select %lt3A_9, %slice3A, %broadcast_in_dim3A : vector<2048x4xi1>, vector<2048x4xf32>
    %swap3A = arith.constant 0 : index
    %swap3A_10 = arith.constant 0 : index
    %swap3A_11 = vector.load %arg3[%swap3A, %swap3A_10] : memref<2048x4xf32, #tpu.memory_space<vmem>>, vector<2048x4xf32>
    tpu.vector_store %arg3[%swap3A, %swap3A_10], %select_n3A {strides = array<i32>} : memref<2048x4xf32, #tpu.memory_space<vmem>>, vector<2048x4xf32>,
    %slice3A_12 = vector.extract_strided_slice %dot_general3A_5 {offsets = [0, 4], sizes = [2048, 4], strides = [1, 1]} : vector<2048x12xf32> to vector<2048x4xf32>
    %jit3A_13 = arith.constant -1.000000e+30 : f32
    %broadcast_in_dim3A_14 = vector.broadcast %jit3A_13 : f32 to vector<2048x4xf32>
    %select_n3A_15 = arith.select %lt3A_9, %slice3A_12, %broadcast_in_dim3A_14 : vector<2048x4xi1>, vector<2048x4xf32>
    %swap3A_16 = arith.constant 0 : index
    %swap3A_17 = arith.constant 0 : index
    %swap3A_18 = vector.load %arg4[%swap3A_16, %swap3A_17] : memref<2048x4xf32, #tpu.memory_space<vmem>>, vector<2048x4xf32>
    tpu.vector_store %arg4[%swap3A_16, %swap3A_17], %select_n3A_15 {strides = array<i32>} : memref<2048x4xf32, #tpu.memory_space<vmem>>, vector<2048x4xf32>,
    %slice3A_19 = vector.extract_strided_slice %dot_general3A_5 {offsets = [0, 8], sizes = [2048, 4], strides = [1, 1]} : vector<2048x12xf32> to vector<2048x4xf32>
    %jit3A_20 = arith.constant -1.000000e+30 : f32
    %broadcast_in_dim3A_21 = vector.broadcast %jit3A_20 : f32 to vector<2048x4xf32>
    %select_n3A_22 = arith.select %lt3A_9, %slice3A_19, %broadcast_in_dim3A_21 : vector<2048x4xi1>, vector<2048x4xf32>
    %swap3A_23 = arith.constant 0 : index
    %swap3A_24 = arith.constant 0 : index
    %swap3A_25 = vector.load %arg5[%swap3A_23, %swap3A_24] : memref<2048x4xf32, #tpu.memory_space<vmem>>, vector<2048x4xf32>
    tpu.vector_store %arg5[%swap3A_23, %swap3A_24], %select_n3A_22 {strides = array<i32>} : memref<2048x4xf32, #tpu.memory_space<vmem>>, vector<2048x4xf32>,
    return
  }
  func.func @transform_0(%arg0: i32) -> (i32, i32) {
    %c0_i32 = arith.constant 0 : i32
    %c0_i32_0 = arith.constant 0 : i32
    return %arg0, %c0_i32 : i32, i32
  }
  func.func @transform_1(%arg0: i32) -> (i32, i32) {
    %c0_i32 = arith.constant 0 : i32
    %c0_i32_0 = arith.constant 0 : i32
    %c0_i32_1 = arith.constant 0 : i32
    return %c0_i32, %c0_i32_0 : i32, i32
  }
  func.func @transform_2(%arg0: i32) -> (i32, i32) {
    %c0_i32 = arith.constant 0 : i32
    %c0_i32_0 = arith.constant 0 : i32
    return %arg0, %c0_i32 : i32, i32
  }
  func.func @transform_3(%arg0: i32) -> (i32, i32) {
    %c0_i32 = arith.constant 0 : i32
    %c0_i32_0 = arith.constant 0 : i32
    return %arg0, %c0_i32 : i32, i32
  }
  func.func @transform_4(%arg0: i32) -> (i32, i32) {
    %c0_i32 = arith.constant 0 : i32
    %c0_i32_0 = arith.constant 0 : i32
    return %arg0, %c0_i32 : i32, i32
  }
}

module attributes {stable_mosaic.version = 14 : i64} {
  func.func @body(%arg0: i32, %arg1: memref<2x1000x144xf32, #tpu.memory_space<vmem>>, %arg2: memref<1x256xf32, #tpu.memory_space<vmem>>, %arg3: memref<1x256xf32, #tpu.memory_space<vmem>>, %arg4: memref<1x256xf32, #tpu.memory_space<vmem>>, %arg5: memref<1x256xf32, #tpu.memory_space<vmem>>, %arg6: memref<256x256xf32, #tpu.memory_space<vmem>>, %arg7: memref<256x4xf32, #tpu.memory_space<vmem>>, %arg8: memref<256x4xf32, #tpu.memory_space<vmem>>, %arg9: memref<1x1x1000xi32, #tpu.memory_space<vmem>>, %arg10: memref<2x1000x144xf32, #tpu.memory_space<vmem>>, %arg11: memref<2x1000x16xf32, #tpu.memory_space<vmem>>, %arg12: memref<256x256xf32, #tpu.memory_space<vmem>>) attributes {dimension_semantics = [#tpu.dimension_semantics<arbitrary>], iteration_bounds = array<i64: 10>, scalar_prefetch = 0 : i64, scratch_operands = 0 : i64, tpu.core_type = #tpu.core_type<tc>, window_params = [{transform_indices = @transform_0, window_bounds = array<i64: 2, 1000, 144>}, {pipeline_mode = #tpu.pipeline_mode<synchronous>, transform_indices = @transform_1, window_bounds = array<i64: 1, 256>}, {pipeline_mode = #tpu.pipeline_mode<synchronous>, transform_indices = @transform_2, window_bounds = array<i64: 1, 256>}, {pipeline_mode = #tpu.pipeline_mode<synchronous>, transform_indices = @transform_3, window_bounds = array<i64: 1, 256>}, {pipeline_mode = #tpu.pipeline_mode<synchronous>, transform_indices = @transform_4, window_bounds = array<i64: 1, 256>}, {pipeline_mode = #tpu.pipeline_mode<synchronous>, transform_indices = @transform_5, window_bounds = array<i64: 256, 256>}, {pipeline_mode = #tpu.pipeline_mode<synchronous>, transform_indices = @transform_6, window_bounds = array<i64: 256, 4>}, {pipeline_mode = #tpu.pipeline_mode<synchronous>, transform_indices = @transform_7, window_bounds = array<i64: 256, 4>}, {transform_indices = @transform_8, window_bounds = array<i64: 1, 1, 1000>}, {transform_indices = @transform_9, window_bounds = array<i64: 2, 1000, 144>}, {transform_indices = @transform_10, window_bounds = array<i64: 2, 1000, 16>}, {pipeline_mode = #tpu.pipeline_mode<synchronous>, transform_indices = @transform_11, window_bounds = array<i64: 256, 256>}]} {
    %get3A = arith.constant 0 : index
    %get3A_0 = arith.constant 0 : index
    %get3A_1 = arith.constant 0 : index
    %get3A_2 = vector.load %arg1[%get3A, %get3A_0, %get3A_1] : memref<2x1000x144xf32, #tpu.memory_space<vmem>>, vector<1x1000x144xf32>
    %get3A_3 = vector.shape_cast %get3A_2 : vector<1x1000x144xf32> to vector<1000x144xf32>
    %get3A_4 = arith.constant 1 : index
    %get3A_5 = arith.constant 0 : index
    %get3A_6 = arith.constant 0 : index
    %get3A_7 = vector.load %arg1[%get3A_4, %get3A_5, %get3A_6] : memref<2x1000x144xf32, #tpu.memory_space<vmem>>, vector<1x1000x144xf32>
    %get3A_8 = vector.shape_cast %get3A_7 : vector<1x1000x144xf32> to vector<1000x144xf32>
    %slice3A = vector.extract_strided_slice %get3A_3 {offsets = [0, 0], sizes = [1000, 64], strides = [1, 1]} : vector<1000x144xf32> to vector<1000x64xf32>
    %slice3A_9 = vector.extract_strided_slice %get3A_3 {offsets = [0, 128], sizes = [1000, 1], strides = [1, 1]} : vector<1000x144xf32> to vector<1000x1xf32>
    %add3A = arith.constant 1.000000e-16 : f32
    %add3A_10 = vector.broadcast %add3A : f32 to vector<1000x1xf32>
    %add3A_11 = arith.addf %slice3A_9, %add3A_10 : vector<1000x1xf32>
    %div3A = vector.broadcast %add3A_11 : vector<1000x1xf32> to vector<1000x64xf32>
    %div3A_12 = arith.divf %slice3A, %div3A : vector<1000x64xf32>
    %slice3A_13 = vector.extract_strided_slice %get3A_3 {offsets = [0, 64], sizes = [1000, 64], strides = [1, 1]} : vector<1000x144xf32> to vector<1000x64xf32>
    %slice3A_14 = vector.extract_strided_slice %get3A_3 {offsets = [0, 129], sizes = [1000, 1], strides = [1, 1]} : vector<1000x144xf32> to vector<1000x1xf32>
    %add3A_15 = arith.constant 1.000000e-16 : f32
    %add3A_16 = vector.broadcast %add3A_15 : f32 to vector<1000x1xf32>
    %add3A_17 = arith.addf %slice3A_14, %add3A_16 : vector<1000x1xf32>
    %div3A_18 = vector.broadcast %add3A_17 : vector<1000x1xf32> to vector<1000x64xf32>
    %div3A_19 = arith.divf %slice3A_13, %div3A_18 : vector<1000x64xf32>
    %slice3A_20 = vector.extract_strided_slice %get3A_8 {offsets = [0, 0], sizes = [1000, 64], strides = [1, 1]} : vector<1000x144xf32> to vector<1000x64xf32>
    %slice3A_21 = vector.extract_strided_slice %get3A_8 {offsets = [0, 128], sizes = [1000, 1], strides = [1, 1]} : vector<1000x144xf32> to vector<1000x1xf32>
    %add3A_22 = arith.constant 1.000000e-16 : f32
    %add3A_23 = vector.broadcast %add3A_22 : f32 to vector<1000x1xf32>
    %add3A_24 = arith.addf %slice3A_21, %add3A_23 : vector<1000x1xf32>
    %div3A_25 = vector.broadcast %add3A_24 : vector<1000x1xf32> to vector<1000x64xf32>
    %div3A_26 = arith.divf %slice3A_20, %div3A_25 : vector<1000x64xf32>
    %slice3A_27 = vector.extract_strided_slice %get3A_8 {offsets = [0, 64], sizes = [1000, 64], strides = [1, 1]} : vector<1000x144xf32> to vector<1000x64xf32>
    %slice3A_28 = vector.extract_strided_slice %get3A_8 {offsets = [0, 129], sizes = [1000, 1], strides = [1, 1]} : vector<1000x144xf32> to vector<1000x1xf32>
    %add3A_29 = arith.constant 1.000000e-16 : f32
    %add3A_30 = vector.broadcast %add3A_29 : f32 to vector<1000x1xf32>
    %add3A_31 = arith.addf %slice3A_28, %add3A_30 : vector<1000x1xf32>
    %div3A_32 = vector.broadcast %add3A_31 : vector<1000x1xf32> to vector<1000x64xf32>
    %div3A_33 = arith.divf %slice3A_27, %div3A_32 : vector<1000x64xf32>
    %concatenate3A = tpu.concatenate %div3A_12, %div3A_19, %div3A_26, %div3A_33 in 1 : vector<1000x64xf32>, vector<1000x64xf32>, vector<1000x64xf32>, vector<1000x64xf32> -> vector<1000x256xf32>
    %get3A_34 = arith.constant 0 : index
    %get3A_35 = arith.constant 0 : index
    %get3A_36 = vector.load %arg2[%get3A_34, %get3A_35] : memref<1x256xf32, #tpu.memory_space<vmem>>, vector<1x256xf32>
    %add3A_37 = vector.broadcast %get3A_36 : vector<1x256xf32> to vector<1000x256xf32>
    %add3A_38 = arith.addf %concatenate3A, %add3A_37 : vector<1000x256xf32>
    %reduce_sum3A = arith.constant dense<0.000000e+00> : vector<1000xf32>
    %reduce_sum3A_39 = vector.multi_reduction <add>, %add3A_38, %reduce_sum3A [1] : vector<1000x256xf32> to vector<1000xf32>
    %broadcast_in_dim3A = vector.shape_cast %reduce_sum3A_39 : vector<1000xf32> to vector<1000x1xf32>
    %div3A_40 = arith.constant 2.560000e+02 : f32
    %div3A_41 = vector.broadcast %div3A_40 : f32 to vector<1000x1xf32>
    %div3A_42 = arith.divf %broadcast_in_dim3A, %div3A_41 : vector<1000x1xf32>
    %sub3A = vector.broadcast %div3A_42 : vector<1000x1xf32> to vector<1000x256xf32>
    %sub3A_43 = arith.subf %add3A_38, %sub3A : vector<1000x256xf32>
    %integer_pow3A = arith.mulf %sub3A_43, %sub3A_43 : vector<1000x256xf32>
    %reduce_sum3A_44 = arith.constant dense<0.000000e+00> : vector<1000xf32>
    %reduce_sum3A_45 = vector.multi_reduction <add>, %integer_pow3A, %reduce_sum3A_44 [1] : vector<1000x256xf32> to vector<1000xf32>
    %broadcast_in_dim3A_46 = vector.shape_cast %reduce_sum3A_45 : vector<1000xf32> to vector<1000x1xf32>
    %div3A_47 = arith.constant 2.560000e+02 : f32
    %div3A_48 = vector.broadcast %div3A_47 : f32 to vector<1000x1xf32>
    %div3A_49 = arith.divf %broadcast_in_dim3A_46, %div3A_48 : vector<1000x1xf32>
    %sub3A_50 = vector.broadcast %div3A_42 : vector<1000x1xf32> to vector<1000x256xf32>
    %sub3A_51 = arith.subf %add3A_38, %sub3A_50 : vector<1000x256xf32>
    %add3A_52 = arith.constant 9.99999974E-6 : f32
    %add3A_53 = vector.broadcast %add3A_52 : f32 to vector<1000x1xf32>
    %add3A_54 = arith.addf %div3A_49, %add3A_53 : vector<1000x1xf32>
    %sqrt3A = math.sqrt %add3A_54 : vector<1000x1xf32>
    %div3A_55 = vector.broadcast %sqrt3A : vector<1000x1xf32> to vector<1000x256xf32>
    %div3A_56 = arith.divf %sub3A_51, %div3A_55 : vector<1000x256xf32>
    %get3A_57 = arith.constant 0 : index
    %get3A_58 = arith.constant 0 : index
    %get3A_59 = vector.load %arg3[%get3A_57, %get3A_58] : memref<1x256xf32, #tpu.memory_space<vmem>>, vector<1x256xf32>
    %mul3A = vector.broadcast %get3A_59 : vector<1x256xf32> to vector<1000x256xf32>
    %mul3A_60 = arith.mulf %div3A_56, %mul3A : vector<1000x256xf32>
    %get3A_61 = arith.constant 0 : index
    %get3A_62 = arith.constant 0 : index
    %get3A_63 = vector.load %arg4[%get3A_61, %get3A_62] : memref<1x256xf32, #tpu.memory_space<vmem>>, vector<1x256xf32>
    %add3A_64 = vector.broadcast %get3A_63 : vector<1x256xf32> to vector<1000x256xf32>
    %add3A_65 = arith.addf %mul3A_60, %add3A_64 : vector<1000x256xf32>
    %gt3A = arith.constant 0.000000e+00 : f32
    %gt3A_66 = vector.broadcast %gt3A : f32 to vector<1000x256xf32>
    %gt3A_67 = arith.cmpf ogt, %add3A_65, %gt3A_66 : vector<1000x256xf32>
    %exp3A = math.exp %add3A_65 : vector<1000x256xf32>
    %sub3A_68 = arith.constant 1.000000e+00 : f32
    %sub3A_69 = vector.broadcast %sub3A_68 : f32 to vector<1000x256xf32>
    %sub3A_70 = arith.subf %exp3A, %sub3A_69 : vector<1000x256xf32>
    %select_n3A = arith.select %gt3A_67, %add3A_65, %sub3A_70 : vector<1000x256xi1>, vector<1000x256xf32>
    %get3A_71 = arith.constant 0 : index
    %get3A_72 = arith.constant 0 : index
    %get3A_73 = arith.constant 0 : index
    %get3A_74 = vector.load %arg9[%get3A_71, %get3A_72, %get3A_73] : memref<1x1x1000xi32, #tpu.memory_space<vmem>>, vector<1x1x1000xi32>
    %get3A_75 = vector.shape_cast %get3A_74 : vector<1x1x1000xi32> to vector<1000xi32>
    %iota3A = tpu.iota {dimensions = array<i32: 0>} : vector<256x1000xi32>
    %broadcast_in_dim3A_76 = vector.shape_cast %get3A_75 : vector<1000xi32> to vector<1x1000xi32>
    %eq3A = vector.broadcast %broadcast_in_dim3A_76 : vector<1x1000xi32> to vector<256x1000xi32>
    %eq3A_77 = arith.cmpi eq, %iota3A, %eq3A : vector<256x1000xi32>
    %convert_element_type3A = arith.extui %eq3A_77 : vector<256x1000xi1> to vector<256x1000xi32>
    %convert_element_type3A_78 = arith.sitofp %convert_element_type3A : vector<256x1000xi32> to vector<256x1000xf32>
    %dot_general3A = arith.constant dense<0.000000e+00> : vector<256x256xf32>
    %dot_general3A_79 = tpu.matmul %convert_element_type3A_78, %select_n3A, %dot_general3A {dimension_numbers = #tpu.dot_dimension_numbers<[1], [0], [0], [1], [0, 0, 1, 1], [], []>, transpose_lhs_hint = false} : vector<256x1000xf32>, vector<1000x256xf32>, vector<256x256xf32> -> vector<256x256xf32>
    %eq3A_80 = arith.constant 0 : i32
    %eq3A_81 = arith.cmpi eq, %arg0, %eq3A_80 : i32
    %convert_element_type3A_82 = arith.extui %eq3A_81 : i1 to i32
    %cond3A = arith.constant 0 : i32
    %cond3A_83 = arith.cmpi ne, %convert_element_type3A_82, %cond3A : i32
    scf.if %cond3A_83 {
      %swap3A_143 = arith.constant 0 : index
      %swap3A_144 = arith.constant 0 : index
      %swap3A_145 = vector.load %arg12[%swap3A_143, %swap3A_144] : memref<256x256xf32, #tpu.memory_space<vmem>>, vector<256x256xf32>
      tpu.vector_store %arg12[%swap3A_143, %swap3A_144], %dot_general3A_79 {strides = array<i32>} : memref<256x256xf32, #tpu.memory_space<vmem>>, vector<256x256xf32>,
    } else {
    }
    %ne3A = arith.constant 0 : i32
    %ne3A_84 = arith.cmpi ne, %arg0, %ne3A : i32
    %convert_element_type3A_85 = arith.extui %ne3A_84 : i1 to i32
    %cond3A_86 = arith.constant 0 : i32
    %cond3A_87 = arith.cmpi ne, %convert_element_type3A_85, %cond3A_86 : i32
    scf.if %cond3A_87 {
      %get3A_143 = arith.constant 0 : index
      %get3A_144 = arith.constant 0 : index
      %get3A_145 = vector.load %arg12[%get3A_143, %get3A_144] : memref<256x256xf32, #tpu.memory_space<vmem>>, vector<256x256xf32>
      %add3A_146 = arith.addf %get3A_145, %dot_general3A_79 : vector<256x256xf32>
      %swap3A_147 = arith.constant 0 : index
      %swap3A_148 = arith.constant 0 : index
      %swap3A_149 = vector.load %arg12[%swap3A_147, %swap3A_148] : memref<256x256xf32, #tpu.memory_space<vmem>>, vector<256x256xf32>
      tpu.vector_store %arg12[%swap3A_147, %swap3A_148], %add3A_146 {strides = array<i32>} : memref<256x256xf32, #tpu.memory_space<vmem>>, vector<256x256xf32>,
    } else {
    }
    %get3A_88 = arith.constant 0 : index
    %get3A_89 = arith.constant 0 : index
    %get3A_90 = vector.load %arg5[%get3A_88, %get3A_89] : memref<1x256xf32, #tpu.memory_space<vmem>>, vector<1x256xf32>
    %add3A_91 = vector.broadcast %get3A_90 : vector<1x256xf32> to vector<1000x256xf32>
    %add3A_92 = arith.addf %select_n3A, %add3A_91 : vector<1000x256xf32>
    %get3A_93 = arith.constant 0 : index
    %get3A_94 = arith.constant 0 : index
    %get3A_95 = vector.load %arg6[%get3A_93, %get3A_94] : memref<256x256xf32, #tpu.memory_space<vmem>>, vector<256x256xf32>
    %dot_general3A_96 = arith.constant dense<0.000000e+00> : vector<1000x256xf32>
    %dot_general3A_97 = tpu.matmul %add3A_92, %get3A_95, %dot_general3A_96 {dimension_numbers = #tpu.dot_dimension_numbers<[1], [0], [0], [1], [0, 0, 1, 1], [], []>, transpose_lhs_hint = false} : vector<1000x256xf32>, vector<256x256xf32>, vector<1000x256xf32> -> vector<1000x256xf32>
    %get3A_98 = arith.constant 0 : index
    %get3A_99 = arith.constant 0 : index
    %get3A_100 = vector.load %arg7[%get3A_98, %get3A_99] : memref<256x4xf32, #tpu.memory_space<vmem>>, vector<256x4xf32>
    %dot_general3A_101 = arith.constant dense<0.000000e+00> : vector<1000x4xf32>
    %dot_general3A_102 = tpu.matmul %dot_general3A_97, %get3A_100, %dot_general3A_101 {dimension_numbers = #tpu.dot_dimension_numbers<[1], [0], [0], [1], [0, 0, 1, 1], [], []>, transpose_lhs_hint = false} : vector<1000x256xf32>, vector<256x4xf32>, vector<1000x4xf32> -> vector<1000x4xf32>
    %get3A_103 = arith.constant 0 : index
    %get3A_104 = arith.constant 0 : index
    %get3A_105 = vector.load %arg8[%get3A_103, %get3A_104] : memref<256x4xf32, #tpu.memory_space<vmem>>, vector<256x4xf32>
    %dot_general3A_106 = arith.constant dense<0.000000e+00> : vector<1000x4xf32>
    %dot_general3A_107 = tpu.matmul %dot_general3A_97, %get3A_105, %dot_general3A_106 {dimension_numbers = #tpu.dot_dimension_numbers<[1], [0], [0], [1], [0, 0, 1, 1], [], []>, transpose_lhs_hint = false} : vector<1000x256xf32>, vector<256x4xf32>, vector<1000x4xf32> -> vector<1000x4xf32>
    %broadcast_in_dim3A_108 = arith.constant 0.000000e+00 : f32
    %broadcast_in_dim3A_109 = vector.broadcast %broadcast_in_dim3A_108 : f32 to vector<1000x14xf32>
    %slice3A_110 = vector.extract_strided_slice %dot_general3A_97 {offsets = [0, 0], sizes = [1000, 128], strides = [1, 1]} : vector<1000x256xf32> to vector<1000x128xf32>
    %slice3A_111 = vector.extract_strided_slice %dot_general3A_102 {offsets = [0, 0], sizes = [1000, 2], strides = [1, 1]} : vector<1000x4xf32> to vector<1000x2xf32>
    %concatenate3A_112 = tpu.concatenate %slice3A_110, %slice3A_111, %broadcast_in_dim3A_109 in 1 : vector<1000x128xf32>, vector<1000x2xf32>, vector<1000x14xf32> -> vector<1000x144xf32>
    %swap3A = arith.constant 0 : index
    %swap3A_113 = arith.constant 0 : index
    %swap3A_114 = arith.constant 0 : index
    %swap3A_115 = vector.load %arg10[%swap3A, %swap3A_113, %swap3A_114] : memref<2x1000x144xf32, #tpu.memory_space<vmem>>, vector<1x1000x144xf32>
    %swap3A_116 = vector.shape_cast %swap3A_115 : vector<1x1000x144xf32> to vector<1000x144xf32>
    %swap3A_117 = vector.shape_cast %concatenate3A_112 : vector<1000x144xf32> to vector<1x1000x144xf32>
    tpu.vector_store %arg10[%swap3A, %swap3A_113, %swap3A_114], %swap3A_117 {strides = array<i32>} : memref<2x1000x144xf32, #tpu.memory_space<vmem>>, vector<1x1000x144xf32>,
    %slice3A_118 = vector.extract_strided_slice %dot_general3A_97 {offsets = [0, 128], sizes = [1000, 128], strides = [1, 1]} : vector<1000x256xf32> to vector<1000x128xf32>
    %slice3A_119 = vector.extract_strided_slice %dot_general3A_102 {offsets = [0, 2], sizes = [1000, 2], strides = [1, 1]} : vector<1000x4xf32> to vector<1000x2xf32>
    %concatenate3A_120 = tpu.concatenate %slice3A_118, %slice3A_119, %broadcast_in_dim3A_109 in 1 : vector<1000x128xf32>, vector<1000x2xf32>, vector<1000x14xf32> -> vector<1000x144xf32>
    %swap3A_121 = arith.constant 1 : index
    %swap3A_122 = arith.constant 0 : index
    %swap3A_123 = arith.constant 0 : index
    %swap3A_124 = vector.load %arg10[%swap3A_121, %swap3A_122, %swap3A_123] : memref<2x1000x144xf32, #tpu.memory_space<vmem>>, vector<1x1000x144xf32>
    %swap3A_125 = vector.shape_cast %swap3A_124 : vector<1x1000x144xf32> to vector<1000x144xf32>
    %swap3A_126 = vector.shape_cast %concatenate3A_120 : vector<1000x144xf32> to vector<1x1000x144xf32>
    tpu.vector_store %arg10[%swap3A_121, %swap3A_122, %swap3A_123], %swap3A_126 {strides = array<i32>} : memref<2x1000x144xf32, #tpu.memory_space<vmem>>, vector<1x1000x144xf32>,
    %slice3A_127 = vector.extract_strided_slice %dot_general3A_107 {offsets = [0, 0], sizes = [1000, 2], strides = [1, 1]} : vector<1000x4xf32> to vector<1000x2xf32>
    %concatenate3A_128 = tpu.concatenate %slice3A_127, %broadcast_in_dim3A_109 in 1 : vector<1000x2xf32>, vector<1000x14xf32> -> vector<1000x16xf32>
    %swap3A_129 = arith.constant 0 : index
    %swap3A_130 = arith.constant 0 : index
    %swap3A_131 = arith.constant 0 : index
    %swap3A_132 = vector.load %arg11[%swap3A_129, %swap3A_130, %swap3A_131] : memref<2x1000x16xf32, #tpu.memory_space<vmem>>, vector<1x1000x16xf32>
    %swap3A_133 = vector.shape_cast %swap3A_132 : vector<1x1000x16xf32> to vector<1000x16xf32>
    %swap3A_134 = vector.shape_cast %concatenate3A_128 : vector<1000x16xf32> to vector<1x1000x16xf32>
    tpu.vector_store %arg11[%swap3A_129, %swap3A_130, %swap3A_131], %swap3A_134 {strides = array<i32>} : memref<2x1000x16xf32, #tpu.memory_space<vmem>>, vector<1x1000x16xf32>,
    %slice3A_135 = vector.extract_strided_slice %dot_general3A_107 {offsets = [0, 2], sizes = [1000, 2], strides = [1, 1]} : vector<1000x4xf32> to vector<1000x2xf32>
    %concatenate3A_136 = tpu.concatenate %slice3A_135, %broadcast_in_dim3A_109 in 1 : vector<1000x2xf32>, vector<1000x14xf32> -> vector<1000x16xf32>
    %swap3A_137 = arith.constant 1 : index
    %swap3A_138 = arith.constant 0 : index
    %swap3A_139 = arith.constant 0 : index
    %swap3A_140 = vector.load %arg11[%swap3A_137, %swap3A_138, %swap3A_139] : memref<2x1000x16xf32, #tpu.memory_space<vmem>>, vector<1x1000x16xf32>
    %swap3A_141 = vector.shape_cast %swap3A_140 : vector<1x1000x16xf32> to vector<1000x16xf32>
    %swap3A_142 = vector.shape_cast %concatenate3A_136 : vector<1000x16xf32> to vector<1x1000x16xf32>
    tpu.vector_store %arg11[%swap3A_137, %swap3A_138, %swap3A_139], %swap3A_142 {strides = array<i32>} : memref<2x1000x16xf32, #tpu.memory_space<vmem>>, vector<1x1000x16xf32>,
    return
  }
  func.func @transform_0(%arg0: i32) -> (i32, i32, i32) {
    %c0_i32 = arith.constant 0 : i32
    %c0_i32_0 = arith.constant 0 : i32
    %c0_i32_1 = arith.constant 0 : i32
    return %c0_i32, %arg0, %c0_i32_0 : i32, i32, i32
  }
  func.func @transform_1(%arg0: i32) -> (i32, i32) {
    %c0_i32 = arith.constant 0 : i32
    %c0_i32_0 = arith.constant 0 : i32
    %c0_i32_1 = arith.constant 0 : i32
    return %c0_i32, %c0_i32_0 : i32, i32
  }
  func.func @transform_2(%arg0: i32) -> (i32, i32) {
    %c0_i32 = arith.constant 0 : i32
    %c0_i32_0 = arith.constant 0 : i32
    %c0_i32_1 = arith.constant 0 : i32
    return %c0_i32, %c0_i32_0 : i32, i32
  }
  func.func @transform_3(%arg0: i32) -> (i32, i32) {
    %c0_i32 = arith.constant 0 : i32
    %c0_i32_0 = arith.constant 0 : i32
    %c0_i32_1 = arith.constant 0 : i32
    return %c0_i32, %c0_i32_0 : i32, i32
  }
  func.func @transform_4(%arg0: i32) -> (i32, i32) {
    %c0_i32 = arith.constant 0 : i32
    %c0_i32_0 = arith.constant 0 : i32
    %c0_i32_1 = arith.constant 0 : i32
    return %c0_i32, %c0_i32_0 : i32, i32
  }
  func.func @transform_5(%arg0: i32) -> (i32, i32) {
    %c0_i32 = arith.constant 0 : i32
    %c0_i32_0 = arith.constant 0 : i32
    %c0_i32_1 = arith.constant 0 : i32
    return %c0_i32, %c0_i32_0 : i32, i32
  }
  func.func @transform_6(%arg0: i32) -> (i32, i32) {
    %c0_i32 = arith.constant 0 : i32
    %c0_i32_0 = arith.constant 0 : i32
    %c0_i32_1 = arith.constant 0 : i32
    return %c0_i32, %c0_i32_0 : i32, i32
  }
  func.func @transform_7(%arg0: i32) -> (i32, i32) {
    %c0_i32 = arith.constant 0 : i32
    %c0_i32_0 = arith.constant 0 : i32
    %c0_i32_1 = arith.constant 0 : i32
    return %c0_i32, %c0_i32_0 : i32, i32
  }
  func.func @transform_8(%arg0: i32) -> (i32, i32, i32) {
    %c0_i32 = arith.constant 0 : i32
    %c0_i32_0 = arith.constant 0 : i32
    %c0_i32_1 = arith.constant 0 : i32
    return %arg0, %c0_i32, %c0_i32_0 : i32, i32, i32
  }
  func.func @transform_9(%arg0: i32) -> (i32, i32, i32) {
    %c0_i32 = arith.constant 0 : i32
    %c0_i32_0 = arith.constant 0 : i32
    %c0_i32_1 = arith.constant 0 : i32
    return %c0_i32, %arg0, %c0_i32_0 : i32, i32, i32
  }
  func.func @transform_10(%arg0: i32) -> (i32, i32, i32) {
    %c0_i32 = arith.constant 0 : i32
    %c0_i32_0 = arith.constant 0 : i32
    %c0_i32_1 = arith.constant 0 : i32
    return %c0_i32, %arg0, %c0_i32_0 : i32, i32, i32
  }
  func.func @transform_11(%arg0: i32) -> (i32, i32) {
    %c0_i32 = arith.constant 0 : i32
    %c0_i32_0 = arith.constant 0 : i32
    %c0_i32_1 = arith.constant 0 : i32
    return %c0_i32, %c0_i32_0 : i32, i32
  }
}

module attributes {stable_mosaic.version = 14 : i64} {
  func.func @body(%arg0: i32, %arg1: memref<2x1000x144xf32, #tpu.memory_space<vmem>>, %arg2: memref<1x64xf32, #tpu.memory_space<vmem>>, %arg3: memref<1x64xf32, #tpu.memory_space<vmem>>, %arg4: memref<1x64xf32, #tpu.memory_space<vmem>>, %arg5: memref<1x1x1000xi32, #tpu.memory_space<vmem>>, %arg6: memref<256x64xf32, #tpu.memory_space<vmem>>) attributes {dimension_semantics = [#tpu.dimension_semantics<arbitrary>], iteration_bounds = array<i64: 10>, scalar_prefetch = 0 : i64, scratch_operands = 0 : i64, tpu.core_type = #tpu.core_type<tc>, window_params = [{transform_indices = @transform_0, window_bounds = array<i64: 2, 1000, 144>}, {pipeline_mode = #tpu.pipeline_mode<synchronous>, transform_indices = @transform_1, window_bounds = array<i64: 1, 64>}, {pipeline_mode = #tpu.pipeline_mode<synchronous>, transform_indices = @transform_2, window_bounds = array<i64: 1, 64>}, {pipeline_mode = #tpu.pipeline_mode<synchronous>, transform_indices = @transform_3, window_bounds = array<i64: 1, 64>}, {transform_indices = @transform_4, window_bounds = array<i64: 1, 1, 1000>}, {pipeline_mode = #tpu.pipeline_mode<synchronous>, transform_indices = @transform_5, window_bounds = array<i64: 256, 64>}]} {
    %get3A = arith.constant 0 : index
    %get3A_0 = arith.constant 0 : index
    %get3A_1 = arith.constant 0 : index
    %get3A_2 = vector.load %arg1[%get3A, %get3A_0, %get3A_1] : memref<2x1000x144xf32, #tpu.memory_space<vmem>>, vector<1x1000x144xf32>
    %get3A_3 = vector.shape_cast %get3A_2 : vector<1x1000x144xf32> to vector<1000x144xf32>
    %get3A_4 = arith.constant 1 : index
    %get3A_5 = arith.constant 0 : index
    %get3A_6 = arith.constant 0 : index
    %get3A_7 = vector.load %arg1[%get3A_4, %get3A_5, %get3A_6] : memref<2x1000x144xf32, #tpu.memory_space<vmem>>, vector<1x1000x144xf32>
    %get3A_8 = vector.shape_cast %get3A_7 : vector<1x1000x144xf32> to vector<1000x144xf32>
    %slice3A = vector.extract_strided_slice %get3A_3 {offsets = [0, 0], sizes = [1000, 64], strides = [1, 1]} : vector<1000x144xf32> to vector<1000x64xf32>
    %slice3A_9 = vector.extract_strided_slice %get3A_3 {offsets = [0, 128], sizes = [1000, 1], strides = [1, 1]} : vector<1000x144xf32> to vector<1000x1xf32>
    %add3A = arith.constant 1.000000e-16 : f32
    %add3A_10 = vector.broadcast %add3A : f32 to vector<1000x1xf32>
    %add3A_11 = arith.addf %slice3A_9, %add3A_10 : vector<1000x1xf32>
    %div3A = vector.broadcast %add3A_11 : vector<1000x1xf32> to vector<1000x64xf32>
    %div3A_12 = arith.divf %slice3A, %div3A : vector<1000x64xf32>
    %slice3A_13 = vector.extract_strided_slice %get3A_3 {offsets = [0, 64], sizes = [1000, 64], strides = [1, 1]} : vector<1000x144xf32> to vector<1000x64xf32>
    %slice3A_14 = vector.extract_strided_slice %get3A_3 {offsets = [0, 129], sizes = [1000, 1], strides = [1, 1]} : vector<1000x144xf32> to vector<1000x1xf32>
    %add3A_15 = arith.constant 1.000000e-16 : f32
    %add3A_16 = vector.broadcast %add3A_15 : f32 to vector<1000x1xf32>
    %add3A_17 = arith.addf %slice3A_14, %add3A_16 : vector<1000x1xf32>
    %div3A_18 = vector.broadcast %add3A_17 : vector<1000x1xf32> to vector<1000x64xf32>
    %div3A_19 = arith.divf %slice3A_13, %div3A_18 : vector<1000x64xf32>
    %slice3A_20 = vector.extract_strided_slice %get3A_8 {offsets = [0, 0], sizes = [1000, 64], strides = [1, 1]} : vector<1000x144xf32> to vector<1000x64xf32>
    %slice3A_21 = vector.extract_strided_slice %get3A_8 {offsets = [0, 128], sizes = [1000, 1], strides = [1, 1]} : vector<1000x144xf32> to vector<1000x1xf32>
    %add3A_22 = arith.constant 1.000000e-16 : f32
    %add3A_23 = vector.broadcast %add3A_22 : f32 to vector<1000x1xf32>
    %add3A_24 = arith.addf %slice3A_21, %add3A_23 : vector<1000x1xf32>
    %div3A_25 = vector.broadcast %add3A_24 : vector<1000x1xf32> to vector<1000x64xf32>
    %div3A_26 = arith.divf %slice3A_20, %div3A_25 : vector<1000x64xf32>
    %slice3A_27 = vector.extract_strided_slice %get3A_8 {offsets = [0, 64], sizes = [1000, 64], strides = [1, 1]} : vector<1000x144xf32> to vector<1000x64xf32>
    %slice3A_28 = vector.extract_strided_slice %get3A_8 {offsets = [0, 129], sizes = [1000, 1], strides = [1, 1]} : vector<1000x144xf32> to vector<1000x1xf32>
    %add3A_29 = arith.constant 1.000000e-16 : f32
    %add3A_30 = vector.broadcast %add3A_29 : f32 to vector<1000x1xf32>
    %add3A_31 = arith.addf %slice3A_28, %add3A_30 : vector<1000x1xf32>
    %div3A_32 = vector.broadcast %add3A_31 : vector<1000x1xf32> to vector<1000x64xf32>
    %div3A_33 = arith.divf %slice3A_27, %div3A_32 : vector<1000x64xf32>
    %add3A_34 = arith.addf %div3A_12, %div3A_19 : vector<1000x64xf32>
    %add3A_35 = arith.addf %add3A_34, %div3A_26 : vector<1000x64xf32>
    %add3A_36 = arith.addf %add3A_35, %div3A_33 : vector<1000x64xf32>
    %mul3A = arith.constant 2.500000e-01 : f32
    %mul3A_37 = vector.broadcast %mul3A : f32 to vector<1000x64xf32>
    %mul3A_38 = arith.mulf %add3A_36, %mul3A_37 : vector<1000x64xf32>
    %get3A_39 = arith.constant 0 : index
    %get3A_40 = arith.constant 0 : index
    %get3A_41 = vector.load %arg2[%get3A_39, %get3A_40] : memref<1x64xf32, #tpu.memory_space<vmem>>, vector<1x64xf32>
    %add3A_42 = vector.broadcast %get3A_41 : vector<1x64xf32> to vector<1000x64xf32>
    %add3A_43 = arith.addf %mul3A_38, %add3A_42 : vector<1000x64xf32>
    %reduce_sum3A = arith.constant dense<0.000000e+00> : vector<1000xf32>
    %reduce_sum3A_44 = vector.multi_reduction <add>, %add3A_43, %reduce_sum3A [1] : vector<1000x64xf32> to vector<1000xf32>
    %broadcast_in_dim3A = vector.shape_cast %reduce_sum3A_44 : vector<1000xf32> to vector<1000x1xf32>
    %div3A_45 = arith.constant 6.400000e+01 : f32
    %div3A_46 = vector.broadcast %div3A_45 : f32 to vector<1000x1xf32>
    %div3A_47 = arith.divf %broadcast_in_dim3A, %div3A_46 : vector<1000x1xf32>
    %sub3A = vector.broadcast %div3A_47 : vector<1000x1xf32> to vector<1000x64xf32>
    %sub3A_48 = arith.subf %add3A_43, %sub3A : vector<1000x64xf32>
    %integer_pow3A = arith.mulf %sub3A_48, %sub3A_48 : vector<1000x64xf32>
    %reduce_sum3A_49 = arith.constant dense<0.000000e+00> : vector<1000xf32>
    %reduce_sum3A_50 = vector.multi_reduction <add>, %integer_pow3A, %reduce_sum3A_49 [1] : vector<1000x64xf32> to vector<1000xf32>
    %broadcast_in_dim3A_51 = vector.shape_cast %reduce_sum3A_50 : vector<1000xf32> to vector<1000x1xf32>
    %div3A_52 = arith.constant 6.400000e+01 : f32
    %div3A_53 = vector.broadcast %div3A_52 : f32 to vector<1000x1xf32>
    %div3A_54 = arith.divf %broadcast_in_dim3A_51, %div3A_53 : vector<1000x1xf32>
    %sub3A_55 = vector.broadcast %div3A_47 : vector<1000x1xf32> to vector<1000x64xf32>
    %sub3A_56 = arith.subf %add3A_43, %sub3A_55 : vector<1000x64xf32>
    %add3A_57 = arith.constant 9.99999974E-6 : f32
    %add3A_58 = vector.broadcast %add3A_57 : f32 to vector<1000x1xf32>
    %add3A_59 = arith.addf %div3A_54, %add3A_58 : vector<1000x1xf32>
    %sqrt3A = math.sqrt %add3A_59 : vector<1000x1xf32>
    %div3A_60 = vector.broadcast %sqrt3A : vector<1000x1xf32> to vector<1000x64xf32>
    %div3A_61 = arith.divf %sub3A_56, %div3A_60 : vector<1000x64xf32>
    %get3A_62 = arith.constant 0 : index
    %get3A_63 = arith.constant 0 : index
    %get3A_64 = vector.load %arg3[%get3A_62, %get3A_63] : memref<1x64xf32, #tpu.memory_space<vmem>>, vector<1x64xf32>
    %mul3A_65 = vector.broadcast %get3A_64 : vector<1x64xf32> to vector<1000x64xf32>
    %mul3A_66 = arith.mulf %div3A_61, %mul3A_65 : vector<1000x64xf32>
    %get3A_67 = arith.constant 0 : index
    %get3A_68 = arith.constant 0 : index
    %get3A_69 = vector.load %arg4[%get3A_67, %get3A_68] : memref<1x64xf32, #tpu.memory_space<vmem>>, vector<1x64xf32>
    %add3A_70 = vector.broadcast %get3A_69 : vector<1x64xf32> to vector<1000x64xf32>
    %add3A_71 = arith.addf %mul3A_66, %add3A_70 : vector<1000x64xf32>
    %gt3A = arith.constant 0.000000e+00 : f32
    %gt3A_72 = vector.broadcast %gt3A : f32 to vector<1000x64xf32>
    %gt3A_73 = arith.cmpf ogt, %add3A_71, %gt3A_72 : vector<1000x64xf32>
    %exp3A = math.exp %add3A_71 : vector<1000x64xf32>
    %sub3A_74 = arith.constant 1.000000e+00 : f32
    %sub3A_75 = vector.broadcast %sub3A_74 : f32 to vector<1000x64xf32>
    %sub3A_76 = arith.subf %exp3A, %sub3A_75 : vector<1000x64xf32>
    %select_n3A = arith.select %gt3A_73, %add3A_71, %sub3A_76 : vector<1000x64xi1>, vector<1000x64xf32>
    %get3A_77 = arith.constant 0 : index
    %get3A_78 = arith.constant 0 : index
    %get3A_79 = arith.constant 0 : index
    %get3A_80 = vector.load %arg5[%get3A_77, %get3A_78, %get3A_79] : memref<1x1x1000xi32, #tpu.memory_space<vmem>>, vector<1x1x1000xi32>
    %get3A_81 = vector.shape_cast %get3A_80 : vector<1x1x1000xi32> to vector<1000xi32>
    %iota3A = tpu.iota {dimensions = array<i32: 0>} : vector<256x1000xi32>
    %broadcast_in_dim3A_82 = vector.shape_cast %get3A_81 : vector<1000xi32> to vector<1x1000xi32>
    %eq3A = vector.broadcast %broadcast_in_dim3A_82 : vector<1x1000xi32> to vector<256x1000xi32>
    %eq3A_83 = arith.cmpi eq, %iota3A, %eq3A : vector<256x1000xi32>
    %convert_element_type3A = arith.extui %eq3A_83 : vector<256x1000xi1> to vector<256x1000xi32>
    %convert_element_type3A_84 = arith.sitofp %convert_element_type3A : vector<256x1000xi32> to vector<256x1000xf32>
    %dot_general3A = arith.constant dense<0.000000e+00> : vector<256x64xf32>
    %dot_general3A_85 = tpu.matmul %convert_element_type3A_84, %select_n3A, %dot_general3A {dimension_numbers = #tpu.dot_dimension_numbers<[1], [0], [0], [1], [0, 0, 1, 1], [], []>, transpose_lhs_hint = false} : vector<256x1000xf32>, vector<1000x64xf32>, vector<256x64xf32> -> vector<256x64xf32>
    %eq3A_86 = arith.constant 0 : i32
    %eq3A_87 = arith.cmpi eq, %arg0, %eq3A_86 : i32
    %convert_element_type3A_88 = arith.extui %eq3A_87 : i1 to i32
    %cond3A = arith.constant 0 : i32
    %cond3A_89 = arith.cmpi ne, %convert_element_type3A_88, %cond3A : i32
    scf.if %cond3A_89 {
      %swap3A = arith.constant 0 : index
      %swap3A_94 = arith.constant 0 : index
      %swap3A_95 = vector.load %arg6[%swap3A, %swap3A_94] : memref<256x64xf32, #tpu.memory_space<vmem>>, vector<256x64xf32>
      tpu.vector_store %arg6[%swap3A, %swap3A_94], %dot_general3A_85 {strides = array<i32>} : memref<256x64xf32, #tpu.memory_space<vmem>>, vector<256x64xf32>,
    } else {
    }
    %ne3A = arith.constant 0 : i32
    %ne3A_90 = arith.cmpi ne, %arg0, %ne3A : i32
    %convert_element_type3A_91 = arith.extui %ne3A_90 : i1 to i32
    %cond3A_92 = arith.constant 0 : i32
    %cond3A_93 = arith.cmpi ne, %convert_element_type3A_91, %cond3A_92 : i32
    scf.if %cond3A_93 {
      %get3A_94 = arith.constant 0 : index
      %get3A_95 = arith.constant 0 : index
      %get3A_96 = vector.load %arg6[%get3A_94, %get3A_95] : memref<256x64xf32, #tpu.memory_space<vmem>>, vector<256x64xf32>
      %add3A_97 = arith.addf %get3A_96, %dot_general3A_85 : vector<256x64xf32>
      %swap3A = arith.constant 0 : index
      %swap3A_98 = arith.constant 0 : index
      %swap3A_99 = vector.load %arg6[%swap3A, %swap3A_98] : memref<256x64xf32, #tpu.memory_space<vmem>>, vector<256x64xf32>
      tpu.vector_store %arg6[%swap3A, %swap3A_98], %add3A_97 {strides = array<i32>} : memref<256x64xf32, #tpu.memory_space<vmem>>, vector<256x64xf32>,
    } else {
    }
    return
  }
  func.func @transform_0(%arg0: i32) -> (i32, i32, i32) {
    %c0_i32 = arith.constant 0 : i32
    %c0_i32_0 = arith.constant 0 : i32
    %c0_i32_1 = arith.constant 0 : i32
    return %c0_i32, %arg0, %c0_i32_0 : i32, i32, i32
  }
  func.func @transform_1(%arg0: i32) -> (i32, i32) {
    %c0_i32 = arith.constant 0 : i32
    %c0_i32_0 = arith.constant 0 : i32
    %c0_i32_1 = arith.constant 0 : i32
    return %c0_i32, %c0_i32_0 : i32, i32
  }
  func.func @transform_2(%arg0: i32) -> (i32, i32) {
    %c0_i32 = arith.constant 0 : i32
    %c0_i32_0 = arith.constant 0 : i32
    %c0_i32_1 = arith.constant 0 : i32
    return %c0_i32, %c0_i32_0 : i32, i32
  }
  func.func @transform_3(%arg0: i32) -> (i32, i32) {
    %c0_i32 = arith.constant 0 : i32
    %c0_i32_0 = arith.constant 0 : i32
    %c0_i32_1 = arith.constant 0 : i32
    return %c0_i32, %c0_i32_0 : i32, i32
  }
  func.func @transform_4(%arg0: i32) -> (i32, i32, i32) {
    %c0_i32 = arith.constant 0 : i32
    %c0_i32_0 = arith.constant 0 : i32
    %c0_i32_1 = arith.constant 0 : i32
    return %arg0, %c0_i32, %c0_i32_0 : i32, i32, i32
  }
  func.func @transform_5(%arg0: i32) -> (i32, i32) {
    %c0_i32 = arith.constant 0 : i32
    %c0_i32_0 = arith.constant 0 : i32
    %c0_i32_1 = arith.constant 0 : i32
    return %c0_i32, %c0_i32_0 : i32, i32
  }
}

module attributes {stable_mosaic.version = 14 : i64} {
  func.func @body(%arg0: memref<256x256xf32, #tpu.memory_space<vmem>>, %arg1: memref<256x256xf32, #tpu.memory_space<vmem>>, %arg2: memref<256x64xf32, #tpu.memory_space<vmem>>, %arg3: memref<576x256xf32, #tpu.memory_space<vmem>>, %arg4: memref<1x256xf32, #tpu.memory_space<vmem>>, %arg5: memref<1x256xf32, #tpu.memory_space<vmem>>, %arg6: memref<1x256xf32, #tpu.memory_space<vmem>>, %arg7: memref<256x128xf32, #tpu.memory_space<vmem>>, %arg8: memref<1x128xf32, #tpu.memory_space<vmem>>, %arg9: memref<1x128xf32, #tpu.memory_space<vmem>>, %arg10: memref<1x128xf32, #tpu.memory_space<vmem>>, %arg11: memref<128x128xf32, #tpu.memory_space<vmem>>, %arg12: memref<1x128xf32, #tpu.memory_space<vmem>>, %arg13: memref<128x12xf32, #tpu.memory_space<vmem>>, %arg14: memref<1x12xf32, #tpu.memory_space<vmem>>, %arg15: memref<256x12xf32, #tpu.memory_space<vmem>>) attributes {dimension_semantics = [], scalar_prefetch = 0 : i64, scratch_operands = 0 : i64, tpu.core_type = #tpu.core_type<tc>} {
    %get3A = arith.constant 0 : index
    %get3A_0 = arith.constant 0 : index
    %get3A_1 = vector.load %arg0[%get3A, %get3A_0] : memref<256x256xf32, #tpu.memory_space<vmem>>, vector<256x256xf32>
    %get3A_2 = arith.constant 0 : index
    %get3A_3 = arith.constant 0 : index
    %get3A_4 = vector.load %arg1[%get3A_2, %get3A_3] : memref<256x256xf32, #tpu.memory_space<vmem>>, vector<256x256xf32>
    %get3A_5 = arith.constant 0 : index
    %get3A_6 = arith.constant 0 : index
    %get3A_7 = vector.load %arg2[%get3A_5, %get3A_6] : memref<256x64xf32, #tpu.memory_space<vmem>>, vector<256x64xf32>
    %concatenate3A = tpu.concatenate %get3A_1, %get3A_4, %get3A_7 in 1 : vector<256x256xf32>, vector<256x256xf32>, vector<256x64xf32> -> vector<256x576xf32>
    %get3A_8 = arith.constant 0 : index
    %get3A_9 = arith.constant 0 : index
    %get3A_10 = vector.load %arg3[%get3A_8, %get3A_9] : memref<576x256xf32, #tpu.memory_space<vmem>>, vector<576x256xf32>
    %dot_general3A = arith.constant dense<0.000000e+00> : vector<256x256xf32>
    %dot_general3A_11 = tpu.matmul %concatenate3A, %get3A_10, %dot_general3A {dimension_numbers = #tpu.dot_dimension_numbers<[1], [0], [0], [1], [0, 0, 1, 1], [], []>, transpose_lhs_hint = false} : vector<256x576xf32>, vector<576x256xf32>, vector<256x256xf32> -> vector<256x256xf32>
    %get3A_12 = arith.constant 0 : index
    %get3A_13 = arith.constant 0 : index
    %get3A_14 = vector.load %arg4[%get3A_12, %get3A_13] : memref<1x256xf32, #tpu.memory_space<vmem>>, vector<1x256xf32>
    %add3A = vector.broadcast %get3A_14 : vector<1x256xf32> to vector<256x256xf32>
    %add3A_15 = arith.addf %dot_general3A_11, %add3A : vector<256x256xf32>
    %reduce_sum3A = arith.constant dense<0.000000e+00> : vector<256xf32>
    %reduce_sum3A_16 = vector.multi_reduction <add>, %add3A_15, %reduce_sum3A [1] : vector<256x256xf32> to vector<256xf32>
    %broadcast_in_dim3A = vector.shape_cast %reduce_sum3A_16 : vector<256xf32> to vector<256x1xf32>
    %div3A = arith.constant 2.560000e+02 : f32
    %div3A_17 = vector.broadcast %div3A : f32 to vector<256x1xf32>
    %div3A_18 = arith.divf %broadcast_in_dim3A, %div3A_17 : vector<256x1xf32>
    %sub3A = vector.broadcast %div3A_18 : vector<256x1xf32> to vector<256x256xf32>
    %sub3A_19 = arith.subf %add3A_15, %sub3A : vector<256x256xf32>
    %integer_pow3A = arith.mulf %sub3A_19, %sub3A_19 : vector<256x256xf32>
    %reduce_sum3A_20 = arith.constant dense<0.000000e+00> : vector<256xf32>
    %reduce_sum3A_21 = vector.multi_reduction <add>, %integer_pow3A, %reduce_sum3A_20 [1] : vector<256x256xf32> to vector<256xf32>
    %broadcast_in_dim3A_22 = vector.shape_cast %reduce_sum3A_21 : vector<256xf32> to vector<256x1xf32>
    %div3A_23 = arith.constant 2.560000e+02 : f32
    %div3A_24 = vector.broadcast %div3A_23 : f32 to vector<256x1xf32>
    %div3A_25 = arith.divf %broadcast_in_dim3A_22, %div3A_24 : vector<256x1xf32>
    %sub3A_26 = vector.broadcast %div3A_18 : vector<256x1xf32> to vector<256x256xf32>
    %sub3A_27 = arith.subf %add3A_15, %sub3A_26 : vector<256x256xf32>
    %add3A_28 = arith.constant 9.99999974E-6 : f32
    %add3A_29 = vector.broadcast %add3A_28 : f32 to vector<256x1xf32>
    %add3A_30 = arith.addf %div3A_25, %add3A_29 : vector<256x1xf32>
    %sqrt3A = math.sqrt %add3A_30 : vector<256x1xf32>
    %div3A_31 = vector.broadcast %sqrt3A : vector<256x1xf32> to vector<256x256xf32>
    %div3A_32 = arith.divf %sub3A_27, %div3A_31 : vector<256x256xf32>
    %get3A_33 = arith.constant 0 : index
    %get3A_34 = arith.constant 0 : index
    %get3A_35 = vector.load %arg5[%get3A_33, %get3A_34] : memref<1x256xf32, #tpu.memory_space<vmem>>, vector<1x256xf32>
    %mul3A = vector.broadcast %get3A_35 : vector<1x256xf32> to vector<256x256xf32>
    %mul3A_36 = arith.mulf %div3A_32, %mul3A : vector<256x256xf32>
    %get3A_37 = arith.constant 0 : index
    %get3A_38 = arith.constant 0 : index
    %get3A_39 = vector.load %arg6[%get3A_37, %get3A_38] : memref<1x256xf32, #tpu.memory_space<vmem>>, vector<1x256xf32>
    %add3A_40 = vector.broadcast %get3A_39 : vector<1x256xf32> to vector<256x256xf32>
    %add3A_41 = arith.addf %mul3A_36, %add3A_40 : vector<256x256xf32>
    %max3A = arith.constant 0.000000e+00 : f32
    %max3A_42 = vector.broadcast %max3A : f32 to vector<256x256xf32>
    %max3A_43 = arith.maximumf %add3A_41, %max3A_42 : vector<256x256xf32>
    %get3A_44 = arith.constant 0 : index
    %get3A_45 = arith.constant 0 : index
    %get3A_46 = vector.load %arg7[%get3A_44, %get3A_45] : memref<256x128xf32, #tpu.memory_space<vmem>>, vector<256x128xf32>
    %dot_general3A_47 = arith.constant dense<0.000000e+00> : vector<256x128xf32>
    %dot_general3A_48 = tpu.matmul %max3A_43, %get3A_46, %dot_general3A_47 {dimension_numbers = #tpu.dot_dimension_numbers<[1], [0], [0], [1], [0, 0, 1, 1], [], []>, transpose_lhs_hint = false} : vector<256x256xf32>, vector<256x128xf32>, vector<256x128xf32> -> vector<256x128xf32>
    %get3A_49 = arith.constant 0 : index
    %get3A_50 = arith.constant 0 : index
    %get3A_51 = vector.load %arg8[%get3A_49, %get3A_50] : memref<1x128xf32, #tpu.memory_space<vmem>>, vector<1x128xf32>
    %add3A_52 = vector.broadcast %get3A_51 : vector<1x128xf32> to vector<256x128xf32>
    %add3A_53 = arith.addf %dot_general3A_48, %add3A_52 : vector<256x128xf32>
    %reduce_sum3A_54 = arith.constant dense<0.000000e+00> : vector<256xf32>
    %reduce_sum3A_55 = vector.multi_reduction <add>, %add3A_53, %reduce_sum3A_54 [1] : vector<256x128xf32> to vector<256xf32>
    %broadcast_in_dim3A_56 = vector.shape_cast %reduce_sum3A_55 : vector<256xf32> to vector<256x1xf32>
    %div3A_57 = arith.constant 1.280000e+02 : f32
    %div3A_58 = vector.broadcast %div3A_57 : f32 to vector<256x1xf32>
    %div3A_59 = arith.divf %broadcast_in_dim3A_56, %div3A_58 : vector<256x1xf32>
    %sub3A_60 = vector.broadcast %div3A_59 : vector<256x1xf32> to vector<256x128xf32>
    %sub3A_61 = arith.subf %add3A_53, %sub3A_60 : vector<256x128xf32>
    %integer_pow3A_62 = arith.mulf %sub3A_61, %sub3A_61 : vector<256x128xf32>
    %reduce_sum3A_63 = arith.constant dense<0.000000e+00> : vector<256xf32>
    %reduce_sum3A_64 = vector.multi_reduction <add>, %integer_pow3A_62, %reduce_sum3A_63 [1] : vector<256x128xf32> to vector<256xf32>
    %broadcast_in_dim3A_65 = vector.shape_cast %reduce_sum3A_64 : vector<256xf32> to vector<256x1xf32>
    %div3A_66 = arith.constant 1.280000e+02 : f32
    %div3A_67 = vector.broadcast %div3A_66 : f32 to vector<256x1xf32>
    %div3A_68 = arith.divf %broadcast_in_dim3A_65, %div3A_67 : vector<256x1xf32>
    %sub3A_69 = vector.broadcast %div3A_59 : vector<256x1xf32> to vector<256x128xf32>
    %sub3A_70 = arith.subf %add3A_53, %sub3A_69 : vector<256x128xf32>
    %add3A_71 = arith.constant 9.99999974E-6 : f32
    %add3A_72 = vector.broadcast %add3A_71 : f32 to vector<256x1xf32>
    %add3A_73 = arith.addf %div3A_68, %add3A_72 : vector<256x1xf32>
    %sqrt3A_74 = math.sqrt %add3A_73 : vector<256x1xf32>
    %div3A_75 = vector.broadcast %sqrt3A_74 : vector<256x1xf32> to vector<256x128xf32>
    %div3A_76 = arith.divf %sub3A_70, %div3A_75 : vector<256x128xf32>
    %get3A_77 = arith.constant 0 : index
    %get3A_78 = arith.constant 0 : index
    %get3A_79 = vector.load %arg9[%get3A_77, %get3A_78] : memref<1x128xf32, #tpu.memory_space<vmem>>, vector<1x128xf32>
    %mul3A_80 = vector.broadcast %get3A_79 : vector<1x128xf32> to vector<256x128xf32>
    %mul3A_81 = arith.mulf %div3A_76, %mul3A_80 : vector<256x128xf32>
    %get3A_82 = arith.constant 0 : index
    %get3A_83 = arith.constant 0 : index
    %get3A_84 = vector.load %arg10[%get3A_82, %get3A_83] : memref<1x128xf32, #tpu.memory_space<vmem>>, vector<1x128xf32>
    %add3A_85 = vector.broadcast %get3A_84 : vector<1x128xf32> to vector<256x128xf32>
    %add3A_86 = arith.addf %mul3A_81, %add3A_85 : vector<256x128xf32>
    %max3A_87 = arith.constant 0.000000e+00 : f32
    %max3A_88 = vector.broadcast %max3A_87 : f32 to vector<256x128xf32>
    %max3A_89 = arith.maximumf %add3A_86, %max3A_88 : vector<256x128xf32>
    %get3A_90 = arith.constant 0 : index
    %get3A_91 = arith.constant 0 : index
    %get3A_92 = vector.load %arg11[%get3A_90, %get3A_91] : memref<128x128xf32, #tpu.memory_space<vmem>>, vector<128x128xf32>
    %dot_general3A_93 = arith.constant dense<0.000000e+00> : vector<256x128xf32>
    %dot_general3A_94 = tpu.matmul %max3A_89, %get3A_92, %dot_general3A_93 {dimension_numbers = #tpu.dot_dimension_numbers<[1], [0], [0], [1], [0, 0, 1, 1], [], []>, transpose_lhs_hint = false} : vector<256x128xf32>, vector<128x128xf32>, vector<256x128xf32> -> vector<256x128xf32>
    %get3A_95 = arith.constant 0 : index
    %get3A_96 = arith.constant 0 : index
    %get3A_97 = vector.load %arg12[%get3A_95, %get3A_96] : memref<1x128xf32, #tpu.memory_space<vmem>>, vector<1x128xf32>
    %add3A_98 = vector.broadcast %get3A_97 : vector<1x128xf32> to vector<256x128xf32>
    %add3A_99 = arith.addf %dot_general3A_94, %add3A_98 : vector<256x128xf32>
    %get3A_100 = arith.constant 0 : index
    %get3A_101 = arith.constant 0 : index
    %get3A_102 = vector.load %arg13[%get3A_100, %get3A_101] : memref<128x12xf32, #tpu.memory_space<vmem>>, vector<128x12xf32>
    %dot_general3A_103 = arith.constant dense<0.000000e+00> : vector<256x12xf32>
    %dot_general3A_104 = tpu.matmul %add3A_99, %get3A_102, %dot_general3A_103 {dimension_numbers = #tpu.dot_dimension_numbers<[1], [0], [0], [1], [0, 0, 1, 1], [], []>, transpose_lhs_hint = false} : vector<256x128xf32>, vector<128x12xf32>, vector<256x12xf32> -> vector<256x12xf32>
    %get3A_105 = arith.constant 0 : index
    %get3A_106 = arith.constant 0 : index
    %get3A_107 = vector.load %arg14[%get3A_105, %get3A_106] : memref<1x12xf32, #tpu.memory_space<vmem>>, vector<1x12xf32>
    %add3A_108 = vector.broadcast %get3A_107 : vector<1x12xf32> to vector<256x12xf32>
    %add3A_109 = arith.addf %dot_general3A_104, %add3A_108 : vector<256x12xf32>
    %swap3A = arith.constant 0 : index
    %swap3A_110 = arith.constant 0 : index
    %swap3A_111 = vector.load %arg15[%swap3A, %swap3A_110] : memref<256x12xf32, #tpu.memory_space<vmem>>, vector<256x12xf32>
    tpu.vector_store %arg15[%swap3A, %swap3A_110], %add3A_109 {strides = array<i32>} : memref<256x12xf32, #tpu.memory_space<vmem>>, vector<256x12xf32>,
    return
  }
}

</mosaic_0001>

<sc_bundles>
// kernel: kernel.11.cloned.1.call-start
scs
__scs_entry_jumppad:
0x0: {  	(pc) =	sbr.rel $0x88, $3  }
0x1: {  	(tag) =	ssettag $0x0;
	lr =	simm.s32 $0x1  }
0x2: {  	[smem:$0x3F76] =	sst lr;
	_ =	strace $0xD0000000  }
0x3: {  	_ = 	snop  }
0x4: {  	_ = 	snop  }
0x5: {  	_ = 	snop  }
0x6: {  	_ = 	snop  }
0x7: {  	_ = 	snop  }
__scs_overlays_trampoline_lowered:
0x8: {  	[smem:$0x3F85] =	sst s0  }
0x9: {  	[smem:$0x3F86] =	sst s1  }
0xa: {  	[smem:$0x3F87] =	sst s2  }
0xb: {  	[smem:$0x3F88] =	sst s3  }
0xc: {  	[smem:$0x3F89] =	sst s4  }
0xd: {  	[smem:$0x3F8A] =	sst s5  }
0xe: {  	[smem:$0x3F8B] =	sst s6  }
0xf: {  	[smem:$0x3F8C] =	sst s7  }
0x10: {  	[smem:$0x3F8D] =	sst s8  }
0x11: {  	[smem:$0x3F8E] =	sst s9;
	s0 =	simm.s32 @!p0 $0x0  }
0x12: {  	s1 =	sld [smem:$0x3F74];
	s0 =	simm.s32 @p0 $0x1  }
0x13: {  	[smem:$0x3F8F] =	sst s0;
	s0 =	simm.s32 @!p1 $0x0  }
0x14: {  	s2 =	sld [smem:$0x3F73];
	s0 =	simm.s32 @p1 $0x1  }
0x15: {  	[smem:$0x3F90] =	sst s0;
	s0 =	simm.s32 @!p2 $0x0  }
0x16: {  	s3 =	sld [smem:$0x3FDB];
	s0 =	simm.s32 @p2 $0x1  }
0x17: {  	s4 =	simm.s32 $0x1BF5;
	[smem:$0x3F92] =	sst s0  }
0x18: {  	s0 =	sld [smem:$0x3F75];
	_ =	swait.ge [sflag:s4], $0x0  }
0x19: {  	s7 =	sld [smem:$0x3F76]  }
0x1a: {  	s8 =	sadd.s32 $0xFFFFE003, lr  }
0x1b: {  	s9 =	sadd.s32 $0xFFFFFEF7, lr;
	s5 =	simm.s32 $0xFFFFFFFF;
	p2 =	slt.u32 s8, $0xFFFFF086  }
0x1c: {  	p1 =	slt.u32 s9, $0xF7A;
	s5 =	simm.s32 @!p2 $0x0  }
0x1d: {  	s5 =	simm.s32 @p1 $0x1;
	p0 =	seq.s32 s7, s2  }
0x1e: {  	s7 =	smul.u32 @!p0 $0xF7A, s2;
	p2 =	seq.s32 @!p0 s5, $0x0  }
0x1f: {  	s9 =	smul.u32 $0xF7A, s1;
	s8 =	simm.s32 @!p0 $0x1BF5;
	p2 =	por !p2, p0  }
0x20: {  	[sflag:s8] =	ssyncset.s32 @!p0 $0xFFFFF086;
	s6 =	sadd.s32 @!p0 s3, s7;
	s7 =	simm.s32 @!p0 $0x108  }
0x21: {  	s3 =	sadd.s32 s3, s9;
	s6 =	sadd.s32 @!p0 $0x88, s6;
	s7 =	simm.s32 @p2 $0x1082  }
0x22: {  	[simem:s7], [sflag:s8] =	dma.local @!p0 [hbm:s6], $0xF7A  }
0x23: {  	s9 =	sor.u32 $0xD0000000, s2;
	s6 =	simm.s32 $0x108;
	_ =	swait.ge @!p0 [sflag:s8], $0x0  }
0x24: {  	s3 =	sadd.s32 $0x88, s3;
	s6 =	simm.s32 @!p1 $0x1082;
	[sflag:s4] =	ssyncset.s32 $0xFFFFF086  }
0x25: {  	[simem:s6], [sflag:s4] =	dma.local [hbm:s3], $0xF7A  }
0x26: {  	[smem:$0x3F76] =	sst s1;
	(tag) =	ssettag s2;
	_ =	strace s9  }
0x27: {  	s1 =	sld [smem:$0x3F86]  }
0x28: {  	s2 =	sld [smem:$0x3F87]  }
0x29: {  	s4 =	sld [smem:$0x3F89]  }
0x2a: {  	p0 =	seq.s32 s5, $0x0;
	s5 =	sld [smem:$0x3F8A]  }
0x2b: {  	s6 =	sld [smem:$0x3F8B]  }
0x2c: {  	s7 =	sld [smem:$0x3F8C]  }
0x2d: {  	s3 =	simm.s32 $0x108;
	s8 =	sld [smem:$0x3F8D]  }
0x2e: {  	s3 =	simm.s32 @!p0 $0x1082;
	s9 =	sld [smem:$0x3F8E]  }
0x2f: {  	lr =	sadd.s32 s0, s3;
	s0 =	sld [smem:$0x3F85]  }
0x30: {  	s3 =	sld [smem:$0x3F88]  }
0x31: {  	[smem:$0x3F91] =	sst s10  }
0x32: {  	s10 =	sld [smem:$0x3F8F];
	_ =	sdelay $0x3  }
0x33: {  	p0 =	seq.s32 s10, $0x1;
	s10 =	sld [smem:$0x3F91];
	_ =	sdelay $0x3  }
0x34: {  	[smem:$0x3F91] =	sst s10  }
0x35: {  	s10 =	sld [smem:$0x3F90];
	_ =	sdelay $0x3  }
0x36: {  	p1 =	seq.s32 s10, $0x1;
	s10 =	sld [smem:$0x3F91];
	_ =	sdelay $0x3  }
0x37: {  	[smem:$0x3F91] =	sst s10  }
0x38: {  	s10 =	sld [smem:$0x3F92]  }
0x39: {  	_ = 	snop;
	(pc) =	sbr.ind lr, $3  }
0x3a: {  	_ = 	snop  }
0x3b: {  	_ = 	snop  }
0x3c: {  	p2 =	seq.s32 s10, $0x1;
	s10 =	sld [smem:$0x3F91]  }
0x3d: {  	_ =	shalt  }
0x3e: {  	_ =	shalt  }
0x3f: {  	_ =	shalt  }
0x40: {  	_ =	shalt  }
0x41: {  	_ =	shalt  }
0x42: {  	_ =	shalt  }
0x43: {  	_ =	shalt  }
0x44: {  	_ =	shalt  }
0x45: {  	_ =	shalt  }
0x46: {  	_ =	shalt  }
0x47: {  	_ =	shalt  }
0x48: {  	_ =	shalt  }
0x49: {  	_ =	shalt  }
0x4a: {  	_ =	shalt  }
0x4b: {  	_ =	shalt  }
0x4c: {  	_ =	shalt  }
0x4d: {  	_ =	shalt  }
0x4e: {  	_ =	shalt  }
0x4f: {  	_ =	shalt  }
0x50: {  	_ =	shalt  }
0x51: {  	_ =	shalt  }
0x52: {  	_ =	shalt  }
0x53: {  	_ =	shalt  }
0x54: {  	_ =	shalt  }
0x55: {  	_ =	shalt  }
0x56: {  	_ =	shalt  }
0x57: {  	_ =	shalt  }
0x58: {  	_ =	shalt  }
0x59: {  	_ =	shalt  }
0x5a: {  	_ =	shalt  }
0x5b: {  	_ =	shalt  }
0x5c: {  	_ =	shalt  }
0x5d: {  	_ =	shalt  }
0x5e: {  	_ =	shalt  }
0x5f: {  	_ =	shalt  }
0x60: {  	_ =	shalt  }
0x61: {  	_ =	shalt  }
0x62: {  	_ =	shalt  }
0x63: {  	_ =	shalt  }
0x64: {  	_ =	shalt  }
0x65: {  	_ =	shalt  }
0x66: {  	_ =	shalt  }
0x67: {  	_ =	shalt  }
0x68: {  	_ =	shalt  }
0x69: {  	_ =	shalt  }
0x6a: {  	_ =	shalt  }
0x6b: {  	_ =	shalt  }
0x6c: {  	_ =	shalt  }
0x6d: {  	_ =	shalt  }
0x6e: {  	_ =	shalt  }
0x6f: {  	_ =	shalt  }
0x70: {  	_ =	shalt  }
0x71: {  	_ =	shalt  }
0x72: {  	_ =	shalt  }
0x73: {  	_ =	shalt  }
0x74: {  	_ =	shalt  }
0x75: {  	_ =	shalt  }
0x76: {  	_ =	shalt  }
0x77: {  	_ =	shalt  }
0x78: {  	_ =	shalt  }
0x79: {  	_ =	shalt  }
0x7a: {  	_ =	shalt  }
0x7b: {  	_ =	shalt  }
0x7c: {  	_ =	shalt  }
0x7d: {  	_ =	shalt  }
0x7e: {  	_ =	shalt  }
0x7f: {  	_ =	shalt  }
0x80: {  	_ =	shalt  }
0x81: {  	_ =	shalt  }
0x82: {  	_ =	shalt  }
0x83: {  	_ =	shalt  }
0x84: {  	_ =	shalt  }
0x85: {  	_ =	shalt  }
0x86: {  	_ =	shalt  }
0x87: {  	_ =	shalt  }
.Lfunc_end0:
.L_simem_size_0:
called_computation_lowered:
.L_overlay_start_0:
0x88: {  	s2 =	sld [smem:$0x3FD9]  }
0x89: {  	s3 =	sld [smem:$0x3FFE];
	_ =	sdelay $0x1  }
0x8a: {  	s1 =	srdreg.scid  }
0x8b: {  	s0 =	sand.u32 $0x1, s1  }
0x8c: {  	s16 =	sshll.u32 s0, $0xA;
	s2 =	sadd.s32 s3, s2  }
0x8d: {  	s2 =	sadd.s32 s2, s16  }
0x8e: {  	[smem:$0x3F9D] =	sst s2  }
0x8f: {  	_ = 	snop  }
0x90: {  	(tm) =	ssettm $0x1  }
0x91: {  	s17 =	sld [smem:$0x3FFB];
	_ =	sdelay $0x3  }
0x92: {  	_ =	strace s17  }
0x93: {  	s2 =	sld [smem:$0x3FFC];
	_ =	sdelay $0x3  }
0x94: {  	_ =	strace s2  }
0x95: {  	s2 =	sld [smem:$0x3FFD];
	_ =	sdelay $0x3  }
0x96: {  	_ =	strace s2  }
0x97: {  	_ =	strace $0x8FFFFFFF  }
0x98: {  	s18 =	sld [smem:$0x3FDB];
	_ =	sdelay $0x1  }
0x99: {  	s19 =	simm.s32 $_scs_section_size  }
0x9a: {  	s4 =	simm.s32 $_size__tile_overlayer_lowered;
	s5 =	simm.s32 $_tile_overlayer_lowered  }
0x9b: {  	s22 =	simm.s32 $0x1BFF;
	s21 =	sshll.u32 s5, $0x1;
	s2 =	sadd.s32 s19, s18  }
0x9c: {  	s6 =	simm.s32 $0x0;
	s20 =	sshll.u32 s4, $0x1;
	s4 =	sadd.s32 s21, s2  }
0x9d: {  	[timem:s6], [sflag:s22] =	dma.local [hbm:s4], s20  }
0x9e: {  	_ =	swait.ge [sflag:s22], s20  }
0x9f: {  	s3 =	ssub.s32 $0x0, s20;
	[sflag:s22] =	ssyncset.done $0x0  }
0xa0: {  	[sflag:s22] =	ssyncadd.s32 s3;
	_ =	sdelay $0x1  }
0xa1: {  	s23 =	simm.s32 $0x1B8B  }
0xa2: {  	_ =	swait.ge [sflag:s23], $0x1  }
0xa3: {  	[sflag:s23] =	ssyncset.done $0x0  }
0xa4: {  	s25 =	simm.s32 $0x1B8E;
	s24 =	sld [smem:$0x3FFE];
	[sflag:s23] =	ssyncadd.s32 $0xFFFFFFFF  }
0xa5: {  	s26 =	simm.s32 $execute0_lowered;
	[smem:$0x3FD2] =	sst s25  }
0xa6: {  	s4 =	sshll.u32 s26, $0x1;
	_ =	strace $0x80000046;
	[dreg:$0x1] =	wrdreg $0xFFFFFFFF  }
0xa7: {  	s28 =	simm.s32 $_size_execute0_lowered;
	s2 =	sadd.s32 s2, s4;
	[dreg:$0x0] =	wrdreg $0x0  }
0xa8: {  	s4 =	sshll.u32 s28, $0x1;
	[dreg:$0x2] =	wrdreg s2  }
0xa9: {  	[dreg:$0x3] =	wrdreg s4  }
0xaa: {  	[dreg:$0x4] =	wrdreg $0xC0  }
0xab: {  	_ =	task [dreg:s6], $0x5FFFF  }
0xac: {  	[dreg:$0x1] =	wrdreg $0xFFFFFFFF  }
0xad: {  	[dreg:$0x0] =	wrdreg $0x60  }
0xae: {  	[dreg:$0x2] =	wrdreg s24  }
0xaf: {  	[dreg:$0x3] =	wrdreg $0x58000  }
0xb0: {  	[dreg:$0x4] =	wrdreg $0x9  }
0xb1: {  	_ =	task.clear_ibuf [dreg:s6], $0x5FFFF;
	_ =	strace $0x90000046  }
0xb2: {  	s29 =	simm.s32 $0x9;
	_ =	strace $0x80000048  }
0xb3: {  	_ =	swait.ge [sflag:s29], $0x1  }
0xb4: {  	[sflag:s29] =	ssyncadd.s32 $0xFFFFFFFF  }
0xb5: {  	_ =	strace $0x90000048  }
0xb6: {  	_ =	sfence  }
0xb7: {  	s30 =	sld [smem:$0x0];
	_ =	sdelay $0x2  }
0xb8: {  	s31 =	sshll.u32 s1, $0xD;
	s1 =	sshrl.u32 s1, $0x2  }
0xb9: {  	s3 =	sand.u32 $0x4000, s31;
	s1 =	sadd.s32 s1, s30  }
0xba: {  	s0 =	sor.u32 s3, s0;
	s1 =	sshll.u32 s1, $0x11  }
0xbb: {  	s0 =	sor.u32 s1, s0  }
0xbc: {  	s0 =	sadd.s32 $0x8F2B, s0  }
0xbd: {  	[sflag:s0] =	ssyncadd.remote.s32 $0x1  }
0xbe: {  	_ =	sfence.sel $0xFFFF  }
0xbf: {  	[dreg:$0x0] =	wrdreg $0xFFFFFFFF;
	(pc) =	sbr.abs _section_cstart, $3  }
0xc0: {  	[dreg:$0x1] =	wrdreg $0xFFFFFFFF  }
0xc1: {  	_ =	task.clear_ibuf [dreg:s6], $0x2FFFF;
	_ =	strace $0x9FFFFFFF  }
0xc2: {  	(tm) =	ssettm $0x7FFFFFFF  }
0xc3: {  	_ =	shalt  }
tec
execute0_lowered:
.L_overlay_start_1:
0x0: {  	(tag) =	ssettag $0x1  }
0x1: {  	v1 =	vlaneseq.u32  }
0x2: {  	s0 =	srdreg.scid;
	v2 =	vmul.u32 $0x4, v1  }
0x3: {  	s0 =	sand.u32 $0x1, s0  }
0x4: {  	s3 =	sshll.u32 s0, $0x1;
	v3 =	vor.u32 $0x1, v2  }
0x5: {  	v3 =	vor.u32 s3, v3  }
0x6: {  	[tilespmem:$0x1FF60] =	vst v3;
	v3 =	vor.u32 $0x40, v2  }
0x7: {  	v3 =	vor.u32 s3, v3  }
0x8: {  	[tilespmem:$0x1FF70] =	vst v3;
	v3 =	vor.u32 $0x41, v2  }
0x9: {  	v5 =	vor.u32 $0x80, v2;
	v3 =	vor.u32 s3, v3  }
0xa: {  	[tilespmem:$0x1FF80] =	vst v3;
	v3 =	vor.u32 s3, v5  }
0xb: {  	v19 =	vimm.f32 $0.0e+00;
	vm0 =	vmmov $0x1;
	[tilespmem:$0x1FF90] =	vst v3;
	v3 =	vor.u32 $0x81, v2  }
0xc: {  	vm1 =	vcmask $0x308;
	v17 =	vmul.u32 $0x10, v1;
	v3 =	vor.u32 s3, v3  }
0xd: {  	v18 =	vmul.u32 $0x8, v1;
	v4 =	vor.u32 s3, v2;
	[tilespmem:$0x1FFA0] =	vst v3;
	v3 =	vor.u32 $0xC0, v2  }
0xe: {  	v8 =	vor.u32 $0xC1, v2;
	v11 =	vor.u32 $0x140, v2;
	v3 =	vor.u32 s3, v3  }
0xf: {  	v14 =	vor.u32 $0x181, v2;
	v22 =	vor.u32 $0x1, v17;
	[tilespmem:$0x1FFB0] =	vst v3;
	v3 =	vor.u32 s3, v8  }
0x10: {  	v23 =	vor.u32 $0x1, v18;
	v26 =	vor.u32 $0x100, v17;
	[tilespmem:$0x1FFC0] =	vst v3;
	v3 =	vor.u32 $0x100, v2  }
0x11: {  	s10 =	rddreg [dreg:$0x0];
	s2 =	simm.s32 $0x0;
	v27 =	vor.u32 $0x101, v17;
	v28 =	vor.u32 $0x80, v18;
	v3 =	vor.u32 s3, v3  }
0x12: {  	s17 =	stileid.u32;
	s21 =	simm.s32 $0x200;
	s28 =	simm.s32 $0x4A00;
	v29 =	vor.u32 $0x81, v18;
	v32 =	vor.u32 $0x200, v17;
	[tilespmem:$0x1FFD0] =	vst v3;
	v3 =	vor.u32 $0x101, v2  }
0x13: {  	s29 =	simm.s32 $0x1;
	s31 =	simm.s32 $0x5400;
	[smem:$0x7FF] =	sst s2;
	v33 =	vor.u32 $0x201, v17;
	v34 =	vor.u32 $0x100, v18;
	v3 =	vor.u32 s3, v3  }
0x14: {  	s9 =	smul.u32 $0x278, s17;
	s4 =	sadd.s32 $0xA7000, s10;
	s5 =	sadd.s32 $0xAC00, s10;
	v35 =	vor.u32 $0x101, v18;
	v38 =	vor.u32 $0x300, v17;
	[tilespmem:$0x1FFE0] =	vst v3;
	v3 =	vor.u32 s3, v11  }
0x15: {  	s30 =	simm.s32 $0x2;
	s11 =	smul.u32 $0x58E00, s17;
	s6 =	sadd.s32 $0x14A00, s10;
	v39 =	vor.u32 $0x301, v17;
	v40 =	vor.u32 $0x180, v18;
	[tilespmem:$0x1FFF0] =	vst v3;
	v3 =	vor.u32 $0x141, v2  }
0x16: {  	s7 =	sadd.s32 $0x2D600, s10;
	s8 =	sadd.s32 $0x28600, s10;
	s22 =	smul.u32 $0x2780, s0;
	v41 =	vor.u32 $0x181, v18;
	v12 =	vor.u32 s3, v3;
	v3 =	vor.u32 $0x180, v2  }
0x17: {  	s15 =	sadd.s32 $0x32600, s10;
	s1 =	smul.u32 $0x2710, s0;
	s0 =	ssub.s32 $0x2, s0;
	v13 =	vor.u32 s3, v3;
	v3 =	vor.u32 $0x1C0, v2;
	v2 =	vor.u32 $0x1C1, v2  }
0x18: {  	s11 =	sshrl.u32 s11, $0x2;
	s12 =	sshrl.u32 s0, $0x1;
	v14 =	vor.u32 s3, v14;
	v15 =	vor.u32 s3, v3;
	v16 =	vor.u32 s3, v2;
	s3 =	sadd.s32 s9, s22  }
0x19: {  	v44 =	vor.u32 $0x400, v17;
	v45 =	vor.u32 $0x401, v17;
	v0 =	vmov s1;
	s1 =	rddreg [dreg:$0x1];
	s0 =	ssub.s32 s0, s12;
	s13 =	smul.u32 $0x90, s3  }
0x1a: {  	v46 =	vor.u32 $0x200, v18;
	v47 =	vor.u32 $0x201, v18;
	v50 =	vor.u32 $0x500, v17;
	[tilespmem:$0x1FF50] =	vst v4;
	s20 =	smax.u32 s0, $0x1;
	s0 =	simm.s32 $0x0;
	s3 =	smul.u32 $0x12, s3  }
0x1b: {  	v51 =	vor.u32 $0x501, v17;
	v52 =	vor.u32 $0x280, v18;
	_ =	strace $0x80000047;
	v3 =	vmul.u32 $0x90, v1;
	s9 =	sadd.s32 s11, s1;
	s14 =	sshrl.u32 s13, $0x3  }
0x1c: {  	v53 =	vor.u32 $0x281, v18;
	v56 =	vor.u32 $0x600, v17;
	v57 =	vor.u32 $0x601, v17;
	s22 =	simm.s32 $0x3;
	s3 =	sadd.s32 s15, s3;
	s16 =	sadd.s32 s15, s14  }
0x1d: {  	v58 =	vor.u32 $0x300, v18;
	v59 =	vor.u32 $0x301, v18;
	s10 =	sadd.s32 $0x4800, s9;
	v20 =	vadd.s32 $0x80, v3;
	[dreg:$0x3] =	wrdreg s3;
	s23 =	sadd.s32 $0x900, s16  }
0x1e: {  	s11 =	sadd.s32 $0x9000, s9;
	v21 =	vadd.s32 $0x81, v3;
	v24 =	vadd.s32 $0x980, v3;
	v25 =	vadd.s32 $0x981, v3;
	s24 =	sadd.s32 $0x1200, s16;
	[dreg:$0x4] =	wrdreg s23  }
0x1f: {  	s12 =	sadd.s32 $0xD800, s9;
	v30 =	vadd.s32 $0x1280, v3;
	v31 =	vadd.s32 $0x1281, v3;
	v36 =	vadd.s32 $0x1B80, v3;
	s25 =	sadd.s32 $0x1B00, s16;
	[dreg:$0x5] =	wrdreg s24  }
0x20: {  	v37 =	vadd.s32 $0x1B81, v3;
	v42 =	vadd.s32 $0x2480, v3;
	v43 =	vadd.s32 $0x2481, v3;
	s13 =	sadd.s32 $0x12000, s9;
	s26 =	sadd.s32 $0x2400, s16;
	[dreg:$0x6] =	wrdreg s25  }
0x21: {  	v48 =	vadd.s32 $0x2D80, v3;
	v49 =	vadd.s32 $0x2D81, v3;
	v54 =	vadd.s32 $0x3680, v3;
	s14 =	smul.u32 $0x2780, s17;
	[dreg:$0x7] =	wrdreg s26;
	s23 =	simm.s32 $0x80  }
0x22: {  	v55 =	vadd.s32 $0x3681, v3;
	v60 =	vadd.s32 $0x3F80, v3;
	v61 =	vadd.s32 $0x3F81, v3;
	s24 =	simm.s32 $0x5200;
	s25 =	simm.s32 $0x100;
	s26 =	simm.s32 $0x180  }
.LBB2_1:
0x23: {  	s3 =	simm.s32 $0x0;
	s15 =	simm.s32 $0x240  }
.LBB2_2:
0x24: {  	p0 =	sne.s32 s15, $0x11DC0;
	[tilespmem:s3+$0x280] =	vst v19  }
0x25: {  	[tilespmem:s3+$0x200] =	vst v19  }
0x26: {  	[tilespmem:s3+$0x210] =	vst v19  }
0x27: {  	[tilespmem:s3+$0x220] =	vst v19  }
.Ltmp0:
0x28: {  	[tilespmem:s3+$0x230] =	vst v19;
	(pc) =	sbr.rel @p0 .LBB2_2-.Ltmp0, $4  }
0x29: {  	[tilespmem:s3+$0x240] =	vst v19  }
0x2a: {  	[tilespmem:s3+$0x250] =	vst v19  }
0x2b: {  	[tilespmem:s3+$0x260] =	vst v19  }
0x2c: {  	[tilespmem:s3+$0x270] =	vst v19;
	s3 =	sshra.s32 s15, $0x2;
	s15 =	sadd.s32 $0x240, s15  }
0x2d: {  	[tilespmem:s3+$0x280] =	vst v19  }
0x2e: {  	[tilespmem:s3+$0x200] =	vst v19  }
0x2f: {  	[tilespmem:s3+$0x210] =	vst v19  }
0x30: {  	[tilespmem:s3+$0x220] =	vst v19  }
0x31: {  	[tilespmem:s3+$0x230] =	vst v19  }
0x32: {  	[tilespmem:s3+$0x240] =	vst v19  }
0x33: {  	[tilespmem:s3+$0x250] =	vst v19  }
0x34: {  	[tilespmem:s3+$0x260] =	vst v19  }
0x35: {  	[tilespmem:s3+$0x270] =	vst v19  }
0x36: {  	[spmem:s9] =	stream.linear.scatter [tilespmem:s21], [sflag:$0x3], $0x4800, $0x38;
	[tilespmem:$0x1BB80] =	vst v63  }
0x37: {  	_ =	swait.ge [sflag:s22], $0x4800  }
0x38: {  	[sflag:s22] =	ssyncset.done $0x0  }
0x39: {  	[sflag:s22] =	ssyncadd.s32 $0xFFFFB800  }
0x3a: {  	[spmem:s10] =	stream.linear.scatter [tilespmem:s21], [sflag:$0x3], $0x4800, $0x38;
	[tilespmem:$0x1BB80] =	vst v63  }
0x3b: {  	_ =	swait.ge [sflag:s22], $0x4800  }
0x3c: {  	[sflag:s22] =	ssyncset.done $0x0  }
0x3d: {  	[sflag:s22] =	ssyncadd.s32 $0xFFFFB800  }
0x3e: {  	[spmem:s11] =	stream.linear.scatter [tilespmem:s21], [sflag:$0x3], $0x4800, $0x38;
	[tilespmem:$0x1BB80] =	vst v63  }
0x3f: {  	_ =	swait.ge [sflag:s22], $0x4800  }
0x40: {  	[sflag:s22] =	ssyncset.done $0x0  }
0x41: {  	[sflag:s22] =	ssyncadd.s32 $0xFFFFB800  }
0x42: {  	[spmem:s12] =	stream.linear.scatter [tilespmem:s21], [sflag:$0x3], $0x4800, $0x38;
	[tilespmem:$0x1BB80] =	vst v63  }
0x43: {  	_ =	swait.ge [sflag:s22], $0x4800  }
0x44: {  	[sflag:s22] =	ssyncset.done $0x0  }
0x45: {  	[sflag:s22] =	ssyncadd.s32 $0xFFFFB800  }
0x46: {  	[spmem:s13] =	stream.linear.scatter [tilespmem:s21], [sflag:$0x3], $0x4380, $0x38;
	[tilespmem:$0x1BB80] =	vst v63  }
0x47: {  	_ =	swait.ge [sflag:s22], $0x4380  }
0x48: {  	[sflag:s22] =	ssyncset.done $0x0  }
0x49: {  	[sflag:s22] =	ssyncadd.s32 $0xFFFFBC80  }
0x4a: {  	s3 =	simm.s32 $0x0;
	s15 =	simm.s32 $0x0;
	[bflag:$0x0] =	sbarrier.arrive $0xFFFF  }
.LBB2_4:
0x4b: {  	s16 =	sshll.u32 s15, $0x7  }
0x4c: {  	s16 =	sadd.s32 s14, s16  }
0x4d: {  	s17 =	sshrl.u32 s16, $0x3  }
0x4e: {  	s18 =	sadd.s32 s7, s17  }
0x4f: {  	[tilespmem:s3], [sflag:$0x3] =	stream.linear.gather [hbm4b:s18+s3], $0x80, $0x38;
	[tilespmem:$0x1BB80] =	vst v63  }
0x50: {  	_ =	swait.ge [sflag:s22], $0x80  }
0x51: {  	[sflag:s22] =	ssyncset.done $0x0  }
0x52: {  	s17 =	sadd.s32 s8, s17;
	[sflag:s22] =	ssyncadd.s32 $0xFFFFFF80  }
0x53: {  	[tilespmem:s23], [sflag:$0x3] =	stream.linear.gather [hbm4b:s17+s3], $0x80, $0x38;
	[tilespmem:$0x1BB80] =	vst v63  }
0x54: {  	_ =	swait.ge [sflag:s22], $0x80  }
0x55: {  	s16 =	sshrl.u32 s16, $0x1;
	[sflag:s22] =	ssyncset.done $0x0  }
0x56: {  	s16 =	sadd.s32 s6, s16;
	[sflag:s22] =	ssyncadd.s32 $0xFFFFFF80  }
0x57: {  	[tilespmem:s24], [sflag:$0x3] =	stream.linear.gather [hbm4b:s16+s3], $0x200, $0x38;
	[tilespmem:$0x1BB80] =	vst v63  }
0x58: {  	_ =	swait.ge [sflag:s22], $0x200  }
0x59: {  	[sflag:s22] =	ssyncset.done $0x0  }
0x5a: {  	[sflag:s22] =	ssyncadd.s32 $0xFFFFFE00  }
0x5b: {  	v1 =	vld [tilespmem:$0x0]  }
0x5c: {  	v2 =	vld [tilespmem:$0x80]  }
0x5d: {  	v3 =	vld [tilespmem:$0x10]  }
0x5e: {  	v62 =	vld [tilespmem:$0x90]  }
0x5f: {  	v63 =	vld [tilespmem:$0x20]  }
0x60: {  	v4 =	vld [tilespmem:$0xA0];
	v1 =	vadd.s32 v0, v1  }
0x61: {  	[tilespmem:$0x100] =	vst v1;
	v1 =	vadd.s32 v0, v2;
	v2 =	vld [tilespmem:$0x30]  }
0x62: {  	[tilespmem:$0x180] =	vst v1;
	v1 =	vadd.s32 v0, v3;
	v3 =	vld [tilespmem:$0xB0]  }
0x63: {  	v11 =	vld [tilespmem:$0x40];
	[tilespmem:$0x110] =	vst v1;
	v1 =	vadd.s32 v0, v62  }
0x64: {  	v8 =	vld [tilespmem:$0xC0];
	[tilespmem:$0x190] =	vst v1;
	v1 =	vadd.s32 v0, v63  }
0x65: {  	[tilespmem:$0x120] =	vst v1;
	v1 =	vadd.s32 v0, v4;
	v4 =	vld [tilespmem:$0x50]  }
0x66: {  	[tilespmem:$0x1A0] =	vst v1;
	v1 =	vadd.s32 v0, v2;
	v2 =	vld [tilespmem:$0xD0]  }
0x67: {  	[tilespmem:$0x130] =	vst v1;
	v1 =	vadd.s32 v0, v3;
	v3 =	vld [tilespmem:$0x60]  }
0x68: {  	v9 =	vld [tilespmem:$0xE0];
	[tilespmem:$0x1B0] =	vst v1;
	v1 =	vadd.s32 v0, v11  }
0x69: {  	v10 =	vld [tilespmem:$0x70];
	[tilespmem:$0x140] =	vst v1;
	v1 =	vadd.s32 v0, v8  }
0x6a: {  	[tilespmem:$0x1C0] =	vst v1;
	v1 =	vadd.s32 v0, v4;
	v4 =	vld [tilespmem:$0xF0]  }
0x6b: {  	[tilespmem:$0x150] =	vst v1;
	v1 =	vadd.s32 v0, v2  }
0x6c: {  	[tilespmem:$0x1D0] =	vst v1;
	v1 =	vadd.s32 v0, v3  }
0x6d: {  	[tilespmem:$0x160] =	vst v1;
	v1 =	vadd.s32 v0, v9  }
0x6e: {  	[tilespmem:$0x1E0] =	vst v1;
	v1 =	vadd.s32 v0, v10  }
0x6f: {  	[tilespmem:$0x170] =	vst v1;
	v1 =	vadd.s32 v0, v4  }
0x70: {  	[tilespmem:$0x1F0] =	vst v1  }
0x71: {  	[tilespmem:s21], [sflag:$0x1] =	stream.indirect.gather [hbm4b:s4+s23], $0x90, s25, s23, $0xb8;
	[tilespmem:$0x1BB80] =	vst v63  }
0x72: {  	_ = 	snop  }
0x73: {  	[tilespmem:s28], [sflag:$0x2] =	stream.indirect.gather [hbm4b:s5+s23], $0x10, s26, s23, $0xb8;
	[tilespmem:$0x1BB80] =	vst v63  }
0x74: {  	_ =	swait.ge [sflag:s29], $0x4800  }
0x75: {  	[sflag:s29] =	ssyncset.done $0x0  }
0x76: {  	[sflag:s29] =	ssyncadd.s32 $0xFFFFB800  }
0x77: {  	_ =	swait.ge [sflag:s30], $0x800  }
0x78: {  	v5 =	vld [tilespmem:$0x1FF50];
	_ =	sdelay $0x5  }
0x79: {  	[sflag:s30] =	ssyncset.done $0x0  }
0x7a: {  	[sflag:s30] =	ssyncadd.s32 $0xFFFFF800  }
0x7b: {  	v11 =	vld.idx.msk [tilespmem:v5+s24+$0x0], $0xffff  }
0x7c: {  	v5 =	vld [tilespmem:$0x1FF60];
	_ =	sdelay $0x2  }
0x7d: {  	v1 =	vld.idx.msk [tilespmem:v20+s21+$0x0], $0xffff  }
0x7e: {  	v2 =	vld.idx.msk [tilespmem:v21+s21+$0x0], $0xffff  }
0x7f: {  	v3 =	vld.idx.msk [tilespmem:v17+s28+$0x0], $0xffff  }
0x80: {  	v4 =	vld.idx.msk [tilespmem:v22+s28+$0x0], $0xffff;
	_ =	sdelay $0x1  }
0x81: {  	v8 =	vld.idx.msk [tilespmem:v5+s24+$0x0], $0xffff;
	_ =	sdelay $0x1  }
0x82: {  	v1 =	vadd.f32 v3, v1  }
0x83: {  	v2 =	vadd.f32 v4, v2  }
0x84: {  	v1 =	vadd.f32 v11, v1  }
0x85: {  	v2 =	vadd.f32 v8, v2  }
0x86: {  	v3 =	vmul.f32 $2.000000030e-01, v1  }
0x87: {  	vm2 =	vgt.f32 v1, $0.0e+00;
	v4 =	vmul.f32 $2.000000030e-01, v2  }
0x88: {  	v1 =	vsel vm2, v1, v3;
	vm2 =	vgt.f32 v2, $0.0e+00  }
0x89: {  	v1 =	vmul.f32 $1.442695020e+00, v1;
	v2 =	vsel vm2, v2, v4  }
0x8a: {  	v2 =	vmul.f32 $1.442695020e+00, v2  }
0x8b: {  	(erf) = vpow2.f32 v1  }
0x8c: {  	(erf) = vpow2.f32 v2;
	_ =	sdelay $0x2  }
0x8d: {  	v5 =	vld [tilespmem:$0x1FF70];
	_ =	sdelay $0x4  }
0x8e: {  	v1 =	vpop (erf)  }
0x8f: {  	[tilespmem:v18+s31+$0x0] =	vst.idx.msk $0xffff, v1;
	v1 =	vpop (erf)  }
0x90: {  	[tilespmem:v23+s31+$0x0] =	vst.idx.msk $0xffff, v1  }
0x91: {  	v9 =	vld.idx.msk [tilespmem:v5+s24+$0x0], $0xffff  }
0x92: {  	v5 =	vld [tilespmem:$0x1FF80];
	_ =	sdelay $0x2  }
0x93: {  	v1 =	vld.idx.msk [tilespmem:v24+s21+$0x0], $0xffff  }
0x94: {  	v2 =	vld.idx.msk [tilespmem:v25+s21+$0x0], $0xffff  }
0x95: {  	v3 =	vld.idx.msk [tilespmem:v26+s28+$0x0], $0xffff  }
0x96: {  	v4 =	vld.idx.msk [tilespmem:v27+s28+$0x0], $0xffff;
	_ =	sdelay $0x1  }
0x97: {  	v10 =	vld.idx.msk [tilespmem:v5+s24+$0x0], $0xffff;
	_ =	sdelay $0x1  }
0x98: {  	v1 =	vadd.f32 v3, v1  }
0x99: {  	v2 =	vadd.f32 v4, v2  }
0x9a: {  	v1 =	vadd.f32 v9, v1  }
0x9b: {  	v2 =	vadd.f32 v10, v2  }
0x9c: {  	v3 =	vmul.f32 $2.000000030e-01, v1  }
0x9d: {  	vm2 =	vgt.f32 v1, $0.0e+00;
	v4 =	vmul.f32 $2.000000030e-01, v2  }
0x9e: {  	v1 =	vsel vm2, v1, v3;
	vm2 =	vgt.f32 v2, $0.0e+00  }
0x9f: {  	v1 =	vmul.f32 $1.442695020e+00, v1;
	v2 =	vsel vm2, v2, v4  }
0xa0: {  	v2 =	vmul.f32 $1.442695020e+00, v2  }
0xa1: {  	(erf) = vpow2.f32 v1  }
0xa2: {  	(erf) = vpow2.f32 v2;
	_ =	sdelay $0x2  }
0xa3: {  	v5 =	vld [tilespmem:$0x1FF90];
	_ =	sdelay $0x4  }
0xa4: {  	v1 =	vpop (erf)  }
0xa5: {  	[tilespmem:v28+s31+$0x0] =	vst.idx.msk $0xffff, v1;
	v1 =	vpop (erf)  }
0xa6: {  	[tilespmem:v29+s31+$0x0] =	vst.idx.msk $0xffff, v1  }
0xa7: {  	v11 =	vld.idx.msk [tilespmem:v5+s24+$0x0], $0xffff  }
0xa8: {  	v5 =	vld [tilespmem:$0x1FFA0];
	_ =	sdelay $0x2  }
0xa9: {  	v1 =	vld.idx.msk [tilespmem:v30+s21+$0x0], $0xffff  }
0xaa: {  	v2 =	vld.idx.msk [tilespmem:v31+s21+$0x0], $0xffff  }
0xab: {  	v3 =	vld.idx.msk [tilespmem:v32+s28+$0x0], $0xffff  }
0xac: {  	v4 =	vld.idx.msk [tilespmem:v33+s28+$0x0], $0xffff;
	_ =	sdelay $0x1  }
0xad: {  	v7 =	vld.idx.msk [tilespmem:v5+s24+$0x0], $0xffff;
	_ =	sdelay $0x1  }
0xae: {  	v1 =	vadd.f32 v3, v1  }
0xaf: {  	v2 =	vadd.f32 v4, v2  }
0xb0: {  	v1 =	vadd.f32 v11, v1  }
0xb1: {  	v2 =	vadd.f32 v7, v2  }
0xb2: {  	v3 =	vmul.f32 $2.000000030e-01, v1  }
0xb3: {  	vm2 =	vgt.f32 v1, $0.0e+00;
	v4 =	vmul.f32 $2.000000030e-01, v2  }
0xb4: {  	v1 =	vsel vm2, v1, v3;
	vm2 =	vgt.f32 v2, $0.0e+00  }
0xb5: {  	v1 =	vmul.f32 $1.442695020e+00, v1;
	v2 =	vsel vm2, v2, v4  }
0xb6: {  	v2 =	vmul.f32 $1.442695020e+00, v2  }
0xb7: {  	(erf) = vpow2.f32 v1  }
0xb8: {  	(erf) = vpow2.f32 v2;
	_ =	sdelay $0x2  }
0xb9: {  	v5 =	vld [tilespmem:$0x1FFB0];
	_ =	sdelay $0x4  }
0xba: {  	v1 =	vpop (erf)  }
0xbb: {  	[tilespmem:v34+s31+$0x0] =	vst.idx.msk $0xffff, v1;
	v1 =	vpop (erf)  }
0xbc: {  	[tilespmem:v35+s31+$0x0] =	vst.idx.msk $0xffff, v1  }
0xbd: {  	v8 =	vld.idx.msk [tilespmem:v5+s24+$0x0], $0xffff  }
0xbe: {  	v5 =	vld [tilespmem:$0x1FFC0];
	_ =	sdelay $0x2  }
0xbf: {  	v1 =	vld.idx.msk [tilespmem:v36+s21+$0x0], $0xffff  }
0xc0: {  	v2 =	vld.idx.msk [tilespmem:v37+s21+$0x0], $0xffff  }
0xc1: {  	v3 =	vld.idx.msk [tilespmem:v38+s28+$0x0], $0xffff  }
0xc2: {  	v4 =	vld.idx.msk [tilespmem:v39+s28+$0x0], $0xffff;
	_ =	sdelay $0x1  }
0xc3: {  	v9 =	vld.idx.msk [tilespmem:v5+s24+$0x0], $0xffff;
	_ =	sdelay $0x1  }
0xc4: {  	v1 =	vadd.f32 v3, v1  }
0xc5: {  	v2 =	vadd.f32 v4, v2  }
0xc6: {  	v1 =	vadd.f32 v8, v1  }
0xc7: {  	v2 =	vadd.f32 v9, v2  }
0xc8: {  	v3 =	vmul.f32 $2.000000030e-01, v1  }
0xc9: {  	vm2 =	vgt.f32 v1, $0.0e+00;
	v4 =	vmul.f32 $2.000000030e-01, v2  }
0xca: {  	v1 =	vsel vm2, v1, v3;
	vm2 =	vgt.f32 v2, $0.0e+00  }
0xcb: {  	v1 =	vmul.f32 $1.442695020e+00, v1;
	v2 =	vsel vm2, v2, v4  }
0xcc: {  	v2 =	vmul.f32 $1.442695020e+00, v2  }
0xcd: {  	(erf) = vpow2.f32 v1  }
0xce: {  	(erf) = vpow2.f32 v2;
	_ =	sdelay $0x2  }
0xcf: {  	v5 =	vld [tilespmem:$0x1FFD0];
	_ =	sdelay $0x4  }
0xd0: {  	v1 =	vpop (erf)  }
0xd1: {  	[tilespmem:v40+s31+$0x0] =	vst.idx.msk $0xffff, v1;
	v1 =	vpop (erf)  }
0xd2: {  	[tilespmem:v41+s31+$0x0] =	vst.idx.msk $0xffff, v1  }
0xd3: {  	v10 =	vld.idx.msk [tilespmem:v5+s24+$0x0], $0xffff  }
0xd4: {  	v5 =	vld [tilespmem:$0x1FFE0];
	_ =	sdelay $0x2  }
0xd5: {  	v1 =	vld.idx.msk [tilespmem:v42+s21+$0x0], $0xffff  }
0xd6: {  	v2 =	vld.idx.msk [tilespmem:v43+s21+$0x0], $0xffff  }
0xd7: {  	v3 =	vld.idx.msk [tilespmem:v44+s28+$0x0], $0xffff  }
0xd8: {  	v4 =	vld.idx.msk [tilespmem:v45+s28+$0x0], $0xffff;
	_ =	sdelay $0x1  }
0xd9: {  	v11 =	vld.idx.msk [tilespmem:v5+s24+$0x0], $0xffff;
	_ =	sdelay $0x1  }
0xda: {  	v1 =	vadd.f32 v3, v1  }
0xdb: {  	v2 =	vadd.f32 v4, v2  }
0xdc: {  	v1 =	vadd.f32 v10, v1  }
0xdd: {  	v2 =	vadd.f32 v11, v2  }
0xde: {  	v3 =	vmul.f32 $2.000000030e-01, v1  }
0xdf: {  	vm2 =	vgt.f32 v1, $0.0e+00;
	v4 =	vmul.f32 $2.000000030e-01, v2  }
0xe0: {  	v1 =	vsel vm2, v1, v3;
	vm2 =	vgt.f32 v2, $0.0e+00  }
0xe1: {  	v1 =	vmul.f32 $1.442695020e+00, v1;
	v2 =	vsel vm2, v2, v4  }
0xe2: {  	v2 =	vmul.f32 $1.442695020e+00, v2  }
0xe3: {  	(erf) = vpow2.f32 v1  }
0xe4: {  	(erf) = vpow2.f32 v2;
	_ =	sdelay $0x6  }
0xe5: {  	v5 =	vld [tilespmem:$0x1FFF0]  }
0xe6: {  	v1 =	vpop (erf)  }
0xe7: {  	[tilespmem:v46+s31+$0x0] =	vst.idx.msk $0xffff, v1;
	v1 =	vpop (erf)  }
0xe8: {  	[tilespmem:v47+s31+$0x0] =	vst.idx.msk $0xffff, v1  }
0xe9: {  	v1 =	vld.idx.msk [tilespmem:v48+s21+$0x0], $0xffff  }
0xea: {  	v2 =	vld.idx.msk [tilespmem:v49+s21+$0x0], $0xffff  }
0xeb: {  	v3 =	vld.idx.msk [tilespmem:v50+s28+$0x0], $0xffff  }
0xec: {  	v4 =	vld.idx.msk [tilespmem:v51+s28+$0x0], $0xffff  }
0xed: {  	v6 =	vld.idx.msk [tilespmem:v5+s24+$0x0], $0xffff  }
0xee: {  	v7 =	vld.idx.msk [tilespmem:v12+s24+$0x0], $0xffff;
	_ =	sdelay $0x1  }
0xef: {  	v1 =	vadd.f32 v3, v1  }
0xf0: {  	v2 =	vadd.f32 v4, v2  }
0xf1: {  	v1 =	vadd.f32 v6, v1  }
0xf2: {  	v2 =	vadd.f32 v7, v2  }
0xf3: {  	v3 =	vmul.f32 $2.000000030e-01, v1  }
0xf4: {  	vm2 =	vgt.f32 v1, $0.0e+00;
	v4 =	vmul.f32 $2.000000030e-01, v2  }
0xf5: {  	v1 =	vsel vm2, v1, v3;
	vm2 =	vgt.f32 v2, $0.0e+00  }
0xf6: {  	v2 =	vsel vm2, v2, v4;
	v1 =	vmul.f32 $1.442695020e+00, v1  }
0xf7: {  	v2 =	vmul.f32 $1.442695020e+00, v2  }
0xf8: {  	(erf) = vpow2.f32 v1  }
0xf9: {  	(erf) = vpow2.f32 v2;
	_ =	sdelay $0x7  }
0xfa: {  	v1 =	vpop (erf)  }
0xfb: {  	[tilespmem:v52+s31+$0x0] =	vst.idx.msk $0xffff, v1;
	v1 =	vpop (erf)  }
0xfc: {  	[tilespmem:v53+s31+$0x0] =	vst.idx.msk $0xffff, v1  }
0xfd: {  	v1 =	vld.idx.msk [tilespmem:v54+s21+$0x0], $0xffff  }
0xfe: {  	v2 =	vld.idx.msk [tilespmem:v55+s21+$0x0], $0xffff  }
0xff: {  	v3 =	vld.idx.msk [tilespmem:v56+s28+$0x0], $0xffff  }
0x100: {  	v4 =	vld.idx.msk [tilespmem:v57+s28+$0x0], $0xffff  }
0x101: {  	v8 =	vld.idx.msk [tilespmem:v13+s24+$0x0], $0xffff  }
0x102: {  	v9 =	vld.idx.msk [tilespmem:v14+s24+$0x0], $0xffff;
	_ =	sdelay $0x1  }
0x103: {  	v1 =	vadd.f32 v3, v1  }
0x104: {  	v2 =	vadd.f32 v4, v2  }
0x105: {  	v1 =	vadd.f32 v8, v1  }
0x106: {  	v2 =	vadd.f32 v9, v2  }
0x107: {  	v3 =	vmul.f32 $2.000000030e-01, v1  }
0x108: {  	vm2 =	vgt.f32 v1, $0.0e+00;
	v4 =	vmul.f32 $2.000000030e-01, v2  }
0x109: {  	v1 =	vsel vm2, v1, v3;
	vm2 =	vgt.f32 v2, $0.0e+00  }
0x10a: {  	v2 =	vsel vm2, v2, v4;
	v1 =	vmul.f32 $1.442695020e+00, v1  }
0x10b: {  	v2 =	vmul.f32 $1.442695020e+00, v2  }
0x10c: {  	(erf) = vpow2.f32 v1  }
0x10d: {  	(erf) = vpow2.f32 v2;
	_ =	sdelay $0x7  }
0x10e: {  	v2 =	vor.u32 $0x700, v17;
	v1 =	vpop (erf)  }
0x10f: {  	v3 =	vor.u32 $0x701, v17;
	[tilespmem:v58+s31+$0x0] =	vst.idx.msk $0xffff, v1;
	v1 =	vpop (erf)  }
0x110: {  	[tilespmem:v59+s31+$0x0] =	vst.idx.msk $0xffff, v1  }
0x111: {  	v1 =	vld.idx.msk [tilespmem:v60+s21+$0x0], $0xffff  }
0x112: {  	v4 =	vld.idx.msk [tilespmem:v61+s21+$0x0], $0xffff  }
0x113: {  	v2 =	vld.idx.msk [tilespmem:v2+s28+$0x0], $0xffff  }
0x114: {  	v3 =	vld.idx.msk [tilespmem:v3+s28+$0x0], $0xffff  }
0x115: {  	v10 =	vld.idx.msk [tilespmem:v15+s24+$0x0], $0xffff  }
0x116: {  	v11 =	vld.idx.msk [tilespmem:v16+s24+$0x0], $0xffff;
	_ =	sdelay $0x1  }
0x117: {  	v1 =	vadd.f32 v2, v1  }
0x118: {  	v2 =	vadd.f32 v3, v4  }
0x119: {  	v1 =	vadd.f32 v10, v1  }
0x11a: {  	v2 =	vadd.f32 v11, v2  }
0x11b: {  	v3 =	vmul.f32 $2.000000030e-01, v1  }
0x11c: {  	vm2 =	vgt.f32 v1, $0.0e+00;
	v4 =	vmul.f32 $2.000000030e-01, v2  }
0x11d: {  	v1 =	vsel vm2, v1, v3;
	vm2 =	vgt.f32 v2, $0.0e+00  }
0x11e: {  	v2 =	vsel vm2, v2, v4;
	v1 =	vmul.f32 $1.442695020e+00, v1  }
0x11f: {  	v2 =	vmul.f32 $1.442695020e+00, v2  }
0x120: {  	(erf) = vpow2.f32 v1  }
0x121: {  	(erf) = vpow2.f32 v2;
	_ =	sdelay $0x3  }
0x122: {  	v1 =	vor.u32 $0x380, v18  }
0x123: {  	v2 =	vor.u32 $0x381, v18;
	_ =	sdelay $0x2  }
0x124: {  	v3 =	vpop (erf)  }
0x125: {  	s19 =	simm.s32 $0x0;
	[tilespmem:v1+s31+$0x0] =	vst.idx.msk $0xffff, v3;
	v1 =	vpop (erf)  }
0x126: {  	s16 =	simm.s32 $0x240;
	[tilespmem:v2+s31+$0x0] =	vst.idx.msk $0xffff, v1;
	v1 =	vmov s19  }
0x127: {  	v2 =	vor.u32 $0x1, v1;
	v3 =	vld [tilespmem:s16+$0xFFFFFFF0]  }
0x128: {  	v4 =	vld [tilespmem:s16+$0x30]  }
0x129: {  	v62 =	vld [tilespmem:s16+$0x20]  }
0x12a: {  	v63 =	vld [tilespmem:s16+$0xFFFFFFE0]  }
0x12b: {  	v5 =	vld.idx.msk [tilespmem:v1+s31+$0x0], $0xffff  }
0x12c: {  	v1 =	vld.idx.msk [tilespmem:v2+s31+$0x0], $0xffff  }
0x12d: {  	v6 =	vld [tilespmem:s16+$0x0]  }
0x12e: {  	v2 =	vld [tilespmem:s16+$0x10]  }
0x12f: {  	v7 =	vld [tilespmem:s16+$0xFFFFFFD0]  }
0x130: {  	v8 =	vld [tilespmem:s16+$0xFFFFFFC0];
	v3 =	vmul.f32 v3, v5  }
0x131: {  	v9 =	vnsel vm0, $0x0, v5;
	v4 =	vmul.f32 v4, v1;
	v10 =	vsel vm1, $0x0, v1  }
0x132: {  	[tilespmem:s16+$0xFFFFFFF0] =	vst v3;
	v9 =	vadd.f32 v10, v9  }
0x133: {  	v3 =	vmul.f32 v2, v1;
	[tilespmem:s16+$0x30] =	vst v4;
	v4 =	vmul.f32 v62, v1  }
0x134: {  	v2 =	vmul.f32 v6, v1;
	v62 =	vmul.f32 v63, v5;
	[tilespmem:s16+$0x40] =	vst v9  }
0x135: {  	s18 =	simm.s32 $0x2;
	s17 =	simm.s32 $0x240;
	s19 =	simm.s32 $0x8;
	v1 =	vmul.f32 v7, v5;
	v63 =	vmul.f32 v8, v5;
	[tilespmem:s16+$0x20] =	vst v4  }
.LBB2_5:
0x136: {  	p0 =	sne.s32 s18, $0x7F;
	v4 =	vmov s19;
	[tilespmem:s16+$0x10] =	vst v3;
	s17 =	sadd.s32 $0x90, s17  }
0x137: {  	v3 =	vor.u32 $0x1, v4;
	v5 =	vld [tilespmem:s17+$0xFFFFFFF0];
	[tilespmem:s16+$0x0] =	vst v2  }
0x138: {  	v2 =	vld [tilespmem:s17+$0x30];
	[tilespmem:s16+$0xFFFFFFE0] =	vst v62  }
0x139: {  	v6 =	vld [tilespmem:s17+$0x20];
	[tilespmem:s16+$0xFFFFFFD0] =	vst v1  }
0x13a: {  	v1 =	vld [tilespmem:s17+$0xFFFFFFE0];
	[tilespmem:s16+$0xFFFFFFC0] =	vst v63;
	s16 =	smov.u32 s17  }
0x13b: {  	v4 =	vld.idx.msk [tilespmem:v4+s31+$0x0], $0xffff  }
0x13c: {  	v7 =	vld.idx.msk [tilespmem:v3+s31+$0x0], $0xffff  }
0x13d: {  	v3 =	vld [tilespmem:s17+$0x10]  }
0x13e: {  	v8 =	vld [tilespmem:s17+$0x0]  }
0x13f: {  	v9 =	vld [tilespmem:s17+$0xFFFFFFD0]  }
0x140: {  	v10 =	vld [tilespmem:s17+$0xFFFFFFC0]  }
0x141: {  	v62 =	vmul.f32 v1, v4;
	v1 =	vmul.f32 v5, v4  }
.Ltmp1:
0x142: {  	v5 =	vmul.f32 v2, v7;
	v2 =	vnsel vm0, $0x0, v4;
	v63 =	vsel vm1, $0x0, v7;
	(pc) =	sbr.rel @p0 .LBB2_5-.Ltmp1, $4  }
0x143: {  	v6 =	vmul.f32 v6, v7;
	v3 =	vmul.f32 v3, v7;
	v11 =	vadd.f32 v63, v2;
	[tilespmem:s17+$0xFFFFFFF0] =	vst v1  }
0x144: {  	v2 =	vmul.f32 v8, v7;
	v1 =	vmul.f32 v9, v4;
	[tilespmem:s17+$0x30] =	vst v5  }
0x145: {  	v63 =	vmul.f32 v10, v4;
	[tilespmem:s17+$0x40] =	vst v11  }
0x146: {  	s19 =	sshll.u32 s18, $0x3;
	s18 =	sadd.s32 $0x1, s18;
	[tilespmem:s17+$0x20] =	vst v6  }
0x147: {  	[tilespmem:s16+$0x10] =	vst v3;
	s17 =	sadd.s32 $0x90, s17;
	v4 =	vmov s19  }
0x148: {  	v3 =	vld [tilespmem:s17+$0xFFFFFFF0];
	[tilespmem:s16+$0x0] =	vst v2  }
0x149: {  	v2 =	vor.u32 $0x1, v4;
	[tilespmem:s16+$0xFFFFFFE0] =	vst v62  }
0x14a: {  	[tilespmem:s16+$0xFFFFFFD0] =	vst v1  }
0x14b: {  	v1 =	vld [tilespmem:s17+$0xFFFFFFE0];
	[tilespmem:s16+$0xFFFFFFC0] =	vst v63  }
0x14c: {  	v4 =	vld.idx.msk [tilespmem:v4+s31+$0x0], $0xffff  }
0x14d: {  	v5 =	vld [tilespmem:s17+$0x30]  }
0x14e: {  	v2 =	vld.idx.msk [tilespmem:v2+s31+$0x0], $0xffff  }
0x14f: {  	v6 =	vld [tilespmem:s17+$0x20]  }
0x150: {  	v7 =	vld [tilespmem:s17+$0x10]  }
0x151: {  	v8 =	vld [tilespmem:s17+$0x0];
	v3 =	vmul.f32 v3, v4  }
0x152: {  	v1 =	vmul.f32 v1, v4  }
0x153: {  	v62 =	vld [tilespmem:s17+$0xFFFFFFC0];
	v5 =	vmul.f32 v5, v2;
	[tilespmem:s17+$0xFFFFFFF0] =	vst v3  }
0x154: {  	v11 =	vld [tilespmem:s17+$0xFFFFFFD0];
	v6 =	vmul.f32 v6, v2;
	[tilespmem:s17+$0xFFFFFFE0] =	vst v1  }
0x155: {  	v63 =	vmul.f32 v7, v2;
	[tilespmem:s17+$0x30] =	vst v5  }
0x156: {  	v9 =	vnsel vm0, $0x0, v4;
	v10 =	vsel vm1, $0x0, v2;
	v2 =	vmul.f32 v8, v2;
	[tilespmem:s17+$0x20] =	vst v6  }
0x157: {  	v3 =	vadd.f32 v10, v9;
	[tilespmem:s17+$0x10] =	vst v63  }
0x158: {  	[tilespmem:s17+$0x0] =	vst v2;
	v2 =	vmul.f32 v62, v4  }
0x159: {  	s15 =	sadd.s32 $0x1, s15;
	[tilespmem:s17+$0x40] =	vst v3;
	v3 =	vmul.f32 v11, v4  }
0x15a: {  	p0 =	sne.s32 s15, $0x4F;
	[tilespmem:s17+$0xFFFFFFC0] =	vst v2  }
.Ltmp2:
0x15b: {  	[tilespmem:s17+$0xFFFFFFD0] =	vst v3;
	(pc) =	sbr.rel @p0 .LBB2_4-.Ltmp2, $4  }
0x15c: {  	[spmem:s1] =	stream.indirect.scatter.add.f32 [tilespmem:s21], [sflag:$0x3], $0x90, s23, s23, $0xb8;
	[tilespmem:$0x1BB80] =	vst v63  }
0x15d: {  	_ =	swait.ge [sflag:s22], $0x4800  }
0x15e: {  	[sflag:s22] =	ssyncset.done $0x0  }
0x15f: {  	[sflag:s22] =	ssyncadd.s32 $0xFFFFB800  }
0x160: {  	[bflag:$0x0] =	sbarrier.arrive $0xFFFF  }
0x161: {  	[tilespmem:s21], [sflag:$0x3] =	stream.linear.gather [spmem:s9], $0x4800, $0x38;
	[tilespmem:$0x1BB80] =	vst v63  }
0x162: {  	_ =	swait.ge [sflag:s22], $0x4800  }
0x163: {  	[sflag:s22] =	ssyncset.done $0x0  }
0x164: {  	s3 =	rddreg [dreg:$0x3];
	[sflag:s22] =	ssyncadd.s32 $0xFFFFB800  }
0x165: {  	[hbm4b:s3+s2] =	stream.linear.scatter [tilespmem:s21], [sflag:$0x3], $0x4800, $0x38;
	[tilespmem:$0x1BB80] =	vst v63  }
0x166: {  	_ =	swait.ge [sflag:s22], $0x4800  }
0x167: {  	[sflag:s22] =	ssyncset.done $0x0  }
0x168: {  	[sflag:s22] =	ssyncadd.s32 $0xFFFFB800  }
0x169: {  	[tilespmem:s21], [sflag:$0x3] =	stream.linear.gather [spmem:s10], $0x4800, $0x38;
	[tilespmem:$0x1BB80] =	vst v63  }
0x16a: {  	_ =	swait.ge [sflag:s22], $0x4800  }
0x16b: {  	[sflag:s22] =	ssyncset.done $0x0  }
0x16c: {  	s16 =	rddreg [dreg:$0x4];
	[sflag:s22] =	ssyncadd.s32 $0xFFFFB800  }
0x16d: {  	[hbm4b:s16+s2] =	stream.linear.scatter [tilespmem:s21], [sflag:$0x3], $0x4800, $0x38;
	[tilespmem:$0x1BB80] =	vst v63  }
0x16e: {  	_ =	swait.ge [sflag:s22], $0x4800  }
0x16f: {  	[sflag:s22] =	ssyncset.done $0x0  }
0x170: {  	[sflag:s22] =	ssyncadd.s32 $0xFFFFB800  }
0x171: {  	[tilespmem:s21], [sflag:$0x3] =	stream.linear.gather [spmem:s11], $0x4800, $0x38;
	[tilespmem:$0x1BB80] =	vst v63  }
0x172: {  	_ =	swait.ge [sflag:s22], $0x4800  }
0x173: {  	[sflag:s22] =	ssyncset.done $0x0  }
0x174: {  	s17 =	rddreg [dreg:$0x5];
	[sflag:s22] =	ssyncadd.s32 $0xFFFFB800  }
0x175: {  	[hbm4b:s17+s2] =	stream.linear.scatter [tilespmem:s21], [sflag:$0x3], $0x4800, $0x38;
	[tilespmem:$0x1BB80] =	vst v63  }
0x176: {  	_ =	swait.ge [sflag:s22], $0x4800  }
0x177: {  	[sflag:s22] =	ssyncset.done $0x0  }
0x178: {  	[sflag:s22] =	ssyncadd.s32 $0xFFFFB800  }
0x179: {  	[tilespmem:s21], [sflag:$0x3] =	stream.linear.gather [spmem:s12], $0x4800, $0x38;
	[tilespmem:$0x1BB80] =	vst v63  }
0x17a: {  	_ =	swait.ge [sflag:s22], $0x4800  }
0x17b: {  	[sflag:s22] =	ssyncset.done $0x0  }
0x17c: {  	s18 =	rddreg [dreg:$0x6];
	[sflag:s22] =	ssyncadd.s32 $0xFFFFB800  }
0x17d: {  	[hbm4b:s18+s2] =	stream.linear.scatter [tilespmem:s21], [sflag:$0x3], $0x4800, $0x38;
	[tilespmem:$0x1BB80] =	vst v63  }
0x17e: {  	_ =	swait.ge [sflag:s22], $0x4800  }
0x17f: {  	[sflag:s22] =	ssyncset.done $0x0  }
0x180: {  	[sflag:s22] =	ssyncadd.s32 $0xFFFFB800  }
0x181: {  	[tilespmem:s21], [sflag:$0x3] =	stream.linear.gather [spmem:s13], $0x4380, $0x38;
	[tilespmem:$0x1BB80] =	vst v63  }
0x182: {  	s0 =	sadd.s32 $0x1, s0;
	_ =	swait.ge [sflag:s22], $0x4380  }
0x183: {  	p0 =	sne.s32 s0, s20;
	[sflag:s22] =	ssyncset.done $0x0  }
.Ltmp3:
0x184: {  	s19 =	rddreg [dreg:$0x7];
	[sflag:s22] =	ssyncadd.s32 $0xFFFFBC80;
	(pc) =	sbr.rel @p0 .LBB2_1-.Ltmp3, $4  }
0x185: {  	[hbm4b:s19+s2] =	stream.linear.scatter [tilespmem:s21], [sflag:$0x3], $0x4380, $0x38;
	[tilespmem:$0x1BB80] =	vst v63  }
0x186: {  	_ =	swait.ge [sflag:s22], $0x4380  }
0x187: {  	[sflag:s22] =	ssyncset.done $0x0  }
0x188: {  	[sflag:s22] =	ssyncadd.s32 $0xFFFFBC80  }
0x189: {  	_ =	sfence.sel $0x180000  }
0x18a: {  	[bflag:$0x0] =	sbarrier.arrive $0xFFFF  }
0x18b: {  	_ =	strace $0x90000047  }
0x18c: {  	s0 =	stileid.u32;
	[bflag:$0x2] =	sbarrier.arrive $0xFFFF  }
0x18d: {  	p0 =	sne.s32 s0, $0x0;
	s0 =	rddreg [dreg:$0x2]  }
0x18e: {  	s0 =	sadd.s32 @!p0 $0x100000, s0  }
0x18f: {  	[sflag:s0] =	ssyncadd.tile.s32 @!p0 $0x1;
	_ =	shalt  }
.Lfunc_end2:
_tile_overlayer_lowered:
.L_overlay_start_2:
0x190: {  	(tag) =	ssettag $0x2  }
0x191: {  	s0 =	rddreg [dreg:$0x0];
	s2 =	stileid.u32  }
0x192: {  	s1 =	rddreg [dreg:$0x1];
	p0 =	sne.s32 s2, $0x0  }
0x193: {  	s3 =	rddreg [dreg:$0x2];
	[bflag:$0x3] =	sbarrier.arrive $0xFFFF;
	s2 =	simm.s32 @!p0 $0x1C03  }
0x194: {  	[timem:s3], [sflag:s2] =	dma.local @!p0 [hbm:s0], s1  }
0x195: {  	s0 =	simm.s32 @!p0 $0x3  }
0x196: {  	_ =	swait.ge @!p0 [sflag:s0], s1  }
0x197: {  	s1 =	ssub.s32 @!p0 $0x0, s1;
	[sflag:s0] =	ssyncset.done @!p0 $0x0  }
0x198: {  	[sflag:s0] =	ssyncadd.s32 @!p0 s1  }
0x199: {  	[bflag:$0x3] =	sbarrier.arrive $0xFFFF  }
0x19a: {  	_ =	shalt  }

// kernel: kernel.14.cloned.1.call-start
scs
__scs_entry_jumppad:
0x0: {  	(pc) =	sbr.rel $0x88, $3  }
0x1: {  	(tag) =	ssettag $0x0;
	lr =	simm.s32 $0x1  }
0x2: {  	[smem:$0x3F76] =	sst lr;
	_ =	strace $0xD0000000  }
0x3: {  	_ = 	snop  }
0x4: {  	_ = 	snop  }
0x5: {  	_ = 	snop  }
0x6: {  	_ = 	snop  }
0x7: {  	_ = 	snop  }
__scs_overlays_trampoline_lowered:
0x8: {  	[smem:$0x3F85] =	sst s0  }
0x9: {  	[smem:$0x3F86] =	sst s1  }
0xa: {  	[smem:$0x3F87] =	sst s2  }
0xb: {  	[smem:$0x3F88] =	sst s3  }
0xc: {  	[smem:$0x3F89] =	sst s4  }
0xd: {  	[smem:$0x3F8A] =	sst s5  }
0xe: {  	[smem:$0x3F8B] =	sst s6  }
0xf: {  	[smem:$0x3F8C] =	sst s7  }
0x10: {  	[smem:$0x3F8D] =	sst s8  }
0x11: {  	[smem:$0x3F8E] =	sst s9;
	s0 =	simm.s32 @!p0 $0x0  }
0x12: {  	s1 =	sld [smem:$0x3F74];
	s0 =	simm.s32 @p0 $0x1  }
0x13: {  	[smem:$0x3F8F] =	sst s0;
	s0 =	simm.s32 @!p1 $0x0  }
0x14: {  	s2 =	sld [smem:$0x3F73];
	s0 =	simm.s32 @p1 $0x1  }
0x15: {  	[smem:$0x3F90] =	sst s0;
	s0 =	simm.s32 @!p2 $0x0  }
0x16: {  	s3 =	sld [smem:$0x3FDB];
	s0 =	simm.s32 @p2 $0x1  }
0x17: {  	s4 =	simm.s32 $0x1BF5;
	[smem:$0x3F92] =	sst s0  }
0x18: {  	s0 =	sld [smem:$0x3F75];
	_ =	swait.ge [sflag:s4], $0x0  }
0x19: {  	s7 =	sld [smem:$0x3F76]  }
0x1a: {  	s8 =	sadd.s32 $0xFFFFE003, lr  }
0x1b: {  	s9 =	sadd.s32 $0xFFFFFEF7, lr;
	s5 =	simm.s32 $0xFFFFFFFF;
	p2 =	slt.u32 s8, $0xFFFFF086  }
0x1c: {  	p1 =	slt.u32 s9, $0xF7A;
	s5 =	simm.s32 @!p2 $0x0  }
0x1d: {  	s5 =	simm.s32 @p1 $0x1;
	p0 =	seq.s32 s7, s2  }
0x1e: {  	s7 =	smul.u32 @!p0 $0xF7A, s2;
	p2 =	seq.s32 @!p0 s5, $0x0  }
0x1f: {  	s9 =	smul.u32 $0xF7A, s1;
	s8 =	simm.s32 @!p0 $0x1BF5;
	p2 =	por !p2, p0  }
0x20: {  	[sflag:s8] =	ssyncset.s32 @!p0 $0xFFFFF086;
	s6 =	sadd.s32 @!p0 s3, s7;
	s7 =	simm.s32 @!p0 $0x108  }
0x21: {  	s3 =	sadd.s32 s3, s9;
	s6 =	sadd.s32 @!p0 $0x88, s6;
	s7 =	simm.s32 @p2 $0x1082  }
0x22: {  	[simem:s7], [sflag:s8] =	dma.local @!p0 [hbm:s6], $0xF7A  }
0x23: {  	s9 =	sor.u32 $0xD0000000, s2;
	s6 =	simm.s32 $0x108;
	_ =	swait.ge @!p0 [sflag:s8], $0x0  }
0x24: {  	s3 =	sadd.s32 $0x88, s3;
	s6 =	simm.s32 @!p1 $0x1082;
	[sflag:s4] =	ssyncset.s32 $0xFFFFF086  }
0x25: {  	[simem:s6], [sflag:s4] =	dma.local [hbm:s3], $0xF7A  }
0x26: {  	[smem:$0x3F76] =	sst s1;
	(tag) =	ssettag s2;
	_ =	strace s9  }
0x27: {  	s1 =	sld [smem:$0x3F86]  }
0x28: {  	s2 =	sld [smem:$0x3F87]  }
0x29: {  	s4 =	sld [smem:$0x3F89]  }
0x2a: {  	p0 =	seq.s32 s5, $0x0;
	s5 =	sld [smem:$0x3F8A]  }
0x2b: {  	s6 =	sld [smem:$0x3F8B]  }
0x2c: {  	s7 =	sld [smem:$0x3F8C]  }
0x2d: {  	s3 =	simm.s32 $0x108;
	s8 =	sld [smem:$0x3F8D]  }
0x2e: {  	s3 =	simm.s32 @!p0 $0x1082;
	s9 =	sld [smem:$0x3F8E]  }
0x2f: {  	lr =	sadd.s32 s0, s3;
	s0 =	sld [smem:$0x3F85]  }
0x30: {  	s3 =	sld [smem:$0x3F88]  }
0x31: {  	[smem:$0x3F91] =	sst s10  }
0x32: {  	s10 =	sld [smem:$0x3F8F];
	_ =	sdelay $0x3  }
0x33: {  	p0 =	seq.s32 s10, $0x1;
	s10 =	sld [smem:$0x3F91];
	_ =	sdelay $0x3  }
0x34: {  	[smem:$0x3F91] =	sst s10  }
0x35: {  	s10 =	sld [smem:$0x3F90];
	_ =	sdelay $0x3  }
0x36: {  	p1 =	seq.s32 s10, $0x1;
	s10 =	sld [smem:$0x3F91];
	_ =	sdelay $0x3  }
0x37: {  	[smem:$0x3F91] =	sst s10  }
0x38: {  	s10 =	sld [smem:$0x3F92]  }
0x39: {  	_ = 	snop;
	(pc) =	sbr.ind lr, $3  }
0x3a: {  	_ = 	snop  }
0x3b: {  	_ = 	snop  }
0x3c: {  	p2 =	seq.s32 s10, $0x1;
	s10 =	sld [smem:$0x3F91]  }
0x3d: {  	_ =	shalt  }
0x3e: {  	_ =	shalt  }
0x3f: {  	_ =	shalt  }
0x40: {  	_ =	shalt  }
0x41: {  	_ =	shalt  }
0x42: {  	_ =	shalt  }
0x43: {  	_ =	shalt  }
0x44: {  	_ =	shalt  }
0x45: {  	_ =	shalt  }
0x46: {  	_ =	shalt  }
0x47: {  	_ =	shalt  }
0x48: {  	_ =	shalt  }
0x49: {  	_ =	shalt  }
0x4a: {  	_ =	shalt  }
0x4b: {  	_ =	shalt  }
0x4c: {  	_ =	shalt  }
0x4d: {  	_ =	shalt  }
0x4e: {  	_ =	shalt  }
0x4f: {  	_ =	shalt  }
0x50: {  	_ =	shalt  }
0x51: {  	_ =	shalt  }
0x52: {  	_ =	shalt  }
0x53: {  	_ =	shalt  }
0x54: {  	_ =	shalt  }
0x55: {  	_ =	shalt  }
0x56: {  	_ =	shalt  }
0x57: {  	_ =	shalt  }
0x58: {  	_ =	shalt  }
0x59: {  	_ =	shalt  }
0x5a: {  	_ =	shalt  }
0x5b: {  	_ =	shalt  }
0x5c: {  	_ =	shalt  }
0x5d: {  	_ =	shalt  }
0x5e: {  	_ =	shalt  }
0x5f: {  	_ =	shalt  }
0x60: {  	_ =	shalt  }
0x61: {  	_ =	shalt  }
0x62: {  	_ =	shalt  }
0x63: {  	_ =	shalt  }
0x64: {  	_ =	shalt  }
0x65: {  	_ =	shalt  }
0x66: {  	_ =	shalt  }
0x67: {  	_ =	shalt  }
0x68: {  	_ =	shalt  }
0x69: {  	_ =	shalt  }
0x6a: {  	_ =	shalt  }
0x6b: {  	_ =	shalt  }
0x6c: {  	_ =	shalt  }
0x6d: {  	_ =	shalt  }
0x6e: {  	_ =	shalt  }
0x6f: {  	_ =	shalt  }
0x70: {  	_ =	shalt  }
0x71: {  	_ =	shalt  }
0x72: {  	_ =	shalt  }
0x73: {  	_ =	shalt  }
0x74: {  	_ =	shalt  }
0x75: {  	_ =	shalt  }
0x76: {  	_ =	shalt  }
0x77: {  	_ =	shalt  }
0x78: {  	_ =	shalt  }
0x79: {  	_ =	shalt  }
0x7a: {  	_ =	shalt  }
0x7b: {  	_ =	shalt  }
0x7c: {  	_ =	shalt  }
0x7d: {  	_ =	shalt  }
0x7e: {  	_ =	shalt  }
0x7f: {  	_ =	shalt  }
0x80: {  	_ =	shalt  }
0x81: {  	_ =	shalt  }
0x82: {  	_ =	shalt  }
0x83: {  	_ =	shalt  }
0x84: {  	_ =	shalt  }
0x85: {  	_ =	shalt  }
0x86: {  	_ =	shalt  }
0x87: {  	_ =	shalt  }
.Lfunc_end0:
.L_simem_size_0:
called_computation.1_lowered:
.L_overlay_start_0:
0x88: {  	s2 =	sld [smem:$0x3FD9]  }
0x89: {  	s3 =	sld [smem:$0x3FFE];
	_ =	sdelay $0x1  }
0x8a: {  	s1 =	srdreg.scid  }
0x8b: {  	s0 =	sand.u32 $0x1, s1  }
0x8c: {  	s16 =	sshll.u32 s0, $0xA;
	s2 =	sadd.s32 s3, s2  }
0x8d: {  	s2 =	sadd.s32 s2, s16  }
0x8e: {  	[smem:$0x3F9D] =	sst s2  }
0x8f: {  	_ = 	snop  }
0x90: {  	(tm) =	ssettm $0x1  }
0x91: {  	s17 =	sld [smem:$0x3FFB];
	_ =	sdelay $0x3  }
0x92: {  	_ =	strace s17  }
0x93: {  	s2 =	sld [smem:$0x3FFC];
	_ =	sdelay $0x3  }
0x94: {  	_ =	strace s2  }
0x95: {  	s2 =	sld [smem:$0x3FFD];
	_ =	sdelay $0x3  }
0x96: {  	_ =	strace s2  }
0x97: {  	_ =	strace $0x8FFFFFFF  }
0x98: {  	s18 =	sld [smem:$0x3FDB];
	_ =	sdelay $0x1  }
0x99: {  	s19 =	simm.s32 $_scs_section_size  }
0x9a: {  	s4 =	simm.s32 $_size__tile_overlayer_lowered;
	s5 =	simm.s32 $_tile_overlayer_lowered  }
0x9b: {  	s22 =	simm.s32 $0x1BFF;
	s21 =	sshll.u32 s5, $0x1;
	s2 =	sadd.s32 s19, s18  }
0x9c: {  	s6 =	simm.s32 $0x0;
	s20 =	sshll.u32 s4, $0x1;
	s4 =	sadd.s32 s21, s2  }
0x9d: {  	[timem:s6], [sflag:s22] =	dma.local [hbm:s4], s20  }
0x9e: {  	_ =	swait.ge [sflag:s22], s20  }
0x9f: {  	s3 =	ssub.s32 $0x0, s20;
	[sflag:s22] =	ssyncset.done $0x0  }
0xa0: {  	[sflag:s22] =	ssyncadd.s32 s3;
	_ =	sdelay $0x1  }
0xa1: {  	s23 =	simm.s32 $0x1B8B  }
0xa2: {  	_ =	swait.ge [sflag:s23], $0x1  }
0xa3: {  	[sflag:s23] =	ssyncset.done $0x0  }
0xa4: {  	s25 =	simm.s32 $0x1B8E;
	s24 =	sld [smem:$0x3FFE];
	[sflag:s23] =	ssyncadd.s32 $0xFFFFFFFF  }
0xa5: {  	s26 =	simm.s32 $execute0_lowered;
	[smem:$0x3FD2] =	sst s25  }
0xa6: {  	s4 =	sshll.u32 s26, $0x1;
	_ =	strace $0x80000049;
	[dreg:$0x1] =	wrdreg $0xFFFFFFFF  }
0xa7: {  	s28 =	simm.s32 $_size_execute0_lowered;
	s2 =	sadd.s32 s2, s4;
	[dreg:$0x0] =	wrdreg $0x0  }
0xa8: {  	s4 =	sshll.u32 s28, $0x1;
	[dreg:$0x2] =	wrdreg s2  }
0xa9: {  	[dreg:$0x3] =	wrdreg s4  }
0xaa: {  	[dreg:$0x4] =	wrdreg $0xC0  }
0xab: {  	_ =	task [dreg:s6], $0x5FFFF  }
0xac: {  	[dreg:$0x1] =	wrdreg $0xFFFFFFFF  }
0xad: {  	[dreg:$0x0] =	wrdreg $0x60  }
0xae: {  	[dreg:$0x2] =	wrdreg s24  }
0xaf: {  	[dreg:$0x3] =	wrdreg $0x58000  }
0xb0: {  	[dreg:$0x4] =	wrdreg $0x9  }
0xb1: {  	_ =	task.clear_ibuf [dreg:s6], $0x5FFFF;
	_ =	strace $0x90000049  }
0xb2: {  	s29 =	simm.s32 $0x9;
	_ =	strace $0x8000004B  }
0xb3: {  	_ =	swait.ge [sflag:s29], $0x1  }
0xb4: {  	[sflag:s29] =	ssyncadd.s32 $0xFFFFFFFF  }
0xb5: {  	_ =	strace $0x9000004B  }
0xb6: {  	_ =	sfence  }
0xb7: {  	s30 =	sld [smem:$0x0];
	_ =	sdelay $0x2  }
0xb8: {  	s31 =	sshll.u32 s1, $0xD;
	s1 =	sshrl.u32 s1, $0x2  }
0xb9: {  	s3 =	sand.u32 $0x4000, s31;
	s1 =	sadd.s32 s1, s30  }
0xba: {  	s0 =	sor.u32 s3, s0;
	s1 =	sshll.u32 s1, $0x11  }
0xbb: {  	s0 =	sor.u32 s1, s0  }
0xbc: {  	s0 =	sadd.s32 $0x8F2B, s0  }
0xbd: {  	[sflag:s0] =	ssyncadd.remote.s32 $0x1  }
0xbe: {  	_ =	sfence.sel $0xFFFF  }
0xbf: {  	[dreg:$0x0] =	wrdreg $0xFFFFFFFF;
	(pc) =	sbr.abs _section_cstart, $3  }
0xc0: {  	[dreg:$0x1] =	wrdreg $0xFFFFFFFF  }
0xc1: {  	_ =	task.clear_ibuf [dreg:s6], $0x2FFFF;
	_ =	strace $0x9FFFFFFF  }
0xc2: {  	(tm) =	ssettm $0x7FFFFFFF  }
0xc3: {  	_ =	shalt  }
tec
execute0_lowered:
.L_overlay_start_1:
0x0: {  	(tag) =	ssettag $0x1  }
0x1: {  	v1 =	vlaneseq.u32  }
0x2: {  	s0 =	srdreg.scid;
	v2 =	vmul.u32 $0x4, v1  }
0x3: {  	s0 =	sand.u32 $0x1, s0  }
0x4: {  	s3 =	sshll.u32 s0, $0x1;
	v3 =	vor.u32 $0x1, v2  }
0x5: {  	v3 =	vor.u32 s3, v3  }
0x6: {  	[tilespmem:$0x1FF60] =	vst v3;
	v3 =	vor.u32 $0x40, v2  }
0x7: {  	v3 =	vor.u32 s3, v3  }
0x8: {  	[tilespmem:$0x1FF70] =	vst v3;
	v3 =	vor.u32 $0x41, v2  }
0x9: {  	v5 =	vor.u32 $0x80, v2;
	v3 =	vor.u32 s3, v3  }
0xa: {  	[tilespmem:$0x1FF80] =	vst v3;
	v3 =	vor.u32 s3, v5  }
0xb: {  	v19 =	vimm.f32 $0.0e+00;
	vm0 =	vmmov $0x1;
	[tilespmem:$0x1FF90] =	vst v3;
	v3 =	vor.u32 $0x81, v2  }
0xc: {  	vm1 =	vcmask $0x308;
	v17 =	vmul.u32 $0x10, v1;
	v3 =	vor.u32 s3, v3  }
0xd: {  	v18 =	vmul.u32 $0x8, v1;
	v4 =	vor.u32 s3, v2;
	[tilespmem:$0x1FFA0] =	vst v3;
	v3 =	vor.u32 $0xC0, v2  }
0xe: {  	v8 =	vor.u32 $0xC1, v2;
	v11 =	vor.u32 $0x140, v2;
	v3 =	vor.u32 s3, v3  }
0xf: {  	v14 =	vor.u32 $0x181, v2;
	v22 =	vor.u32 $0x1, v17;
	[tilespmem:$0x1FFB0] =	vst v3;
	v3 =	vor.u32 s3, v8  }
0x10: {  	v23 =	vor.u32 $0x1, v18;
	v26 =	vor.u32 $0x100, v17;
	[tilespmem:$0x1FFC0] =	vst v3;
	v3 =	vor.u32 $0x100, v2  }
0x11: {  	s10 =	rddreg [dreg:$0x0];
	s2 =	simm.s32 $0x0;
	v27 =	vor.u32 $0x101, v17;
	v28 =	vor.u32 $0x80, v18;
	v3 =	vor.u32 s3, v3  }
0x12: {  	s17 =	stileid.u32;
	s21 =	simm.s32 $0x200;
	s28 =	simm.s32 $0x4A00;
	v29 =	vor.u32 $0x81, v18;
	v32 =	vor.u32 $0x200, v17;
	[tilespmem:$0x1FFD0] =	vst v3;
	v3 =	vor.u32 $0x101, v2  }
0x13: {  	s29 =	simm.s32 $0x1;
	s31 =	simm.s32 $0x5400;
	[smem:$0x7FF] =	sst s2;
	v33 =	vor.u32 $0x201, v17;
	v34 =	vor.u32 $0x100, v18;
	v3 =	vor.u32 s3, v3  }
0x14: {  	s9 =	smul.u32 $0x278, s17;
	s4 =	sadd.s32 $0x32600, s10;
	s5 =	sadd.s32 $0xAC00, s10;
	v35 =	vor.u32 $0x101, v18;
	v38 =	vor.u32 $0x300, v17;
	[tilespmem:$0x1FFE0] =	vst v3;
	v3 =	vor.u32 s3, v11  }
0x15: {  	s30 =	simm.s32 $0x2;
	s11 =	smul.u32 $0x58E00, s17;
	s6 =	sadd.s32 $0x8B400, s10;
	v39 =	vor.u32 $0x301, v17;
	v40 =	vor.u32 $0x180, v18;
	[tilespmem:$0x1FFF0] =	vst v3;
	v3 =	vor.u32 $0x141, v2  }
0x16: {  	s7 =	sadd.s32 $0x2D600, s10;
	s8 =	sadd.s32 $0x28600, s10;
	s22 =	smul.u32 $0x2780, s0;
	v41 =	vor.u32 $0x181, v18;
	v12 =	vor.u32 s3, v3;
	v3 =	vor.u32 $0x180, v2  }
0x17: {  	s15 =	sadd.s32 $0x9F000, s10;
	s1 =	smul.u32 $0x2710, s0;
	s0 =	ssub.s32 $0x2, s0;
	v13 =	vor.u32 s3, v3;
	v3 =	vor.u32 $0x1C0, v2;
	v2 =	vor.u32 $0x1C1, v2  }
0x18: {  	s11 =	sshrl.u32 s11, $0x2;
	s12 =	sshrl.u32 s0, $0x1;
	v14 =	vor.u32 s3, v14;
	v15 =	vor.u32 s3, v3;
	v16 =	vor.u32 s3, v2;
	s3 =	sadd.s32 s9, s22  }
0x19: {  	v44 =	vor.u32 $0x400, v17;
	v45 =	vor.u32 $0x401, v17;
	v0 =	vmov s1;
	s1 =	rddreg [dreg:$0x1];
	s0 =	ssub.s32 s0, s12;
	s13 =	smul.u32 $0x90, s3  }
0x1a: {  	v46 =	vor.u32 $0x200, v18;
	v47 =	vor.u32 $0x201, v18;
	v50 =	vor.u32 $0x500, v17;
	[tilespmem:$0x1FF50] =	vst v4;
	s20 =	smax.u32 s0, $0x1;
	s0 =	simm.s32 $0x0;
	s3 =	smul.u32 $0x12, s3  }
0x1b: {  	v51 =	vor.u32 $0x501, v17;
	v52 =	vor.u32 $0x280, v18;
	_ =	strace $0x8000004A;
	v3 =	vmul.u32 $0x90, v1;
	s9 =	sadd.s32 s11, s1;
	s14 =	sshrl.u32 s13, $0x3  }
0x1c: {  	v53 =	vor.u32 $0x281, v18;
	v56 =	vor.u32 $0x600, v17;
	v57 =	vor.u32 $0x601, v17;
	s22 =	simm.s32 $0x3;
	s3 =	sadd.s32 s15, s3;
	s16 =	sadd.s32 s15, s14  }
0x1d: {  	v58 =	vor.u32 $0x300, v18;
	v59 =	vor.u32 $0x301, v18;
	s10 =	sadd.s32 $0x4800, s9;
	v20 =	vadd.s32 $0x80, v3;
	[dreg:$0x3] =	wrdreg s3;
	s23 =	sadd.s32 $0x900, s16  }
0x1e: {  	s11 =	sadd.s32 $0x9000, s9;
	v21 =	vadd.s32 $0x81, v3;
	v24 =	vadd.s32 $0x980, v3;
	v25 =	vadd.s32 $0x981, v3;
	s24 =	sadd.s32 $0x1200, s16;
	[dreg:$0x4] =	wrdreg s23  }
0x1f: {  	s12 =	sadd.s32 $0xD800, s9;
	v30 =	vadd.s32 $0x1280, v3;
	v31 =	vadd.s32 $0x1281, v3;
	v36 =	vadd.s32 $0x1B80, v3;
	s25 =	sadd.s32 $0x1B00, s16;
	[dreg:$0x5] =	wrdreg s24  }
0x20: {  	v37 =	vadd.s32 $0x1B81, v3;
	v42 =	vadd.s32 $0x2480, v3;
	v43 =	vadd.s32 $0x2481, v3;
	s13 =	sadd.s32 $0x12000, s9;
	s26 =	sadd.s32 $0x2400, s16;
	[dreg:$0x6] =	wrdreg s25  }
0x21: {  	v48 =	vadd.s32 $0x2D80, v3;
	v49 =	vadd.s32 $0x2D81, v3;
	v54 =	vadd.s32 $0x3680, v3;
	s14 =	smul.u32 $0x2780, s17;
	[dreg:$0x7] =	wrdreg s26;
	s23 =	simm.s32 $0x80  }
0x22: {  	v55 =	vadd.s32 $0x3681, v3;
	v60 =	vadd.s32 $0x3F80, v3;
	v61 =	vadd.s32 $0x3F81, v3;
	s24 =	simm.s32 $0x5200;
	s25 =	simm.s32 $0x100;
	s26 =	simm.s32 $0x180  }
.LBB2_1:
0x23: {  	s3 =	simm.s32 $0x0;
	s15 =	simm.s32 $0x240  }
.LBB2_2:
0x24: {  	p0 =	sne.s32 s15, $0x11DC0;
	[tilespmem:s3+$0x280] =	vst v19  }
0x25: {  	[tilespmem:s3+$0x200] =	vst v19  }
0x26: {  	[tilespmem:s3+$0x210] =	vst v19  }
0x27: {  	[tilespmem:s3+$0x220] =	vst v19  }
.Ltmp0:
0x28: {  	[tilespmem:s3+$0x230] =	vst v19;
	(pc) =	sbr.rel @p0 .LBB2_2-.Ltmp0, $4  }
0x29: {  	[tilespmem:s3+$0x240] =	vst v19  }
0x2a: {  	[tilespmem:s3+$0x250] =	vst v19  }
0x2b: {  	[tilespmem:s3+$0x260] =	vst v19  }
0x2c: {  	[tilespmem:s3+$0x270] =	vst v19;
	s3 =	sshra.s32 s15, $0x2;
	s15 =	sadd.s32 $0x240, s15  }
0x2d: {  	[tilespmem:s3+$0x280] =	vst v19  }
0x2e: {  	[tilespmem:s3+$0x200] =	vst v19  }
0x2f: {  	[tilespmem:s3+$0x210] =	vst v19  }
0x30: {  	[tilespmem:s3+$0x220] =	vst v19  }
0x31: {  	[tilespmem:s3+$0x230] =	vst v19  }
0x32: {  	[tilespmem:s3+$0x240] =	vst v19  }
0x33: {  	[tilespmem:s3+$0x250] =	vst v19  }
0x34: {  	[tilespmem:s3+$0x260] =	vst v19  }
0x35: {  	[tilespmem:s3+$0x270] =	vst v19  }
0x36: {  	[spmem:s9] =	stream.linear.scatter [tilespmem:s21], [sflag:$0x3], $0x4800, $0x38;
	[tilespmem:$0x1BB80] =	vst v63  }
0x37: {  	_ =	swait.ge [sflag:s22], $0x4800  }
0x38: {  	[sflag:s22] =	ssyncset.done $0x0  }
0x39: {  	[sflag:s22] =	ssyncadd.s32 $0xFFFFB800  }
0x3a: {  	[spmem:s10] =	stream.linear.scatter [tilespmem:s21], [sflag:$0x3], $0x4800, $0x38;
	[tilespmem:$0x1BB80] =	vst v63  }
0x3b: {  	_ =	swait.ge [sflag:s22], $0x4800  }
0x3c: {  	[sflag:s22] =	ssyncset.done $0x0  }
0x3d: {  	[sflag:s22] =	ssyncadd.s32 $0xFFFFB800  }
0x3e: {  	[spmem:s11] =	stream.linear.scatter [tilespmem:s21], [sflag:$0x3], $0x4800, $0x38;
	[tilespmem:$0x1BB80] =	vst v63  }
0x3f: {  	_ =	swait.ge [sflag:s22], $0x4800  }
0x40: {  	[sflag:s22] =	ssyncset.done $0x0  }
0x41: {  	[sflag:s22] =	ssyncadd.s32 $0xFFFFB800  }
0x42: {  	[spmem:s12] =	stream.linear.scatter [tilespmem:s21], [sflag:$0x3], $0x4800, $0x38;
	[tilespmem:$0x1BB80] =	vst v63  }
0x43: {  	_ =	swait.ge [sflag:s22], $0x4800  }
0x44: {  	[sflag:s22] =	ssyncset.done $0x0  }
0x45: {  	[sflag:s22] =	ssyncadd.s32 $0xFFFFB800  }
0x46: {  	[spmem:s13] =	stream.linear.scatter [tilespmem:s21], [sflag:$0x3], $0x4380, $0x38;
	[tilespmem:$0x1BB80] =	vst v63  }
0x47: {  	_ =	swait.ge [sflag:s22], $0x4380  }
0x48: {  	[sflag:s22] =	ssyncset.done $0x0  }
0x49: {  	[sflag:s22] =	ssyncadd.s32 $0xFFFFBC80  }
0x4a: {  	s3 =	simm.s32 $0x0;
	s15 =	simm.s32 $0x0;
	[bflag:$0x0] =	sbarrier.arrive $0xFFFF  }
.LBB2_4:
0x4b: {  	s16 =	sshll.u32 s15, $0x7  }
0x4c: {  	s16 =	sadd.s32 s14, s16  }
0x4d: {  	s17 =	sshrl.u32 s16, $0x3  }
0x4e: {  	s18 =	sadd.s32 s7, s17  }
0x4f: {  	[tilespmem:s3], [sflag:$0x3] =	stream.linear.gather [hbm4b:s18+s3], $0x80, $0x38;
	[tilespmem:$0x1BB80] =	vst v63  }
0x50: {  	_ =	swait.ge [sflag:s22], $0x80  }
0x51: {  	[sflag:s22] =	ssyncset.done $0x0  }
0x52: {  	s17 =	sadd.s32 s8, s17;
	[sflag:s22] =	ssyncadd.s32 $0xFFFFFF80  }
0x53: {  	[tilespmem:s23], [sflag:$0x3] =	stream.linear.gather [hbm4b:s17+s3], $0x80, $0x38;
	[tilespmem:$0x1BB80] =	vst v63  }
0x54: {  	_ =	swait.ge [sflag:s22], $0x80  }
0x55: {  	s16 =	sshrl.u32 s16, $0x1;
	[sflag:s22] =	ssyncset.done $0x0  }
0x56: {  	s16 =	sadd.s32 s6, s16;
	[sflag:s22] =	ssyncadd.s32 $0xFFFFFF80  }
0x57: {  	[tilespmem:s24], [sflag:$0x3] =	stream.linear.gather [hbm4b:s16+s3], $0x200, $0x38;
	[tilespmem:$0x1BB80] =	vst v63  }
0x58: {  	_ =	swait.ge [sflag:s22], $0x200  }
0x59: {  	[sflag:s22] =	ssyncset.done $0x0  }
0x5a: {  	[sflag:s22] =	ssyncadd.s32 $0xFFFFFE00  }
0x5b: {  	v1 =	vld [tilespmem:$0x0]  }
0x5c: {  	v2 =	vld [tilespmem:$0x80]  }
0x5d: {  	v3 =	vld [tilespmem:$0x10]  }
0x5e: {  	v62 =	vld [tilespmem:$0x90]  }
0x5f: {  	v63 =	vld [tilespmem:$0x20]  }
0x60: {  	v4 =	vld [tilespmem:$0xA0];
	v1 =	vadd.s32 v0, v1  }
0x61: {  	[tilespmem:$0x100] =	vst v1;
	v1 =	vadd.s32 v0, v2;
	v2 =	vld [tilespmem:$0x30]  }
0x62: {  	[tilespmem:$0x180] =	vst v1;
	v1 =	vadd.s32 v0, v3;
	v3 =	vld [tilespmem:$0xB0]  }
0x63: {  	v11 =	vld [tilespmem:$0x40];
	[tilespmem:$0x110] =	vst v1;
	v1 =	vadd.s32 v0, v62  }
0x64: {  	v8 =	vld [tilespmem:$0xC0];
	[tilespmem:$0x190] =	vst v1;
	v1 =	vadd.s32 v0, v63  }
0x65: {  	[tilespmem:$0x120] =	vst v1;
	v1 =	vadd.s32 v0, v4;
	v4 =	vld [tilespmem:$0x50]  }
0x66: {  	[tilespmem:$0x1A0] =	vst v1;
	v1 =	vadd.s32 v0, v2;
	v2 =	vld [tilespmem:$0xD0]  }
0x67: {  	[tilespmem:$0x130] =	vst v1;
	v1 =	vadd.s32 v0, v3;
	v3 =	vld [tilespmem:$0x60]  }
0x68: {  	v9 =	vld [tilespmem:$0xE0];
	[tilespmem:$0x1B0] =	vst v1;
	v1 =	vadd.s32 v0, v11  }
0x69: {  	v10 =	vld [tilespmem:$0x70];
	[tilespmem:$0x140] =	vst v1;
	v1 =	vadd.s32 v0, v8  }
0x6a: {  	[tilespmem:$0x1C0] =	vst v1;
	v1 =	vadd.s32 v0, v4;
	v4 =	vld [tilespmem:$0xF0]  }
0x6b: {  	[tilespmem:$0x150] =	vst v1;
	v1 =	vadd.s32 v0, v2  }
0x6c: {  	[tilespmem:$0x1D0] =	vst v1;
	v1 =	vadd.s32 v0, v3  }
0x6d: {  	[tilespmem:$0x160] =	vst v1;
	v1 =	vadd.s32 v0, v9  }
0x6e: {  	[tilespmem:$0x1E0] =	vst v1;
	v1 =	vadd.s32 v0, v10  }
0x6f: {  	[tilespmem:$0x170] =	vst v1;
	v1 =	vadd.s32 v0, v4  }
0x70: {  	[tilespmem:$0x1F0] =	vst v1  }
0x71: {  	[tilespmem:s21], [sflag:$0x1] =	stream.indirect.gather [hbm4b:s4+s23], $0x90, s25, s23, $0xb8;
	[tilespmem:$0x1BB80] =	vst v63  }
0x72: {  	_ = 	snop  }
0x73: {  	[tilespmem:s28], [sflag:$0x2] =	stream.indirect.gather [hbm4b:s5+s23], $0x10, s26, s23, $0xb8;
	[tilespmem:$0x1BB80] =	vst v63  }
0x74: {  	_ =	swait.ge [sflag:s29], $0x4800  }
0x75: {  	[sflag:s29] =	ssyncset.done $0x0  }
0x76: {  	[sflag:s29] =	ssyncadd.s32 $0xFFFFB800  }
0x77: {  	_ =	swait.ge [sflag:s30], $0x800  }
0x78: {  	v5 =	vld [tilespmem:$0x1FF50];
	_ =	sdelay $0x5  }
0x79: {  	[sflag:s30] =	ssyncset.done $0x0  }
0x7a: {  	[sflag:s30] =	ssyncadd.s32 $0xFFFFF800  }
0x7b: {  	v11 =	vld.idx.msk [tilespmem:v5+s24+$0x0], $0xffff  }
0x7c: {  	v5 =	vld [tilespmem:$0x1FF60];
	_ =	sdelay $0x2  }
0x7d: {  	v1 =	vld.idx.msk [tilespmem:v20+s21+$0x0], $0xffff  }
0x7e: {  	v2 =	vld.idx.msk [tilespmem:v21+s21+$0x0], $0xffff  }
0x7f: {  	v3 =	vld.idx.msk [tilespmem:v17+s28+$0x0], $0xffff  }
0x80: {  	v4 =	vld.idx.msk [tilespmem:v22+s28+$0x0], $0xffff;
	_ =	sdelay $0x1  }
0x81: {  	v8 =	vld.idx.msk [tilespmem:v5+s24+$0x0], $0xffff;
	_ =	sdelay $0x1  }
0x82: {  	v1 =	vadd.f32 v3, v1  }
0x83: {  	v2 =	vadd.f32 v4, v2  }
0x84: {  	v1 =	vadd.f32 v11, v1  }
0x85: {  	v2 =	vadd.f32 v8, v2  }
0x86: {  	v3 =	vmul.f32 $2.000000030e-01, v1  }
0x87: {  	vm2 =	vgt.f32 v1, $0.0e+00;
	v4 =	vmul.f32 $2.000000030e-01, v2  }
0x88: {  	v1 =	vsel vm2, v1, v3;
	vm2 =	vgt.f32 v2, $0.0e+00  }
0x89: {  	v1 =	vmul.f32 $1.442695020e+00, v1;
	v2 =	vsel vm2, v2, v4  }
0x8a: {  	v2 =	vmul.f32 $1.442695020e+00, v2  }
0x8b: {  	(erf) = vpow2.f32 v1  }
0x8c: {  	(erf) = vpow2.f32 v2;
	_ =	sdelay $0x2  }
0x8d: {  	v5 =	vld [tilespmem:$0x1FF70];
	_ =	sdelay $0x4  }
0x8e: {  	v1 =	vpop (erf)  }
0x8f: {  	[tilespmem:v18+s31+$0x0] =	vst.idx.msk $0xffff, v1;
	v1 =	vpop (erf)  }
0x90: {  	[tilespmem:v23+s31+$0x0] =	vst.idx.msk $0xffff, v1  }
0x91: {  	v9 =	vld.idx.msk [tilespmem:v5+s24+$0x0], $0xffff  }
0x92: {  	v5 =	vld [tilespmem:$0x1FF80];
	_ =	sdelay $0x2  }
0x93: {  	v1 =	vld.idx.msk [tilespmem:v24+s21+$0x0], $0xffff  }
0x94: {  	v2 =	vld.idx.msk [tilespmem:v25+s21+$0x0], $0xffff  }
0x95: {  	v3 =	vld.idx.msk [tilespmem:v26+s28+$0x0], $0xffff  }
0x96: {  	v4 =	vld.idx.msk [tilespmem:v27+s28+$0x0], $0xffff;
	_ =	sdelay $0x1  }
0x97: {  	v10 =	vld.idx.msk [tilespmem:v5+s24+$0x0], $0xffff;
	_ =	sdelay $0x1  }
0x98: {  	v1 =	vadd.f32 v3, v1  }
0x99: {  	v2 =	vadd.f32 v4, v2  }
0x9a: {  	v1 =	vadd.f32 v9, v1  }
0x9b: {  	v2 =	vadd.f32 v10, v2  }
0x9c: {  	v3 =	vmul.f32 $2.000000030e-01, v1  }
0x9d: {  	vm2 =	vgt.f32 v1, $0.0e+00;
	v4 =	vmul.f32 $2.000000030e-01, v2  }
0x9e: {  	v1 =	vsel vm2, v1, v3;
	vm2 =	vgt.f32 v2, $0.0e+00  }
0x9f: {  	v1 =	vmul.f32 $1.442695020e+00, v1;
	v2 =	vsel vm2, v2, v4  }
0xa0: {  	v2 =	vmul.f32 $1.442695020e+00, v2  }
0xa1: {  	(erf) = vpow2.f32 v1  }
0xa2: {  	(erf) = vpow2.f32 v2;
	_ =	sdelay $0x2  }
0xa3: {  	v5 =	vld [tilespmem:$0x1FF90];
	_ =	sdelay $0x4  }
0xa4: {  	v1 =	vpop (erf)  }
0xa5: {  	[tilespmem:v28+s31+$0x0] =	vst.idx.msk $0xffff, v1;
	v1 =	vpop (erf)  }
0xa6: {  	[tilespmem:v29+s31+$0x0] =	vst.idx.msk $0xffff, v1  }
0xa7: {  	v11 =	vld.idx.msk [tilespmem:v5+s24+$0x0], $0xffff  }
0xa8: {  	v5 =	vld [tilespmem:$0x1FFA0];
	_ =	sdelay $0x2  }
0xa9: {  	v1 =	vld.idx.msk [tilespmem:v30+s21+$0x0], $0xffff  }
0xaa: {  	v2 =	vld.idx.msk [tilespmem:v31+s21+$0x0], $0xffff  }
0xab: {  	v3 =	vld.idx.msk [tilespmem:v32+s28+$0x0], $0xffff  }
0xac: {  	v4 =	vld.idx.msk [tilespmem:v33+s28+$0x0], $0xffff;
	_ =	sdelay $0x1  }
0xad: {  	v7 =	vld.idx.msk [tilespmem:v5+s24+$0x0], $0xffff;
	_ =	sdelay $0x1  }
0xae: {  	v1 =	vadd.f32 v3, v1  }
0xaf: {  	v2 =	vadd.f32 v4, v2  }
0xb0: {  	v1 =	vadd.f32 v11, v1  }
0xb1: {  	v2 =	vadd.f32 v7, v2  }
0xb2: {  	v3 =	vmul.f32 $2.000000030e-01, v1  }
0xb3: {  	vm2 =	vgt.f32 v1, $0.0e+00;
	v4 =	vmul.f32 $2.000000030e-01, v2  }
0xb4: {  	v1 =	vsel vm2, v1, v3;
	vm2 =	vgt.f32 v2, $0.0e+00  }
0xb5: {  	v1 =	vmul.f32 $1.442695020e+00, v1;
	v2 =	vsel vm2, v2, v4  }
0xb6: {  	v2 =	vmul.f32 $1.442695020e+00, v2  }
0xb7: {  	(erf) = vpow2.f32 v1  }
0xb8: {  	(erf) = vpow2.f32 v2;
	_ =	sdelay $0x2  }
0xb9: {  	v5 =	vld [tilespmem:$0x1FFB0];
	_ =	sdelay $0x4  }
0xba: {  	v1 =	vpop (erf)  }
0xbb: {  	[tilespmem:v34+s31+$0x0] =	vst.idx.msk $0xffff, v1;
	v1 =	vpop (erf)  }
0xbc: {  	[tilespmem:v35+s31+$0x0] =	vst.idx.msk $0xffff, v1  }
0xbd: {  	v8 =	vld.idx.msk [tilespmem:v5+s24+$0x0], $0xffff  }
0xbe: {  	v5 =	vld [tilespmem:$0x1FFC0];
	_ =	sdelay $0x2  }
0xbf: {  	v1 =	vld.idx.msk [tilespmem:v36+s21+$0x0], $0xffff  }
0xc0: {  	v2 =	vld.idx.msk [tilespmem:v37+s21+$0x0], $0xffff  }
0xc1: {  	v3 =	vld.idx.msk [tilespmem:v38+s28+$0x0], $0xffff  }
0xc2: {  	v4 =	vld.idx.msk [tilespmem:v39+s28+$0x0], $0xffff;
	_ =	sdelay $0x1  }
0xc3: {  	v9 =	vld.idx.msk [tilespmem:v5+s24+$0x0], $0xffff;
	_ =	sdelay $0x1  }
0xc4: {  	v1 =	vadd.f32 v3, v1  }
0xc5: {  	v2 =	vadd.f32 v4, v2  }
0xc6: {  	v1 =	vadd.f32 v8, v1  }
0xc7: {  	v2 =	vadd.f32 v9, v2  }
0xc8: {  	v3 =	vmul.f32 $2.000000030e-01, v1  }
0xc9: {  	vm2 =	vgt.f32 v1, $0.0e+00;
	v4 =	vmul.f32 $2.000000030e-01, v2  }
0xca: {  	v1 =	vsel vm2, v1, v3;
	vm2 =	vgt.f32 v2, $0.0e+00  }
0xcb: {  	v1 =	vmul.f32 $1.442695020e+00, v1;
	v2 =	vsel vm2, v2, v4  }
0xcc: {  	v2 =	vmul.f32 $1.442695020e+00, v2  }
0xcd: {  	(erf) = vpow2.f32 v1  }
0xce: {  	(erf) = vpow2.f32 v2;
	_ =	sdelay $0x2  }
0xcf: {  	v5 =	vld [tilespmem:$0x1FFD0];
	_ =	sdelay $0x4  }
0xd0: {  	v1 =	vpop (erf)  }
0xd1: {  	[tilespmem:v40+s31+$0x0] =	vst.idx.msk $0xffff, v1;
	v1 =	vpop (erf)  }
0xd2: {  	[tilespmem:v41+s31+$0x0] =	vst.idx.msk $0xffff, v1  }
0xd3: {  	v10 =	vld.idx.msk [tilespmem:v5+s24+$0x0], $0xffff  }
0xd4: {  	v5 =	vld [tilespmem:$0x1FFE0];
	_ =	sdelay $0x2  }
0xd5: {  	v1 =	vld.idx.msk [tilespmem:v42+s21+$0x0], $0xffff  }
0xd6: {  	v2 =	vld.idx.msk [tilespmem:v43+s21+$0x0], $0xffff  }
0xd7: {  	v3 =	vld.idx.msk [tilespmem:v44+s28+$0x0], $0xffff  }
0xd8: {  	v4 =	vld.idx.msk [tilespmem:v45+s28+$0x0], $0xffff;
	_ =	sdelay $0x1  }
0xd9: {  	v11 =	vld.idx.msk [tilespmem:v5+s24+$0x0], $0xffff;
	_ =	sdelay $0x1  }
0xda: {  	v1 =	vadd.f32 v3, v1  }
0xdb: {  	v2 =	vadd.f32 v4, v2  }
0xdc: {  	v1 =	vadd.f32 v10, v1  }
0xdd: {  	v2 =	vadd.f32 v11, v2  }
0xde: {  	v3 =	vmul.f32 $2.000000030e-01, v1  }
0xdf: {  	vm2 =	vgt.f32 v1, $0.0e+00;
	v4 =	vmul.f32 $2.000000030e-01, v2  }
0xe0: {  	v1 =	vsel vm2, v1, v3;
	vm2 =	vgt.f32 v2, $0.0e+00  }
0xe1: {  	v1 =	vmul.f32 $1.442695020e+00, v1;
	v2 =	vsel vm2, v2, v4  }
0xe2: {  	v2 =	vmul.f32 $1.442695020e+00, v2  }
0xe3: {  	(erf) = vpow2.f32 v1  }
0xe4: {  	(erf) = vpow2.f32 v2;
	_ =	sdelay $0x6  }
0xe5: {  	v5 =	vld [tilespmem:$0x1FFF0]  }
0xe6: {  	v1 =	vpop (erf)  }
0xe7: {  	[tilespmem:v46+s31+$0x0] =	vst.idx.msk $0xffff, v1;
	v1 =	vpop (erf)  }
0xe8: {  	[tilespmem:v47+s31+$0x0] =	vst.idx.msk $0xffff, v1  }
0xe9: {  	v1 =	vld.idx.msk [tilespmem:v48+s21+$0x0], $0xffff  }
0xea: {  	v2 =	vld.idx.msk [tilespmem:v49+s21+$0x0], $0xffff  }
0xeb: {  	v3 =	vld.idx.msk [tilespmem:v50+s28+$0x0], $0xffff  }
0xec: {  	v4 =	vld.idx.msk [tilespmem:v51+s28+$0x0], $0xffff  }
0xed: {  	v6 =	vld.idx.msk [tilespmem:v5+s24+$0x0], $0xffff  }
0xee: {  	v7 =	vld.idx.msk [tilespmem:v12+s24+$0x0], $0xffff;
	_ =	sdelay $0x1  }
0xef: {  	v1 =	vadd.f32 v3, v1  }
0xf0: {  	v2 =	vadd.f32 v4, v2  }
0xf1: {  	v1 =	vadd.f32 v6, v1  }
0xf2: {  	v2 =	vadd.f32 v7, v2  }
0xf3: {  	v3 =	vmul.f32 $2.000000030e-01, v1  }
0xf4: {  	vm2 =	vgt.f32 v1, $0.0e+00;
	v4 =	vmul.f32 $2.000000030e-01, v2  }
0xf5: {  	v1 =	vsel vm2, v1, v3;
	vm2 =	vgt.f32 v2, $0.0e+00  }
0xf6: {  	v2 =	vsel vm2, v2, v4;
	v1 =	vmul.f32 $1.442695020e+00, v1  }
0xf7: {  	v2 =	vmul.f32 $1.442695020e+00, v2  }
0xf8: {  	(erf) = vpow2.f32 v1  }
0xf9: {  	(erf) = vpow2.f32 v2;
	_ =	sdelay $0x7  }
0xfa: {  	v1 =	vpop (erf)  }
0xfb: {  	[tilespmem:v52+s31+$0x0] =	vst.idx.msk $0xffff, v1;
	v1 =	vpop (erf)  }
0xfc: {  	[tilespmem:v53+s31+$0x0] =	vst.idx.msk $0xffff, v1  }
0xfd: {  	v1 =	vld.idx.msk [tilespmem:v54+s21+$0x0], $0xffff  }
0xfe: {  	v2 =	vld.idx.msk [tilespmem:v55+s21+$0x0], $0xffff  }
0xff: {  	v3 =	vld.idx.msk [tilespmem:v56+s28+$0x0], $0xffff  }
0x100: {  	v4 =	vld.idx.msk [tilespmem:v57+s28+$0x0], $0xffff  }
0x101: {  	v8 =	vld.idx.msk [tilespmem:v13+s24+$0x0], $0xffff  }
0x102: {  	v9 =	vld.idx.msk [tilespmem:v14+s24+$0x0], $0xffff;
	_ =	sdelay $0x1  }
0x103: {  	v1 =	vadd.f32 v3, v1  }
0x104: {  	v2 =	vadd.f32 v4, v2  }
0x105: {  	v1 =	vadd.f32 v8, v1  }
0x106: {  	v2 =	vadd.f32 v9, v2  }
0x107: {  	v3 =	vmul.f32 $2.000000030e-01, v1  }
0x108: {  	vm2 =	vgt.f32 v1, $0.0e+00;
	v4 =	vmul.f32 $2.000000030e-01, v2  }
0x109: {  	v1 =	vsel vm2, v1, v3;
	vm2 =	vgt.f32 v2, $0.0e+00  }
0x10a: {  	v2 =	vsel vm2, v2, v4;
	v1 =	vmul.f32 $1.442695020e+00, v1  }
0x10b: {  	v2 =	vmul.f32 $1.442695020e+00, v2  }
0x10c: {  	(erf) = vpow2.f32 v1  }
0x10d: {  	(erf) = vpow2.f32 v2;
	_ =	sdelay $0x7  }
0x10e: {  	v2 =	vor.u32 $0x700, v17;
	v1 =	vpop (erf)  }
0x10f: {  	v3 =	vor.u32 $0x701, v17;
	[tilespmem:v58+s31+$0x0] =	vst.idx.msk $0xffff, v1;
	v1 =	vpop (erf)  }
0x110: {  	[tilespmem:v59+s31+$0x0] =	vst.idx.msk $0xffff, v1  }
0x111: {  	v1 =	vld.idx.msk [tilespmem:v60+s21+$0x0], $0xffff  }
0x112: {  	v4 =	vld.idx.msk [tilespmem:v61+s21+$0x0], $0xffff  }
0x113: {  	v2 =	vld.idx.msk [tilespmem:v2+s28+$0x0], $0xffff  }
0x114: {  	v3 =	vld.idx.msk [tilespmem:v3+s28+$0x0], $0xffff  }
0x115: {  	v10 =	vld.idx.msk [tilespmem:v15+s24+$0x0], $0xffff  }
0x116: {  	v11 =	vld.idx.msk [tilespmem:v16+s24+$0x0], $0xffff;
	_ =	sdelay $0x1  }
0x117: {  	v1 =	vadd.f32 v2, v1  }
0x118: {  	v2 =	vadd.f32 v3, v4  }
0x119: {  	v1 =	vadd.f32 v10, v1  }
0x11a: {  	v2 =	vadd.f32 v11, v2  }
0x11b: {  	v3 =	vmul.f32 $2.000000030e-01, v1  }
0x11c: {  	vm2 =	vgt.f32 v1, $0.0e+00;
	v4 =	vmul.f32 $2.000000030e-01, v2  }
0x11d: {  	v1 =	vsel vm2, v1, v3;
	vm2 =	vgt.f32 v2, $0.0e+00  }
0x11e: {  	v2 =	vsel vm2, v2, v4;
	v1 =	vmul.f32 $1.442695020e+00, v1  }
0x11f: {  	v2 =	vmul.f32 $1.442695020e+00, v2  }
0x120: {  	(erf) = vpow2.f32 v1  }
0x121: {  	(erf) = vpow2.f32 v2;
	_ =	sdelay $0x3  }
0x122: {  	v1 =	vor.u32 $0x380, v18  }
0x123: {  	v2 =	vor.u32 $0x381, v18;
	_ =	sdelay $0x2  }
0x124: {  	v3 =	vpop (erf)  }
0x125: {  	s19 =	simm.s32 $0x0;
	[tilespmem:v1+s31+$0x0] =	vst.idx.msk $0xffff, v3;
	v1 =	vpop (erf)  }
0x126: {  	s16 =	simm.s32 $0x240;
	[tilespmem:v2+s31+$0x0] =	vst.idx.msk $0xffff, v1;
	v1 =	vmov s19  }
0x127: {  	v2 =	vor.u32 $0x1, v1;
	v3 =	vld [tilespmem:s16+$0xFFFFFFF0]  }
0x128: {  	v4 =	vld [tilespmem:s16+$0x30]  }
0x129: {  	v62 =	vld [tilespmem:s16+$0x20]  }
0x12a: {  	v63 =	vld [tilespmem:s16+$0xFFFFFFE0]  }
0x12b: {  	v5 =	vld.idx.msk [tilespmem:v1+s31+$0x0], $0xffff  }
0x12c: {  	v1 =	vld.idx.msk [tilespmem:v2+s31+$0x0], $0xffff  }
0x12d: {  	v6 =	vld [tilespmem:s16+$0x0]  }
0x12e: {  	v2 =	vld [tilespmem:s16+$0x10]  }
0x12f: {  	v7 =	vld [tilespmem:s16+$0xFFFFFFD0]  }
0x130: {  	v8 =	vld [tilespmem:s16+$0xFFFFFFC0];
	v3 =	vmul.f32 v3, v5  }
0x131: {  	v9 =	vnsel vm0, $0x0, v5;
	v4 =	vmul.f32 v4, v1;
	v10 =	vsel vm1, $0x0, v1  }
0x132: {  	[tilespmem:s16+$0xFFFFFFF0] =	vst v3;
	v9 =	vadd.f32 v10, v9  }
0x133: {  	v3 =	vmul.f32 v2, v1;
	[tilespmem:s16+$0x30] =	vst v4;
	v4 =	vmul.f32 v62, v1  }
0x134: {  	v2 =	vmul.f32 v6, v1;
	v62 =	vmul.f32 v63, v5;
	[tilespmem:s16+$0x40] =	vst v9  }
0x135: {  	s18 =	simm.s32 $0x2;
	s17 =	simm.s32 $0x240;
	s19 =	simm.s32 $0x8;
	v1 =	vmul.f32 v7, v5;
	v63 =	vmul.f32 v8, v5;
	[tilespmem:s16+$0x20] =	vst v4  }
.LBB2_5:
0x136: {  	p0 =	sne.s32 s18, $0x7F;
	v4 =	vmov s19;
	[tilespmem:s16+$0x10] =	vst v3;
	s17 =	sadd.s32 $0x90, s17  }
0x137: {  	v3 =	vor.u32 $0x1, v4;
	v5 =	vld [tilespmem:s17+$0xFFFFFFF0];
	[tilespmem:s16+$0x0] =	vst v2  }
0x138: {  	v2 =	vld [tilespmem:s17+$0x30];
	[tilespmem:s16+$0xFFFFFFE0] =	vst v62  }
0x139: {  	v6 =	vld [tilespmem:s17+$0x20];
	[tilespmem:s16+$0xFFFFFFD0] =	vst v1  }
0x13a: {  	v1 =	vld [tilespmem:s17+$0xFFFFFFE0];
	[tilespmem:s16+$0xFFFFFFC0] =	vst v63;
	s16 =	smov.u32 s17  }
0x13b: {  	v4 =	vld.idx.msk [tilespmem:v4+s31+$0x0], $0xffff  }
0x13c: {  	v7 =	vld.idx.msk [tilespmem:v3+s31+$0x0], $0xffff  }
0x13d: {  	v3 =	vld [tilespmem:s17+$0x10]  }
0x13e: {  	v8 =	vld [tilespmem:s17+$0x0]  }
0x13f: {  	v9 =	vld [tilespmem:s17+$0xFFFFFFD0]  }
0x140: {  	v10 =	vld [tilespmem:s17+$0xFFFFFFC0]  }
0x141: {  	v62 =	vmul.f32 v1, v4;
	v1 =	vmul.f32 v5, v4  }
.Ltmp1:
0x142: {  	v5 =	vmul.f32 v2, v7;
	v2 =	vnsel vm0, $0x0, v4;
	v63 =	vsel vm1, $0x0, v7;
	(pc) =	sbr.rel @p0 .LBB2_5-.Ltmp1, $4  }
0x143: {  	v6 =	vmul.f32 v6, v7;
	v3 =	vmul.f32 v3, v7;
	v11 =	vadd.f32 v63, v2;
	[tilespmem:s17+$0xFFFFFFF0] =	vst v1  }
0x144: {  	v2 =	vmul.f32 v8, v7;
	v1 =	vmul.f32 v9, v4;
	[tilespmem:s17+$0x30] =	vst v5  }
0x145: {  	v63 =	vmul.f32 v10, v4;
	[tilespmem:s17+$0x40] =	vst v11  }
0x146: {  	s19 =	sshll.u32 s18, $0x3;
	s18 =	sadd.s32 $0x1, s18;
	[tilespmem:s17+$0x20] =	vst v6  }
0x147: {  	[tilespmem:s16+$0x10] =	vst v3;
	s17 =	sadd.s32 $0x90, s17;
	v4 =	vmov s19  }
0x148: {  	v3 =	vld [tilespmem:s17+$0xFFFFFFF0];
	[tilespmem:s16+$0x0] =	vst v2  }
0x149: {  	v2 =	vor.u32 $0x1, v4;
	[tilespmem:s16+$0xFFFFFFE0] =	vst v62  }
0x14a: {  	[tilespmem:s16+$0xFFFFFFD0] =	vst v1  }
0x14b: {  	v1 =	vld [tilespmem:s17+$0xFFFFFFE0];
	[tilespmem:s16+$0xFFFFFFC0] =	vst v63  }
0x14c: {  	v4 =	vld.idx.msk [tilespmem:v4+s31+$0x0], $0xffff  }
0x14d: {  	v5 =	vld [tilespmem:s17+$0x30]  }
0x14e: {  	v2 =	vld.idx.msk [tilespmem:v2+s31+$0x0], $0xffff  }
0x14f: {  	v6 =	vld [tilespmem:s17+$0x20]  }
0x150: {  	v7 =	vld [tilespmem:s17+$0x10]  }
0x151: {  	v8 =	vld [tilespmem:s17+$0x0];
	v3 =	vmul.f32 v3, v4  }
0x152: {  	v1 =	vmul.f32 v1, v4  }
0x153: {  	v62 =	vld [tilespmem:s17+$0xFFFFFFC0];
	v5 =	vmul.f32 v5, v2;
	[tilespmem:s17+$0xFFFFFFF0] =	vst v3  }
0x154: {  	v11 =	vld [tilespmem:s17+$0xFFFFFFD0];
	v6 =	vmul.f32 v6, v2;
	[tilespmem:s17+$0xFFFFFFE0] =	vst v1  }
0x155: {  	v63 =	vmul.f32 v7, v2;
	[tilespmem:s17+$0x30] =	vst v5  }
0x156: {  	v9 =	vnsel vm0, $0x0, v4;
	v10 =	vsel vm1, $0x0, v2;
	v2 =	vmul.f32 v8, v2;
	[tilespmem:s17+$0x20] =	vst v6  }
0x157: {  	v3 =	vadd.f32 v10, v9;
	[tilespmem:s17+$0x10] =	vst v63  }
0x158: {  	[tilespmem:s17+$0x0] =	vst v2;
	v2 =	vmul.f32 v62, v4  }
0x159: {  	s15 =	sadd.s32 $0x1, s15;
	[tilespmem:s17+$0x40] =	vst v3;
	v3 =	vmul.f32 v11, v4  }
0x15a: {  	p0 =	sne.s32 s15, $0x4F;
	[tilespmem:s17+$0xFFFFFFC0] =	vst v2  }
.Ltmp2:
0x15b: {  	[tilespmem:s17+$0xFFFFFFD0] =	vst v3;
	(pc) =	sbr.rel @p0 .LBB2_4-.Ltmp2, $4  }
0x15c: {  	[spmem:s1] =	stream.indirect.scatter.add.f32 [tilespmem:s21], [sflag:$0x3], $0x90, s23, s23, $0xb8;
	[tilespmem:$0x1BB80] =	vst v63  }
0x15d: {  	_ =	swait.ge [sflag:s22], $0x4800  }
0x15e: {  	[sflag:s22] =	ssyncset.done $0x0  }
0x15f: {  	[sflag:s22] =	ssyncadd.s32 $0xFFFFB800  }
0x160: {  	[bflag:$0x0] =	sbarrier.arrive $0xFFFF  }
0x161: {  	[tilespmem:s21], [sflag:$0x3] =	stream.linear.gather [spmem:s9], $0x4800, $0x38;
	[tilespmem:$0x1BB80] =	vst v63  }
0x162: {  	_ =	swait.ge [sflag:s22], $0x4800  }
0x163: {  	[sflag:s22] =	ssyncset.done $0x0  }
0x164: {  	s3 =	rddreg [dreg:$0x3];
	[sflag:s22] =	ssyncadd.s32 $0xFFFFB800  }
0x165: {  	[hbm4b:s3+s2] =	stream.linear.scatter [tilespmem:s21], [sflag:$0x3], $0x4800, $0x38;
	[tilespmem:$0x1BB80] =	vst v63  }
0x166: {  	_ =	swait.ge [sflag:s22], $0x4800  }
0x167: {  	[sflag:s22] =	ssyncset.done $0x0  }
0x168: {  	[sflag:s22] =	ssyncadd.s32 $0xFFFFB800  }
0x169: {  	[tilespmem:s21], [sflag:$0x3] =	stream.linear.gather [spmem:s10], $0x4800, $0x38;
	[tilespmem:$0x1BB80] =	vst v63  }
0x16a: {  	_ =	swait.ge [sflag:s22], $0x4800  }
0x16b: {  	[sflag:s22] =	ssyncset.done $0x0  }
0x16c: {  	s16 =	rddreg [dreg:$0x4];
	[sflag:s22] =	ssyncadd.s32 $0xFFFFB800  }
0x16d: {  	[hbm4b:s16+s2] =	stream.linear.scatter [tilespmem:s21], [sflag:$0x3], $0x4800, $0x38;
	[tilespmem:$0x1BB80] =	vst v63  }
0x16e: {  	_ =	swait.ge [sflag:s22], $0x4800  }
0x16f: {  	[sflag:s22] =	ssyncset.done $0x0  }
0x170: {  	[sflag:s22] =	ssyncadd.s32 $0xFFFFB800  }
0x171: {  	[tilespmem:s21], [sflag:$0x3] =	stream.linear.gather [spmem:s11], $0x4800, $0x38;
	[tilespmem:$0x1BB80] =	vst v63  }
0x172: {  	_ =	swait.ge [sflag:s22], $0x4800  }
0x173: {  	[sflag:s22] =	ssyncset.done $0x0  }
0x174: {  	s17 =	rddreg [dreg:$0x5];
	[sflag:s22] =	ssyncadd.s32 $0xFFFFB800  }
0x175: {  	[hbm4b:s17+s2] =	stream.linear.scatter [tilespmem:s21], [sflag:$0x3], $0x4800, $0x38;
	[tilespmem:$0x1BB80] =	vst v63  }
0x176: {  	_ =	swait.ge [sflag:s22], $0x4800  }
0x177: {  	[sflag:s22] =	ssyncset.done $0x0  }
0x178: {  	[sflag:s22] =	ssyncadd.s32 $0xFFFFB800  }
0x179: {  	[tilespmem:s21], [sflag:$0x3] =	stream.linear.gather [spmem:s12], $0x4800, $0x38;
	[tilespmem:$0x1BB80] =	vst v63  }
0x17a: {  	_ =	swait.ge [sflag:s22], $0x4800  }
0x17b: {  	[sflag:s22] =	ssyncset.done $0x0  }
0x17c: {  	s18 =	rddreg [dreg:$0x6];
	[sflag:s22] =	ssyncadd.s32 $0xFFFFB800  }
0x17d: {  	[hbm4b:s18+s2] =	stream.linear.scatter [tilespmem:s21], [sflag:$0x3], $0x4800, $0x38;
	[tilespmem:$0x1BB80] =	vst v63  }
0x17e: {  	_ =	swait.ge [sflag:s22], $0x4800  }
0x17f: {  	[sflag:s22] =	ssyncset.done $0x0  }
0x180: {  	[sflag:s22] =	ssyncadd.s32 $0xFFFFB800  }
0x181: {  	[tilespmem:s21], [sflag:$0x3] =	stream.linear.gather [spmem:s13], $0x4380, $0x38;
	[tilespmem:$0x1BB80] =	vst v63  }
0x182: {  	s0 =	sadd.s32 $0x1, s0;
	_ =	swait.ge [sflag:s22], $0x4380  }
0x183: {  	p0 =	sne.s32 s0, s20;
	[sflag:s22] =	ssyncset.done $0x0  }
.Ltmp3:
0x184: {  	s19 =	rddreg [dreg:$0x7];
	[sflag:s22] =	ssyncadd.s32 $0xFFFFBC80;
	(pc) =	sbr.rel @p0 .LBB2_1-.Ltmp3, $4  }
0x185: {  	[hbm4b:s19+s2] =	stream.linear.scatter [tilespmem:s21], [sflag:$0x3], $0x4380, $0x38;
	[tilespmem:$0x1BB80] =	vst v63  }
0x186: {  	_ =	swait.ge [sflag:s22], $0x4380  }
0x187: {  	[sflag:s22] =	ssyncset.done $0x0  }
0x188: {  	[sflag:s22] =	ssyncadd.s32 $0xFFFFBC80  }
0x189: {  	_ =	sfence.sel $0x180000  }
0x18a: {  	[bflag:$0x0] =	sbarrier.arrive $0xFFFF  }
0x18b: {  	_ =	strace $0x9000004A  }
0x18c: {  	s0 =	stileid.u32;
	[bflag:$0x2] =	sbarrier.arrive $0xFFFF  }
0x18d: {  	p0 =	sne.s32 s0, $0x0;
	s0 =	rddreg [dreg:$0x2]  }
0x18e: {  	s0 =	sadd.s32 @!p0 $0x100000, s0  }
0x18f: {  	[sflag:s0] =	ssyncadd.tile.s32 @!p0 $0x1;
	_ =	shalt  }
.Lfunc_end2:
_tile_overlayer_lowered:
.L_overlay_start_2:
0x190: {  	(tag) =	ssettag $0x2  }
0x191: {  	s0 =	rddreg [dreg:$0x0];
	s2 =	stileid.u32  }
0x192: {  	s1 =	rddreg [dreg:$0x1];
	p0 =	sne.s32 s2, $0x0  }
0x193: {  	s3 =	rddreg [dreg:$0x2];
	[bflag:$0x3] =	sbarrier.arrive $0xFFFF;
	s2 =	simm.s32 @!p0 $0x1C03  }
0x194: {  	[timem:s3], [sflag:s2] =	dma.local @!p0 [hbm:s0], s1  }
0x195: {  	s0 =	simm.s32 @!p0 $0x3  }
0x196: {  	_ =	swait.ge @!p0 [sflag:s0], s1  }
0x197: {  	s1 =	ssub.s32 @!p0 $0x0, s1;
	[sflag:s0] =	ssyncset.done @!p0 $0x0  }
0x198: {  	[sflag:s0] =	ssyncadd.s32 @!p0 s1  }
0x199: {  	[bflag:$0x3] =	sbarrier.arrive $0xFFFF  }
0x19a: {  	_ =	shalt  }

// kernel: kernel.17.cloned.1.call-start
scs
__scs_entry_jumppad:
0x0: {  	(pc) =	sbr.rel $0x88, $3  }
0x1: {  	(tag) =	ssettag $0x0;
	lr =	simm.s32 $0x1  }
0x2: {  	[smem:$0x3F76] =	sst lr;
	_ =	strace $0xD0000000  }
0x3: {  	_ = 	snop  }
0x4: {  	_ = 	snop  }
0x5: {  	_ = 	snop  }
0x6: {  	_ = 	snop  }
0x7: {  	_ = 	snop  }
__scs_overlays_trampoline_lowered:
0x8: {  	[smem:$0x3F85] =	sst s0  }
0x9: {  	[smem:$0x3F86] =	sst s1  }
0xa: {  	[smem:$0x3F87] =	sst s2  }
0xb: {  	[smem:$0x3F88] =	sst s3  }
0xc: {  	[smem:$0x3F89] =	sst s4  }
0xd: {  	[smem:$0x3F8A] =	sst s5  }
0xe: {  	[smem:$0x3F8B] =	sst s6  }
0xf: {  	[smem:$0x3F8C] =	sst s7  }
0x10: {  	[smem:$0x3F8D] =	sst s8  }
0x11: {  	[smem:$0x3F8E] =	sst s9;
	s0 =	simm.s32 @!p0 $0x0  }
0x12: {  	s1 =	sld [smem:$0x3F74];
	s0 =	simm.s32 @p0 $0x1  }
0x13: {  	[smem:$0x3F8F] =	sst s0;
	s0 =	simm.s32 @!p1 $0x0  }
0x14: {  	s2 =	sld [smem:$0x3F73];
	s0 =	simm.s32 @p1 $0x1  }
0x15: {  	[smem:$0x3F90] =	sst s0;
	s0 =	simm.s32 @!p2 $0x0  }
0x16: {  	s3 =	sld [smem:$0x3FDB];
	s0 =	simm.s32 @p2 $0x1  }
0x17: {  	s4 =	simm.s32 $0x1BF5;
	[smem:$0x3F92] =	sst s0  }
0x18: {  	s0 =	sld [smem:$0x3F75];
	_ =	swait.ge [sflag:s4], $0x0  }
0x19: {  	s7 =	sld [smem:$0x3F76]  }
0x1a: {  	s8 =	sadd.s32 $0xFFFFE003, lr  }
0x1b: {  	s9 =	sadd.s32 $0xFFFFFEF7, lr;
	s5 =	simm.s32 $0xFFFFFFFF;
	p2 =	slt.u32 s8, $0xFFFFF086  }
0x1c: {  	p1 =	slt.u32 s9, $0xF7A;
	s5 =	simm.s32 @!p2 $0x0  }
0x1d: {  	s5 =	simm.s32 @p1 $0x1;
	p0 =	seq.s32 s7, s2  }
0x1e: {  	s7 =	smul.u32 @!p0 $0xF7A, s2;
	p2 =	seq.s32 @!p0 s5, $0x0  }
0x1f: {  	s9 =	smul.u32 $0xF7A, s1;
	s8 =	simm.s32 @!p0 $0x1BF5;
	p2 =	por !p2, p0  }
0x20: {  	[sflag:s8] =	ssyncset.s32 @!p0 $0xFFFFF086;
	s6 =	sadd.s32 @!p0 s3, s7;
	s7 =	simm.s32 @!p0 $0x108  }
0x21: {  	s3 =	sadd.s32 s3, s9;
	s6 =	sadd.s32 @!p0 $0x88, s6;
	s7 =	simm.s32 @p2 $0x1082  }
0x22: {  	[simem:s7], [sflag:s8] =	dma.local @!p0 [hbm:s6], $0xF7A  }
0x23: {  	s9 =	sor.u32 $0xD0000000, s2;
	s6 =	simm.s32 $0x108;
	_ =	swait.ge @!p0 [sflag:s8], $0x0  }
0x24: {  	s3 =	sadd.s32 $0x88, s3;
	s6 =	simm.s32 @!p1 $0x1082;
	[sflag:s4] =	ssyncset.s32 $0xFFFFF086  }
0x25: {  	[simem:s6], [sflag:s4] =	dma.local [hbm:s3], $0xF7A  }
0x26: {  	[smem:$0x3F76] =	sst s1;
	(tag) =	ssettag s2;
	_ =	strace s9  }
0x27: {  	s1 =	sld [smem:$0x3F86]  }
0x28: {  	s2 =	sld [smem:$0x3F87]  }
0x29: {  	s4 =	sld [smem:$0x3F89]  }
0x2a: {  	p0 =	seq.s32 s5, $0x0;
	s5 =	sld [smem:$0x3F8A]  }
0x2b: {  	s6 =	sld [smem:$0x3F8B]  }
0x2c: {  	s7 =	sld [smem:$0x3F8C]  }
0x2d: {  	s3 =	simm.s32 $0x108;
	s8 =	sld [smem:$0x3F8D]  }
0x2e: {  	s3 =	simm.s32 @!p0 $0x1082;
	s9 =	sld [smem:$0x3F8E]  }
0x2f: {  	lr =	sadd.s32 s0, s3;
	s0 =	sld [smem:$0x3F85]  }
0x30: {  	s3 =	sld [smem:$0x3F88]  }
0x31: {  	[smem:$0x3F91] =	sst s10  }
0x32: {  	s10 =	sld [smem:$0x3F8F];
	_ =	sdelay $0x3  }
0x33: {  	p0 =	seq.s32 s10, $0x1;
	s10 =	sld [smem:$0x3F91];
	_ =	sdelay $0x3  }
0x34: {  	[smem:$0x3F91] =	sst s10  }
0x35: {  	s10 =	sld [smem:$0x3F90];
	_ =	sdelay $0x3  }
0x36: {  	p1 =	seq.s32 s10, $0x1;
	s10 =	sld [smem:$0x3F91];
	_ =	sdelay $0x3  }
0x37: {  	[smem:$0x3F91] =	sst s10  }
0x38: {  	s10 =	sld [smem:$0x3F92]  }
0x39: {  	_ = 	snop;
	(pc) =	sbr.ind lr, $3  }
0x3a: {  	_ = 	snop  }
0x3b: {  	_ = 	snop  }
0x3c: {  	p2 =	seq.s32 s10, $0x1;
	s10 =	sld [smem:$0x3F91]  }
0x3d: {  	_ =	shalt  }
0x3e: {  	_ =	shalt  }
0x3f: {  	_ =	shalt  }
0x40: {  	_ =	shalt  }
0x41: {  	_ =	shalt  }
0x42: {  	_ =	shalt  }
0x43: {  	_ =	shalt  }
0x44: {  	_ =	shalt  }
0x45: {  	_ =	shalt  }
0x46: {  	_ =	shalt  }
0x47: {  	_ =	shalt  }
0x48: {  	_ =	shalt  }
0x49: {  	_ =	shalt  }
0x4a: {  	_ =	shalt  }
0x4b: {  	_ =	shalt  }
0x4c: {  	_ =	shalt  }
0x4d: {  	_ =	shalt  }
0x4e: {  	_ =	shalt  }
0x4f: {  	_ =	shalt  }
0x50: {  	_ =	shalt  }
0x51: {  	_ =	shalt  }
0x52: {  	_ =	shalt  }
0x53: {  	_ =	shalt  }
0x54: {  	_ =	shalt  }
0x55: {  	_ =	shalt  }
0x56: {  	_ =	shalt  }
0x57: {  	_ =	shalt  }
0x58: {  	_ =	shalt  }
0x59: {  	_ =	shalt  }
0x5a: {  	_ =	shalt  }
0x5b: {  	_ =	shalt  }
0x5c: {  	_ =	shalt  }
0x5d: {  	_ =	shalt  }
0x5e: {  	_ =	shalt  }
0x5f: {  	_ =	shalt  }
0x60: {  	_ =	shalt  }
0x61: {  	_ =	shalt  }
0x62: {  	_ =	shalt  }
0x63: {  	_ =	shalt  }
0x64: {  	_ =	shalt  }
0x65: {  	_ =	shalt  }
0x66: {  	_ =	shalt  }
0x67: {  	_ =	shalt  }
0x68: {  	_ =	shalt  }
0x69: {  	_ =	shalt  }
0x6a: {  	_ =	shalt  }
0x6b: {  	_ =	shalt  }
0x6c: {  	_ =	shalt  }
0x6d: {  	_ =	shalt  }
0x6e: {  	_ =	shalt  }
0x6f: {  	_ =	shalt  }
0x70: {  	_ =	shalt  }
0x71: {  	_ =	shalt  }
0x72: {  	_ =	shalt  }
0x73: {  	_ =	shalt  }
0x74: {  	_ =	shalt  }
0x75: {  	_ =	shalt  }
0x76: {  	_ =	shalt  }
0x77: {  	_ =	shalt  }
0x78: {  	_ =	shalt  }
0x79: {  	_ =	shalt  }
0x7a: {  	_ =	shalt  }
0x7b: {  	_ =	shalt  }
0x7c: {  	_ =	shalt  }
0x7d: {  	_ =	shalt  }
0x7e: {  	_ =	shalt  }
0x7f: {  	_ =	shalt  }
0x80: {  	_ =	shalt  }
0x81: {  	_ =	shalt  }
0x82: {  	_ =	shalt  }
0x83: {  	_ =	shalt  }
0x84: {  	_ =	shalt  }
0x85: {  	_ =	shalt  }
0x86: {  	_ =	shalt  }
0x87: {  	_ =	shalt  }
.Lfunc_end0:
.L_simem_size_0:
called_computation.2_lowered:
.L_overlay_start_0:
0x88: {  	s2 =	sld [smem:$0x3FD9]  }
0x89: {  	s3 =	sld [smem:$0x3FFE];
	_ =	sdelay $0x1  }
0x8a: {  	s1 =	srdreg.scid  }
0x8b: {  	s0 =	sand.u32 $0x1, s1  }
0x8c: {  	s16 =	sshll.u32 s0, $0xA;
	s2 =	sadd.s32 s3, s2  }
0x8d: {  	s2 =	sadd.s32 s2, s16  }
0x8e: {  	[smem:$0x3F9D] =	sst s2  }
0x8f: {  	_ = 	snop  }
0x90: {  	(tm) =	ssettm $0x1  }
0x91: {  	s17 =	sld [smem:$0x3FFB];
	_ =	sdelay $0x3  }
0x92: {  	_ =	strace s17  }
0x93: {  	s2 =	sld [smem:$0x3FFC];
	_ =	sdelay $0x3  }
0x94: {  	_ =	strace s2  }
0x95: {  	s2 =	sld [smem:$0x3FFD];
	_ =	sdelay $0x3  }
0x96: {  	_ =	strace s2  }
0x97: {  	_ =	strace $0x8FFFFFFF  }
0x98: {  	s18 =	sld [smem:$0x3FDB];
	_ =	sdelay $0x1  }
0x99: {  	s19 =	simm.s32 $_scs_section_size  }
0x9a: {  	s4 =	simm.s32 $_size__tile_overlayer_lowered;
	s5 =	simm.s32 $_tile_overlayer_lowered  }
0x9b: {  	s22 =	simm.s32 $0x1BFF;
	s21 =	sshll.u32 s5, $0x1;
	s2 =	sadd.s32 s19, s18  }
0x9c: {  	s6 =	simm.s32 $0x0;
	s20 =	sshll.u32 s4, $0x1;
	s4 =	sadd.s32 s21, s2  }
0x9d: {  	[timem:s6], [sflag:s22] =	dma.local [hbm:s4], s20  }
0x9e: {  	_ =	swait.ge [sflag:s22], s20  }
0x9f: {  	s3 =	ssub.s32 $0x0, s20;
	[sflag:s22] =	ssyncset.done $0x0  }
0xa0: {  	[sflag:s22] =	ssyncadd.s32 s3;
	_ =	sdelay $0x1  }
0xa1: {  	s23 =	simm.s32 $0x1B8B  }
0xa2: {  	_ =	swait.ge [sflag:s23], $0x1  }
0xa3: {  	[sflag:s23] =	ssyncset.done $0x0  }
0xa4: {  	s25 =	simm.s32 $0x1B8E;
	s24 =	sld [smem:$0x3FFE];
	[sflag:s23] =	ssyncadd.s32 $0xFFFFFFFF  }
0xa5: {  	s26 =	simm.s32 $execute0_lowered;
	[smem:$0x3FD2] =	sst s25  }
0xa6: {  	s4 =	sshll.u32 s26, $0x1;
	_ =	strace $0x8000004C;
	[dreg:$0x1] =	wrdreg $0xFFFFFFFF  }
0xa7: {  	s28 =	simm.s32 $_size_execute0_lowered;
	s2 =	sadd.s32 s2, s4;
	[dreg:$0x0] =	wrdreg $0x0  }
0xa8: {  	s4 =	sshll.u32 s28, $0x1;
	[dreg:$0x2] =	wrdreg s2  }
0xa9: {  	[dreg:$0x3] =	wrdreg s4  }
0xaa: {  	[dreg:$0x4] =	wrdreg $0xC0  }
0xab: {  	_ =	task [dreg:s6], $0x5FFFF  }
0xac: {  	[dreg:$0x1] =	wrdreg $0xFFFFFFFF  }
0xad: {  	[dreg:$0x0] =	wrdreg $0x60  }
0xae: {  	[dreg:$0x2] =	wrdreg s24  }
0xaf: {  	[dreg:$0x3] =	wrdreg $0x58000  }
0xb0: {  	[dreg:$0x4] =	wrdreg $0x9  }
0xb1: {  	_ =	task.clear_ibuf [dreg:s6], $0x5FFFF;
	_ =	strace $0x9000004C  }
0xb2: {  	s29 =	simm.s32 $0x9;
	_ =	strace $0x8000004E  }
0xb3: {  	_ =	swait.ge [sflag:s29], $0x1  }
0xb4: {  	[sflag:s29] =	ssyncadd.s32 $0xFFFFFFFF  }
0xb5: {  	_ =	strace $0x9000004E  }
0xb6: {  	_ =	sfence  }
0xb7: {  	s30 =	sld [smem:$0x0];
	_ =	sdelay $0x2  }
0xb8: {  	s31 =	sshll.u32 s1, $0xD;
	s1 =	sshrl.u32 s1, $0x2  }
0xb9: {  	s3 =	sand.u32 $0x4000, s31;
	s1 =	sadd.s32 s1, s30  }
0xba: {  	s0 =	sor.u32 s3, s0;
	s1 =	sshll.u32 s1, $0x11  }
0xbb: {  	s0 =	sor.u32 s1, s0  }
0xbc: {  	s0 =	sadd.s32 $0x8F2B, s0  }
0xbd: {  	[sflag:s0] =	ssyncadd.remote.s32 $0x1  }
0xbe: {  	_ =	sfence.sel $0xFFFF  }
0xbf: {  	[dreg:$0x0] =	wrdreg $0xFFFFFFFF;
	(pc) =	sbr.abs _section_cstart, $3  }
0xc0: {  	[dreg:$0x1] =	wrdreg $0xFFFFFFFF  }
0xc1: {  	_ =	task.clear_ibuf [dreg:s6], $0x2FFFF;
	_ =	strace $0x9FFFFFFF  }
0xc2: {  	(tm) =	ssettm $0x7FFFFFFF  }
0xc3: {  	_ =	shalt  }
tec
execute0_lowered:
.L_overlay_start_1:
0x0: {  	(tag) =	ssettag $0x1  }
0x1: {  	v1 =	vlaneseq.u32  }
0x2: {  	s0 =	srdreg.scid;
	v2 =	vmul.u32 $0x4, v1  }
0x3: {  	s0 =	sand.u32 $0x1, s0  }
0x4: {  	s3 =	sshll.u32 s0, $0x1;
	v3 =	vor.u32 $0x1, v2  }
0x5: {  	v3 =	vor.u32 s3, v3  }
0x6: {  	[tilespmem:$0x1FF60] =	vst v3;
	v3 =	vor.u32 $0x40, v2  }
0x7: {  	v3 =	vor.u32 s3, v3  }
0x8: {  	[tilespmem:$0x1FF70] =	vst v3;
	v3 =	vor.u32 $0x41, v2  }
0x9: {  	v5 =	vor.u32 $0x80, v2;
	v3 =	vor.u32 s3, v3  }
0xa: {  	[tilespmem:$0x1FF80] =	vst v3;
	v3 =	vor.u32 s3, v5  }
0xb: {  	v19 =	vimm.f32 $0.0e+00;
	vm0 =	vmmov $0x1;
	[tilespmem:$0x1FF90] =	vst v3;
	v3 =	vor.u32 $0x81, v2  }
0xc: {  	vm1 =	vcmask $0x308;
	v17 =	vmul.u32 $0x10, v1;
	v3 =	vor.u32 s3, v3  }
0xd: {  	v18 =	vmul.u32 $0x8, v1;
	v4 =	vor.u32 s3, v2;
	[tilespmem:$0x1FFA0] =	vst v3;
	v3 =	vor.u32 $0xC0, v2  }
0xe: {  	v8 =	vor.u32 $0xC1, v2;
	v11 =	vor.u32 $0x140, v2;
	v3 =	vor.u32 s3, v3  }
0xf: {  	v14 =	vor.u32 $0x181, v2;
	v22 =	vor.u32 $0x1, v17;
	[tilespmem:$0x1FFB0] =	vst v3;
	v3 =	vor.u32 s3, v8  }
0x10: {  	v23 =	vor.u32 $0x1, v18;
	v26 =	vor.u32 $0x100, v17;
	[tilespmem:$0x1FFC0] =	vst v3;
	v3 =	vor.u32 $0x100, v2  }
0x11: {  	s10 =	rddreg [dreg:$0x0];
	s2 =	simm.s32 $0x0;
	v27 =	vor.u32 $0x101, v17;
	v28 =	vor.u32 $0x80, v18;
	v3 =	vor.u32 s3, v3  }
0x12: {  	s17 =	stileid.u32;
	s21 =	simm.s32 $0x200;
	s28 =	simm.s32 $0x4A00;
	v29 =	vor.u32 $0x81, v18;
	v32 =	vor.u32 $0x200, v17;
	[tilespmem:$0x1FFD0] =	vst v3;
	v3 =	vor.u32 $0x101, v2  }
0x13: {  	s29 =	simm.s32 $0x1;
	s31 =	simm.s32 $0x5400;
	[smem:$0x7FF] =	sst s2;
	v33 =	vor.u32 $0x201, v17;
	v34 =	vor.u32 $0x100, v18;
	v3 =	vor.u32 s3, v3  }
0x14: {  	s9 =	smul.u32 $0x278, s17;
	s4 =	sadd.s32 $0xCEA00, s10;
	s5 =	sadd.s32 $0x6C00, s10;
	v35 =	vor.u32 $0x101, v18;
	v38 =	vor.u32 $0x300, v17;
	[tilespmem:$0x1FFE0] =	vst v3;
	v3 =	vor.u32 s3, v11  }
0x15: {  	s30 =	simm.s32 $0x2;
	s11 =	smul.u32 $0x58E00, s17;
	s6 =	sadd.s32 $0x14A00, s10;
	v39 =	vor.u32 $0x301, v17;
	v40 =	vor.u32 $0x180, v18;
	[tilespmem:$0x1FFF0] =	vst v3;
	v3 =	vor.u32 $0x141, v2  }
0x16: {  	s7 =	sadd.s32 $0x2D600, s10;
	s8 =	sadd.s32 $0x28600, s10;
	s22 =	smul.u32 $0x2780, s0;
	v41 =	vor.u32 $0x181, v18;
	v12 =	vor.u32 s3, v3;
	v3 =	vor.u32 $0x180, v2  }
0x17: {  	s15 =	sadd.s32 $0x32600, s10;
	s1 =	smul.u32 $0x2710, s0;
	s0 =	ssub.s32 $0x2, s0;
	v13 =	vor.u32 s3, v3;
	v3 =	vor.u32 $0x1C0, v2;
	v2 =	vor.u32 $0x1C1, v2  }
0x18: {  	s11 =	sshrl.u32 s11, $0x2;
	s12 =	sshrl.u32 s0, $0x1;
	v14 =	vor.u32 s3, v14;
	v15 =	vor.u32 s3, v3;
	v16 =	vor.u32 s3, v2;
	s3 =	sadd.s32 s9, s22  }
0x19: {  	v44 =	vor.u32 $0x400, v17;
	v45 =	vor.u32 $0x401, v17;
	v0 =	vmov s1;
	s1 =	rddreg [dreg:$0x1];
	s0 =	ssub.s32 s0, s12;
	s13 =	smul.u32 $0x90, s3  }
0x1a: {  	v46 =	vor.u32 $0x200, v18;
	v47 =	vor.u32 $0x201, v18;
	v50 =	vor.u32 $0x500, v17;
	[tilespmem:$0x1FF50] =	vst v4;
	s20 =	smax.u32 s0, $0x1;
	s0 =	simm.s32 $0x0;
	s3 =	smul.u32 $0x12, s3  }
0x1b: {  	v51 =	vor.u32 $0x501, v17;
	v52 =	vor.u32 $0x280, v18;
	_ =	strace $0x8000004D;
	v3 =	vmul.u32 $0x90, v1;
	s9 =	sadd.s32 s11, s1;
	s14 =	sshrl.u32 s13, $0x3  }
0x1c: {  	v53 =	vor.u32 $0x281, v18;
	v56 =	vor.u32 $0x600, v17;
	v57 =	vor.u32 $0x601, v17;
	s22 =	simm.s32 $0x3;
	s3 =	sadd.s32 s15, s3;
	s16 =	sadd.s32 s15, s14  }
0x1d: {  	v58 =	vor.u32 $0x300, v18;
	v59 =	vor.u32 $0x301, v18;
	s10 =	sadd.s32 $0x4800, s9;
	v20 =	vadd.s32 $0x80, v3;
	[dreg:$0x3] =	wrdreg s3;
	s23 =	sadd.s32 $0x900, s16  }
0x1e: {  	s11 =	sadd.s32 $0x9000, s9;
	v21 =	vadd.s32 $0x81, v3;
	v24 =	vadd.s32 $0x980, v3;
	v25 =	vadd.s32 $0x981, v3;
	s24 =	sadd.s32 $0x1200, s16;
	[dreg:$0x4] =	wrdreg s23  }
0x1f: {  	s12 =	sadd.s32 $0xD800, s9;
	v30 =	vadd.s32 $0x1280, v3;
	v31 =	vadd.s32 $0x1281, v3;
	v36 =	vadd.s32 $0x1B80, v3;
	s25 =	sadd.s32 $0x1B00, s16;
	[dreg:$0x5] =	wrdreg s24  }
0x20: {  	v37 =	vadd.s32 $0x1B81, v3;
	v42 =	vadd.s32 $0x2480, v3;
	v43 =	vadd.s32 $0x2481, v3;
	s13 =	sadd.s32 $0x12000, s9;
	s26 =	sadd.s32 $0x2400, s16;
	[dreg:$0x6] =	wrdreg s25  }
0x21: {  	v48 =	vadd.s32 $0x2D80, v3;
	v49 =	vadd.s32 $0x2D81, v3;
	v54 =	vadd.s32 $0x3680, v3;
	s14 =	smul.u32 $0x2780, s17;
	[dreg:$0x7] =	wrdreg s26;
	s23 =	simm.s32 $0x80  }
0x22: {  	v55 =	vadd.s32 $0x3681, v3;
	v60 =	vadd.s32 $0x3F80, v3;
	v61 =	vadd.s32 $0x3F81, v3;
	s24 =	simm.s32 $0x5200;
	s25 =	simm.s32 $0x100;
	s26 =	simm.s32 $0x180  }
.LBB2_1:
0x23: {  	s3 =	simm.s32 $0x0;
	s15 =	simm.s32 $0x240  }
.LBB2_2:
0x24: {  	p0 =	sne.s32 s15, $0x11DC0;
	[tilespmem:s3+$0x280] =	vst v19  }
0x25: {  	[tilespmem:s3+$0x200] =	vst v19  }
0x26: {  	[tilespmem:s3+$0x210] =	vst v19  }
0x27: {  	[tilespmem:s3+$0x220] =	vst v19  }
.Ltmp0:
0x28: {  	[tilespmem:s3+$0x230] =	vst v19;
	(pc) =	sbr.rel @p0 .LBB2_2-.Ltmp0, $4  }
0x29: {  	[tilespmem:s3+$0x240] =	vst v19  }
0x2a: {  	[tilespmem:s3+$0x250] =	vst v19  }
0x2b: {  	[tilespmem:s3+$0x260] =	vst v19  }
0x2c: {  	[tilespmem:s3+$0x270] =	vst v19;
	s3 =	sshra.s32 s15, $0x2;
	s15 =	sadd.s32 $0x240, s15  }
0x2d: {  	[tilespmem:s3+$0x280] =	vst v19  }
0x2e: {  	[tilespmem:s3+$0x200] =	vst v19  }
0x2f: {  	[tilespmem:s3+$0x210] =	vst v19  }
0x30: {  	[tilespmem:s3+$0x220] =	vst v19  }
0x31: {  	[tilespmem:s3+$0x230] =	vst v19  }
0x32: {  	[tilespmem:s3+$0x240] =	vst v19  }
0x33: {  	[tilespmem:s3+$0x250] =	vst v19  }
0x34: {  	[tilespmem:s3+$0x260] =	vst v19  }
0x35: {  	[tilespmem:s3+$0x270] =	vst v19  }
0x36: {  	[spmem:s9] =	stream.linear.scatter [tilespmem:s21], [sflag:$0x3], $0x4800, $0x38;
	[tilespmem:$0x1BB80] =	vst v63  }
0x37: {  	_ =	swait.ge [sflag:s22], $0x4800  }
0x38: {  	[sflag:s22] =	ssyncset.done $0x0  }
0x39: {  	[sflag:s22] =	ssyncadd.s32 $0xFFFFB800  }
0x3a: {  	[spmem:s10] =	stream.linear.scatter [tilespmem:s21], [sflag:$0x3], $0x4800, $0x38;
	[tilespmem:$0x1BB80] =	vst v63  }
0x3b: {  	_ =	swait.ge [sflag:s22], $0x4800  }
0x3c: {  	[sflag:s22] =	ssyncset.done $0x0  }
0x3d: {  	[sflag:s22] =	ssyncadd.s32 $0xFFFFB800  }
0x3e: {  	[spmem:s11] =	stream.linear.scatter [tilespmem:s21], [sflag:$0x3], $0x4800, $0x38;
	[tilespmem:$0x1BB80] =	vst v63  }
0x3f: {  	_ =	swait.ge [sflag:s22], $0x4800  }
0x40: {  	[sflag:s22] =	ssyncset.done $0x0  }
0x41: {  	[sflag:s22] =	ssyncadd.s32 $0xFFFFB800  }
0x42: {  	[spmem:s12] =	stream.linear.scatter [tilespmem:s21], [sflag:$0x3], $0x4800, $0x38;
	[tilespmem:$0x1BB80] =	vst v63  }
0x43: {  	_ =	swait.ge [sflag:s22], $0x4800  }
0x44: {  	[sflag:s22] =	ssyncset.done $0x0  }
0x45: {  	[sflag:s22] =	ssyncadd.s32 $0xFFFFB800  }
0x46: {  	[spmem:s13] =	stream.linear.scatter [tilespmem:s21], [sflag:$0x3], $0x4380, $0x38;
	[tilespmem:$0x1BB80] =	vst v63  }
0x47: {  	_ =	swait.ge [sflag:s22], $0x4380  }
0x48: {  	[sflag:s22] =	ssyncset.done $0x0  }
0x49: {  	[sflag:s22] =	ssyncadd.s32 $0xFFFFBC80  }
0x4a: {  	s3 =	simm.s32 $0x0;
	s15 =	simm.s32 $0x0;
	[bflag:$0x0] =	sbarrier.arrive $0xFFFF  }
.LBB2_4:
0x4b: {  	s16 =	sshll.u32 s15, $0x7  }
0x4c: {  	s16 =	sadd.s32 s14, s16  }
0x4d: {  	s17 =	sshrl.u32 s16, $0x3  }
0x4e: {  	s18 =	sadd.s32 s7, s17  }
0x4f: {  	[tilespmem:s3], [sflag:$0x3] =	stream.linear.gather [hbm4b:s18+s3], $0x80, $0x38;
	[tilespmem:$0x1BB80] =	vst v63  }
0x50: {  	_ =	swait.ge [sflag:s22], $0x80  }
0x51: {  	[sflag:s22] =	ssyncset.done $0x0  }
0x52: {  	s17 =	sadd.s32 s8, s17;
	[sflag:s22] =	ssyncadd.s32 $0xFFFFFF80  }
0x53: {  	[tilespmem:s23], [sflag:$0x3] =	stream.linear.gather [hbm4b:s17+s3], $0x80, $0x38;
	[tilespmem:$0x1BB80] =	vst v63  }
0x54: {  	_ =	swait.ge [sflag:s22], $0x80  }
0x55: {  	s16 =	sshrl.u32 s16, $0x1;
	[sflag:s22] =	ssyncset.done $0x0  }
0x56: {  	s16 =	sadd.s32 s6, s16;
	[sflag:s22] =	ssyncadd.s32 $0xFFFFFF80  }
0x57: {  	[tilespmem:s24], [sflag:$0x3] =	stream.linear.gather [hbm4b:s16+s3], $0x200, $0x38;
	[tilespmem:$0x1BB80] =	vst v63  }
0x58: {  	_ =	swait.ge [sflag:s22], $0x200  }
0x59: {  	[sflag:s22] =	ssyncset.done $0x0  }
0x5a: {  	[sflag:s22] =	ssyncadd.s32 $0xFFFFFE00  }
0x5b: {  	v1 =	vld [tilespmem:$0x0]  }
0x5c: {  	v2 =	vld [tilespmem:$0x80]  }
0x5d: {  	v3 =	vld [tilespmem:$0x10]  }
0x5e: {  	v62 =	vld [tilespmem:$0x90]  }
0x5f: {  	v63 =	vld [tilespmem:$0x20]  }
0x60: {  	v4 =	vld [tilespmem:$0xA0];
	v1 =	vadd.s32 v0, v1  }
0x61: {  	[tilespmem:$0x100] =	vst v1;
	v1 =	vadd.s32 v0, v2;
	v2 =	vld [tilespmem:$0x30]  }
0x62: {  	[tilespmem:$0x180] =	vst v1;
	v1 =	vadd.s32 v0, v3;
	v3 =	vld [tilespmem:$0xB0]  }
0x63: {  	v11 =	vld [tilespmem:$0x40];
	[tilespmem:$0x110] =	vst v1;
	v1 =	vadd.s32 v0, v62  }
0x64: {  	v8 =	vld [tilespmem:$0xC0];
	[tilespmem:$0x190] =	vst v1;
	v1 =	vadd.s32 v0, v63  }
0x65: {  	[tilespmem:$0x120] =	vst v1;
	v1 =	vadd.s32 v0, v4;
	v4 =	vld [tilespmem:$0x50]  }
0x66: {  	[tilespmem:$0x1A0] =	vst v1;
	v1 =	vadd.s32 v0, v2;
	v2 =	vld [tilespmem:$0xD0]  }
0x67: {  	[tilespmem:$0x130] =	vst v1;
	v1 =	vadd.s32 v0, v3;
	v3 =	vld [tilespmem:$0x60]  }
0x68: {  	v9 =	vld [tilespmem:$0xE0];
	[tilespmem:$0x1B0] =	vst v1;
	v1 =	vadd.s32 v0, v11  }
0x69: {  	v10 =	vld [tilespmem:$0x70];
	[tilespmem:$0x140] =	vst v1;
	v1 =	vadd.s32 v0, v8  }
0x6a: {  	[tilespmem:$0x1C0] =	vst v1;
	v1 =	vadd.s32 v0, v4;
	v4 =	vld [tilespmem:$0xF0]  }
0x6b: {  	[tilespmem:$0x150] =	vst v1;
	v1 =	vadd.s32 v0, v2  }
0x6c: {  	[tilespmem:$0x1D0] =	vst v1;
	v1 =	vadd.s32 v0, v3  }
0x6d: {  	[tilespmem:$0x160] =	vst v1;
	v1 =	vadd.s32 v0, v9  }
0x6e: {  	[tilespmem:$0x1E0] =	vst v1;
	v1 =	vadd.s32 v0, v10  }
0x6f: {  	[tilespmem:$0x170] =	vst v1;
	v1 =	vadd.s32 v0, v4  }
0x70: {  	[tilespmem:$0x1F0] =	vst v1  }
0x71: {  	[tilespmem:s21], [sflag:$0x1] =	stream.indirect.gather [hbm4b:s4+s23], $0x90, s25, s23, $0xb8;
	[tilespmem:$0x1BB80] =	vst v63  }
0x72: {  	_ = 	snop  }
0x73: {  	[tilespmem:s28], [sflag:$0x2] =	stream.indirect.gather [hbm4b:s5+s23], $0x10, s26, s23, $0xb8;
	[tilespmem:$0x1BB80] =	vst v63  }
0x74: {  	_ =	swait.ge [sflag:s29], $0x4800  }
0x75: {  	[sflag:s29] =	ssyncset.done $0x0  }
0x76: {  	[sflag:s29] =	ssyncadd.s32 $0xFFFFB800  }
0x77: {  	_ =	swait.ge [sflag:s30], $0x800  }
0x78: {  	v5 =	vld [tilespmem:$0x1FF50];
	_ =	sdelay $0x5  }
0x79: {  	[sflag:s30] =	ssyncset.done $0x0  }
0x7a: {  	[sflag:s30] =	ssyncadd.s32 $0xFFFFF800  }
0x7b: {  	v11 =	vld.idx.msk [tilespmem:v5+s24+$0x0], $0xffff  }
0x7c: {  	v5 =	vld [tilespmem:$0x1FF60];
	_ =	sdelay $0x2  }
0x7d: {  	v1 =	vld.idx.msk [tilespmem:v20+s21+$0x0], $0xffff  }
0x7e: {  	v2 =	vld.idx.msk [tilespmem:v21+s21+$0x0], $0xffff  }
0x7f: {  	v3 =	vld.idx.msk [tilespmem:v17+s28+$0x0], $0xffff  }
0x80: {  	v4 =	vld.idx.msk [tilespmem:v22+s28+$0x0], $0xffff;
	_ =	sdelay $0x1  }
0x81: {  	v8 =	vld.idx.msk [tilespmem:v5+s24+$0x0], $0xffff;
	_ =	sdelay $0x1  }
0x82: {  	v1 =	vadd.f32 v3, v1  }
0x83: {  	v2 =	vadd.f32 v4, v2  }
0x84: {  	v1 =	vadd.f32 v11, v1  }
0x85: {  	v2 =	vadd.f32 v8, v2  }
0x86: {  	v3 =	vmul.f32 $2.000000030e-01, v1  }
0x87: {  	vm2 =	vgt.f32 v1, $0.0e+00;
	v4 =	vmul.f32 $2.000000030e-01, v2  }
0x88: {  	v1 =	vsel vm2, v1, v3;
	vm2 =	vgt.f32 v2, $0.0e+00  }
0x89: {  	v1 =	vmul.f32 $1.442695020e+00, v1;
	v2 =	vsel vm2, v2, v4  }
0x8a: {  	v2 =	vmul.f32 $1.442695020e+00, v2  }
0x8b: {  	(erf) = vpow2.f32 v1  }
0x8c: {  	(erf) = vpow2.f32 v2;
	_ =	sdelay $0x2  }
0x8d: {  	v5 =	vld [tilespmem:$0x1FF70];
	_ =	sdelay $0x4  }
0x8e: {  	v1 =	vpop (erf)  }
0x8f: {  	[tilespmem:v18+s31+$0x0] =	vst.idx.msk $0xffff, v1;
	v1 =	vpop (erf)  }
0x90: {  	[tilespmem:v23+s31+$0x0] =	vst.idx.msk $0xffff, v1  }
0x91: {  	v9 =	vld.idx.msk [tilespmem:v5+s24+$0x0], $0xffff  }
0x92: {  	v5 =	vld [tilespmem:$0x1FF80];
	_ =	sdelay $0x2  }
0x93: {  	v1 =	vld.idx.msk [tilespmem:v24+s21+$0x0], $0xffff  }
0x94: {  	v2 =	vld.idx.msk [tilespmem:v25+s21+$0x0], $0xffff  }
0x95: {  	v3 =	vld.idx.msk [tilespmem:v26+s28+$0x0], $0xffff  }
0x96: {  	v4 =	vld.idx.msk [tilespmem:v27+s28+$0x0], $0xffff;
	_ =	sdelay $0x1  }
0x97: {  	v10 =	vld.idx.msk [tilespmem:v5+s24+$0x0], $0xffff;
	_ =	sdelay $0x1  }
0x98: {  	v1 =	vadd.f32 v3, v1  }
0x99: {  	v2 =	vadd.f32 v4, v2  }
0x9a: {  	v1 =	vadd.f32 v9, v1  }
0x9b: {  	v2 =	vadd.f32 v10, v2  }
0x9c: {  	v3 =	vmul.f32 $2.000000030e-01, v1  }
0x9d: {  	vm2 =	vgt.f32 v1, $0.0e+00;
	v4 =	vmul.f32 $2.000000030e-01, v2  }
0x9e: {  	v1 =	vsel vm2, v1, v3;
	vm2 =	vgt.f32 v2, $0.0e+00  }
0x9f: {  	v1 =	vmul.f32 $1.442695020e+00, v1;
	v2 =	vsel vm2, v2, v4  }
0xa0: {  	v2 =	vmul.f32 $1.442695020e+00, v2  }
0xa1: {  	(erf) = vpow2.f32 v1  }
0xa2: {  	(erf) = vpow2.f32 v2;
	_ =	sdelay $0x2  }
0xa3: {  	v5 =	vld [tilespmem:$0x1FF90];
	_ =	sdelay $0x4  }
0xa4: {  	v1 =	vpop (erf)  }
0xa5: {  	[tilespmem:v28+s31+$0x0] =	vst.idx.msk $0xffff, v1;
	v1 =	vpop (erf)  }
0xa6: {  	[tilespmem:v29+s31+$0x0] =	vst.idx.msk $0xffff, v1  }
0xa7: {  	v11 =	vld.idx.msk [tilespmem:v5+s24+$0x0], $0xffff  }
0xa8: {  	v5 =	vld [tilespmem:$0x1FFA0];
	_ =	sdelay $0x2  }
0xa9: {  	v1 =	vld.idx.msk [tilespmem:v30+s21+$0x0], $0xffff  }
0xaa: {  	v2 =	vld.idx.msk [tilespmem:v31+s21+$0x0], $0xffff  }
0xab: {  	v3 =	vld.idx.msk [tilespmem:v32+s28+$0x0], $0xffff  }
0xac: {  	v4 =	vld.idx.msk [tilespmem:v33+s28+$0x0], $0xffff;
	_ =	sdelay $0x1  }
0xad: {  	v7 =	vld.idx.msk [tilespmem:v5+s24+$0x0], $0xffff;
	_ =	sdelay $0x1  }
0xae: {  	v1 =	vadd.f32 v3, v1  }
0xaf: {  	v2 =	vadd.f32 v4, v2  }
0xb0: {  	v1 =	vadd.f32 v11, v1  }
0xb1: {  	v2 =	vadd.f32 v7, v2  }
0xb2: {  	v3 =	vmul.f32 $2.000000030e-01, v1  }
0xb3: {  	vm2 =	vgt.f32 v1, $0.0e+00;
	v4 =	vmul.f32 $2.000000030e-01, v2  }
0xb4: {  	v1 =	vsel vm2, v1, v3;
	vm2 =	vgt.f32 v2, $0.0e+00  }
0xb5: {  	v1 =	vmul.f32 $1.442695020e+00, v1;
	v2 =	vsel vm2, v2, v4  }
0xb6: {  	v2 =	vmul.f32 $1.442695020e+00, v2  }
0xb7: {  	(erf) = vpow2.f32 v1  }
0xb8: {  	(erf) = vpow2.f32 v2;
	_ =	sdelay $0x2  }
0xb9: {  	v5 =	vld [tilespmem:$0x1FFB0];
	_ =	sdelay $0x4  }
0xba: {  	v1 =	vpop (erf)  }
0xbb: {  	[tilespmem:v34+s31+$0x0] =	vst.idx.msk $0xffff, v1;
	v1 =	vpop (erf)  }
0xbc: {  	[tilespmem:v35+s31+$0x0] =	vst.idx.msk $0xffff, v1  }
0xbd: {  	v8 =	vld.idx.msk [tilespmem:v5+s24+$0x0], $0xffff  }
0xbe: {  	v5 =	vld [tilespmem:$0x1FFC0];
	_ =	sdelay $0x2  }
0xbf: {  	v1 =	vld.idx.msk [tilespmem:v36+s21+$0x0], $0xffff  }
0xc0: {  	v2 =	vld.idx.msk [tilespmem:v37+s21+$0x0], $0xffff  }
0xc1: {  	v3 =	vld.idx.msk [tilespmem:v38+s28+$0x0], $0xffff  }
0xc2: {  	v4 =	vld.idx.msk [tilespmem:v39+s28+$0x0], $0xffff;
	_ =	sdelay $0x1  }
0xc3: {  	v9 =	vld.idx.msk [tilespmem:v5+s24+$0x0], $0xffff;
	_ =	sdelay $0x1  }
0xc4: {  	v1 =	vadd.f32 v3, v1  }
0xc5: {  	v2 =	vadd.f32 v4, v2  }
0xc6: {  	v1 =	vadd.f32 v8, v1  }
0xc7: {  	v2 =	vadd.f32 v9, v2  }
0xc8: {  	v3 =	vmul.f32 $2.000000030e-01, v1  }
0xc9: {  	vm2 =	vgt.f32 v1, $0.0e+00;
	v4 =	vmul.f32 $2.000000030e-01, v2  }
0xca: {  	v1 =	vsel vm2, v1, v3;
	vm2 =	vgt.f32 v2, $0.0e+00  }
0xcb: {  	v1 =	vmul.f32 $1.442695020e+00, v1;
	v2 =	vsel vm2, v2, v4  }
0xcc: {  	v2 =	vmul.f32 $1.442695020e+00, v2  }
0xcd: {  	(erf) = vpow2.f32 v1  }
0xce: {  	(erf) = vpow2.f32 v2;
	_ =	sdelay $0x2  }
0xcf: {  	v5 =	vld [tilespmem:$0x1FFD0];
	_ =	sdelay $0x4  }
0xd0: {  	v1 =	vpop (erf)  }
0xd1: {  	[tilespmem:v40+s31+$0x0] =	vst.idx.msk $0xffff, v1;
	v1 =	vpop (erf)  }
0xd2: {  	[tilespmem:v41+s31+$0x0] =	vst.idx.msk $0xffff, v1  }
0xd3: {  	v10 =	vld.idx.msk [tilespmem:v5+s24+$0x0], $0xffff  }
0xd4: {  	v5 =	vld [tilespmem:$0x1FFE0];
	_ =	sdelay $0x2  }
0xd5: {  	v1 =	vld.idx.msk [tilespmem:v42+s21+$0x0], $0xffff  }
0xd6: {  	v2 =	vld.idx.msk [tilespmem:v43+s21+$0x0], $0xffff  }
0xd7: {  	v3 =	vld.idx.msk [tilespmem:v44+s28+$0x0], $0xffff  }
0xd8: {  	v4 =	vld.idx.msk [tilespmem:v45+s28+$0x0], $0xffff;
	_ =	sdelay $0x1  }
0xd9: {  	v11 =	vld.idx.msk [tilespmem:v5+s24+$0x0], $0xffff;
	_ =	sdelay $0x1  }
0xda: {  	v1 =	vadd.f32 v3, v1  }
0xdb: {  	v2 =	vadd.f32 v4, v2  }
0xdc: {  	v1 =	vadd.f32 v10, v1  }
0xdd: {  	v2 =	vadd.f32 v11, v2  }
0xde: {  	v3 =	vmul.f32 $2.000000030e-01, v1  }
0xdf: {  	vm2 =	vgt.f32 v1, $0.0e+00;
	v4 =	vmul.f32 $2.000000030e-01, v2  }
0xe0: {  	v1 =	vsel vm2, v1, v3;
	vm2 =	vgt.f32 v2, $0.0e+00  }
0xe1: {  	v1 =	vmul.f32 $1.442695020e+00, v1;
	v2 =	vsel vm2, v2, v4  }
0xe2: {  	v2 =	vmul.f32 $1.442695020e+00, v2  }
0xe3: {  	(erf) = vpow2.f32 v1  }
0xe4: {  	(erf) = vpow2.f32 v2;
	_ =	sdelay $0x6  }
0xe5: {  	v5 =	vld [tilespmem:$0x1FFF0]  }
0xe6: {  	v1 =	vpop (erf)  }
0xe7: {  	[tilespmem:v46+s31+$0x0] =	vst.idx.msk $0xffff, v1;
	v1 =	vpop (erf)  }
0xe8: {  	[tilespmem:v47+s31+$0x0] =	vst.idx.msk $0xffff, v1  }
0xe9: {  	v1 =	vld.idx.msk [tilespmem:v48+s21+$0x0], $0xffff  }
0xea: {  	v2 =	vld.idx.msk [tilespmem:v49+s21+$0x0], $0xffff  }
0xeb: {  	v3 =	vld.idx.msk [tilespmem:v50+s28+$0x0], $0xffff  }
0xec: {  	v4 =	vld.idx.msk [tilespmem:v51+s28+$0x0], $0xffff  }
0xed: {  	v6 =	vld.idx.msk [tilespmem:v5+s24+$0x0], $0xffff  }
0xee: {  	v7 =	vld.idx.msk [tilespmem:v12+s24+$0x0], $0xffff;
	_ =	sdelay $0x1  }
0xef: {  	v1 =	vadd.f32 v3, v1  }
0xf0: {  	v2 =	vadd.f32 v4, v2  }
0xf1: {  	v1 =	vadd.f32 v6, v1  }
0xf2: {  	v2 =	vadd.f32 v7, v2  }
0xf3: {  	v3 =	vmul.f32 $2.000000030e-01, v1  }
0xf4: {  	vm2 =	vgt.f32 v1, $0.0e+00;
	v4 =	vmul.f32 $2.000000030e-01, v2  }
0xf5: {  	v1 =	vsel vm2, v1, v3;
	vm2 =	vgt.f32 v2, $0.0e+00  }
0xf6: {  	v2 =	vsel vm2, v2, v4;
	v1 =	vmul.f32 $1.442695020e+00, v1  }
0xf7: {  	v2 =	vmul.f32 $1.442695020e+00, v2  }
0xf8: {  	(erf) = vpow2.f32 v1  }
0xf9: {  	(erf) = vpow2.f32 v2;
	_ =	sdelay $0x7  }
0xfa: {  	v1 =	vpop (erf)  }
0xfb: {  	[tilespmem:v52+s31+$0x0] =	vst.idx.msk $0xffff, v1;
	v1 =	vpop (erf)  }
0xfc: {  	[tilespmem:v53+s31+$0x0] =	vst.idx.msk $0xffff, v1  }
0xfd: {  	v1 =	vld.idx.msk [tilespmem:v54+s21+$0x0], $0xffff  }
0xfe: {  	v2 =	vld.idx.msk [tilespmem:v55+s21+$0x0], $0xffff  }
0xff: {  	v3 =	vld.idx.msk [tilespmem:v56+s28+$0x0], $0xffff  }
0x100: {  	v4 =	vld.idx.msk [tilespmem:v57+s28+$0x0], $0xffff  }
0x101: {  	v8 =	vld.idx.msk [tilespmem:v13+s24+$0x0], $0xffff  }
0x102: {  	v9 =	vld.idx.msk [tilespmem:v14+s24+$0x0], $0xffff;
	_ =	sdelay $0x1  }
0x103: {  	v1 =	vadd.f32 v3, v1  }
0x104: {  	v2 =	vadd.f32 v4, v2  }
0x105: {  	v1 =	vadd.f32 v8, v1  }
0x106: {  	v2 =	vadd.f32 v9, v2  }
0x107: {  	v3 =	vmul.f32 $2.000000030e-01, v1  }
0x108: {  	vm2 =	vgt.f32 v1, $0.0e+00;
	v4 =	vmul.f32 $2.000000030e-01, v2  }
0x109: {  	v1 =	vsel vm2, v1, v3;
	vm2 =	vgt.f32 v2, $0.0e+00  }
0x10a: {  	v2 =	vsel vm2, v2, v4;
	v1 =	vmul.f32 $1.442695020e+00, v1  }
0x10b: {  	v2 =	vmul.f32 $1.442695020e+00, v2  }
0x10c: {  	(erf) = vpow2.f32 v1  }
0x10d: {  	(erf) = vpow2.f32 v2;
	_ =	sdelay $0x7  }
0x10e: {  	v2 =	vor.u32 $0x700, v17;
	v1 =	vpop (erf)  }
0x10f: {  	v3 =	vor.u32 $0x701, v17;
	[tilespmem:v58+s31+$0x0] =	vst.idx.msk $0xffff, v1;
	v1 =	vpop (erf)  }
0x110: {  	[tilespmem:v59+s31+$0x0] =	vst.idx.msk $0xffff, v1  }
0x111: {  	v1 =	vld.idx.msk [tilespmem:v60+s21+$0x0], $0xffff  }
0x112: {  	v4 =	vld.idx.msk [tilespmem:v61+s21+$0x0], $0xffff  }
0x113: {  	v2 =	vld.idx.msk [tilespmem:v2+s28+$0x0], $0xffff  }
0x114: {  	v3 =	vld.idx.msk [tilespmem:v3+s28+$0x0], $0xffff  }
0x115: {  	v10 =	vld.idx.msk [tilespmem:v15+s24+$0x0], $0xffff  }
0x116: {  	v11 =	vld.idx.msk [tilespmem:v16+s24+$0x0], $0xffff;
	_ =	sdelay $0x1  }
0x117: {  	v1 =	vadd.f32 v2, v1  }
0x118: {  	v2 =	vadd.f32 v3, v4  }
0x119: {  	v1 =	vadd.f32 v10, v1  }
0x11a: {  	v2 =	vadd.f32 v11, v2  }
0x11b: {  	v3 =	vmul.f32 $2.000000030e-01, v1  }
0x11c: {  	vm2 =	vgt.f32 v1, $0.0e+00;
	v4 =	vmul.f32 $2.000000030e-01, v2  }
0x11d: {  	v1 =	vsel vm2, v1, v3;
	vm2 =	vgt.f32 v2, $0.0e+00  }
0x11e: {  	v2 =	vsel vm2, v2, v4;
	v1 =	vmul.f32 $1.442695020e+00, v1  }
0x11f: {  	v2 =	vmul.f32 $1.442695020e+00, v2  }
0x120: {  	(erf) = vpow2.f32 v1  }
0x121: {  	(erf) = vpow2.f32 v2;
	_ =	sdelay $0x3  }
0x122: {  	v1 =	vor.u32 $0x380, v18  }
0x123: {  	v2 =	vor.u32 $0x381, v18;
	_ =	sdelay $0x2  }
0x124: {  	v3 =	vpop (erf)  }
0x125: {  	s19 =	simm.s32 $0x0;
	[tilespmem:v1+s31+$0x0] =	vst.idx.msk $0xffff, v3;
	v1 =	vpop (erf)  }
0x126: {  	s16 =	simm.s32 $0x240;
	[tilespmem:v2+s31+$0x0] =	vst.idx.msk $0xffff, v1;
	v1 =	vmov s19  }
0x127: {  	v2 =	vor.u32 $0x1, v1;
	v3 =	vld [tilespmem:s16+$0xFFFFFFF0]  }
0x128: {  	v4 =	vld [tilespmem:s16+$0x30]  }
0x129: {  	v62 =	vld [tilespmem:s16+$0x20]  }
0x12a: {  	v63 =	vld [tilespmem:s16+$0xFFFFFFE0]  }
0x12b: {  	v5 =	vld.idx.msk [tilespmem:v1+s31+$0x0], $0xffff  }
0x12c: {  	v1 =	vld.idx.msk [tilespmem:v2+s31+$0x0], $0xffff  }
0x12d: {  	v6 =	vld [tilespmem:s16+$0x0]  }
0x12e: {  	v2 =	vld [tilespmem:s16+$0x10]  }
0x12f: {  	v7 =	vld [tilespmem:s16+$0xFFFFFFD0]  }
0x130: {  	v8 =	vld [tilespmem:s16+$0xFFFFFFC0];
	v3 =	vmul.f32 v3, v5  }
0x131: {  	v9 =	vnsel vm0, $0x0, v5;
	v4 =	vmul.f32 v4, v1;
	v10 =	vsel vm1, $0x0, v1  }
0x132: {  	[tilespmem:s16+$0xFFFFFFF0] =	vst v3;
	v9 =	vadd.f32 v10, v9  }
0x133: {  	v3 =	vmul.f32 v2, v1;
	[tilespmem:s16+$0x30] =	vst v4;
	v4 =	vmul.f32 v62, v1  }
0x134: {  	v2 =	vmul.f32 v6, v1;
	v62 =	vmul.f32 v63, v5;
	[tilespmem:s16+$0x40] =	vst v9  }
0x135: {  	s18 =	simm.s32 $0x2;
	s17 =	simm.s32 $0x240;
	s19 =	simm.s32 $0x8;
	v1 =	vmul.f32 v7, v5;
	v63 =	vmul.f32 v8, v5;
	[tilespmem:s16+$0x20] =	vst v4  }
.LBB2_5:
0x136: {  	p0 =	sne.s32 s18, $0x7F;
	v4 =	vmov s19;
	[tilespmem:s16+$0x10] =	vst v3;
	s17 =	sadd.s32 $0x90, s17  }
0x137: {  	v3 =	vor.u32 $0x1, v4;
	v5 =	vld [tilespmem:s17+$0xFFFFFFF0];
	[tilespmem:s16+$0x0] =	vst v2  }
0x138: {  	v2 =	vld [tilespmem:s17+$0x30];
	[tilespmem:s16+$0xFFFFFFE0] =	vst v62  }
0x139: {  	v6 =	vld [tilespmem:s17+$0x20];
	[tilespmem:s16+$0xFFFFFFD0] =	vst v1  }
0x13a: {  	v1 =	vld [tilespmem:s17+$0xFFFFFFE0];
	[tilespmem:s16+$0xFFFFFFC0] =	vst v63;
	s16 =	smov.u32 s17  }
0x13b: {  	v4 =	vld.idx.msk [tilespmem:v4+s31+$0x0], $0xffff  }
0x13c: {  	v7 =	vld.idx.msk [tilespmem:v3+s31+$0x0], $0xffff  }
0x13d: {  	v3 =	vld [tilespmem:s17+$0x10]  }
0x13e: {  	v8 =	vld [tilespmem:s17+$0x0]  }
0x13f: {  	v9 =	vld [tilespmem:s17+$0xFFFFFFD0]  }
0x140: {  	v10 =	vld [tilespmem:s17+$0xFFFFFFC0]  }
0x141: {  	v62 =	vmul.f32 v1, v4;
	v1 =	vmul.f32 v5, v4  }
.Ltmp1:
0x142: {  	v5 =	vmul.f32 v2, v7;
	v2 =	vnsel vm0, $0x0, v4;
	v63 =	vsel vm1, $0x0, v7;
	(pc) =	sbr.rel @p0 .LBB2_5-.Ltmp1, $4  }
0x143: {  	v6 =	vmul.f32 v6, v7;
	v3 =	vmul.f32 v3, v7;
	v11 =	vadd.f32 v63, v2;
	[tilespmem:s17+$0xFFFFFFF0] =	vst v1  }
0x144: {  	v2 =	vmul.f32 v8, v7;
	v1 =	vmul.f32 v9, v4;
	[tilespmem:s17+$0x30] =	vst v5  }
0x145: {  	v63 =	vmul.f32 v10, v4;
	[tilespmem:s17+$0x40] =	vst v11  }
0x146: {  	s19 =	sshll.u32 s18, $0x3;
	s18 =	sadd.s32 $0x1, s18;
	[tilespmem:s17+$0x20] =	vst v6  }
0x147: {  	[tilespmem:s16+$0x10] =	vst v3;
	s17 =	sadd.s32 $0x90, s17;
	v4 =	vmov s19  }
0x148: {  	v3 =	vld [tilespmem:s17+$0xFFFFFFF0];
	[tilespmem:s16+$0x0] =	vst v2  }
0x149: {  	v2 =	vor.u32 $0x1, v4;
	[tilespmem:s16+$0xFFFFFFE0] =	vst v62  }
0x14a: {  	[tilespmem:s16+$0xFFFFFFD0] =	vst v1  }
0x14b: {  	v1 =	vld [tilespmem:s17+$0xFFFFFFE0];
	[tilespmem:s16+$0xFFFFFFC0] =	vst v63  }
0x14c: {  	v4 =	vld.idx.msk [tilespmem:v4+s31+$0x0], $0xffff  }
0x14d: {  	v5 =	vld [tilespmem:s17+$0x30]  }
0x14e: {  	v2 =	vld.idx.msk [tilespmem:v2+s31+$0x0], $0xffff  }
0x14f: {  	v6 =	vld [tilespmem:s17+$0x20]  }
0x150: {  	v7 =	vld [tilespmem:s17+$0x10]  }
0x151: {  	v8 =	vld [tilespmem:s17+$0x0];
	v3 =	vmul.f32 v3, v4  }
0x152: {  	v1 =	vmul.f32 v1, v4  }
0x153: {  	v62 =	vld [tilespmem:s17+$0xFFFFFFC0];
	v5 =	vmul.f32 v5, v2;
	[tilespmem:s17+$0xFFFFFFF0] =	vst v3  }
0x154: {  	v11 =	vld [tilespmem:s17+$0xFFFFFFD0];
	v6 =	vmul.f32 v6, v2;
	[tilespmem:s17+$0xFFFFFFE0] =	vst v1  }
0x155: {  	v63 =	vmul.f32 v7, v2;
	[tilespmem:s17+$0x30] =	vst v5  }
0x156: {  	v9 =	vnsel vm0, $0x0, v4;
	v10 =	vsel vm1, $0x0, v2;
	v2 =	vmul.f32 v8, v2;
	[tilespmem:s17+$0x20] =	vst v6  }
0x157: {  	v3 =	vadd.f32 v10, v9;
	[tilespmem:s17+$0x10] =	vst v63  }
0x158: {  	[tilespmem:s17+$0x0] =	vst v2;
	v2 =	vmul.f32 v62, v4  }
0x159: {  	s15 =	sadd.s32 $0x1, s15;
	[tilespmem:s17+$0x40] =	vst v3;
	v3 =	vmul.f32 v11, v4  }
0x15a: {  	p0 =	sne.s32 s15, $0x4F;
	[tilespmem:s17+$0xFFFFFFC0] =	vst v2  }
.Ltmp2:
0x15b: {  	[tilespmem:s17+$0xFFFFFFD0] =	vst v3;
	(pc) =	sbr.rel @p0 .LBB2_4-.Ltmp2, $4  }
0x15c: {  	[spmem:s1] =	stream.indirect.scatter.add.f32 [tilespmem:s21], [sflag:$0x3], $0x90, s23, s23, $0xb8;
	[tilespmem:$0x1BB80] =	vst v63  }
0x15d: {  	_ =	swait.ge [sflag:s22], $0x4800  }
0x15e: {  	[sflag:s22] =	ssyncset.done $0x0  }
0x15f: {  	[sflag:s22] =	ssyncadd.s32 $0xFFFFB800  }
0x160: {  	[bflag:$0x0] =	sbarrier.arrive $0xFFFF  }
0x161: {  	[tilespmem:s21], [sflag:$0x3] =	stream.linear.gather [spmem:s9], $0x4800, $0x38;
	[tilespmem:$0x1BB80] =	vst v63  }
0x162: {  	_ =	swait.ge [sflag:s22], $0x4800  }
0x163: {  	[sflag:s22] =	ssyncset.done $0x0  }
0x164: {  	s3 =	rddreg [dreg:$0x3];
	[sflag:s22] =	ssyncadd.s32 $0xFFFFB800  }
0x165: {  	[hbm4b:s3+s2] =	stream.linear.scatter [tilespmem:s21], [sflag:$0x3], $0x4800, $0x38;
	[tilespmem:$0x1BB80] =	vst v63  }
0x166: {  	_ =	swait.ge [sflag:s22], $0x4800  }
0x167: {  	[sflag:s22] =	ssyncset.done $0x0  }
0x168: {  	[sflag:s22] =	ssyncadd.s32 $0xFFFFB800  }
0x169: {  	[tilespmem:s21], [sflag:$0x3] =	stream.linear.gather [spmem:s10], $0x4800, $0x38;
	[tilespmem:$0x1BB80] =	vst v63  }
0x16a: {  	_ =	swait.ge [sflag:s22], $0x4800  }
0x16b: {  	[sflag:s22] =	ssyncset.done $0x0  }
0x16c: {  	s16 =	rddreg [dreg:$0x4];
	[sflag:s22] =	ssyncadd.s32 $0xFFFFB800  }
0x16d: {  	[hbm4b:s16+s2] =	stream.linear.scatter [tilespmem:s21], [sflag:$0x3], $0x4800, $0x38;
	[tilespmem:$0x1BB80] =	vst v63  }
0x16e: {  	_ =	swait.ge [sflag:s22], $0x4800  }
0x16f: {  	[sflag:s22] =	ssyncset.done $0x0  }
0x170: {  	[sflag:s22] =	ssyncadd.s32 $0xFFFFB800  }
0x171: {  	[tilespmem:s21], [sflag:$0x3] =	stream.linear.gather [spmem:s11], $0x4800, $0x38;
	[tilespmem:$0x1BB80] =	vst v63  }
0x172: {  	_ =	swait.ge [sflag:s22], $0x4800  }
0x173: {  	[sflag:s22] =	ssyncset.done $0x0  }
0x174: {  	s17 =	rddreg [dreg:$0x5];
	[sflag:s22] =	ssyncadd.s32 $0xFFFFB800  }
0x175: {  	[hbm4b:s17+s2] =	stream.linear.scatter [tilespmem:s21], [sflag:$0x3], $0x4800, $0x38;
	[tilespmem:$0x1BB80] =	vst v63  }
0x176: {  	_ =	swait.ge [sflag:s22], $0x4800  }
0x177: {  	[sflag:s22] =	ssyncset.done $0x0  }
0x178: {  	[sflag:s22] =	ssyncadd.s32 $0xFFFFB800  }
0x179: {  	[tilespmem:s21], [sflag:$0x3] =	stream.linear.gather [spmem:s12], $0x4800, $0x38;
	[tilespmem:$0x1BB80] =	vst v63  }
0x17a: {  	_ =	swait.ge [sflag:s22], $0x4800  }
0x17b: {  	[sflag:s22] =	ssyncset.done $0x0  }
0x17c: {  	s18 =	rddreg [dreg:$0x6];
	[sflag:s22] =	ssyncadd.s32 $0xFFFFB800  }
0x17d: {  	[hbm4b:s18+s2] =	stream.linear.scatter [tilespmem:s21], [sflag:$0x3], $0x4800, $0x38;
	[tilespmem:$0x1BB80] =	vst v63  }
0x17e: {  	_ =	swait.ge [sflag:s22], $0x4800  }
0x17f: {  	[sflag:s22] =	ssyncset.done $0x0  }
0x180: {  	[sflag:s22] =	ssyncadd.s32 $0xFFFFB800  }
0x181: {  	[tilespmem:s21], [sflag:$0x3] =	stream.linear.gather [spmem:s13], $0x4380, $0x38;
	[tilespmem:$0x1BB80] =	vst v63  }
0x182: {  	s0 =	sadd.s32 $0x1, s0;
	_ =	swait.ge [sflag:s22], $0x4380  }
0x183: {  	p0 =	sne.s32 s0, s20;
	[sflag:s22] =	ssyncset.done $0x0  }
.Ltmp3:
0x184: {  	s19 =	rddreg [dreg:$0x7];
	[sflag:s22] =	ssyncadd.s32 $0xFFFFBC80;
	(pc) =	sbr.rel @p0 .LBB2_1-.Ltmp3, $4  }
0x185: {  	[hbm4b:s19+s2] =	stream.linear.scatter [tilespmem:s21], [sflag:$0x3], $0x4380, $0x38;
	[tilespmem:$0x1BB80] =	vst v63  }
0x186: {  	_ =	swait.ge [sflag:s22], $0x4380  }
0x187: {  	[sflag:s22] =	ssyncset.done $0x0  }
0x188: {  	[sflag:s22] =	ssyncadd.s32 $0xFFFFBC80  }
0x189: {  	_ =	sfence.sel $0x180000  }
0x18a: {  	[bflag:$0x0] =	sbarrier.arrive $0xFFFF  }
0x18b: {  	_ =	strace $0x9000004D  }
0x18c: {  	s0 =	stileid.u32;
	[bflag:$0x2] =	sbarrier.arrive $0xFFFF  }
0x18d: {  	p0 =	sne.s32 s0, $0x0;
	s0 =	rddreg [dreg:$0x2]  }
0x18e: {  	s0 =	sadd.s32 @!p0 $0x100000, s0  }
0x18f: {  	[sflag:s0] =	ssyncadd.tile.s32 @!p0 $0x1;
	_ =	shalt  }
.Lfunc_end2:
_tile_overlayer_lowered:
.L_overlay_start_2:
0x190: {  	(tag) =	ssettag $0x2  }
0x191: {  	s0 =	rddreg [dreg:$0x0];
	s2 =	stileid.u32  }
0x192: {  	s1 =	rddreg [dreg:$0x1];
	p0 =	sne.s32 s2, $0x0  }
0x193: {  	s3 =	rddreg [dreg:$0x2];
	[bflag:$0x3] =	sbarrier.arrive $0xFFFF;
	s2 =	simm.s32 @!p0 $0x1C03  }
0x194: {  	[timem:s3], [sflag:s2] =	dma.local @!p0 [hbm:s0], s1  }
0x195: {  	s0 =	simm.s32 @!p0 $0x3  }
0x196: {  	_ =	swait.ge @!p0 [sflag:s0], s1  }
0x197: {  	s1 =	ssub.s32 @!p0 $0x0, s1;
	[sflag:s0] =	ssyncset.done @!p0 $0x0  }
0x198: {  	[sflag:s0] =	ssyncadd.s32 @!p0 s1  }
0x199: {  	[bflag:$0x3] =	sbarrier.arrive $0xFFFF  }
0x19a: {  	_ =	shalt  }

</sc_bundles>
